<compile_context>
chip_gen: v7x
topology: tpu7x:2x2x1
jax: 0.10.2.dev20260603
libtpu: 0.0.44.dev20260713+nightly
codegen_flags: <defaults>
</compile_context>

<pallas_src>
import functools
import math

import jax
import jax.numpy as jnp
from jax import lax
from jax.experimental import pallas as pl
from jax.experimental.pallas import tpu as pltpu
from jax.experimental.pallas import tpu_sc as plsc

N = 10000
E = 320000
F = 128
N_PAD = 10240
TRASH = 10200
ROWS_PER_TILE = N_PAD // 16
E_PER_TILE = E // 32
MININT = -(2 ** 31)

@functools.cache
def _mesh():
    return plsc.VectorSubcoreMesh(core_axis_name="c", subcore_axis_name="s",
                                  num_cores=2, num_subcores=16)


def _fill_zero_2d(buf, nrows, width):
    def row(i, carry):
        for j in range(width // 16):
            buf[i, pl.ds(j * 16, 16)] = jnp.zeros((16,), jnp.float32)
        return carry
    lax.fori_loop(0, nrows, row, 0)


def _zero_rows(sh_ref, zbuf, r0, zrows):
    for t in range(ROWS_PER_TILE // zrows):
        pltpu.sync_copy(zbuf, sh_ref.at[pl.ds(r0 + t * zrows, zrows)])



def _scalar_pass_body(src_h, dst_h, keep_h, z_h, degp_h, dstm_h,
                      keepv, srcv, dstv, updv, dstmv, deg_sh):
    c = lax.axis_index("c")
    s = lax.axis_index("s")
    wid = s * 2 + c
    r0 = s * ROWS_PER_TILE
    pltpu.sync_copy(keep_h, keepv)
    pltpu.sync_copy(z_h.at[pl.ds(r0, ROWS_PER_TILE)],
                    deg_sh.at[pl.ds(r0, ROWS_PER_TILE)])
    base = wid * E_PER_TILE
    pltpu.sync_copy(src_h.at[pl.ds(base, E_PER_TILE)], srcv)
    pltpu.sync_copy(dst_h.at[pl.ds(base, E_PER_TILE)], dstv)

    def vec(j, carry):
        s16 = srcv[pl.ds(j * 16, 16)]
        d16 = dstv[pl.ds(j * 16, 16)]
        m = plsc.load_gather(keepv, [s16]) * plsc.load_gather(keepv, [d16])
        updv[pl.ds(j * 16, 16)] = m
        dstmv[pl.ds(j * 16, 16)] = jnp.where(
            m > 0.0, d16, N + (d16 & 127))
        return carry

    lax.fori_loop(0, E_PER_TILE // 16, vec, 0)
    plsc.subcore_barrier()
    pltpu.sync_copy(updv, deg_sh.at[dstmv], add=True)
    pltpu.sync_copy(dstmv, dstm_h.at[pl.ds(base, E_PER_TILE)])
    plsc.subcore_barrier()
    pltpu.sync_copy(deg_sh.at[pl.ds(r0, ROWS_PER_TILE)],
                    degp_h.at[c, pl.ds(r0, ROWS_PER_TILE)])


def _scalar_pass(src, dst, keep, zeros_n):
    fn = pl.kernel(
        _scalar_pass_body,
        out_type=(jax.ShapeDtypeStruct((2, N_PAD), jnp.float32),
                  jax.ShapeDtypeStruct((E,), jnp.int32)),
        mesh=_mesh(),
        compiler_params=pltpu.CompilerParams(needs_layout_passes=False),
        scratch_types=[
            pltpu.VMEM((N_PAD,), jnp.float32),
            pltpu.VMEM((E_PER_TILE,), jnp.int32),
            pltpu.VMEM((E_PER_TILE,), jnp.int32),
            pltpu.VMEM((E_PER_TILE,), jnp.float32),
            pltpu.VMEM((E_PER_TILE,), jnp.int32),
            pltpu.VMEM_SHARED((N_PAD,), jnp.float32),
        ],
    )
    return fn(src, dst, keep, zeros_n)



def _make_score_body(ncols):
    def body(hv_h, src_h, dstm_h, z_h, aggp_h, *refs):
        srcv, dstv = refs[0], refs[1]
        hv = refs[2:2 + ncols]
        updv = refs[2 + ncols:2 + 2 * ncols]
        accs = refs[2 + 2 * ncols:2 + 3 * ncols]
        c = lax.axis_index("c")
        s = lax.axis_index("s")
        wid = s * 2 + c
        r0 = s * ROWS_PER_TILE
        for t in range(ncols):
            pltpu.sync_copy(hv_h.at[pl.ds(t * N_PAD, N_PAD)], hv[t])
            pltpu.sync_copy(z_h.at[pl.ds(r0, ROWS_PER_TILE)],
                            accs[t].at[pl.ds(r0, ROWS_PER_TILE)])
        base = wid * E_PER_TILE
        pltpu.sync_copy(src_h.at[pl.ds(base, E_PER_TILE)], srcv)
        pltpu.sync_copy(dstm_h.at[pl.ds(base, E_PER_TILE)], dstv)

        def vec(j, carry):
            s16 = srcv[pl.ds(j * 16, 16)]
            for t in range(ncols):
                updv[t][pl.ds(j * 16, 16)] = plsc.load_gather(hv[t], [s16])
            return carry

        lax.fori_loop(0, E_PER_TILE // 16, vec, 0)
        plsc.subcore_barrier()
        for t in range(ncols):
            pltpu.sync_copy(updv[t], accs[t].at[dstv], add=True)
        plsc.subcore_barrier()
        for t in range(ncols):
            pltpu.sync_copy(accs[t].at[pl.ds(r0, ROWS_PER_TILE)],
                            aggp_h.at[c, pl.ds(t * N_PAD + r0, ROWS_PER_TILE)])
    return body


def _score_pass(hflat, src, dstm, zeros_n, ncols):
    fn = pl.kernel(
        _make_score_body(ncols),
        out_type=jax.ShapeDtypeStruct((2, ncols * N_PAD), jnp.float32),
        mesh=_mesh(),
        compiler_params=pltpu.CompilerParams(needs_layout_passes=False),
        scratch_types=(
            [pltpu.VMEM((E_PER_TILE,), jnp.int32)] * 2
            + [pltpu.VMEM((N_PAD,), jnp.float32)] * ncols
            + [pltpu.VMEM((E_PER_TILE,), jnp.float32)] * ncols
            + [pltpu.VMEM_SHARED((N_PAD,), jnp.float32)] * ncols
        ),
    )
    return fn(hflat, src, dstm, zeros_n)



EB_F = 160


def _edge_pass_body(h4_h, src4_h, dstm_h, z_h, agg4_h,
                    srcsup, dstb, rows0, rows1, feat_sh, sem0, sem1):
    c = lax.axis_index("c")
    s = lax.axis_index("s")
    r0 = s * ROWS_PER_TILE
    ept = E // 16
    nblk = ept // EB_F
    for cc in range(2):
        ch = c + 2 * cc
        pltpu.sync_copy(z_h.at[pl.ds(r0, ROWS_PER_TILE)],
                        feat_sh.at[pl.ds(r0, ROWS_PER_TILE)])
        plsc.subcore_barrier()
        base2 = s * ept

        SUP = 25

        def supload(w):
            pltpu.sync_copy(
                src4_h.at[pl.ds(ch * E + base2 + w * SUP * EB_F, SUP * EB_F)],
                srcsup)

        def gstart(i, rows, sem):
            pltpu.make_async_copy(
                h4_h.at[srcsup.at[pl.ds((i % SUP) * EB_F, EB_F)]],
                rows, sem).start()

        def gwait(rows, sem):
            pltpu.make_async_copy(h4_h.at[srcsup.at[pl.ds(0, EB_F)]],
                                  rows, sem).wait()

        def scat(i, rows):
            pltpu.sync_copy(dstm_h.at[pl.ds(base2 + i * EB_F, EB_F)], dstb)
            pltpu.sync_copy(rows, feat_sh.at[dstb], add=True)

        supload(0)
        gstart(0, rows0, sem0)

        def pair(p, carry):
            i0 = 2 * p
            gwait(rows0, sem0)

            @pl.when((i0 + 1) % SUP == 0)
            def _():
                supload((i0 + 1) // SUP)

            gstart(i0 + 1, rows1, sem1)
            scat(i0, rows0)
            gwait(rows1, sem1)

            @pl.when((i0 + 2) % SUP == 0)
            def _():
                supload((i0 + 2) // SUP)

            gstart(i0 + 2, rows0, sem0)
            scat(i0 + 1, rows1)
            return carry

        lax.fori_loop(0, (nblk - 1) // 2, pair, 0)
        gwait(rows0, sem0)
        scat(nblk - 1, rows0)
        plsc.subcore_barrier()
        pltpu.sync_copy(feat_sh.at[pl.ds(r0, ROWS_PER_TILE)],
                        agg4_h.at[pl.ds(ch * N_PAD + r0, ROWS_PER_TILE)])
        plsc.subcore_barrier()


def _edge_pass(h4flat, src4, dstm, zeros_l):
    fn = pl.kernel(
        _edge_pass_body,
        out_type=jax.ShapeDtypeStruct((4 * N_PAD, 128), jnp.float32),
        mesh=_mesh(),
        compiler_params=pltpu.CompilerParams(needs_layout_passes=False),
        scratch_types=[
            pltpu.VMEM((25 * EB_F,), jnp.int32),
            pltpu.VMEM((EB_F,), jnp.int32),
            pltpu.VMEM((EB_F, 128), jnp.float32),
            pltpu.VMEM((EB_F, 128), jnp.float32),
            pltpu.VMEM_SHARED((N_PAD, 128), jnp.float32),
            pltpu.SemaphoreType.DMA,
            pltpu.SemaphoreType.DMA,
        ],
    )
    return fn(h4flat, src4, dstm, zeros_l)



BN = 256
NB = N_PAD // BN


def _elu(x):
    return jnp.where(x > 0, x, jnp.exp(jnp.minimum(x, 0.0)) - 1.0)


def _prologue_x(out_prev, score_prev, keep_prev):
    t = jnp.tanh(score_prev)
    return _elu(out_prev * t[:, None]) * keep_prev[:, None]


def _matmul_body(has_skip, has_score, raw_x,
                 x_ref, s_ref, k_ref, w_ref, b_ref, d0_ref, d1_ref,
                 h4_ref, hs_ref, skip_ref):
    if raw_x:
        xb = x_ref[...]
    else:
        xb = _prologue_x(x_ref[...], s_ref[...], k_ref[...])
    rsq = lax.rsqrt(d0_ref[...] + d1_ref[...] + 1.0)
    hall = jnp.dot(xb, w_ref[...], preferred_element_type=jnp.float32) + b_ref[...]
    h4 = (hall[:, :512] * rsq[:, None]).reshape(BN, 4, 128)
    h4_ref[...] = jnp.transpose(h4, (1, 0, 2))
    if has_score:
        hs_ref[...] = hall[:, 512] * rsq
    if has_skip:
        skip_ref[...] = hall[:, 528:784]


def _matmul_layer(x_in, score_in, keep_in, wfull, bfull, d0, d1,
                  raw_x, has_skip, kdim, xwidth):
    outs = [jax.ShapeDtypeStruct((4, N_PAD, 128), jnp.float32),
            jax.ShapeDtypeStruct((N_PAD,), jnp.float32)]
    out_specs = [pl.BlockSpec((4, BN, 128), lambda i: (0, i, 0)),
                 pl.BlockSpec((BN,), lambda i: (i,))]
    if has_skip:
        outs.append(jax.ShapeDtypeStruct((N_PAD, 256), jnp.float32))
        out_specs.append(pl.BlockSpec((BN, 256), lambda i: (i, 0)))

    def wrapped(x_ref, s_ref, k_ref, w_ref, b_ref, d0_ref, d1_ref, *orefs):
        skip_ref = orefs[2] if has_skip else None
        _matmul_body(has_skip, True, raw_x, x_ref, s_ref, k_ref, w_ref,
                     b_ref, d0_ref, d1_ref, orefs[0], orefs[1], skip_ref)

    wwidth = wfull.shape[1]
    in_specs = [
        pl.BlockSpec((BN, xwidth), lambda i: (i, 0)),
        pl.BlockSpec((BN,), lambda i: (i,)),
        pl.BlockSpec((BN,), lambda i: (i,)),
        pl.BlockSpec((kdim, wwidth), lambda i: (0, 0)),
        pl.BlockSpec((wwidth,), lambda i: (0,)),
        pl.BlockSpec((BN,), lambda i: (i,)),
        pl.BlockSpec((BN,), lambda i: (i,)),
    ]
    return pl.pallas_call(
        wrapped, grid=(NB,), in_specs=in_specs,
        out_specs=out_specs, out_shape=outs,
    )(x_in, score_in, keep_in, wfull, bfull, d0, d1)


def _combine_body(has_skip, agg_ref, h4_ref, s0_ref, s1_ref, hs_ref,
                  d0_ref, d1_ref, valid_ref, skip_ref, out_ref, score_ref):
    rsq = lax.rsqrt(d0_ref[...] + d1_ref[...] + 1.0)
    gcn = rsq[None, :, None] * (agg_ref[...] + h4_ref[...])
    m = gcn[0:2]
    g = jax.nn.sigmoid(gcn[2:4])
    out = jnp.transpose(g * m, (1, 0, 2)).reshape(BN, 256)
    if has_skip:
        out = out + skip_ref[...]
    out_ref[...] = out
    sc = (s0_ref[...] + s1_ref[...] + hs_ref[...]) * rsq
    score_ref[...] = jnp.where(valid_ref[...] > 0, sc, -jnp.inf)


def _combine(agg4, h4, aggsp, hs, d0, d1, valid, skip):
    has_skip = skip is not None

    def wrapped(*refs):
        if has_skip:
            (agg_ref, h4_ref, s0r, s1r, hs_ref, d0r, d1r, vr, skr,
             out_ref, score_ref) = refs
        else:
            (agg_ref, h4_ref, s0r, s1r, hs_ref, d0r, d1r, vr,
             out_ref, score_ref) = refs
            skr = None
        _combine_body(has_skip, agg_ref, h4_ref, s0r, s1r, hs_ref,
                      d0r, d1r, vr, skr, out_ref, score_ref)

    in_specs = [
        pl.BlockSpec((4, BN, 128), lambda i: (0, i, 0)),
        pl.BlockSpec((4, BN, 128), lambda i: (0, i, 0)),
        pl.BlockSpec((BN,), lambda i: (i,)),
        pl.BlockSpec((BN,), lambda i: (i,)),
        pl.BlockSpec((BN,), lambda i: (i,)),
        pl.BlockSpec((BN,), lambda i: (i,)),
        pl.BlockSpec((BN,), lambda i: (i,)),
        pl.BlockSpec((BN,), lambda i: (i,)),
    ]
    args = [agg4, h4, aggsp[0], aggsp[1], hs, d0, d1, valid]
    if has_skip:
        in_specs.append(pl.BlockSpec((BN, 256), lambda i: (i, 0)))
        args.append(skip)
    return pl.pallas_call(
        wrapped, grid=(NB,), in_specs=in_specs,
        out_specs=[pl.BlockSpec((BN, 256), lambda i: (i, 0)),
                   pl.BlockSpec((BN,), lambda i: (i,))],
        out_shape=[jax.ShapeDtypeStruct((N_PAD, 256), jnp.float32),
                   jax.ShapeDtypeStruct((N_PAD,), jnp.float32)],
    )(*args)


def _topk_body(kk, score_ref, keep_ref):
    v = lax.bitcast_convert_type(score_ref[...], jnp.int32)
    k = jnp.where(v < 0, ~v, v ^ MININT) ^ MININT

    def step(b, res):
        cand = res | (jnp.int32(1) << (31 - b))
        cnt = jnp.sum((k >= (cand ^ MININT)).astype(jnp.int32))
        return jnp.where(cnt >= kk, cand, res)

    res = lax.fori_loop(0, 32, step, jnp.int32(0))
    keep_ref[...] = (k >= (res ^ MININT)).astype(jnp.float32)


def _topk_mask(score, kk):
    return pl.pallas_call(
        functools.partial(_topk_body, kk),
        out_shape=jax.ShapeDtypeStruct((N_PAD,), jnp.float32),
    )(score)


def _final_body(aggp_ref, h3_ref, d0_ref, d1_ref, keep_ref,
                w1_ref, b1_ref, w2_ref, b2_ref, out_ref):
    rsq = lax.rsqrt(d0_ref[...] + d1_ref[...] + 1.0)

    def _col(t):
        sl = pl.ds(t * N_PAD, N_PAD)
        return rsq * (aggp_ref[0, sl] + aggp_ref[1, sl] + h3_ref[sl])

    x3 = 0.5 * (jax.nn.sigmoid(_col(2)) * _col(0)
                + jax.nn.sigmoid(_col(3)) * _col(1))
    s = jnp.where(keep_ref[...] > 0, x3, -jnp.inf).reshape(80, 128)
    ri = (lax.broadcasted_iota(jnp.int32, (80, 128), 0) * 128
          + lax.broadcasted_iota(jnp.int32, (80, 128), 1))
    i32v = lax.broadcasted_iota(jnp.int32, (1, 32), 1)

    def step(i, carry):
        sv, pooled = carry
        mx = jnp.max(sv)
        jj = jnp.min(jnp.where(sv == mx, ri, jnp.int32(2 ** 30)))
        pooled = jnp.where(i32v == i, mx, pooled)
        sv = jnp.where(ri == jj, -jnp.inf, sv)
        return sv, pooled

    _, pooled = lax.fori_loop(0, 30, step,
                              (s, jnp.zeros((1, 32), jnp.float32)))
    t1 = _elu(jnp.dot(pooled, w1_ref[...],
                      preferred_element_type=jnp.float32) + b1_ref[...])
    t2 = jnp.dot(t1, w2_ref[...],
                 preferred_element_type=jnp.float32) + b2_ref[...]
    out_ref[...] = t2


def _final(aggp, h3, d0, d1, keep, w1, b1, w2, b2):
    return pl.pallas_call(
        _final_body,
        out_shape=jax.ShapeDtypeStruct((1, 10), jnp.float32),
    )(aggp, h3, d0, d1, keep, w1, b1, w2, b2)


def _matmul3_body(x_ref, s_ref, k_ref, w_ref, b_ref, d0_ref, d1_ref, *h3_ref):
    xb = _prologue_x(x_ref[...], s_ref[...], k_ref[...])
    rsq = lax.rsqrt(d0_ref[...] + d1_ref[...] + 1.0)
    hall = jnp.dot(xb, w_ref[...], preferred_element_type=jnp.float32) + b_ref[...]
    hs = hall * rsq[:, None]
    for t in range(4):
        h3_ref[t][...] = hs[:, t]


def _matmul3(out2, score2, keep2, w3cat, b3cat, d0, d1):
    return pl.pallas_call(
        _matmul3_body, grid=(NB,),
        in_specs=[
            pl.BlockSpec((BN, 256), lambda i: (i, 0)),
            pl.BlockSpec((BN,), lambda i: (i,)),
            pl.BlockSpec((BN,), lambda i: (i,)),
            pl.BlockSpec((256, 16), lambda i: (0, 0)),
            pl.BlockSpec((16,), lambda i: (0,)),
            pl.BlockSpec((BN,), lambda i: (i,)),
            pl.BlockSpec((BN,), lambda i: (i,)),
        ],
        out_specs=[pl.BlockSpec((BN,), lambda i: (i,))] * 4,
        out_shape=[jax.ShapeDtypeStruct((N_PAD,), jnp.float32)] * 4,
    )(out2, score2, keep2, w3cat, b3cat, d0, d1)



def _concat_weights(p, pre, has_skip):
    ws = [p[f'{pre}_W0'], p[f'{pre}_W1'], p[f'{pre}_Wg0'], p[f'{pre}_Wg1']]
    bs = [p[f'{pre}_b0'], p[f'{pre}_b1'], p[f'{pre}_bg0'], p[f'{pre}_bg1']]
    cols = [jnp.concatenate(ws, axis=1),
            jnp.pad(p[f'{pre}_Ws'], ((0, 0), (0, 15)))]
    bcols = [jnp.concatenate(bs), jnp.pad(p[f'{pre}_bs'], (0, 15))]
    if has_skip:
        cols.append(p[f'{pre}_Wskip'])
        bcols.append(jnp.zeros((256,), jnp.float32))
    return jnp.concatenate(cols, axis=1), jnp.concatenate(bcols)


def kernel(x, edge_index, params):
    p = params
    src = edge_index[0].astype(jnp.int32)
    dst = edge_index[1].astype(jnp.int32)
    xp = jnp.pad(x, ((0, N_PAD - N), (0, 0)))
    valid0 = (jnp.arange(N_PAD) < N).astype(jnp.float32)
    zeros_n = jnp.zeros((N_PAD,), jnp.float32)

    w1full, b1full = _concat_weights(p, 'c1', False)
    w2full, b2full = _concat_weights(p, 'c2', True)
    w3cat = jnp.pad(jnp.concatenate(
        [p['c3_W0'], p['c3_W1'], p['c3_Wg0'], p['c3_Wg1']], axis=1),
        ((0, 0), (0, 12)))
    b3cat = jnp.pad(jnp.concatenate(
        [p['c3_b0'], p['c3_b1'], p['c3_bg0'], p['c3_bg1']]), (0, 12))

    zeros_l = jnp.zeros((N_PAD, 128), jnp.float32)
    src4 = jnp.concatenate([src + ch * N_PAD for ch in range(4)])

    degp1, dstm1 = _scalar_pass(src, dst, valid0, zeros_n)
    d0, d1 = degp1[0], degp1[1]
    h4_1, hs_1 = _matmul_layer(xp, zeros_n, zeros_n, w1full, b1full,
                               d0, d1, True, False, F, F)
    agg4_1 = _edge_pass(h4_1.reshape(4 * N_PAD, 128), src4, dstm1, zeros_l)
    aggsp_1 = _score_pass(hs_1, src, dstm1, zeros_n, 1)
    out1, score1 = _combine(agg4_1.reshape(4, N_PAD, 128), h4_1, aggsp_1,
                            hs_1, d0, d1, valid0, None)
    keep1 = _topk_mask(score1, int(math.ceil(0.5 * N)))

    degp2, dstm2 = _scalar_pass(src, dst, keep1, zeros_n)
    d0, d1 = degp2[0], degp2[1]
    h4_2, hs_2, skip2 = _matmul_layer(out1, score1, keep1, w2full, b2full,
                                      d0, d1, False, True, 256, 256)
    agg4_2 = _edge_pass(h4_2.reshape(4 * N_PAD, 128), src4, dstm2, zeros_l)
    aggsp_2 = _score_pass(hs_2, src, dstm2, zeros_n, 1)
    out2, score2 = _combine(agg4_2.reshape(4, N_PAD, 128), h4_2, aggsp_2,
                            hs_2, d0, d1, keep1, skip2)
    keep2 = _topk_mask(score2, int(math.ceil(0.5 * math.ceil(0.5 * N))))

    degp3, dstm3 = _scalar_pass(src, dst, keep2, zeros_n)
    d0, d1 = degp3[0], degp3[1]
    h3cols = _matmul3(out2, score2, keep2, w3cat, b3cat, d0, d1)
    h3flat = jnp.concatenate(h3cols)
    aggp3 = _score_pass(h3flat, src, dstm3, zeros_n, 4)
    w1p = jnp.pad(p['cls_W1'], ((0, 2), (0, 0)))
    return _final(aggp3, h3flat, d0, d1, keep2,
                  w1p, p['cls_b1'].reshape(1, -1),
                  p['cls_W2'], p['cls_b2'].reshape(1, -1))

# --- scband reference (transcript-rebuilt; emitter-appended) ---
"""Pipeline reference for scband-ggatpool-49667001810997 (READ-ONLY COPY).

The authoritative reference and input builder live on the scoring server;
editing this copy changes nothing except your own understanding.
"""

import jax, jax.numpy as jnp
import numpy as np
import math

N = 10000
E = 320000
F = 128
H = 128
HEADS = 2
NC = 10
R = 0.5
D = H * HEADS


def _make_params(key):
    ks = list(jax.random.split(key, 64))
    it = iter(ks)
    def w(fi, fo):
        return jax.random.normal(next(it), (fi, fo), jnp.float32) / np.sqrt(fi).astype(np.float32)
    def b(fo):
        return jnp.zeros((fo,), jnp.float32)
    p = {}
    for h in range(HEADS):
        p[f'c1_W{h}'] = w(F, H); p[f'c1_b{h}'] = b(H)
        p[f'c1_Wg{h}'] = w(F, H); p[f'c1_bg{h}'] = b(H)
    p['c1_Ws'] = w(F, 1); p['c1_bs'] = b(1)
    for h in range(HEADS):
        p[f'c2_W{h}'] = w(D, H); p[f'c2_b{h}'] = b(H)
        p[f'c2_Wg{h}'] = w(D, H); p[f'c2_bg{h}'] = b(H)
    p['c2_Wskip'] = w(D, D)
    p['c2_Ws'] = w(D, 1); p['c2_bs'] = b(1)
    for h in range(HEADS):
        p[f'c3_W{h}'] = w(D, 1); p[f'c3_b{h}'] = b(1)
        p[f'c3_Wg{h}'] = w(D, 1); p[f'c3_bg{h}'] = b(1)
    p['cls_W1'] = w(30, H); p['cls_b1'] = b(H)
    p['cls_W2'] = w(H, NC); p['cls_b2'] = b(NC)
    return p


def setup_inputs(seed: int = 0):
    key = jax.random.key(seed)
    k1, k2, k3 = jax.random.split(key, 3)
    x = jax.random.normal(k1, (N, F), jnp.float32)
    edge_index = jax.random.randint(k2, (2, E), 0, N, jnp.int64)
    params = _make_params(k3)
    return {'x': x, 'edge_index': edge_index, 'params': params}


def _gcn(x, src, dst, ew, W, bb):
    n = x.shape[0]
    h = x @ W + bb
    deg = jnp.zeros((n,), jnp.float32).at[dst].add(ew) + 1.0
    norm = ew / jnp.sqrt(deg[src] * deg[dst])
    agg = jnp.zeros((n, h.shape[1]), jnp.float32).at[dst].add(h[src] * norm[:, None])
    return agg + h / deg[:, None]


def _ggat_layer(x, src, dst, ew, p, pre, heads, concat, skip, ratio):
    outs = []
    for h in range(heads):
        m = _gcn(x, src, dst, ew, p[f'{pre}_W{h}'], p[f'{pre}_b{h}'])
        g = jax.nn.sigmoid(_gcn(x, src, dst, ew, p[f'{pre}_Wg{h}'], p[f'{pre}_bg{h}']))
        outs.append(g * m)
    if concat:
        out = jnp.concatenate(outs, axis=-1)
    else:
        out = sum(outs) / float(heads)
    if skip:
        out = out + x @ p[f'{pre}_Wskip']
    if ratio < 1.0:
        n = x.shape[0]
        score = _gcn(x, src, dst, ew, p[f'{pre}_Ws'], p[f'{pre}_bs'])[:, 0]
        kk = int(math.ceil(ratio * n))
        topv, perm = jax.lax.top_k(score, kk)
        out = out[perm] * jnp.tanh(topv)[:, None]
        mapping = jnp.zeros((n,), jnp.int32).at[perm].set(jnp.arange(kk, dtype=jnp.int32))
        keep = jnp.zeros((n,), jnp.float32).at[perm].set(1.0)
        ew = ew * keep[src] * keep[dst]
        src = mapping[src]
        dst = mapping[dst]
    return out, src, dst, ew


def _forward(x, edge_index, p):
    src = edge_index[0]
    dst = edge_index[1]
    ew = jnp.ones((src.shape[0],), jnp.float32)
    x1, src, dst, ew = _ggat_layer(x, src, dst, ew, p, 'c1', HEADS, True, False, R)
    x1 = jax.nn.elu(x1)
    x2, src, dst, ew = _ggat_layer(x1, src, dst, ew, p, 'c2', HEADS, True, True, R)
    x2 = jax.nn.elu(x2)
    x3, _, _, _ = _ggat_layer(x2, src, dst, ew, p, 'c3', HEADS, False, False, 1.0)
    order = jnp.argsort(-x3[:, -1])
    pooled = x3[order[:30]].reshape(1, -1)
    out = jax.nn.elu(pooled @ p['cls_W1'] + p['cls_b1'])
    out = out @ p['cls_W2'] + p['cls_b2']
    return out.reshape(1, -1)


def reference(x, edge_index, params):
    return _forward(x, edge_index, params)

if __name__ == "__main__":
    import jax
    _d = setup_inputs()
    print(jax.jit(kernel)(*tuple(_d.values())))

</pallas_src>

<mosaic_0001>
#map = affine_map<(d0, d1) -> (0, 0)>
#map1 = affine_map<(d0, d1) -> (0)>
module attributes {stable_mosaic.version = 14 : i64} {
  func.func @_edge_pass_body(%arg0: i32, %arg1: i32, %arg2: memref<40960x128xf32, #tpu.memory_space<hbm>>, %arg3: memref<1280000xi32, #tpu.memory_space<hbm>>, %arg4: memref<320000xi32, #tpu.memory_space<hbm>>, %arg5: memref<10240x128xf32, #tpu.memory_space<hbm>>, %arg6: memref<40960x128xf32, #tpu.memory_space<hbm>>, %arg7: memref<4000xi32, #tpu.memory_space<vmem>>, %arg8: memref<160xi32, #tpu.memory_space<vmem>>, %arg9: memref<160x128xf32, #tpu.memory_space<vmem>>, %arg10: memref<160x128xf32, #tpu.memory_space<vmem>>, %arg11: memref<10240x128xf32, #tpu.memory_space<vmem_shared>>, %arg12: memref<!tpu.dma_semaphore, #tpu.memory_space<semaphore_mem>>, %arg13: memref<!tpu.dma_semaphore, #tpu.memory_space<semaphore_mem>>) attributes {dimension_semantics = [#tpu.dimension_semantics<core_parallel>, #tpu.dimension_semantics<subcore_parallel>], iteration_bounds = array<i64: 2, 16>, scalar_prefetch = 0 : i64, scratch_operands = 7 : i64, tpu.core_type = #tpu.core_type<sc_vector_subcore>, window_params = [{transform_indices = #map}, {transform_indices = #map1}, {transform_indices = #map1}, {transform_indices = #map}, {transform_indices = #map}]} {
    %mul3A = arith.constant 640 : i32
    %mul3A_0 = arith.muli %arg1, %mul3A : i32
    %add3A = arith.constant 0 : i32
    %add3A_1 = arith.addi %arg0, %add3A : i32
    "tpu.region"() ({
      %run_scoped3A = tpu.sem_alloc : memref<!tpu.dma_semaphore, #tpu.memory_space<semaphore_mem>>
      %dma_start3A_62 = arith.constant 0 : i32
      %dma_start3A_63 = tpu.memref_slice %arg11[%mul3A_0, %dma_start3A_62] : memref<10240x128xf32, #tpu.memory_space<vmem_shared>> -> memref<640x128xf32, #tpu.memory_space<vmem_shared>>
      %dma_start3A_64 = arith.constant 0 : i32
      %dma_start3A_65 = tpu.memref_slice %arg5[%mul3A_0, %dma_start3A_64] : memref<10240x128xf32, #tpu.memory_space<hbm>> -> memref<640x128xf32, #tpu.memory_space<hbm>>
      tpu.enqueue_dma source(%dma_start3A_65 : memref<640x128xf32, #tpu.memory_space<hbm>>) target(%dma_start3A_63 : memref<640x128xf32, #tpu.memory_space<vmem_shared>>) target_semaphore(%run_scoped3A : memref<!tpu.dma_semaphore, #tpu.memory_space<semaphore_mem>>)
      %dma_wait3A_66 = arith.constant 0 : i32
      %dma_wait3A_67 = tpu.memref_slice %arg11[%mul3A_0, %dma_wait3A_66] : memref<10240x128xf32, #tpu.memory_space<vmem_shared>> -> memref<640x128xf32, #tpu.memory_space<vmem_shared>>
      %dma_wait3A_68 = arith.constant 0 : i32
      %dma_wait3A_69 = tpu.memref_slice %arg5[%mul3A_0, %dma_wait3A_68] : memref<10240x128xf32, #tpu.memory_space<hbm>> -> memref<640x128xf32, #tpu.memory_space<hbm>>
      tpu.wait_dma2 semaphore(%run_scoped3A : memref<!tpu.dma_semaphore, #tpu.memory_space<semaphore_mem>>) src(%dma_wait3A_69 : memref<640x128xf32, #tpu.memory_space<hbm>>) dst(%dma_wait3A_67 : memref<640x128xf32, #tpu.memory_space<vmem_shared>>)
      tpu.yield
    }) : () -> ()
    %barrier3A = arith.constant 0 : index
    tpu.barrier barrier_id(%barrier3A)
    %mul3A_2 = arith.constant 20000 : i32
    %mul3A_3 = arith.muli %arg1, %mul3A_2 : i32
    %mul3A_4 = arith.constant 320000 : i32
    %mul3A_5 = arith.muli %add3A_1, %mul3A_4 : i32
    %add3A_6 = arith.addi %mul3A_5, %mul3A_3 : i32
    %add3A_7 = arith.constant 0 : i32
    %add3A_8 = arith.addi %add3A_6, %add3A_7 : i32
    "tpu.region"() ({
      %run_scoped3A = tpu.sem_alloc : memref<!tpu.dma_semaphore, #tpu.memory_space<semaphore_mem>>
      %dma_start3A_62 = tpu.memref_slice %arg3[%add3A_8] : memref<1280000xi32, #tpu.memory_space<hbm>> -> memref<4000xi32, #tpu.memory_space<hbm>>
      %dma_start3A_63 = tpu.memref_slice %arg3[%add3A_8] : memref<1280000xi32, #tpu.memory_space<hbm>> -> memref<4000xi32, #tpu.memory_space<hbm>>
      tpu.enqueue_dma source(%dma_start3A_63 : memref<4000xi32, #tpu.memory_space<hbm>>) target(%arg7 : memref<4000xi32, #tpu.memory_space<vmem>>) target_semaphore(%run_scoped3A : memref<!tpu.dma_semaphore, #tpu.memory_space<semaphore_mem>>)
      %dma_wait3A_64 = tpu.memref_slice %arg3[%add3A_8] : memref<1280000xi32, #tpu.memory_space<hbm>> -> memref<4000xi32, #tpu.memory_space<hbm>>
      %dma_wait3A_65 = tpu.memref_slice %arg3[%add3A_8] : memref<1280000xi32, #tpu.memory_space<hbm>> -> memref<4000xi32, #tpu.memory_space<hbm>>
      tpu.wait_dma2 semaphore(%run_scoped3A : memref<!tpu.dma_semaphore, #tpu.memory_space<semaphore_mem>>) src(%dma_wait3A_65 : memref<4000xi32, #tpu.memory_space<hbm>>) dst(%arg7 : memref<4000xi32, #tpu.memory_space<vmem>>)
      tpu.yield
    }) : () -> ()
    %dma_start3A = arith.constant 0 : i32
    %dma_start3A_9 = tpu.memref_slice %arg7[%dma_start3A] : memref<4000xi32, #tpu.memory_space<vmem>> -> memref<160xi32, #tpu.memory_space<vmem>>
    %dma_start3A_10 = arith.constant 0 : i32
    %dma_start3A_11 = arith.constant 0 : i32
    %dma_start3A_12 = tpu.memref_slice %arg2[%dma_start3A_10, %dma_start3A_11] : memref<40960x128xf32, #tpu.memory_space<hbm>> -> memref<40960x128xf32, #tpu.memory_space<hbm>>
    tpu.enqueue_indirect_dma source(%dma_start3A_12 : memref<40960x128xf32, #tpu.memory_space<hbm>>) target(%arg9 : memref<160x128xf32, #tpu.memory_space<vmem>>) offsets(%dma_start3A_9 : memref<160xi32, #tpu.memory_space<vmem>>) semaphore(%arg12 : memref<!tpu.dma_semaphore, #tpu.memory_space<semaphore_mem>>)
    %scan3A = arith.constant 0 : i32
    %scan3A_13 = arith.constant 0 : i32
    %scan3A_14 = arith.constant 62 : i32
    %scan3A_15 = arith.addi %scan3A_13, %scan3A_14 : i32
    %scan3A_16 = arith.constant 1 : i32
    scf.for %scan3A_62 = %scan3A_13 to %scan3A_15 step %scan3A_16  : i32 {
      %mul3A_63 = arith.constant 2 : i32
      %mul3A_64 = arith.muli %mul3A_63, %scan3A_62 : i32
      %dma_wait3A_65 = arith.constant 0 : i32
      %dma_wait3A_66 = tpu.memref_slice %arg7[%dma_wait3A_65] : memref<4000xi32, #tpu.memory_space<vmem>> -> memref<160xi32, #tpu.memory_space<vmem>>
      %dma_wait3A_67 = arith.constant 0 : i32
      %dma_wait3A_68 = arith.constant 0 : i32
      %dma_wait3A_69 = tpu.memref_slice %arg2[%dma_wait3A_67, %dma_wait3A_68] : memref<40960x128xf32, #tpu.memory_space<hbm>> -> memref<40960x128xf32, #tpu.memory_space<hbm>>
      tpu.wait_indirect_dma semaphore(%arg12 : memref<!tpu.dma_semaphore, #tpu.memory_space<semaphore_mem>>) src(%dma_wait3A_69 : memref<40960x128xf32, #tpu.memory_space<hbm>>) dst(%arg9 : memref<160x128xf32, #tpu.memory_space<vmem>>)
      %add3A_70 = arith.constant 1 : i32
      %add3A_71 = arith.addi %mul3A_64, %add3A_70 : i32
      %jit3A = arith.constant 25 : i32
      %eq3A = arith.constant 0 : i32
      %eq3A_72 = arith.cmpi eq, %jit3A, %eq3A : i32
      %jit3A_73 = arith.constant 1 : i32
      %select_n3A = arith.select %eq3A_72, %jit3A_73, %jit3A : i32
      %rem3A = arith.remsi %add3A_71, %select_n3A : i32
      %ne3A = arith.constant 0 : i32
      %ne3A_74 = arith.cmpi ne, %rem3A, %ne3A : i32
      %lt3A = arith.constant 0 : i32
      %lt3A_75 = arith.cmpi slt, %rem3A, %lt3A : i32
      %lt3A_76 = arith.constant 0 : i32
      %lt3A_77 = arith.cmpi slt, %select_n3A, %lt3A_76 : i32
      %ne3A_78 = arith.xori %lt3A_75, %lt3A_77 : i1
      %and3A = arith.andi %ne3A_78, %ne3A_74 : i1
      %add3A_79 = arith.addi %rem3A, %select_n3A : i32
      %select_n3A_80 = arith.select %and3A, %add3A_79, %rem3A : i32
      %eq3A_81 = arith.constant 0 : i32
      %eq3A_82 = arith.cmpi eq, %select_n3A_80, %eq3A_81 : i32
      %convert_element_type3A = arith.extui %eq3A_82 : i1 to i32
      %cond3A = arith.constant 0 : i32
      %cond3A_83 = arith.cmpi ne, %convert_element_type3A, %cond3A : i32
      scf.if %cond3A_83 {
        %add3A_168 = arith.constant 1 : i32
        %add3A_169 = arith.addi %mul3A_64, %add3A_168 : i32
        %jit3A_170 = arith.constant 25 : i32
        %div3A = arith.divsi %add3A_169, %jit3A_170 : i32
        %sign3A = arith.constant 0 : i32
        %sign3A_171 = arith.cmpi sgt, %add3A_169, %sign3A : i32
        %sign3A_172 = arith.extui %sign3A_171 : i1 to i32
        %sign3A_173 = arith.constant 0 : i32
        %sign3A_174 = arith.cmpi slt, %add3A_169, %sign3A_173 : i32
        %sign3A_175 = arith.extui %sign3A_174 : i1 to i32
        %sign3A_176 = arith.subi %sign3A_172, %sign3A_175 : i32
        %sign3A_177 = arith.constant 0 : i32
        %sign3A_178 = arith.cmpi sgt, %jit3A_170, %sign3A_177 : i32
        %sign3A_179 = arith.extui %sign3A_178 : i1 to i32
        %sign3A_180 = arith.constant 0 : i32
        %sign3A_181 = arith.cmpi slt, %jit3A_170, %sign3A_180 : i32
        %sign3A_182 = arith.extui %sign3A_181 : i1 to i32
        %sign3A_183 = arith.subi %sign3A_179, %sign3A_182 : i32
        %ne3A_184 = arith.cmpi ne, %sign3A_176, %sign3A_183 : i32
        %rem3A_185 = arith.remsi %add3A_169, %jit3A_170 : i32
        %ne3A_186 = arith.constant 0 : i32
        %ne3A_187 = arith.cmpi ne, %rem3A_185, %ne3A_186 : i32
        %and3A_188 = arith.andi %ne3A_184, %ne3A_187 : i1
        %sub3A = arith.constant 1 : i32
        %sub3A_189 = arith.subi %div3A, %sub3A : i32
        %select_n3A_190 = arith.select %and3A_188, %sub3A_189, %div3A : i32
        %mul3A_191 = arith.constant 320000 : i32
        %mul3A_192 = arith.muli %add3A_1, %mul3A_191 : i32
        %add3A_193 = arith.addi %mul3A_192, %mul3A_3 : i32
        %mul3A_194 = arith.constant 25 : i32
        %mul3A_195 = arith.muli %select_n3A_190, %mul3A_194 : i32
        %mul3A_196 = arith.constant 160 : i32
        %mul3A_197 = arith.muli %mul3A_195, %mul3A_196 : i32
        %add3A_198 = arith.addi %add3A_193, %mul3A_197 : i32
        "tpu.region"() ({
          %run_scoped3A = tpu.sem_alloc : memref<!tpu.dma_semaphore, #tpu.memory_space<semaphore_mem>>
          %dma_start3A_199 = tpu.memref_slice %arg3[%add3A_198] : memref<1280000xi32, #tpu.memory_space<hbm>> -> memref<4000xi32, #tpu.memory_space<hbm>>
          %dma_start3A_200 = tpu.memref_slice %arg3[%add3A_198] : memref<1280000xi32, #tpu.memory_space<hbm>> -> memref<4000xi32, #tpu.memory_space<hbm>>
          tpu.enqueue_dma source(%dma_start3A_200 : memref<4000xi32, #tpu.memory_space<hbm>>) target(%arg7 : memref<4000xi32, #tpu.memory_space<vmem>>) target_semaphore(%run_scoped3A : memref<!tpu.dma_semaphore, #tpu.memory_space<semaphore_mem>>)
          %dma_wait3A_201 = tpu.memref_slice %arg3[%add3A_198] : memref<1280000xi32, #tpu.memory_space<hbm>> -> memref<4000xi32, #tpu.memory_space<hbm>>
          %dma_wait3A_202 = tpu.memref_slice %arg3[%add3A_198] : memref<1280000xi32, #tpu.memory_space<hbm>> -> memref<4000xi32, #tpu.memory_space<hbm>>
          tpu.wait_dma2 semaphore(%run_scoped3A : memref<!tpu.dma_semaphore, #tpu.memory_space<semaphore_mem>>) src(%dma_wait3A_202 : memref<4000xi32, #tpu.memory_space<hbm>>) dst(%arg7 : memref<4000xi32, #tpu.memory_space<vmem>>)
          tpu.yield
        }) : () -> ()
      } else {
      }
      %add3A_84 = arith.constant 1 : i32
      %add3A_85 = arith.addi %mul3A_64, %add3A_84 : i32
      %jit3A_86 = arith.constant 25 : i32
      %eq3A_87 = arith.constant 0 : i32
      %eq3A_88 = arith.cmpi eq, %jit3A_86, %eq3A_87 : i32
      %jit3A_89 = arith.constant 1 : i32
      %select_n3A_90 = arith.select %eq3A_88, %jit3A_89, %jit3A_86 : i32
      %rem3A_91 = arith.remsi %add3A_85, %select_n3A_90 : i32
      %ne3A_92 = arith.constant 0 : i32
      %ne3A_93 = arith.cmpi ne, %rem3A_91, %ne3A_92 : i32
      %lt3A_94 = arith.constant 0 : i32
      %lt3A_95 = arith.cmpi slt, %rem3A_91, %lt3A_94 : i32
      %lt3A_96 = arith.constant 0 : i32
      %lt3A_97 = arith.cmpi slt, %select_n3A_90, %lt3A_96 : i32
      %ne3A_98 = arith.xori %lt3A_95, %lt3A_97 : i1
      %and3A_99 = arith.andi %ne3A_98, %ne3A_93 : i1
      %add3A_100 = arith.addi %rem3A_91, %select_n3A_90 : i32
      %select_n3A_101 = arith.select %and3A_99, %add3A_100, %rem3A_91 : i32
      %mul3A_102 = arith.constant 160 : i32
      %mul3A_103 = arith.muli %select_n3A_101, %mul3A_102 : i32
      %dma_start3A_104 = tpu.memref_slice %arg7[%mul3A_103] : memref<4000xi32, #tpu.memory_space<vmem>> -> memref<160xi32, #tpu.memory_space<vmem>>
      %dma_start3A_105 = arith.constant 0 : i32
      %dma_start3A_106 = arith.constant 0 : i32
      %dma_start3A_107 = tpu.memref_slice %arg2[%dma_start3A_105, %dma_start3A_106] : memref<40960x128xf32, #tpu.memory_space<hbm>> -> memref<40960x128xf32, #tpu.memory_space<hbm>>
      tpu.enqueue_indirect_dma source(%dma_start3A_107 : memref<40960x128xf32, #tpu.memory_space<hbm>>) target(%arg10 : memref<160x128xf32, #tpu.memory_space<vmem>>) offsets(%dma_start3A_104 : memref<160xi32, #tpu.memory_space<vmem>>) semaphore(%arg13 : memref<!tpu.dma_semaphore, #tpu.memory_space<semaphore_mem>>)
      %mul3A_108 = arith.constant 160 : i32
      %mul3A_109 = arith.muli %mul3A_64, %mul3A_108 : i32
      %add3A_110 = arith.addi %mul3A_3, %mul3A_109 : i32
      "tpu.region"() ({
        %run_scoped3A = tpu.sem_alloc : memref<!tpu.dma_semaphore, #tpu.memory_space<semaphore_mem>>
        %dma_start3A_168 = tpu.memref_slice %arg4[%add3A_110] : memref<320000xi32, #tpu.memory_space<hbm>> -> memref<160xi32, #tpu.memory_space<hbm>>
        %dma_start3A_169 = tpu.memref_slice %arg4[%add3A_110] : memref<320000xi32, #tpu.memory_space<hbm>> -> memref<160xi32, #tpu.memory_space<hbm>>
        tpu.enqueue_dma source(%dma_start3A_169 : memref<160xi32, #tpu.memory_space<hbm>>) target(%arg8 : memref<160xi32, #tpu.memory_space<vmem>>) target_semaphore(%run_scoped3A : memref<!tpu.dma_semaphore, #tpu.memory_space<semaphore_mem>>)
        %dma_wait3A_170 = tpu.memref_slice %arg4[%add3A_110] : memref<320000xi32, #tpu.memory_space<hbm>> -> memref<160xi32, #tpu.memory_space<hbm>>
        %dma_wait3A_171 = tpu.memref_slice %arg4[%add3A_110] : memref<320000xi32, #tpu.memory_space<hbm>> -> memref<160xi32, #tpu.memory_space<hbm>>
        tpu.wait_dma2 semaphore(%run_scoped3A : memref<!tpu.dma_semaphore, #tpu.memory_space<semaphore_mem>>) src(%dma_wait3A_171 : memref<160xi32, #tpu.memory_space<hbm>>) dst(%arg8 : memref<160xi32, #tpu.memory_space<vmem>>)
        tpu.yield
      }) : () -> ()
      "tpu.region"() ({
        %run_scoped3A = tpu.sem_alloc : memref<!tpu.dma_semaphore, #tpu.memory_space<semaphore_mem>>
        %dma_start3A_168 = arith.constant 0 : i32
        %dma_start3A_169 = arith.constant 0 : i32
        %dma_start3A_170 = tpu.memref_slice %arg11[%dma_start3A_168, %dma_start3A_169] : memref<10240x128xf32, #tpu.memory_space<vmem_shared>> -> memref<10240x128xf32, #tpu.memory_space<vmem_shared>>
        tpu.enqueue_indirect_dma source(%arg9 : memref<160x128xf32, #tpu.memory_space<vmem>>) target(%dma_start3A_170 : memref<10240x128xf32, #tpu.memory_space<vmem_shared>>) offsets(%arg8 : memref<160xi32, #tpu.memory_space<vmem>>) semaphore(%run_scoped3A : memref<!tpu.dma_semaphore, #tpu.memory_space<semaphore_mem>>) {add = true}
        %dma_wait3A_171 = arith.constant 0 : i32
        %dma_wait3A_172 = arith.constant 0 : i32
        %dma_wait3A_173 = tpu.memref_slice %arg11[%dma_wait3A_171, %dma_wait3A_172] : memref<10240x128xf32, #tpu.memory_space<vmem_shared>> -> memref<10240x128xf32, #tpu.memory_space<vmem_shared>>
        tpu.wait_indirect_dma semaphore(%run_scoped3A : memref<!tpu.dma_semaphore, #tpu.memory_space<semaphore_mem>>) src(%arg9 : memref<160x128xf32, #tpu.memory_space<vmem>>) dst(%dma_wait3A_173 : memref<10240x128xf32, #tpu.memory_space<vmem_shared>>)
        tpu.yield
      }) : () -> ()
      %dma_wait3A_111 = arith.constant 0 : i32
      %dma_wait3A_112 = tpu.memref_slice %arg7[%dma_wait3A_111] : memref<4000xi32, #tpu.memory_space<vmem>> -> memref<160xi32, #tpu.memory_space<vmem>>
      %dma_wait3A_113 = arith.constant 0 : i32
      %dma_wait3A_114 = arith.constant 0 : i32
      %dma_wait3A_115 = tpu.memref_slice %arg2[%dma_wait3A_113, %dma_wait3A_114] : memref<40960x128xf32, #tpu.memory_space<hbm>> -> memref<40960x128xf32, #tpu.memory_space<hbm>>
      tpu.wait_indirect_dma semaphore(%arg13 : memref<!tpu.dma_semaphore, #tpu.memory_space<semaphore_mem>>) src(%dma_wait3A_115 : memref<40960x128xf32, #tpu.memory_space<hbm>>) dst(%arg10 : memref<160x128xf32, #tpu.memory_space<vmem>>)
      %add3A_116 = arith.constant 2 : i32
      %add3A_117 = arith.addi %mul3A_64, %add3A_116 : i32
      %jit3A_118 = arith.constant 25 : i32
      %eq3A_119 = arith.constant 0 : i32
      %eq3A_120 = arith.cmpi eq, %jit3A_118, %eq3A_119 : i32
      %jit3A_121 = arith.constant 1 : i32
      %select_n3A_122 = arith.select %eq3A_120, %jit3A_121, %jit3A_118 : i32
      %rem3A_123 = arith.remsi %add3A_117, %select_n3A_122 : i32
      %ne3A_124 = arith.constant 0 : i32
      %ne3A_125 = arith.cmpi ne, %rem3A_123, %ne3A_124 : i32
      %lt3A_126 = arith.constant 0 : i32
      %lt3A_127 = arith.cmpi slt, %rem3A_123, %lt3A_126 : i32
      %lt3A_128 = arith.constant 0 : i32
      %lt3A_129 = arith.cmpi slt, %select_n3A_122, %lt3A_128 : i32
      %ne3A_130 = arith.xori %lt3A_127, %lt3A_129 : i1
      %and3A_131 = arith.andi %ne3A_130, %ne3A_125 : i1
      %add3A_132 = arith.addi %rem3A_123, %select_n3A_122 : i32
      %select_n3A_133 = arith.select %and3A_131, %add3A_132, %rem3A_123 : i32
      %eq3A_134 = arith.constant 0 : i32
      %eq3A_135 = arith.cmpi eq, %select_n3A_133, %eq3A_134 : i32
      %convert_element_type3A_136 = arith.extui %eq3A_135 : i1 to i32
      %cond3A_137 = arith.constant 0 : i32
      %cond3A_138 = arith.cmpi ne, %convert_element_type3A_136, %cond3A_137 : i32
      scf.if %cond3A_138 {
        %add3A_168 = arith.constant 2 : i32
        %add3A_169 = arith.addi %mul3A_64, %add3A_168 : i32
        %jit3A_170 = arith.constant 25 : i32
        %div3A = arith.divsi %add3A_169, %jit3A_170 : i32
        %sign3A = arith.constant 0 : i32
        %sign3A_171 = arith.cmpi sgt, %add3A_169, %sign3A : i32
        %sign3A_172 = arith.extui %sign3A_171 : i1 to i32
        %sign3A_173 = arith.constant 0 : i32
        %sign3A_174 = arith.cmpi slt, %add3A_169, %sign3A_173 : i32
        %sign3A_175 = arith.extui %sign3A_174 : i1 to i32
        %sign3A_176 = arith.subi %sign3A_172, %sign3A_175 : i32
        %sign3A_177 = arith.constant 0 : i32
        %sign3A_178 = arith.cmpi sgt, %jit3A_170, %sign3A_177 : i32
        %sign3A_179 = arith.extui %sign3A_178 : i1 to i32
        %sign3A_180 = arith.constant 0 : i32
        %sign3A_181 = arith.cmpi slt, %jit3A_170, %sign3A_180 : i32
        %sign3A_182 = arith.extui %sign3A_181 : i1 to i32
        %sign3A_183 = arith.subi %sign3A_179, %sign3A_182 : i32
        %ne3A_184 = arith.cmpi ne, %sign3A_176, %sign3A_183 : i32
        %rem3A_185 = arith.remsi %add3A_169, %jit3A_170 : i32
        %ne3A_186 = arith.constant 0 : i32
        %ne3A_187 = arith.cmpi ne, %rem3A_185, %ne3A_186 : i32
        %and3A_188 = arith.andi %ne3A_184, %ne3A_187 : i1
        %sub3A = arith.constant 1 : i32
        %sub3A_189 = arith.subi %div3A, %sub3A : i32
        %select_n3A_190 = arith.select %and3A_188, %sub3A_189, %div3A : i32
        %mul3A_191 = arith.constant 320000 : i32
        %mul3A_192 = arith.muli %add3A_1, %mul3A_191 : i32
        %add3A_193 = arith.addi %mul3A_192, %mul3A_3 : i32
        %mul3A_194 = arith.constant 25 : i32
        %mul3A_195 = arith.muli %select_n3A_190, %mul3A_194 : i32
        %mul3A_196 = arith.constant 160 : i32
        %mul3A_197 = arith.muli %mul3A_195, %mul3A_196 : i32
        %add3A_198 = arith.addi %add3A_193, %mul3A_197 : i32
        "tpu.region"() ({
          %run_scoped3A = tpu.sem_alloc : memref<!tpu.dma_semaphore, #tpu.memory_space<semaphore_mem>>
          %dma_start3A_199 = tpu.memref_slice %arg3[%add3A_198] : memref<1280000xi32, #tpu.memory_space<hbm>> -> memref<4000xi32, #tpu.memory_space<hbm>>
          %dma_start3A_200 = tpu.memref_slice %arg3[%add3A_198] : memref<1280000xi32, #tpu.memory_space<hbm>> -> memref<4000xi32, #tpu.memory_space<hbm>>
          tpu.enqueue_dma source(%dma_start3A_200 : memref<4000xi32, #tpu.memory_space<hbm>>) target(%arg7 : memref<4000xi32, #tpu.memory_space<vmem>>) target_semaphore(%run_scoped3A : memref<!tpu.dma_semaphore, #tpu.memory_space<semaphore_mem>>)
          %dma_wait3A_201 = tpu.memref_slice %arg3[%add3A_198] : memref<1280000xi32, #tpu.memory_space<hbm>> -> memref<4000xi32, #tpu.memory_space<hbm>>
          %dma_wait3A_202 = tpu.memref_slice %arg3[%add3A_198] : memref<1280000xi32, #tpu.memory_space<hbm>> -> memref<4000xi32, #tpu.memory_space<hbm>>
          tpu.wait_dma2 semaphore(%run_scoped3A : memref<!tpu.dma_semaphore, #tpu.memory_space<semaphore_mem>>) src(%dma_wait3A_202 : memref<4000xi32, #tpu.memory_space<hbm>>) dst(%arg7 : memref<4000xi32, #tpu.memory_space<vmem>>)
          tpu.yield
        }) : () -> ()
      } else {
      }
      %add3A_139 = arith.constant 2 : i32
      %add3A_140 = arith.addi %mul3A_64, %add3A_139 : i32
      %jit3A_141 = arith.constant 25 : i32
      %eq3A_142 = arith.constant 0 : i32
      %eq3A_143 = arith.cmpi eq, %jit3A_141, %eq3A_142 : i32
      %jit3A_144 = arith.constant 1 : i32
      %select_n3A_145 = arith.select %eq3A_143, %jit3A_144, %jit3A_141 : i32
      %rem3A_146 = arith.remsi %add3A_140, %select_n3A_145 : i32
      %ne3A_147 = arith.constant 0 : i32
      %ne3A_148 = arith.cmpi ne, %rem3A_146, %ne3A_147 : i32
      %lt3A_149 = arith.constant 0 : i32
      %lt3A_150 = arith.cmpi slt, %rem3A_146, %lt3A_149 : i32
      %lt3A_151 = arith.constant 0 : i32
      %lt3A_152 = arith.cmpi slt, %select_n3A_145, %lt3A_151 : i32
      %ne3A_153 = arith.xori %lt3A_150, %lt3A_152 : i1
      %and3A_154 = arith.andi %ne3A_153, %ne3A_148 : i1
      %add3A_155 = arith.addi %rem3A_146, %select_n3A_145 : i32
      %select_n3A_156 = arith.select %and3A_154, %add3A_155, %rem3A_146 : i32
      %mul3A_157 = arith.constant 160 : i32
      %mul3A_158 = arith.muli %select_n3A_156, %mul3A_157 : i32
      %dma_start3A_159 = tpu.memref_slice %arg7[%mul3A_158] : memref<4000xi32, #tpu.memory_space<vmem>> -> memref<160xi32, #tpu.memory_space<vmem>>
      %dma_start3A_160 = arith.constant 0 : i32
      %dma_start3A_161 = arith.constant 0 : i32
      %dma_start3A_162 = tpu.memref_slice %arg2[%dma_start3A_160, %dma_start3A_161] : memref<40960x128xf32, #tpu.memory_space<hbm>> -> memref<40960x128xf32, #tpu.memory_space<hbm>>
      tpu.enqueue_indirect_dma source(%dma_start3A_162 : memref<40960x128xf32, #tpu.memory_space<hbm>>) target(%arg9 : memref<160x128xf32, #tpu.memory_space<vmem>>) offsets(%dma_start3A_159 : memref<160xi32, #tpu.memory_space<vmem>>) semaphore(%arg12 : memref<!tpu.dma_semaphore, #tpu.memory_space<semaphore_mem>>)
      %add3A_163 = arith.constant 1 : i32
      %add3A_164 = arith.addi %mul3A_64, %add3A_163 : i32
      %mul3A_165 = arith.constant 160 : i32
      %mul3A_166 = arith.muli %add3A_164, %mul3A_165 : i32
      %add3A_167 = arith.addi %mul3A_3, %mul3A_166 : i32
      "tpu.region"() ({
        %run_scoped3A = tpu.sem_alloc : memref<!tpu.dma_semaphore, #tpu.memory_space<semaphore_mem>>
        %dma_start3A_168 = tpu.memref_slice %arg4[%add3A_167] : memref<320000xi32, #tpu.memory_space<hbm>> -> memref<160xi32, #tpu.memory_space<hbm>>
        %dma_start3A_169 = tpu.memref_slice %arg4[%add3A_167] : memref<320000xi32, #tpu.memory_space<hbm>> -> memref<160xi32, #tpu.memory_space<hbm>>
        tpu.enqueue_dma source(%dma_start3A_169 : memref<160xi32, #tpu.memory_space<hbm>>) target(%arg8 : memref<160xi32, #tpu.memory_space<vmem>>) target_semaphore(%run_scoped3A : memref<!tpu.dma_semaphore, #tpu.memory_space<semaphore_mem>>)
        %dma_wait3A_170 = tpu.memref_slice %arg4[%add3A_167] : memref<320000xi32, #tpu.memory_space<hbm>> -> memref<160xi32, #tpu.memory_space<hbm>>
        %dma_wait3A_171 = tpu.memref_slice %arg4[%add3A_167] : memref<320000xi32, #tpu.memory_space<hbm>> -> memref<160xi32, #tpu.memory_space<hbm>>
        tpu.wait_dma2 semaphore(%run_scoped3A : memref<!tpu.dma_semaphore, #tpu.memory_space<semaphore_mem>>) src(%dma_wait3A_171 : memref<160xi32, #tpu.memory_space<hbm>>) dst(%arg8 : memref<160xi32, #tpu.memory_space<vmem>>)
        tpu.yield
      }) : () -> ()
      "tpu.region"() ({
        %run_scoped3A = tpu.sem_alloc : memref<!tpu.dma_semaphore, #tpu.memory_space<semaphore_mem>>
        %dma_start3A_168 = arith.constant 0 : i32
        %dma_start3A_169 = arith.constant 0 : i32
        %dma_start3A_170 = tpu.memref_slice %arg11[%dma_start3A_168, %dma_start3A_169] : memref<10240x128xf32, #tpu.memory_space<vmem_shared>> -> memref<10240x128xf32, #tpu.memory_space<vmem_shared>>
        tpu.enqueue_indirect_dma source(%arg10 : memref<160x128xf32, #tpu.memory_space<vmem>>) target(%dma_start3A_170 : memref<10240x128xf32, #tpu.memory_space<vmem_shared>>) offsets(%arg8 : memref<160xi32, #tpu.memory_space<vmem>>) semaphore(%run_scoped3A : memref<!tpu.dma_semaphore, #tpu.memory_space<semaphore_mem>>) {add = true}
        %dma_wait3A_171 = arith.constant 0 : i32
        %dma_wait3A_172 = arith.constant 0 : i32
        %dma_wait3A_173 = tpu.memref_slice %arg11[%dma_wait3A_171, %dma_wait3A_172] : memref<10240x128xf32, #tpu.memory_space<vmem_shared>> -> memref<10240x128xf32, #tpu.memory_space<vmem_shared>>
        tpu.wait_indirect_dma semaphore(%run_scoped3A : memref<!tpu.dma_semaphore, #tpu.memory_space<semaphore_mem>>) src(%arg10 : memref<160x128xf32, #tpu.memory_space<vmem>>) dst(%dma_wait3A_173 : memref<10240x128xf32, #tpu.memory_space<vmem_shared>>)
        tpu.yield
      }) : () -> ()
    }
    %scan3A_17 = arith.constant 62 : i32
    %dma_wait3A = arith.constant 0 : i32
    %dma_wait3A_18 = tpu.memref_slice %arg7[%dma_wait3A] : memref<4000xi32, #tpu.memory_space<vmem>> -> memref<160xi32, #tpu.memory_space<vmem>>
    %dma_wait3A_19 = arith.constant 0 : i32
    %dma_wait3A_20 = arith.constant 0 : i32
    %dma_wait3A_21 = tpu.memref_slice %arg2[%dma_wait3A_19, %dma_wait3A_20] : memref<40960x128xf32, #tpu.memory_space<hbm>> -> memref<40960x128xf32, #tpu.memory_space<hbm>>
    tpu.wait_indirect_dma semaphore(%arg12 : memref<!tpu.dma_semaphore, #tpu.memory_space<semaphore_mem>>) src(%dma_wait3A_21 : memref<40960x128xf32, #tpu.memory_space<hbm>>) dst(%arg9 : memref<160x128xf32, #tpu.memory_space<vmem>>)
    %add3A_22 = arith.constant 19840 : i32
    %add3A_23 = arith.addi %mul3A_3, %add3A_22 : i32
    "tpu.region"() ({
      %run_scoped3A = tpu.sem_alloc : memref<!tpu.dma_semaphore, #tpu.memory_space<semaphore_mem>>
      %dma_start3A_62 = tpu.memref_slice %arg4[%add3A_23] : memref<320000xi32, #tpu.memory_space<hbm>> -> memref<160xi32, #tpu.memory_space<hbm>>
      %dma_start3A_63 = tpu.memref_slice %arg4[%add3A_23] : memref<320000xi32, #tpu.memory_space<hbm>> -> memref<160xi32, #tpu.memory_space<hbm>>
      tpu.enqueue_dma source(%dma_start3A_63 : memref<160xi32, #tpu.memory_space<hbm>>) target(%arg8 : memref<160xi32, #tpu.memory_space<vmem>>) target_semaphore(%run_scoped3A : memref<!tpu.dma_semaphore, #tpu.memory_space<semaphore_mem>>)
      %dma_wait3A_64 = tpu.memref_slice %arg4[%add3A_23] : memref<320000xi32, #tpu.memory_space<hbm>> -> memref<160xi32, #tpu.memory_space<hbm>>
      %dma_wait3A_65 = tpu.memref_slice %arg4[%add3A_23] : memref<320000xi32, #tpu.memory_space<hbm>> -> memref<160xi32, #tpu.memory_space<hbm>>
      tpu.wait_dma2 semaphore(%run_scoped3A : memref<!tpu.dma_semaphore, #tpu.memory_space<semaphore_mem>>) src(%dma_wait3A_65 : memref<160xi32, #tpu.memory_space<hbm>>) dst(%arg8 : memref<160xi32, #tpu.memory_space<vmem>>)
      tpu.yield
    }) : () -> ()
    "tpu.region"() ({
      %run_scoped3A = tpu.sem_alloc : memref<!tpu.dma_semaphore, #tpu.memory_space<semaphore_mem>>
      %dma_start3A_62 = arith.constant 0 : i32
      %dma_start3A_63 = arith.constant 0 : i32
      %dma_start3A_64 = tpu.memref_slice %arg11[%dma_start3A_62, %dma_start3A_63] : memref<10240x128xf32, #tpu.memory_space<vmem_shared>> -> memref<10240x128xf32, #tpu.memory_space<vmem_shared>>
      tpu.enqueue_indirect_dma source(%arg9 : memref<160x128xf32, #tpu.memory_space<vmem>>) target(%dma_start3A_64 : memref<10240x128xf32, #tpu.memory_space<vmem_shared>>) offsets(%arg8 : memref<160xi32, #tpu.memory_space<vmem>>) semaphore(%run_scoped3A : memref<!tpu.dma_semaphore, #tpu.memory_space<semaphore_mem>>) {add = true}
      %dma_wait3A_65 = arith.constant 0 : i32
      %dma_wait3A_66 = arith.constant 0 : i32
      %dma_wait3A_67 = tpu.memref_slice %arg11[%dma_wait3A_65, %dma_wait3A_66] : memref<10240x128xf32, #tpu.memory_space<vmem_shared>> -> memref<10240x128xf32, #tpu.memory_space<vmem_shared>>
      tpu.wait_indirect_dma semaphore(%run_scoped3A : memref<!tpu.dma_semaphore, #tpu.memory_space<semaphore_mem>>) src(%arg9 : memref<160x128xf32, #tpu.memory_space<vmem>>) dst(%dma_wait3A_67 : memref<10240x128xf32, #tpu.memory_space<vmem_shared>>)
      tpu.yield
    }) : () -> ()
    %barrier3A_24 = arith.constant 0 : index
    tpu.barrier barrier_id(%barrier3A_24)
    %mul3A_25 = arith.constant 10240 : i32
    %mul3A_26 = arith.muli %add3A_1, %mul3A_25 : i32
    %add3A_27 = arith.addi %mul3A_26, %mul3A_0 : i32
    "tpu.region"() ({
      %run_scoped3A = tpu.sem_alloc : memref<!tpu.dma_semaphore, #tpu.memory_space<semaphore_mem>>
      %dma_start3A_62 = arith.constant 0 : i32
      %dma_start3A_63 = tpu.memref_slice %arg6[%add3A_27, %dma_start3A_62] : memref<40960x128xf32, #tpu.memory_space<hbm>> -> memref<640x128xf32, #tpu.memory_space<hbm>>
      %dma_start3A_64 = arith.constant 0 : i32
      %dma_start3A_65 = tpu.memref_slice %arg11[%mul3A_0, %dma_start3A_64] : memref<10240x128xf32, #tpu.memory_space<vmem_shared>> -> memref<640x128xf32, #tpu.memory_space<vmem_shared>>
      tpu.enqueue_dma source(%dma_start3A_65 : memref<640x128xf32, #tpu.memory_space<vmem_shared>>) target(%dma_start3A_63 : memref<640x128xf32, #tpu.memory_space<hbm>>) target_semaphore(%run_scoped3A : memref<!tpu.dma_semaphore, #tpu.memory_space<semaphore_mem>>)
      %dma_wait3A_66 = arith.constant 0 : i32
      %dma_wait3A_67 = tpu.memref_slice %arg6[%add3A_27, %dma_wait3A_66] : memref<40960x128xf32, #tpu.memory_space<hbm>> -> memref<640x128xf32, #tpu.memory_space<hbm>>
      %dma_wait3A_68 = arith.constant 0 : i32
      %dma_wait3A_69 = tpu.memref_slice %arg11[%mul3A_0, %dma_wait3A_68] : memref<10240x128xf32, #tpu.memory_space<vmem_shared>> -> memref<640x128xf32, #tpu.memory_space<vmem_shared>>
      tpu.wait_dma2 semaphore(%run_scoped3A : memref<!tpu.dma_semaphore, #tpu.memory_space<semaphore_mem>>) src(%dma_wait3A_69 : memref<640x128xf32, #tpu.memory_space<vmem_shared>>) dst(%dma_wait3A_67 : memref<640x128xf32, #tpu.memory_space<hbm>>)
      tpu.yield
    }) : () -> ()
    %barrier3A_28 = arith.constant 0 : index
    tpu.barrier barrier_id(%barrier3A_28)
    %add3A_29 = arith.constant 2 : i32
    %add3A_30 = arith.addi %arg0, %add3A_29 : i32
    "tpu.region"() ({
      %run_scoped3A = tpu.sem_alloc : memref<!tpu.dma_semaphore, #tpu.memory_space<semaphore_mem>>
      %dma_start3A_62 = arith.constant 0 : i32
      %dma_start3A_63 = tpu.memref_slice %arg11[%mul3A_0, %dma_start3A_62] : memref<10240x128xf32, #tpu.memory_space<vmem_shared>> -> memref<640x128xf32, #tpu.memory_space<vmem_shared>>
      %dma_start3A_64 = arith.constant 0 : i32
      %dma_start3A_65 = tpu.memref_slice %arg5[%mul3A_0, %dma_start3A_64] : memref<10240x128xf32, #tpu.memory_space<hbm>> -> memref<640x128xf32, #tpu.memory_space<hbm>>
      tpu.enqueue_dma source(%dma_start3A_65 : memref<640x128xf32, #tpu.memory_space<hbm>>) target(%dma_start3A_63 : memref<640x128xf32, #tpu.memory_space<vmem_shared>>) target_semaphore(%run_scoped3A : memref<!tpu.dma_semaphore, #tpu.memory_space<semaphore_mem>>)
      %dma_wait3A_66 = arith.constant 0 : i32
      %dma_wait3A_67 = tpu.memref_slice %arg11[%mul3A_0, %dma_wait3A_66] : memref<10240x128xf32, #tpu.memory_space<vmem_shared>> -> memref<640x128xf32, #tpu.memory_space<vmem_shared>>
      %dma_wait3A_68 = arith.constant 0 : i32
      %dma_wait3A_69 = tpu.memref_slice %arg5[%mul3A_0, %dma_wait3A_68] : memref<10240x128xf32, #tpu.memory_space<hbm>> -> memref<640x128xf32, #tpu.memory_space<hbm>>
      tpu.wait_dma2 semaphore(%run_scoped3A : memref<!tpu.dma_semaphore, #tpu.memory_space<semaphore_mem>>) src(%dma_wait3A_69 : memref<640x128xf32, #tpu.memory_space<hbm>>) dst(%dma_wait3A_67 : memref<640x128xf32, #tpu.memory_space<vmem_shared>>)
      tpu.yield
    }) : () -> ()
    %barrier3A_31 = arith.constant 0 : index
    tpu.barrier barrier_id(%barrier3A_31)
    %mul3A_32 = arith.constant 20000 : i32
    %mul3A_33 = arith.muli %arg1, %mul3A_32 : i32
    %mul3A_34 = arith.constant 320000 : i32
    %mul3A_35 = arith.muli %add3A_30, %mul3A_34 : i32
    %add3A_36 = arith.addi %mul3A_35, %mul3A_33 : i32
    %add3A_37 = arith.constant 0 : i32
    %add3A_38 = arith.addi %add3A_36, %add3A_37 : i32
    "tpu.region"() ({
      %run_scoped3A = tpu.sem_alloc : memref<!tpu.dma_semaphore, #tpu.memory_space<semaphore_mem>>
      %dma_start3A_62 = tpu.memref_slice %arg3[%add3A_38] : memref<1280000xi32, #tpu.memory_space<hbm>> -> memref<4000xi32, #tpu.memory_space<hbm>>
      %dma_start3A_63 = tpu.memref_slice %arg3[%add3A_38] : memref<1280000xi32, #tpu.memory_space<hbm>> -> memref<4000xi32, #tpu.memory_space<hbm>>
      tpu.enqueue_dma source(%dma_start3A_63 : memref<4000xi32, #tpu.memory_space<hbm>>) target(%arg7 : memref<4000xi32, #tpu.memory_space<vmem>>) target_semaphore(%run_scoped3A : memref<!tpu.dma_semaphore, #tpu.memory_space<semaphore_mem>>)
      %dma_wait3A_64 = tpu.memref_slice %arg3[%add3A_38] : memref<1280000xi32, #tpu.memory_space<hbm>> -> memref<4000xi32, #tpu.memory_space<hbm>>
      %dma_wait3A_65 = tpu.memref_slice %arg3[%add3A_38] : memref<1280000xi32, #tpu.memory_space<hbm>> -> memref<4000xi32, #tpu.memory_space<hbm>>
      tpu.wait_dma2 semaphore(%run_scoped3A : memref<!tpu.dma_semaphore, #tpu.memory_space<semaphore_mem>>) src(%dma_wait3A_65 : memref<4000xi32, #tpu.memory_space<hbm>>) dst(%arg7 : memref<4000xi32, #tpu.memory_space<vmem>>)
      tpu.yield
    }) : () -> ()
    %dma_start3A_39 = arith.constant 0 : i32
    %dma_start3A_40 = tpu.memref_slice %arg7[%dma_start3A_39] : memref<4000xi32, #tpu.memory_space<vmem>> -> memref<160xi32, #tpu.memory_space<vmem>>
    %dma_start3A_41 = arith.constant 0 : i32
    %dma_start3A_42 = arith.constant 0 : i32
    %dma_start3A_43 = tpu.memref_slice %arg2[%dma_start3A_41, %dma_start3A_42] : memref<40960x128xf32, #tpu.memory_space<hbm>> -> memref<40960x128xf32, #tpu.memory_space<hbm>>
    tpu.enqueue_indirect_dma source(%dma_start3A_43 : memref<40960x128xf32, #tpu.memory_space<hbm>>) target(%arg9 : memref<160x128xf32, #tpu.memory_space<vmem>>) offsets(%dma_start3A_40 : memref<160xi32, #tpu.memory_space<vmem>>) semaphore(%arg12 : memref<!tpu.dma_semaphore, #tpu.memory_space<semaphore_mem>>)
    %scan3A_44 = arith.constant 0 : i32
    %scan3A_45 = arith.constant 0 : i32
    %scan3A_46 = arith.constant 62 : i32
    %scan3A_47 = arith.addi %scan3A_45, %scan3A_46 : i32
    %scan3A_48 = arith.constant 1 : i32
    scf.for %scan3A_62 = %scan3A_45 to %scan3A_47 step %scan3A_48  : i32 {
      %mul3A_63 = arith.constant 2 : i32
      %mul3A_64 = arith.muli %mul3A_63, %scan3A_62 : i32
      %dma_wait3A_65 = arith.constant 0 : i32
      %dma_wait3A_66 = tpu.memref_slice %arg7[%dma_wait3A_65] : memref<4000xi32, #tpu.memory_space<vmem>> -> memref<160xi32, #tpu.memory_space<vmem>>
      %dma_wait3A_67 = arith.constant 0 : i32
      %dma_wait3A_68 = arith.constant 0 : i32
      %dma_wait3A_69 = tpu.memref_slice %arg2[%dma_wait3A_67, %dma_wait3A_68] : memref<40960x128xf32, #tpu.memory_space<hbm>> -> memref<40960x128xf32, #tpu.memory_space<hbm>>
      tpu.wait_indirect_dma semaphore(%arg12 : memref<!tpu.dma_semaphore, #tpu.memory_space<semaphore_mem>>) src(%dma_wait3A_69 : memref<40960x128xf32, #tpu.memory_space<hbm>>) dst(%arg9 : memref<160x128xf32, #tpu.memory_space<vmem>>)
      %add3A_70 = arith.constant 1 : i32
      %add3A_71 = arith.addi %mul3A_64, %add3A_70 : i32
      %jit3A = arith.constant 25 : i32
      %eq3A = arith.constant 0 : i32
      %eq3A_72 = arith.cmpi eq, %jit3A, %eq3A : i32
      %jit3A_73 = arith.constant 1 : i32
      %select_n3A = arith.select %eq3A_72, %jit3A_73, %jit3A : i32
      %rem3A = arith.remsi %add3A_71, %select_n3A : i32
      %ne3A = arith.constant 0 : i32
      %ne3A_74 = arith.cmpi ne, %rem3A, %ne3A : i32
      %lt3A = arith.constant 0 : i32
      %lt3A_75 = arith.cmpi slt, %rem3A, %lt3A : i32
      %lt3A_76 = arith.constant 0 : i32
      %lt3A_77 = arith.cmpi slt, %select_n3A, %lt3A_76 : i32
      %ne3A_78 = arith.xori %lt3A_75, %lt3A_77 : i1
      %and3A = arith.andi %ne3A_78, %ne3A_74 : i1
      %add3A_79 = arith.addi %rem3A, %select_n3A : i32
      %select_n3A_80 = arith.select %and3A, %add3A_79, %rem3A : i32
      %eq3A_81 = arith.constant 0 : i32
      %eq3A_82 = arith.cmpi eq, %select_n3A_80, %eq3A_81 : i32
      %convert_element_type3A = arith.extui %eq3A_82 : i1 to i32
      %cond3A = arith.constant 0 : i32
      %cond3A_83 = arith.cmpi ne, %convert_element_type3A, %cond3A : i32
      scf.if %cond3A_83 {
        %add3A_168 = arith.constant 1 : i32
        %add3A_169 = arith.addi %mul3A_64, %add3A_168 : i32
        %jit3A_170 = arith.constant 25 : i32
        %div3A = arith.divsi %add3A_169, %jit3A_170 : i32
        %sign3A = arith.constant 0 : i32
        %sign3A_171 = arith.cmpi sgt, %add3A_169, %sign3A : i32
        %sign3A_172 = arith.extui %sign3A_171 : i1 to i32
        %sign3A_173 = arith.constant 0 : i32
        %sign3A_174 = arith.cmpi slt, %add3A_169, %sign3A_173 : i32
        %sign3A_175 = arith.extui %sign3A_174 : i1 to i32
        %sign3A_176 = arith.subi %sign3A_172, %sign3A_175 : i32
        %sign3A_177 = arith.constant 0 : i32
        %sign3A_178 = arith.cmpi sgt, %jit3A_170, %sign3A_177 : i32
        %sign3A_179 = arith.extui %sign3A_178 : i1 to i32
        %sign3A_180 = arith.constant 0 : i32
        %sign3A_181 = arith.cmpi slt, %jit3A_170, %sign3A_180 : i32
        %sign3A_182 = arith.extui %sign3A_181 : i1 to i32
        %sign3A_183 = arith.subi %sign3A_179, %sign3A_182 : i32
        %ne3A_184 = arith.cmpi ne, %sign3A_176, %sign3A_183 : i32
        %rem3A_185 = arith.remsi %add3A_169, %jit3A_170 : i32
        %ne3A_186 = arith.constant 0 : i32
        %ne3A_187 = arith.cmpi ne, %rem3A_185, %ne3A_186 : i32
        %and3A_188 = arith.andi %ne3A_184, %ne3A_187 : i1
        %sub3A = arith.constant 1 : i32
        %sub3A_189 = arith.subi %div3A, %sub3A : i32
        %select_n3A_190 = arith.select %and3A_188, %sub3A_189, %div3A : i32
        %mul3A_191 = arith.constant 320000 : i32
        %mul3A_192 = arith.muli %add3A_30, %mul3A_191 : i32
        %add3A_193 = arith.addi %mul3A_192, %mul3A_33 : i32
        %mul3A_194 = arith.constant 25 : i32
        %mul3A_195 = arith.muli %select_n3A_190, %mul3A_194 : i32
        %mul3A_196 = arith.constant 160 : i32
        %mul3A_197 = arith.muli %mul3A_195, %mul3A_196 : i32
        %add3A_198 = arith.addi %add3A_193, %mul3A_197 : i32
        "tpu.region"() ({
          %run_scoped3A = tpu.sem_alloc : memref<!tpu.dma_semaphore, #tpu.memory_space<semaphore_mem>>
          %dma_start3A_199 = tpu.memref_slice %arg3[%add3A_198] : memref<1280000xi32, #tpu.memory_space<hbm>> -> memref<4000xi32, #tpu.memory_space<hbm>>
          %dma_start3A_200 = tpu.memref_slice %arg3[%add3A_198] : memref<1280000xi32, #tpu.memory_space<hbm>> -> memref<4000xi32, #tpu.memory_space<hbm>>
          tpu.enqueue_dma source(%dma_start3A_200 : memref<4000xi32, #tpu.memory_space<hbm>>) target(%arg7 : memref<4000xi32, #tpu.memory_space<vmem>>) target_semaphore(%run_scoped3A : memref<!tpu.dma_semaphore, #tpu.memory_space<semaphore_mem>>)
          %dma_wait3A_201 = tpu.memref_slice %arg3[%add3A_198] : memref<1280000xi32, #tpu.memory_space<hbm>> -> memref<4000xi32, #tpu.memory_space<hbm>>
          %dma_wait3A_202 = tpu.memref_slice %arg3[%add3A_198] : memref<1280000xi32, #tpu.memory_space<hbm>> -> memref<4000xi32, #tpu.memory_space<hbm>>
          tpu.wait_dma2 semaphore(%run_scoped3A : memref<!tpu.dma_semaphore, #tpu.memory_space<semaphore_mem>>) src(%dma_wait3A_202 : memref<4000xi32, #tpu.memory_space<hbm>>) dst(%arg7 : memref<4000xi32, #tpu.memory_space<vmem>>)
          tpu.yield
        }) : () -> ()
      } else {
      }
      %add3A_84 = arith.constant 1 : i32
      %add3A_85 = arith.addi %mul3A_64, %add3A_84 : i32
      %jit3A_86 = arith.constant 25 : i32
      %eq3A_87 = arith.constant 0 : i32
      %eq3A_88 = arith.cmpi eq, %jit3A_86, %eq3A_87 : i32
      %jit3A_89 = arith.constant 1 : i32
      %select_n3A_90 = arith.select %eq3A_88, %jit3A_89, %jit3A_86 : i32
      %rem3A_91 = arith.remsi %add3A_85, %select_n3A_90 : i32
      %ne3A_92 = arith.constant 0 : i32
      %ne3A_93 = arith.cmpi ne, %rem3A_91, %ne3A_92 : i32
      %lt3A_94 = arith.constant 0 : i32
      %lt3A_95 = arith.cmpi slt, %rem3A_91, %lt3A_94 : i32
      %lt3A_96 = arith.constant 0 : i32
      %lt3A_97 = arith.cmpi slt, %select_n3A_90, %lt3A_96 : i32
      %ne3A_98 = arith.xori %lt3A_95, %lt3A_97 : i1
      %and3A_99 = arith.andi %ne3A_98, %ne3A_93 : i1
      %add3A_100 = arith.addi %rem3A_91, %select_n3A_90 : i32
      %select_n3A_101 = arith.select %and3A_99, %add3A_100, %rem3A_91 : i32
      %mul3A_102 = arith.constant 160 : i32
      %mul3A_103 = arith.muli %select_n3A_101, %mul3A_102 : i32
      %dma_start3A_104 = tpu.memref_slice %arg7[%mul3A_103] : memref<4000xi32, #tpu.memory_space<vmem>> -> memref<160xi32, #tpu.memory_space<vmem>>
      %dma_start3A_105 = arith.constant 0 : i32
      %dma_start3A_106 = arith.constant 0 : i32
      %dma_start3A_107 = tpu.memref_slice %arg2[%dma_start3A_105, %dma_start3A_106] : memref<40960x128xf32, #tpu.memory_space<hbm>> -> memref<40960x128xf32, #tpu.memory_space<hbm>>
      tpu.enqueue_indirect_dma source(%dma_start3A_107 : memref<40960x128xf32, #tpu.memory_space<hbm>>) target(%arg10 : memref<160x128xf32, #tpu.memory_space<vmem>>) offsets(%dma_start3A_104 : memref<160xi32, #tpu.memory_space<vmem>>) semaphore(%arg13 : memref<!tpu.dma_semaphore, #tpu.memory_space<semaphore_mem>>)
      %mul3A_108 = arith.constant 160 : i32
      %mul3A_109 = arith.muli %mul3A_64, %mul3A_108 : i32
      %add3A_110 = arith.addi %mul3A_33, %mul3A_109 : i32
      "tpu.region"() ({
        %run_scoped3A = tpu.sem_alloc : memref<!tpu.dma_semaphore, #tpu.memory_space<semaphore_mem>>
        %dma_start3A_168 = tpu.memref_slice %arg4[%add3A_110] : memref<320000xi32, #tpu.memory_space<hbm>> -> memref<160xi32, #tpu.memory_space<hbm>>
        %dma_start3A_169 = tpu.memref_slice %arg4[%add3A_110] : memref<320000xi32, #tpu.memory_space<hbm>> -> memref<160xi32, #tpu.memory_space<hbm>>
        tpu.enqueue_dma source(%dma_start3A_169 : memref<160xi32, #tpu.memory_space<hbm>>) target(%arg8 : memref<160xi32, #tpu.memory_space<vmem>>) target_semaphore(%run_scoped3A : memref<!tpu.dma_semaphore, #tpu.memory_space<semaphore_mem>>)
        %dma_wait3A_170 = tpu.memref_slice %arg4[%add3A_110] : memref<320000xi32, #tpu.memory_space<hbm>> -> memref<160xi32, #tpu.memory_space<hbm>>
        %dma_wait3A_171 = tpu.memref_slice %arg4[%add3A_110] : memref<320000xi32, #tpu.memory_space<hbm>> -> memref<160xi32, #tpu.memory_space<hbm>>
        tpu.wait_dma2 semaphore(%run_scoped3A : memref<!tpu.dma_semaphore, #tpu.memory_space<semaphore_mem>>) src(%dma_wait3A_171 : memref<160xi32, #tpu.memory_space<hbm>>) dst(%arg8 : memref<160xi32, #tpu.memory_space<vmem>>)
        tpu.yield
      }) : () -> ()
      "tpu.region"() ({
        %run_scoped3A = tpu.sem_alloc : memref<!tpu.dma_semaphore, #tpu.memory_space<semaphore_mem>>
        %dma_start3A_168 = arith.constant 0 : i32
        %dma_start3A_169 = arith.constant 0 : i32
        %dma_start3A_170 = tpu.memref_slice %arg11[%dma_start3A_168, %dma_start3A_169] : memref<10240x128xf32, #tpu.memory_space<vmem_shared>> -> memref<10240x128xf32, #tpu.memory_space<vmem_shared>>
        tpu.enqueue_indirect_dma source(%arg9 : memref<160x128xf32, #tpu.memory_space<vmem>>) target(%dma_start3A_170 : memref<10240x128xf32, #tpu.memory_space<vmem_shared>>) offsets(%arg8 : memref<160xi32, #tpu.memory_space<vmem>>) semaphore(%run_scoped3A : memref<!tpu.dma_semaphore, #tpu.memory_space<semaphore_mem>>) {add = true}
        %dma_wait3A_171 = arith.constant 0 : i32
        %dma_wait3A_172 = arith.constant 0 : i32
        %dma_wait3A_173 = tpu.memref_slice %arg11[%dma_wait3A_171, %dma_wait3A_172] : memref<10240x128xf32, #tpu.memory_space<vmem_shared>> -> memref<10240x128xf32, #tpu.memory_space<vmem_shared>>
        tpu.wait_indirect_dma semaphore(%run_scoped3A : memref<!tpu.dma_semaphore, #tpu.memory_space<semaphore_mem>>) src(%arg9 : memref<160x128xf32, #tpu.memory_space<vmem>>) dst(%dma_wait3A_173 : memref<10240x128xf32, #tpu.memory_space<vmem_shared>>)
        tpu.yield
      }) : () -> ()
      %dma_wait3A_111 = arith.constant 0 : i32
      %dma_wait3A_112 = tpu.memref_slice %arg7[%dma_wait3A_111] : memref<4000xi32, #tpu.memory_space<vmem>> -> memref<160xi32, #tpu.memory_space<vmem>>
      %dma_wait3A_113 = arith.constant 0 : i32
      %dma_wait3A_114 = arith.constant 0 : i32
      %dma_wait3A_115 = tpu.memref_slice %arg2[%dma_wait3A_113, %dma_wait3A_114] : memref<40960x128xf32, #tpu.memory_space<hbm>> -> memref<40960x128xf32, #tpu.memory_space<hbm>>
      tpu.wait_indirect_dma semaphore(%arg13 : memref<!tpu.dma_semaphore, #tpu.memory_space<semaphore_mem>>) src(%dma_wait3A_115 : memref<40960x128xf32, #tpu.memory_space<hbm>>) dst(%arg10 : memref<160x128xf32, #tpu.memory_space<vmem>>)
      %add3A_116 = arith.constant 2 : i32
      %add3A_117 = arith.addi %mul3A_64, %add3A_116 : i32
      %jit3A_118 = arith.constant 25 : i32
      %eq3A_119 = arith.constant 0 : i32
      %eq3A_120 = arith.cmpi eq, %jit3A_118, %eq3A_119 : i32
      %jit3A_121 = arith.constant 1 : i32
      %select_n3A_122 = arith.select %eq3A_120, %jit3A_121, %jit3A_118 : i32
      %rem3A_123 = arith.remsi %add3A_117, %select_n3A_122 : i32
      %ne3A_124 = arith.constant 0 : i32
      %ne3A_125 = arith.cmpi ne, %rem3A_123, %ne3A_124 : i32
      %lt3A_126 = arith.constant 0 : i32
      %lt3A_127 = arith.cmpi slt, %rem3A_123, %lt3A_126 : i32
      %lt3A_128 = arith.constant 0 : i32
      %lt3A_129 = arith.cmpi slt, %select_n3A_122, %lt3A_128 : i32
      %ne3A_130 = arith.xori %lt3A_127, %lt3A_129 : i1
      %and3A_131 = arith.andi %ne3A_130, %ne3A_125 : i1
      %add3A_132 = arith.addi %rem3A_123, %select_n3A_122 : i32
      %select_n3A_133 = arith.select %and3A_131, %add3A_132, %rem3A_123 : i32
      %eq3A_134 = arith.constant 0 : i32
      %eq3A_135 = arith.cmpi eq, %select_n3A_133, %eq3A_134 : i32
      %convert_element_type3A_136 = arith.extui %eq3A_135 : i1 to i32
      %cond3A_137 = arith.constant 0 : i32
      %cond3A_138 = arith.cmpi ne, %convert_element_type3A_136, %cond3A_137 : i32
      scf.if %cond3A_138 {
        %add3A_168 = arith.constant 2 : i32
        %add3A_169 = arith.addi %mul3A_64, %add3A_168 : i32
        %jit3A_170 = arith.constant 25 : i32
        %div3A = arith.divsi %add3A_169, %jit3A_170 : i32
        %sign3A = arith.constant 0 : i32
        %sign3A_171 = arith.cmpi sgt, %add3A_169, %sign3A : i32
        %sign3A_172 = arith.extui %sign3A_171 : i1 to i32
        %sign3A_173 = arith.constant 0 : i32
        %sign3A_174 = arith.cmpi slt, %add3A_169, %sign3A_173 : i32
        %sign3A_175 = arith.extui %sign3A_174 : i1 to i32
        %sign3A_176 = arith.subi %sign3A_172, %sign3A_175 : i32
        %sign3A_177 = arith.constant 0 : i32
        %sign3A_178 = arith.cmpi sgt, %jit3A_170, %sign3A_177 : i32
        %sign3A_179 = arith.extui %sign3A_178 : i1 to i32
        %sign3A_180 = arith.constant 0 : i32
        %sign3A_181 = arith.cmpi slt, %jit3A_170, %sign3A_180 : i32
        %sign3A_182 = arith.extui %sign3A_181 : i1 to i32
        %sign3A_183 = arith.subi %sign3A_179, %sign3A_182 : i32
        %ne3A_184 = arith.cmpi ne, %sign3A_176, %sign3A_183 : i32
        %rem3A_185 = arith.remsi %add3A_169, %jit3A_170 : i32
        %ne3A_186 = arith.constant 0 : i32
        %ne3A_187 = arith.cmpi ne, %rem3A_185, %ne3A_186 : i32
        %and3A_188 = arith.andi %ne3A_184, %ne3A_187 : i1
        %sub3A = arith.constant 1 : i32
        %sub3A_189 = arith.subi %div3A, %sub3A : i32
        %select_n3A_190 = arith.select %and3A_188, %sub3A_189, %div3A : i32
        %mul3A_191 = arith.constant 320000 : i32
        %mul3A_192 = arith.muli %add3A_30, %mul3A_191 : i32
        %add3A_193 = arith.addi %mul3A_192, %mul3A_33 : i32
        %mul3A_194 = arith.constant 25 : i32
        %mul3A_195 = arith.muli %select_n3A_190, %mul3A_194 : i32
        %mul3A_196 = arith.constant 160 : i32
        %mul3A_197 = arith.muli %mul3A_195, %mul3A_196 : i32
        %add3A_198 = arith.addi %add3A_193, %mul3A_197 : i32
        "tpu.region"() ({
          %run_scoped3A = tpu.sem_alloc : memref<!tpu.dma_semaphore, #tpu.memory_space<semaphore_mem>>
          %dma_start3A_199 = tpu.memref_slice %arg3[%add3A_198] : memref<1280000xi32, #tpu.memory_space<hbm>> -> memref<4000xi32, #tpu.memory_space<hbm>>
          %dma_start3A_200 = tpu.memref_slice %arg3[%add3A_198] : memref<1280000xi32, #tpu.memory_space<hbm>> -> memref<4000xi32, #tpu.memory_space<hbm>>
          tpu.enqueue_dma source(%dma_start3A_200 : memref<4000xi32, #tpu.memory_space<hbm>>) target(%arg7 : memref<4000xi32, #tpu.memory_space<vmem>>) target_semaphore(%run_scoped3A : memref<!tpu.dma_semaphore, #tpu.memory_space<semaphore_mem>>)
          %dma_wait3A_201 = tpu.memref_slice %arg3[%add3A_198] : memref<1280000xi32, #tpu.memory_space<hbm>> -> memref<4000xi32, #tpu.memory_space<hbm>>
          %dma_wait3A_202 = tpu.memref_slice %arg3[%add3A_198] : memref<1280000xi32, #tpu.memory_space<hbm>> -> memref<4000xi32, #tpu.memory_space<hbm>>
          tpu.wait_dma2 semaphore(%run_scoped3A : memref<!tpu.dma_semaphore, #tpu.memory_space<semaphore_mem>>) src(%dma_wait3A_202 : memref<4000xi32, #tpu.memory_space<hbm>>) dst(%arg7 : memref<4000xi32, #tpu.memory_space<vmem>>)
          tpu.yield
        }) : () -> ()
      } else {
      }
      %add3A_139 = arith.constant 2 : i32
      %add3A_140 = arith.addi %mul3A_64, %add3A_139 : i32
      %jit3A_141 = arith.constant 25 : i32
      %eq3A_142 = arith.constant 0 : i32
      %eq3A_143 = arith.cmpi eq, %jit3A_141, %eq3A_142 : i32
      %jit3A_144 = arith.constant 1 : i32
      %select_n3A_145 = arith.select %eq3A_143, %jit3A_144, %jit3A_141 : i32
      %rem3A_146 = arith.remsi %add3A_140, %select_n3A_145 : i32
      %ne3A_147 = arith.constant 0 : i32
      %ne3A_148 = arith.cmpi ne, %rem3A_146, %ne3A_147 : i32
      %lt3A_149 = arith.constant 0 : i32
      %lt3A_150 = arith.cmpi slt, %rem3A_146, %lt3A_149 : i32
      %lt3A_151 = arith.constant 0 : i32
      %lt3A_152 = arith.cmpi slt, %select_n3A_145, %lt3A_151 : i32
      %ne3A_153 = arith.xori %lt3A_150, %lt3A_152 : i1
      %and3A_154 = arith.andi %ne3A_153, %ne3A_148 : i1
      %add3A_155 = arith.addi %rem3A_146, %select_n3A_145 : i32
      %select_n3A_156 = arith.select %and3A_154, %add3A_155, %rem3A_146 : i32
      %mul3A_157 = arith.constant 160 : i32
      %mul3A_158 = arith.muli %select_n3A_156, %mul3A_157 : i32
      %dma_start3A_159 = tpu.memref_slice %arg7[%mul3A_158] : memref<4000xi32, #tpu.memory_space<vmem>> -> memref<160xi32, #tpu.memory_space<vmem>>
      %dma_start3A_160 = arith.constant 0 : i32
      %dma_start3A_161 = arith.constant 0 : i32
      %dma_start3A_162 = tpu.memref_slice %arg2[%dma_start3A_160, %dma_start3A_161] : memref<40960x128xf32, #tpu.memory_space<hbm>> -> memref<40960x128xf32, #tpu.memory_space<hbm>>
      tpu.enqueue_indirect_dma source(%dma_start3A_162 : memref<40960x128xf32, #tpu.memory_space<hbm>>) target(%arg9 : memref<160x128xf32, #tpu.memory_space<vmem>>) offsets(%dma_start3A_159 : memref<160xi32, #tpu.memory_space<vmem>>) semaphore(%arg12 : memref<!tpu.dma_semaphore, #tpu.memory_space<semaphore_mem>>)
      %add3A_163 = arith.constant 1 : i32
      %add3A_164 = arith.addi %mul3A_64, %add3A_163 : i32
      %mul3A_165 = arith.constant 160 : i32
      %mul3A_166 = arith.muli %add3A_164, %mul3A_165 : i32
      %add3A_167 = arith.addi %mul3A_33, %mul3A_166 : i32
      "tpu.region"() ({
        %run_scoped3A = tpu.sem_alloc : memref<!tpu.dma_semaphore, #tpu.memory_space<semaphore_mem>>
        %dma_start3A_168 = tpu.memref_slice %arg4[%add3A_167] : memref<320000xi32, #tpu.memory_space<hbm>> -> memref<160xi32, #tpu.memory_space<hbm>>
        %dma_start3A_169 = tpu.memref_slice %arg4[%add3A_167] : memref<320000xi32, #tpu.memory_space<hbm>> -> memref<160xi32, #tpu.memory_space<hbm>>
        tpu.enqueue_dma source(%dma_start3A_169 : memref<160xi32, #tpu.memory_space<hbm>>) target(%arg8 : memref<160xi32, #tpu.memory_space<vmem>>) target_semaphore(%run_scoped3A : memref<!tpu.dma_semaphore, #tpu.memory_space<semaphore_mem>>)
        %dma_wait3A_170 = tpu.memref_slice %arg4[%add3A_167] : memref<320000xi32, #tpu.memory_space<hbm>> -> memref<160xi32, #tpu.memory_space<hbm>>
        %dma_wait3A_171 = tpu.memref_slice %arg4[%add3A_167] : memref<320000xi32, #tpu.memory_space<hbm>> -> memref<160xi32, #tpu.memory_space<hbm>>
        tpu.wait_dma2 semaphore(%run_scoped3A : memref<!tpu.dma_semaphore, #tpu.memory_space<semaphore_mem>>) src(%dma_wait3A_171 : memref<160xi32, #tpu.memory_space<hbm>>) dst(%arg8 : memref<160xi32, #tpu.memory_space<vmem>>)
        tpu.yield
      }) : () -> ()
      "tpu.region"() ({
        %run_scoped3A = tpu.sem_alloc : memref<!tpu.dma_semaphore, #tpu.memory_space<semaphore_mem>>
        %dma_start3A_168 = arith.constant 0 : i32
        %dma_start3A_169 = arith.constant 0 : i32
        %dma_start3A_170 = tpu.memref_slice %arg11[%dma_start3A_168, %dma_start3A_169] : memref<10240x128xf32, #tpu.memory_space<vmem_shared>> -> memref<10240x128xf32, #tpu.memory_space<vmem_shared>>
        tpu.enqueue_indirect_dma source(%arg10 : memref<160x128xf32, #tpu.memory_space<vmem>>) target(%dma_start3A_170 : memref<10240x128xf32, #tpu.memory_space<vmem_shared>>) offsets(%arg8 : memref<160xi32, #tpu.memory_space<vmem>>) semaphore(%run_scoped3A : memref<!tpu.dma_semaphore, #tpu.memory_space<semaphore_mem>>) {add = true}
        %dma_wait3A_171 = arith.constant 0 : i32
        %dma_wait3A_172 = arith.constant 0 : i32
        %dma_wait3A_173 = tpu.memref_slice %arg11[%dma_wait3A_171, %dma_wait3A_172] : memref<10240x128xf32, #tpu.memory_space<vmem_shared>> -> memref<10240x128xf32, #tpu.memory_space<vmem_shared>>
        tpu.wait_indirect_dma semaphore(%run_scoped3A : memref<!tpu.dma_semaphore, #tpu.memory_space<semaphore_mem>>) src(%arg10 : memref<160x128xf32, #tpu.memory_space<vmem>>) dst(%dma_wait3A_173 : memref<10240x128xf32, #tpu.memory_space<vmem_shared>>)
        tpu.yield
      }) : () -> ()
    }
    %scan3A_49 = arith.constant 62 : i32
    %dma_wait3A_50 = arith.constant 0 : i32
    %dma_wait3A_51 = tpu.memref_slice %arg7[%dma_wait3A_50] : memref<4000xi32, #tpu.memory_space<vmem>> -> memref<160xi32, #tpu.memory_space<vmem>>
    %dma_wait3A_52 = arith.constant 0 : i32
    %dma_wait3A_53 = arith.constant 0 : i32
    %dma_wait3A_54 = tpu.memref_slice %arg2[%dma_wait3A_52, %dma_wait3A_53] : memref<40960x128xf32, #tpu.memory_space<hbm>> -> memref<40960x128xf32, #tpu.memory_space<hbm>>
    tpu.wait_indirect_dma semaphore(%arg12 : memref<!tpu.dma_semaphore, #tpu.memory_space<semaphore_mem>>) src(%dma_wait3A_54 : memref<40960x128xf32, #tpu.memory_space<hbm>>) dst(%arg9 : memref<160x128xf32, #tpu.memory_space<vmem>>)
    %add3A_55 = arith.constant 19840 : i32
    %add3A_56 = arith.addi %mul3A_33, %add3A_55 : i32
    "tpu.region"() ({
      %run_scoped3A = tpu.sem_alloc : memref<!tpu.dma_semaphore, #tpu.memory_space<semaphore_mem>>
      %dma_start3A_62 = tpu.memref_slice %arg4[%add3A_56] : memref<320000xi32, #tpu.memory_space<hbm>> -> memref<160xi32, #tpu.memory_space<hbm>>
      %dma_start3A_63 = tpu.memref_slice %arg4[%add3A_56] : memref<320000xi32, #tpu.memory_space<hbm>> -> memref<160xi32, #tpu.memory_space<hbm>>
      tpu.enqueue_dma source(%dma_start3A_63 : memref<160xi32, #tpu.memory_space<hbm>>) target(%arg8 : memref<160xi32, #tpu.memory_space<vmem>>) target_semaphore(%run_scoped3A : memref<!tpu.dma_semaphore, #tpu.memory_space<semaphore_mem>>)
      %dma_wait3A_64 = tpu.memref_slice %arg4[%add3A_56] : memref<320000xi32, #tpu.memory_space<hbm>> -> memref<160xi32, #tpu.memory_space<hbm>>
      %dma_wait3A_65 = tpu.memref_slice %arg4[%add3A_56] : memref<320000xi32, #tpu.memory_space<hbm>> -> memref<160xi32, #tpu.memory_space<hbm>>
      tpu.wait_dma2 semaphore(%run_scoped3A : memref<!tpu.dma_semaphore, #tpu.memory_space<semaphore_mem>>) src(%dma_wait3A_65 : memref<160xi32, #tpu.memory_space<hbm>>) dst(%arg8 : memref<160xi32, #tpu.memory_space<vmem>>)
      tpu.yield
    }) : () -> ()
    "tpu.region"() ({
      %run_scoped3A = tpu.sem_alloc : memref<!tpu.dma_semaphore, #tpu.memory_space<semaphore_mem>>
      %dma_start3A_62 = arith.constant 0 : i32
      %dma_start3A_63 = arith.constant 0 : i32
      %dma_start3A_64 = tpu.memref_slice %arg11[%dma_start3A_62, %dma_start3A_63] : memref<10240x128xf32, #tpu.memory_space<vmem_shared>> -> memref<10240x128xf32, #tpu.memory_space<vmem_shared>>
      tpu.enqueue_indirect_dma source(%arg9 : memref<160x128xf32, #tpu.memory_space<vmem>>) target(%dma_start3A_64 : memref<10240x128xf32, #tpu.memory_space<vmem_shared>>) offsets(%arg8 : memref<160xi32, #tpu.memory_space<vmem>>) semaphore(%run_scoped3A : memref<!tpu.dma_semaphore, #tpu.memory_space<semaphore_mem>>) {add = true}
      %dma_wait3A_65 = arith.constant 0 : i32
      %dma_wait3A_66 = arith.constant 0 : i32
      %dma_wait3A_67 = tpu.memref_slice %arg11[%dma_wait3A_65, %dma_wait3A_66] : memref<10240x128xf32, #tpu.memory_space<vmem_shared>> -> memref<10240x128xf32, #tpu.memory_space<vmem_shared>>
      tpu.wait_indirect_dma semaphore(%run_scoped3A : memref<!tpu.dma_semaphore, #tpu.memory_space<semaphore_mem>>) src(%arg9 : memref<160x128xf32, #tpu.memory_space<vmem>>) dst(%dma_wait3A_67 : memref<10240x128xf32, #tpu.memory_space<vmem_shared>>)
      tpu.yield
    }) : () -> ()
    %barrier3A_57 = arith.constant 0 : index
    tpu.barrier barrier_id(%barrier3A_57)
    %mul3A_58 = arith.constant 10240 : i32
    %mul3A_59 = arith.muli %add3A_30, %mul3A_58 : i32
    %add3A_60 = arith.addi %mul3A_59, %mul3A_0 : i32
    "tpu.region"() ({
      %run_scoped3A = tpu.sem_alloc : memref<!tpu.dma_semaphore, #tpu.memory_space<semaphore_mem>>
      %dma_start3A_62 = arith.constant 0 : i32
      %dma_start3A_63 = tpu.memref_slice %arg6[%add3A_60, %dma_start3A_62] : memref<40960x128xf32, #tpu.memory_space<hbm>> -> memref<640x128xf32, #tpu.memory_space<hbm>>
      %dma_start3A_64 = arith.constant 0 : i32
      %dma_start3A_65 = tpu.memref_slice %arg11[%mul3A_0, %dma_start3A_64] : memref<10240x128xf32, #tpu.memory_space<vmem_shared>> -> memref<640x128xf32, #tpu.memory_space<vmem_shared>>
      tpu.enqueue_dma source(%dma_start3A_65 : memref<640x128xf32, #tpu.memory_space<vmem_shared>>) target(%dma_start3A_63 : memref<640x128xf32, #tpu.memory_space<hbm>>) target_semaphore(%run_scoped3A : memref<!tpu.dma_semaphore, #tpu.memory_space<semaphore_mem>>)
      %dma_wait3A_66 = arith.constant 0 : i32
      %dma_wait3A_67 = tpu.memref_slice %arg6[%add3A_60, %dma_wait3A_66] : memref<40960x128xf32, #tpu.memory_space<hbm>> -> memref<640x128xf32, #tpu.memory_space<hbm>>
      %dma_wait3A_68 = arith.constant 0 : i32
      %dma_wait3A_69 = tpu.memref_slice %arg11[%mul3A_0, %dma_wait3A_68] : memref<10240x128xf32, #tpu.memory_space<vmem_shared>> -> memref<640x128xf32, #tpu.memory_space<vmem_shared>>
      tpu.wait_dma2 semaphore(%run_scoped3A : memref<!tpu.dma_semaphore, #tpu.memory_space<semaphore_mem>>) src(%dma_wait3A_69 : memref<640x128xf32, #tpu.memory_space<vmem_shared>>) dst(%dma_wait3A_67 : memref<640x128xf32, #tpu.memory_space<hbm>>)
      tpu.yield
    }) : () -> ()
    %barrier3A_61 = arith.constant 0 : index
    tpu.barrier barrier_id(%barrier3A_61)
    return
  }
}

#map = affine_map<(d0, d1) -> (0)>
#map1 = affine_map<(d0, d1) -> (0, 0)>
module attributes {stable_mosaic.version = 14 : i64} {
  func.func @_scalar_pass_body(%arg0: i32, %arg1: i32, %arg2: memref<320000xi32, #tpu.memory_space<hbm>>, %arg3: memref<320000xi32, #tpu.memory_space<hbm>>, %arg4: memref<10240xf32, #tpu.memory_space<hbm>>, %arg5: memref<10240xf32, #tpu.memory_space<hbm>>, %arg6: memref<2x10240xf32, #tpu.memory_space<hbm>>, %arg7: memref<320000xi32, #tpu.memory_space<hbm>>, %arg8: memref<10240xf32, #tpu.memory_space<vmem>>, %arg9: memref<10000xi32, #tpu.memory_space<vmem>>, %arg10: memref<10000xi32, #tpu.memory_space<vmem>>, %arg11: memref<10000xf32, #tpu.memory_space<vmem>>, %arg12: memref<10000xi32, #tpu.memory_space<vmem>>, %arg13: memref<10240xf32, #tpu.memory_space<vmem_shared>>) attributes {dimension_semantics = [#tpu.dimension_semantics<core_parallel>, #tpu.dimension_semantics<subcore_parallel>], iteration_bounds = array<i64: 2, 16>, scalar_prefetch = 0 : i64, scratch_operands = 6 : i64, tpu.core_type = #tpu.core_type<sc_vector_subcore>, window_params = [{transform_indices = #map}, {transform_indices = #map}, {transform_indices = #map}, {transform_indices = #map}, {transform_indices = #map1}, {transform_indices = #map}]} {
    %mul3A = arith.constant 2 : i32
    %mul3A_0 = arith.muli %arg1, %mul3A : i32
    %add3A = arith.addi %mul3A_0, %arg0 : i32
    %mul3A_1 = arith.constant 640 : i32
    %mul3A_2 = arith.muli %arg1, %mul3A_1 : i32
    "tpu.region"() ({
      %run_scoped3A = tpu.sem_alloc : memref<!tpu.dma_semaphore, #tpu.memory_space<semaphore_mem>>
      tpu.enqueue_dma source(%arg4 : memref<10240xf32, #tpu.memory_space<hbm>>) target(%arg8 : memref<10240xf32, #tpu.memory_space<vmem>>) target_semaphore(%run_scoped3A : memref<!tpu.dma_semaphore, #tpu.memory_space<semaphore_mem>>)
      tpu.wait_dma2 semaphore(%run_scoped3A : memref<!tpu.dma_semaphore, #tpu.memory_space<semaphore_mem>>) src(%arg4 : memref<10240xf32, #tpu.memory_space<hbm>>) dst(%arg8 : memref<10240xf32, #tpu.memory_space<vmem>>)
      tpu.yield
    }) : () -> ()
    "tpu.region"() ({
      %run_scoped3A = tpu.sem_alloc : memref<!tpu.dma_semaphore, #tpu.memory_space<semaphore_mem>>
      %dma_start3A = tpu.memref_slice %arg13[%mul3A_2] : memref<10240xf32, #tpu.memory_space<vmem_shared>> -> memref<640xf32, #tpu.memory_space<vmem_shared>>
      %dma_start3A_11 = tpu.memref_slice %arg5[%mul3A_2] : memref<10240xf32, #tpu.memory_space<hbm>> -> memref<640xf32, #tpu.memory_space<hbm>>
      tpu.enqueue_dma source(%dma_start3A_11 : memref<640xf32, #tpu.memory_space<hbm>>) target(%dma_start3A : memref<640xf32, #tpu.memory_space<vmem_shared>>) target_semaphore(%run_scoped3A : memref<!tpu.dma_semaphore, #tpu.memory_space<semaphore_mem>>)
      %dma_wait3A = tpu.memref_slice %arg13[%mul3A_2] : memref<10240xf32, #tpu.memory_space<vmem_shared>> -> memref<640xf32, #tpu.memory_space<vmem_shared>>
      %dma_wait3A_12 = tpu.memref_slice %arg5[%mul3A_2] : memref<10240xf32, #tpu.memory_space<hbm>> -> memref<640xf32, #tpu.memory_space<hbm>>
      tpu.wait_dma2 semaphore(%run_scoped3A : memref<!tpu.dma_semaphore, #tpu.memory_space<semaphore_mem>>) src(%dma_wait3A_12 : memref<640xf32, #tpu.memory_space<hbm>>) dst(%dma_wait3A : memref<640xf32, #tpu.memory_space<vmem_shared>>)
      tpu.yield
    }) : () -> ()
    %mul3A_3 = arith.constant 10000 : i32
    %mul3A_4 = arith.muli %add3A, %mul3A_3 : i32
    "tpu.region"() ({
      %run_scoped3A = tpu.sem_alloc : memref<!tpu.dma_semaphore, #tpu.memory_space<semaphore_mem>>
      %dma_start3A = tpu.memref_slice %arg2[%mul3A_4] : memref<320000xi32, #tpu.memory_space<hbm>> -> memref<10000xi32, #tpu.memory_space<hbm>>
      %dma_start3A_11 = tpu.memref_slice %arg2[%mul3A_4] : memref<320000xi32, #tpu.memory_space<hbm>> -> memref<10000xi32, #tpu.memory_space<hbm>>
      tpu.enqueue_dma source(%dma_start3A_11 : memref<10000xi32, #tpu.memory_space<hbm>>) target(%arg9 : memref<10000xi32, #tpu.memory_space<vmem>>) target_semaphore(%run_scoped3A : memref<!tpu.dma_semaphore, #tpu.memory_space<semaphore_mem>>)
      %dma_wait3A = tpu.memref_slice %arg2[%mul3A_4] : memref<320000xi32, #tpu.memory_space<hbm>> -> memref<10000xi32, #tpu.memory_space<hbm>>
      %dma_wait3A_12 = tpu.memref_slice %arg2[%mul3A_4] : memref<320000xi32, #tpu.memory_space<hbm>> -> memref<10000xi32, #tpu.memory_space<hbm>>
      tpu.wait_dma2 semaphore(%run_scoped3A : memref<!tpu.dma_semaphore, #tpu.memory_space<semaphore_mem>>) src(%dma_wait3A_12 : memref<10000xi32, #tpu.memory_space<hbm>>) dst(%arg9 : memref<10000xi32, #tpu.memory_space<vmem>>)
      tpu.yield
    }) : () -> ()
    "tpu.region"() ({
      %run_scoped3A = tpu.sem_alloc : memref<!tpu.dma_semaphore, #tpu.memory_space<semaphore_mem>>
      %dma_start3A = tpu.memref_slice %arg3[%mul3A_4] : memref<320000xi32, #tpu.memory_space<hbm>> -> memref<10000xi32, #tpu.memory_space<hbm>>
      %dma_start3A_11 = tpu.memref_slice %arg3[%mul3A_4] : memref<320000xi32, #tpu.memory_space<hbm>> -> memref<10000xi32, #tpu.memory_space<hbm>>
      tpu.enqueue_dma source(%dma_start3A_11 : memref<10000xi32, #tpu.memory_space<hbm>>) target(%arg10 : memref<10000xi32, #tpu.memory_space<vmem>>) target_semaphore(%run_scoped3A : memref<!tpu.dma_semaphore, #tpu.memory_space<semaphore_mem>>)
      %dma_wait3A = tpu.memref_slice %arg3[%mul3A_4] : memref<320000xi32, #tpu.memory_space<hbm>> -> memref<10000xi32, #tpu.memory_space<hbm>>
      %dma_wait3A_12 = tpu.memref_slice %arg3[%mul3A_4] : memref<320000xi32, #tpu.memory_space<hbm>> -> memref<10000xi32, #tpu.memory_space<hbm>>
      tpu.wait_dma2 semaphore(%run_scoped3A : memref<!tpu.dma_semaphore, #tpu.memory_space<semaphore_mem>>) src(%dma_wait3A_12 : memref<10000xi32, #tpu.memory_space<hbm>>) dst(%arg10 : memref<10000xi32, #tpu.memory_space<vmem>>)
      tpu.yield
    }) : () -> ()
    %scan3A = arith.constant 0 : i32
    %scan3A_5 = arith.constant 0 : i32
    %scan3A_6 = arith.constant 625 : i32
    %scan3A_7 = arith.addi %scan3A_5, %scan3A_6 : i32
    %scan3A_8 = arith.constant 1 : i32
    scf.for %scan3A_11 = %scan3A_5 to %scan3A_7 step %scan3A_8  : i32 {
      %mul3A_12 = arith.constant 16 : i32
      %mul3A_13 = arith.muli %scan3A_11, %mul3A_12 : i32
      %get3A = arith.index_cast %mul3A_13 : i32 to index
      %get3A_14 = tpu.vector_load %arg9[%get3A] {strides = array<i32>} : memref<10000xi32, #tpu.memory_space<vmem>>, vector<16xi32>,
      %mul3A_15 = arith.constant 16 : i32
      %mul3A_16 = arith.muli %scan3A_11, %mul3A_15 : i32
      %get3A_17 = arith.index_cast %mul3A_16 : i32 to index
      %get3A_18 = tpu.vector_load %arg10[%get3A_17] {strides = array<i32>} : memref<10000xi32, #tpu.memory_space<vmem>>, vector<16xi32>,
      %gather3A = tpu.vector_load_idx %arg8[%get3A_14] : memref<10240xf32, #tpu.memory_space<vmem>>[vector<16xi32>], vector<16xf32>,
      %gather3A_19 = tpu.vector_load_idx %arg8[%get3A_18] : memref<10240xf32, #tpu.memory_space<vmem>>[vector<16xi32>], vector<16xf32>,
      %mul3A_20 = arith.mulf %gather3A, %gather3A_19 : vector<16xf32>
      %mul3A_21 = arith.constant 16 : i32
      %mul3A_22 = arith.muli %scan3A_11, %mul3A_21 : i32
      %swap3A = arith.index_cast %mul3A_22 : i32 to index
      %swap3A_23 = tpu.vector_load %arg11[%swap3A] {strides = array<i32>} : memref<10000xf32, #tpu.memory_space<vmem>>, vector<16xf32>,
      tpu.vector_store %arg11[%swap3A], %mul3A_20 {strides = array<i32>} : memref<10000xf32, #tpu.memory_space<vmem>>, vector<16xf32>,
      %gt3A = arith.constant 0.000000e+00 : f32
      %gt3A_24 = vector.broadcast %gt3A : f32 to vector<16xf32>
      %gt3A_25 = arith.cmpf ogt, %mul3A_20, %gt3A_24 : vector<16xf32>
      %and3A = arith.constant 127 : i32
      %and3A_26 = vector.broadcast %and3A : i32 to vector<16xi32>
      %and3A_27 = arith.andi %get3A_18, %and3A_26 : vector<16xi32>
      %add3A_28 = arith.constant 10000 : i32
      %add3A_29 = vector.broadcast %add3A_28 : i32 to vector<16xi32>
      %add3A_30 = arith.addi %add3A_29, %and3A_27 : vector<16xi32>
      %select_n3A = arith.select %gt3A_25, %get3A_18, %add3A_30 : vector<16xi1>, vector<16xi32>
      %mul3A_31 = arith.constant 16 : i32
      %mul3A_32 = arith.muli %scan3A_11, %mul3A_31 : i32
      %swap3A_33 = arith.index_cast %mul3A_32 : i32 to index
      %swap3A_34 = tpu.vector_load %arg12[%swap3A_33] {strides = array<i32>} : memref<10000xi32, #tpu.memory_space<vmem>>, vector<16xi32>,
      tpu.vector_store %arg12[%swap3A_33], %select_n3A {strides = array<i32>} : memref<10000xi32, #tpu.memory_space<vmem>>, vector<16xi32>,
    }
    %scan3A_9 = arith.constant 625 : i32
    %barrier3A = arith.constant 0 : index
    tpu.barrier barrier_id(%barrier3A)
    "tpu.region"() ({
      %run_scoped3A = tpu.sem_alloc : memref<!tpu.dma_semaphore, #tpu.memory_space<semaphore_mem>>
      %dma_start3A = arith.constant 0 : i32
      %dma_start3A_11 = tpu.memref_slice %arg13[%dma_start3A] : memref<10240xf32, #tpu.memory_space<vmem_shared>> -> memref<10240xf32, #tpu.memory_space<vmem_shared>>
      tpu.enqueue_indirect_dma source(%arg11 : memref<10000xf32, #tpu.memory_space<vmem>>) target(%dma_start3A_11 : memref<10240xf32, #tpu.memory_space<vmem_shared>>) offsets(%arg12 : memref<10000xi32, #tpu.memory_space<vmem>>) semaphore(%run_scoped3A : memref<!tpu.dma_semaphore, #tpu.memory_space<semaphore_mem>>) {add = true}
      %dma_wait3A = arith.constant 0 : i32
      %dma_wait3A_12 = tpu.memref_slice %arg13[%dma_wait3A] : memref<10240xf32, #tpu.memory_space<vmem_shared>> -> memref<10240xf32, #tpu.memory_space<vmem_shared>>
      tpu.wait_indirect_dma semaphore(%run_scoped3A : memref<!tpu.dma_semaphore, #tpu.memory_space<semaphore_mem>>) src(%arg11 : memref<10000xf32, #tpu.memory_space<vmem>>) dst(%dma_wait3A_12 : memref<10240xf32, #tpu.memory_space<vmem_shared>>)
      tpu.yield
    }) : () -> ()
    "tpu.region"() ({
      %run_scoped3A = tpu.sem_alloc : memref<!tpu.dma_semaphore, #tpu.memory_space<semaphore_mem>>
      %dma_start3A = tpu.memref_slice %arg7[%mul3A_4] : memref<320000xi32, #tpu.memory_space<hbm>> -> memref<10000xi32, #tpu.memory_space<hbm>>
      %dma_start3A_11 = tpu.memref_slice %arg7[%mul3A_4] : memref<320000xi32, #tpu.memory_space<hbm>> -> memref<10000xi32, #tpu.memory_space<hbm>>
      tpu.enqueue_dma source(%arg12 : memref<10000xi32, #tpu.memory_space<vmem>>) target(%dma_start3A_11 : memref<10000xi32, #tpu.memory_space<hbm>>) target_semaphore(%run_scoped3A : memref<!tpu.dma_semaphore, #tpu.memory_space<semaphore_mem>>)
      %dma_wait3A = tpu.memref_slice %arg7[%mul3A_4] : memref<320000xi32, #tpu.memory_space<hbm>> -> memref<10000xi32, #tpu.memory_space<hbm>>
      %dma_wait3A_12 = tpu.memref_slice %arg7[%mul3A_4] : memref<320000xi32, #tpu.memory_space<hbm>> -> memref<10000xi32, #tpu.memory_space<hbm>>
      tpu.wait_dma2 semaphore(%run_scoped3A : memref<!tpu.dma_semaphore, #tpu.memory_space<semaphore_mem>>) src(%arg12 : memref<10000xi32, #tpu.memory_space<vmem>>) dst(%dma_wait3A_12 : memref<10000xi32, #tpu.memory_space<hbm>>)
      tpu.yield
    }) : () -> ()
    %barrier3A_10 = arith.constant 0 : index
    tpu.barrier barrier_id(%barrier3A_10)
    "tpu.region"() ({
      %run_scoped3A = tpu.sem_alloc : memref<!tpu.dma_semaphore, #tpu.memory_space<semaphore_mem>>
      %dma_start3A = tpu.memref_slice %arg6[%arg0, %mul3A_2] : memref<2x10240xf32, #tpu.memory_space<hbm>> -> memref<1x640xf32, #tpu.memory_space<hbm>>
      %dma_start3A_11 = tpu.memref_squeeze %dma_start3A : memref<1x640xf32, #tpu.memory_space<hbm>> -> memref<640xf32, #tpu.memory_space<hbm>>
      %dma_start3A_12 = tpu.memref_slice %arg13[%mul3A_2] : memref<10240xf32, #tpu.memory_space<vmem_shared>> -> memref<640xf32, #tpu.memory_space<vmem_shared>>
      tpu.enqueue_dma source(%dma_start3A_12 : memref<640xf32, #tpu.memory_space<vmem_shared>>) target(%dma_start3A_11 : memref<640xf32, #tpu.memory_space<hbm>>) target_semaphore(%run_scoped3A : memref<!tpu.dma_semaphore, #tpu.memory_space<semaphore_mem>>)
      %dma_wait3A = tpu.memref_slice %arg6[%arg0, %mul3A_2] : memref<2x10240xf32, #tpu.memory_space<hbm>> -> memref<1x640xf32, #tpu.memory_space<hbm>>
      %dma_wait3A_13 = tpu.memref_squeeze %dma_wait3A : memref<1x640xf32, #tpu.memory_space<hbm>> -> memref<640xf32, #tpu.memory_space<hbm>>
      %dma_wait3A_14 = tpu.memref_slice %arg13[%mul3A_2] : memref<10240xf32, #tpu.memory_space<vmem_shared>> -> memref<640xf32, #tpu.memory_space<vmem_shared>>
      tpu.wait_dma2 semaphore(%run_scoped3A : memref<!tpu.dma_semaphore, #tpu.memory_space<semaphore_mem>>) src(%dma_wait3A_14 : memref<640xf32, #tpu.memory_space<vmem_shared>>) dst(%dma_wait3A_13 : memref<640xf32, #tpu.memory_space<hbm>>)
      tpu.yield
    }) : () -> ()
    return
  }
}

#map = affine_map<(d0, d1) -> (0)>
#map1 = affine_map<(d0, d1) -> (0, 0)>
module attributes {stable_mosaic.version = 14 : i64} {
  func.func @_scalar_pass_body(%arg0: i32, %arg1: i32, %arg2: memref<320000xi32, #tpu.memory_space<hbm>>, %arg3: memref<320000xi32, #tpu.memory_space<hbm>>, %arg4: memref<10240xf32, #tpu.memory_space<hbm>>, %arg5: memref<10240xf32, #tpu.memory_space<hbm>>, %arg6: memref<2x10240xf32, #tpu.memory_space<hbm>>, %arg7: memref<320000xi32, #tpu.memory_space<hbm>>, %arg8: memref<10240xf32, #tpu.memory_space<vmem>>, %arg9: memref<10000xi32, #tpu.memory_space<vmem>>, %arg10: memref<10000xi32, #tpu.memory_space<vmem>>, %arg11: memref<10000xf32, #tpu.memory_space<vmem>>, %arg12: memref<10000xi32, #tpu.memory_space<vmem>>, %arg13: memref<10240xf32, #tpu.memory_space<vmem_shared>>) attributes {dimension_semantics = [#tpu.dimension_semantics<core_parallel>, #tpu.dimension_semantics<subcore_parallel>], iteration_bounds = array<i64: 2, 16>, scalar_prefetch = 0 : i64, scratch_operands = 6 : i64, tpu.core_type = #tpu.core_type<sc_vector_subcore>, window_params = [{transform_indices = #map}, {transform_indices = #map}, {transform_indices = #map}, {transform_indices = #map}, {transform_indices = #map1}, {transform_indices = #map}]} {
    %mul3A = arith.constant 2 : i32
    %mul3A_0 = arith.muli %arg1, %mul3A : i32
    %add3A = arith.addi %mul3A_0, %arg0 : i32
    %mul3A_1 = arith.constant 640 : i32
    %mul3A_2 = arith.muli %arg1, %mul3A_1 : i32
    "tpu.region"() ({
      %run_scoped3A = tpu.sem_alloc : memref<!tpu.dma_semaphore, #tpu.memory_space<semaphore_mem>>
      tpu.enqueue_dma source(%arg4 : memref<10240xf32, #tpu.memory_space<hbm>>) target(%arg8 : memref<10240xf32, #tpu.memory_space<vmem>>) target_semaphore(%run_scoped3A : memref<!tpu.dma_semaphore, #tpu.memory_space<semaphore_mem>>)
      tpu.wait_dma2 semaphore(%run_scoped3A : memref<!tpu.dma_semaphore, #tpu.memory_space<semaphore_mem>>) src(%arg4 : memref<10240xf32, #tpu.memory_space<hbm>>) dst(%arg8 : memref<10240xf32, #tpu.memory_space<vmem>>)
      tpu.yield
    }) : () -> ()
    "tpu.region"() ({
      %run_scoped3A = tpu.sem_alloc : memref<!tpu.dma_semaphore, #tpu.memory_space<semaphore_mem>>
      %dma_start3A = tpu.memref_slice %arg13[%mul3A_2] : memref<10240xf32, #tpu.memory_space<vmem_shared>> -> memref<640xf32, #tpu.memory_space<vmem_shared>>
      %dma_start3A_11 = tpu.memref_slice %arg5[%mul3A_2] : memref<10240xf32, #tpu.memory_space<hbm>> -> memref<640xf32, #tpu.memory_space<hbm>>
      tpu.enqueue_dma source(%dma_start3A_11 : memref<640xf32, #tpu.memory_space<hbm>>) target(%dma_start3A : memref<640xf32, #tpu.memory_space<vmem_shared>>) target_semaphore(%run_scoped3A : memref<!tpu.dma_semaphore, #tpu.memory_space<semaphore_mem>>)
      %dma_wait3A = tpu.memref_slice %arg13[%mul3A_2] : memref<10240xf32, #tpu.memory_space<vmem_shared>> -> memref<640xf32, #tpu.memory_space<vmem_shared>>
      %dma_wait3A_12 = tpu.memref_slice %arg5[%mul3A_2] : memref<10240xf32, #tpu.memory_space<hbm>> -> memref<640xf32, #tpu.memory_space<hbm>>
      tpu.wait_dma2 semaphore(%run_scoped3A : memref<!tpu.dma_semaphore, #tpu.memory_space<semaphore_mem>>) src(%dma_wait3A_12 : memref<640xf32, #tpu.memory_space<hbm>>) dst(%dma_wait3A : memref<640xf32, #tpu.memory_space<vmem_shared>>)
      tpu.yield
    }) : () -> ()
    %mul3A_3 = arith.constant 10000 : i32
    %mul3A_4 = arith.muli %add3A, %mul3A_3 : i32
    "tpu.region"() ({
      %run_scoped3A = tpu.sem_alloc : memref<!tpu.dma_semaphore, #tpu.memory_space<semaphore_mem>>
      %dma_start3A = tpu.memref_slice %arg2[%mul3A_4] : memref<320000xi32, #tpu.memory_space<hbm>> -> memref<10000xi32, #tpu.memory_space<hbm>>
      %dma_start3A_11 = tpu.memref_slice %arg2[%mul3A_4] : memref<320000xi32, #tpu.memory_space<hbm>> -> memref<10000xi32, #tpu.memory_space<hbm>>
      tpu.enqueue_dma source(%dma_start3A_11 : memref<10000xi32, #tpu.memory_space<hbm>>) target(%arg9 : memref<10000xi32, #tpu.memory_space<vmem>>) target_semaphore(%run_scoped3A : memref<!tpu.dma_semaphore, #tpu.memory_space<semaphore_mem>>)
      %dma_wait3A = tpu.memref_slice %arg2[%mul3A_4] : memref<320000xi32, #tpu.memory_space<hbm>> -> memref<10000xi32, #tpu.memory_space<hbm>>
      %dma_wait3A_12 = tpu.memref_slice %arg2[%mul3A_4] : memref<320000xi32, #tpu.memory_space<hbm>> -> memref<10000xi32, #tpu.memory_space<hbm>>
      tpu.wait_dma2 semaphore(%run_scoped3A : memref<!tpu.dma_semaphore, #tpu.memory_space<semaphore_mem>>) src(%dma_wait3A_12 : memref<10000xi32, #tpu.memory_space<hbm>>) dst(%arg9 : memref<10000xi32, #tpu.memory_space<vmem>>)
      tpu.yield
    }) : () -> ()
    "tpu.region"() ({
      %run_scoped3A = tpu.sem_alloc : memref<!tpu.dma_semaphore, #tpu.memory_space<semaphore_mem>>
      %dma_start3A = tpu.memref_slice %arg3[%mul3A_4] : memref<320000xi32, #tpu.memory_space<hbm>> -> memref<10000xi32, #tpu.memory_space<hbm>>
      %dma_start3A_11 = tpu.memref_slice %arg3[%mul3A_4] : memref<320000xi32, #tpu.memory_space<hbm>> -> memref<10000xi32, #tpu.memory_space<hbm>>
      tpu.enqueue_dma source(%dma_start3A_11 : memref<10000xi32, #tpu.memory_space<hbm>>) target(%arg10 : memref<10000xi32, #tpu.memory_space<vmem>>) target_semaphore(%run_scoped3A : memref<!tpu.dma_semaphore, #tpu.memory_space<semaphore_mem>>)
      %dma_wait3A = tpu.memref_slice %arg3[%mul3A_4] : memref<320000xi32, #tpu.memory_space<hbm>> -> memref<10000xi32, #tpu.memory_space<hbm>>
      %dma_wait3A_12 = tpu.memref_slice %arg3[%mul3A_4] : memref<320000xi32, #tpu.memory_space<hbm>> -> memref<10000xi32, #tpu.memory_space<hbm>>
      tpu.wait_dma2 semaphore(%run_scoped3A : memref<!tpu.dma_semaphore, #tpu.memory_space<semaphore_mem>>) src(%dma_wait3A_12 : memref<10000xi32, #tpu.memory_space<hbm>>) dst(%arg10 : memref<10000xi32, #tpu.memory_space<vmem>>)
      tpu.yield
    }) : () -> ()
    %scan3A = arith.constant 0 : i32
    %scan3A_5 = arith.constant 0 : i32
    %scan3A_6 = arith.constant 625 : i32
    %scan3A_7 = arith.addi %scan3A_5, %scan3A_6 : i32
    %scan3A_8 = arith.constant 1 : i32
    scf.for %scan3A_11 = %scan3A_5 to %scan3A_7 step %scan3A_8  : i32 {
      %mul3A_12 = arith.constant 16 : i32
      %mul3A_13 = arith.muli %scan3A_11, %mul3A_12 : i32
      %get3A = arith.index_cast %mul3A_13 : i32 to index
      %get3A_14 = tpu.vector_load %arg9[%get3A] {strides = array<i32>} : memref<10000xi32, #tpu.memory_space<vmem>>, vector<16xi32>,
      %mul3A_15 = arith.constant 16 : i32
      %mul3A_16 = arith.muli %scan3A_11, %mul3A_15 : i32
      %get3A_17 = arith.index_cast %mul3A_16 : i32 to index
      %get3A_18 = tpu.vector_load %arg10[%get3A_17] {strides = array<i32>} : memref<10000xi32, #tpu.memory_space<vmem>>, vector<16xi32>,
      %gather3A = tpu.vector_load_idx %arg8[%get3A_14] : memref<10240xf32, #tpu.memory_space<vmem>>[vector<16xi32>], vector<16xf32>,
      %gather3A_19 = tpu.vector_load_idx %arg8[%get3A_18] : memref<10240xf32, #tpu.memory_space<vmem>>[vector<16xi32>], vector<16xf32>,
      %mul3A_20 = arith.mulf %gather3A, %gather3A_19 : vector<16xf32>
      %mul3A_21 = arith.constant 16 : i32
      %mul3A_22 = arith.muli %scan3A_11, %mul3A_21 : i32
      %swap3A = arith.index_cast %mul3A_22 : i32 to index
      %swap3A_23 = tpu.vector_load %arg11[%swap3A] {strides = array<i32>} : memref<10000xf32, #tpu.memory_space<vmem>>, vector<16xf32>,
      tpu.vector_store %arg11[%swap3A], %mul3A_20 {strides = array<i32>} : memref<10000xf32, #tpu.memory_space<vmem>>, vector<16xf32>,
      %gt3A = arith.constant 0.000000e+00 : f32
      %gt3A_24 = vector.broadcast %gt3A : f32 to vector<16xf32>
      %gt3A_25 = arith.cmpf ogt, %mul3A_20, %gt3A_24 : vector<16xf32>
      %and3A = arith.constant 127 : i32
      %and3A_26 = vector.broadcast %and3A : i32 to vector<16xi32>
      %and3A_27 = arith.andi %get3A_18, %and3A_26 : vector<16xi32>
      %add3A_28 = arith.constant 10000 : i32
      %add3A_29 = vector.broadcast %add3A_28 : i32 to vector<16xi32>
      %add3A_30 = arith.addi %add3A_29, %and3A_27 : vector<16xi32>
      %select_n3A = arith.select %gt3A_25, %get3A_18, %add3A_30 : vector<16xi1>, vector<16xi32>
      %mul3A_31 = arith.constant 16 : i32
      %mul3A_32 = arith.muli %scan3A_11, %mul3A_31 : i32
      %swap3A_33 = arith.index_cast %mul3A_32 : i32 to index
      %swap3A_34 = tpu.vector_load %arg12[%swap3A_33] {strides = array<i32>} : memref<10000xi32, #tpu.memory_space<vmem>>, vector<16xi32>,
      tpu.vector_store %arg12[%swap3A_33], %select_n3A {strides = array<i32>} : memref<10000xi32, #tpu.memory_space<vmem>>, vector<16xi32>,
    }
    %scan3A_9 = arith.constant 625 : i32
    %barrier3A = arith.constant 0 : index
    tpu.barrier barrier_id(%barrier3A)
    "tpu.region"() ({
      %run_scoped3A = tpu.sem_alloc : memref<!tpu.dma_semaphore, #tpu.memory_space<semaphore_mem>>
      %dma_start3A = arith.constant 0 : i32
      %dma_start3A_11 = tpu.memref_slice %arg13[%dma_start3A] : memref<10240xf32, #tpu.memory_space<vmem_shared>> -> memref<10240xf32, #tpu.memory_space<vmem_shared>>
      tpu.enqueue_indirect_dma source(%arg11 : memref<10000xf32, #tpu.memory_space<vmem>>) target(%dma_start3A_11 : memref<10240xf32, #tpu.memory_space<vmem_shared>>) offsets(%arg12 : memref<10000xi32, #tpu.memory_space<vmem>>) semaphore(%run_scoped3A : memref<!tpu.dma_semaphore, #tpu.memory_space<semaphore_mem>>) {add = true}
      %dma_wait3A = arith.constant 0 : i32
      %dma_wait3A_12 = tpu.memref_slice %arg13[%dma_wait3A] : memref<10240xf32, #tpu.memory_space<vmem_shared>> -> memref<10240xf32, #tpu.memory_space<vmem_shared>>
      tpu.wait_indirect_dma semaphore(%run_scoped3A : memref<!tpu.dma_semaphore, #tpu.memory_space<semaphore_mem>>) src(%arg11 : memref<10000xf32, #tpu.memory_space<vmem>>) dst(%dma_wait3A_12 : memref<10240xf32, #tpu.memory_space<vmem_shared>>)
      tpu.yield
    }) : () -> ()
    "tpu.region"() ({
      %run_scoped3A = tpu.sem_alloc : memref<!tpu.dma_semaphore, #tpu.memory_space<semaphore_mem>>
      %dma_start3A = tpu.memref_slice %arg7[%mul3A_4] : memref<320000xi32, #tpu.memory_space<hbm>> -> memref<10000xi32, #tpu.memory_space<hbm>>
      %dma_start3A_11 = tpu.memref_slice %arg7[%mul3A_4] : memref<320000xi32, #tpu.memory_space<hbm>> -> memref<10000xi32, #tpu.memory_space<hbm>>
      tpu.enqueue_dma source(%arg12 : memref<10000xi32, #tpu.memory_space<vmem>>) target(%dma_start3A_11 : memref<10000xi32, #tpu.memory_space<hbm>>) target_semaphore(%run_scoped3A : memref<!tpu.dma_semaphore, #tpu.memory_space<semaphore_mem>>)
      %dma_wait3A = tpu.memref_slice %arg7[%mul3A_4] : memref<320000xi32, #tpu.memory_space<hbm>> -> memref<10000xi32, #tpu.memory_space<hbm>>
      %dma_wait3A_12 = tpu.memref_slice %arg7[%mul3A_4] : memref<320000xi32, #tpu.memory_space<hbm>> -> memref<10000xi32, #tpu.memory_space<hbm>>
      tpu.wait_dma2 semaphore(%run_scoped3A : memref<!tpu.dma_semaphore, #tpu.memory_space<semaphore_mem>>) src(%arg12 : memref<10000xi32, #tpu.memory_space<vmem>>) dst(%dma_wait3A_12 : memref<10000xi32, #tpu.memory_space<hbm>>)
      tpu.yield
    }) : () -> ()
    %barrier3A_10 = arith.constant 0 : index
    tpu.barrier barrier_id(%barrier3A_10)
    "tpu.region"() ({
      %run_scoped3A = tpu.sem_alloc : memref<!tpu.dma_semaphore, #tpu.memory_space<semaphore_mem>>
      %dma_start3A = tpu.memref_slice %arg6[%arg0, %mul3A_2] : memref<2x10240xf32, #tpu.memory_space<hbm>> -> memref<1x640xf32, #tpu.memory_space<hbm>>
      %dma_start3A_11 = tpu.memref_squeeze %dma_start3A : memref<1x640xf32, #tpu.memory_space<hbm>> -> memref<640xf32, #tpu.memory_space<hbm>>
      %dma_start3A_12 = tpu.memref_slice %arg13[%mul3A_2] : memref<10240xf32, #tpu.memory_space<vmem_shared>> -> memref<640xf32, #tpu.memory_space<vmem_shared>>
      tpu.enqueue_dma source(%dma_start3A_12 : memref<640xf32, #tpu.memory_space<vmem_shared>>) target(%dma_start3A_11 : memref<640xf32, #tpu.memory_space<hbm>>) target_semaphore(%run_scoped3A : memref<!tpu.dma_semaphore, #tpu.memory_space<semaphore_mem>>)
      %dma_wait3A = tpu.memref_slice %arg6[%arg0, %mul3A_2] : memref<2x10240xf32, #tpu.memory_space<hbm>> -> memref<1x640xf32, #tpu.memory_space<hbm>>
      %dma_wait3A_13 = tpu.memref_squeeze %dma_wait3A : memref<1x640xf32, #tpu.memory_space<hbm>> -> memref<640xf32, #tpu.memory_space<hbm>>
      %dma_wait3A_14 = tpu.memref_slice %arg13[%mul3A_2] : memref<10240xf32, #tpu.memory_space<vmem_shared>> -> memref<640xf32, #tpu.memory_space<vmem_shared>>
      tpu.wait_dma2 semaphore(%run_scoped3A : memref<!tpu.dma_semaphore, #tpu.memory_space<semaphore_mem>>) src(%dma_wait3A_14 : memref<640xf32, #tpu.memory_space<vmem_shared>>) dst(%dma_wait3A_13 : memref<640xf32, #tpu.memory_space<hbm>>)
      tpu.yield
    }) : () -> ()
    return
  }
}

#map = affine_map<(d0, d1) -> (0)>
#map1 = affine_map<(d0, d1) -> (0, 0)>
module attributes {stable_mosaic.version = 14 : i64} {
  func.func @body(%arg0: i32, %arg1: i32, %arg2: memref<10240xf32, #tpu.memory_space<hbm>>, %arg3: memref<320000xi32, #tpu.memory_space<hbm>>, %arg4: memref<320000xi32, #tpu.memory_space<hbm>>, %arg5: memref<10240xf32, #tpu.memory_space<hbm>>, %arg6: memref<2x10240xf32, #tpu.memory_space<hbm>>, %arg7: memref<10000xi32, #tpu.memory_space<vmem>>, %arg8: memref<10000xi32, #tpu.memory_space<vmem>>, %arg9: memref<10240xf32, #tpu.memory_space<vmem>>, %arg10: memref<10000xf32, #tpu.memory_space<vmem>>, %arg11: memref<10240xf32, #tpu.memory_space<vmem_shared>>) attributes {dimension_semantics = [#tpu.dimension_semantics<core_parallel>, #tpu.dimension_semantics<subcore_parallel>], iteration_bounds = array<i64: 2, 16>, scalar_prefetch = 0 : i64, scratch_operands = 5 : i64, tpu.core_type = #tpu.core_type<sc_vector_subcore>, window_params = [{transform_indices = #map}, {transform_indices = #map}, {transform_indices = #map}, {transform_indices = #map}, {transform_indices = #map1}]} {
    %mul3A = arith.constant 2 : i32
    %mul3A_0 = arith.muli %arg1, %mul3A : i32
    %add3A = arith.addi %mul3A_0, %arg0 : i32
    %mul3A_1 = arith.constant 640 : i32
    %mul3A_2 = arith.muli %arg1, %mul3A_1 : i32
    "tpu.region"() ({
      %run_scoped3A = tpu.sem_alloc : memref<!tpu.dma_semaphore, #tpu.memory_space<semaphore_mem>>
      %dma_start3A = arith.constant 0 : i32
      %dma_start3A_13 = tpu.memref_slice %arg2[%dma_start3A] : memref<10240xf32, #tpu.memory_space<hbm>> -> memref<10240xf32, #tpu.memory_space<hbm>>
      %dma_start3A_14 = arith.constant 0 : i32
      %dma_start3A_15 = tpu.memref_slice %arg2[%dma_start3A_14] : memref<10240xf32, #tpu.memory_space<hbm>> -> memref<10240xf32, #tpu.memory_space<hbm>>
      tpu.enqueue_dma source(%dma_start3A_15 : memref<10240xf32, #tpu.memory_space<hbm>>) target(%arg9 : memref<10240xf32, #tpu.memory_space<vmem>>) target_semaphore(%run_scoped3A : memref<!tpu.dma_semaphore, #tpu.memory_space<semaphore_mem>>)
      %dma_wait3A = arith.constant 0 : i32
      %dma_wait3A_16 = tpu.memref_slice %arg2[%dma_wait3A] : memref<10240xf32, #tpu.memory_space<hbm>> -> memref<10240xf32, #tpu.memory_space<hbm>>
      %dma_wait3A_17 = arith.constant 0 : i32
      %dma_wait3A_18 = tpu.memref_slice %arg2[%dma_wait3A_17] : memref<10240xf32, #tpu.memory_space<hbm>> -> memref<10240xf32, #tpu.memory_space<hbm>>
      tpu.wait_dma2 semaphore(%run_scoped3A : memref<!tpu.dma_semaphore, #tpu.memory_space<semaphore_mem>>) src(%dma_wait3A_18 : memref<10240xf32, #tpu.memory_space<hbm>>) dst(%arg9 : memref<10240xf32, #tpu.memory_space<vmem>>)
      tpu.yield
    }) : () -> ()
    "tpu.region"() ({
      %run_scoped3A = tpu.sem_alloc : memref<!tpu.dma_semaphore, #tpu.memory_space<semaphore_mem>>
      %dma_start3A = tpu.memref_slice %arg11[%mul3A_2] : memref<10240xf32, #tpu.memory_space<vmem_shared>> -> memref<640xf32, #tpu.memory_space<vmem_shared>>
      %dma_start3A_13 = tpu.memref_slice %arg5[%mul3A_2] : memref<10240xf32, #tpu.memory_space<hbm>> -> memref<640xf32, #tpu.memory_space<hbm>>
      tpu.enqueue_dma source(%dma_start3A_13 : memref<640xf32, #tpu.memory_space<hbm>>) target(%dma_start3A : memref<640xf32, #tpu.memory_space<vmem_shared>>) target_semaphore(%run_scoped3A : memref<!tpu.dma_semaphore, #tpu.memory_space<semaphore_mem>>)
      %dma_wait3A = tpu.memref_slice %arg11[%mul3A_2] : memref<10240xf32, #tpu.memory_space<vmem_shared>> -> memref<640xf32, #tpu.memory_space<vmem_shared>>
      %dma_wait3A_14 = tpu.memref_slice %arg5[%mul3A_2] : memref<10240xf32, #tpu.memory_space<hbm>> -> memref<640xf32, #tpu.memory_space<hbm>>
      tpu.wait_dma2 semaphore(%run_scoped3A : memref<!tpu.dma_semaphore, #tpu.memory_space<semaphore_mem>>) src(%dma_wait3A_14 : memref<640xf32, #tpu.memory_space<hbm>>) dst(%dma_wait3A : memref<640xf32, #tpu.memory_space<vmem_shared>>)
      tpu.yield
    }) : () -> ()
    %mul3A_3 = arith.constant 10000 : i32
    %mul3A_4 = arith.muli %add3A, %mul3A_3 : i32
    "tpu.region"() ({
      %run_scoped3A = tpu.sem_alloc : memref<!tpu.dma_semaphore, #tpu.memory_space<semaphore_mem>>
      %dma_start3A = tpu.memref_slice %arg3[%mul3A_4] : memref<320000xi32, #tpu.memory_space<hbm>> -> memref<10000xi32, #tpu.memory_space<hbm>>
      %dma_start3A_13 = tpu.memref_slice %arg3[%mul3A_4] : memref<320000xi32, #tpu.memory_space<hbm>> -> memref<10000xi32, #tpu.memory_space<hbm>>
      tpu.enqueue_dma source(%dma_start3A_13 : memref<10000xi32, #tpu.memory_space<hbm>>) target(%arg7 : memref<10000xi32, #tpu.memory_space<vmem>>) target_semaphore(%run_scoped3A : memref<!tpu.dma_semaphore, #tpu.memory_space<semaphore_mem>>)
      %dma_wait3A = tpu.memref_slice %arg3[%mul3A_4] : memref<320000xi32, #tpu.memory_space<hbm>> -> memref<10000xi32, #tpu.memory_space<hbm>>
      %dma_wait3A_14 = tpu.memref_slice %arg3[%mul3A_4] : memref<320000xi32, #tpu.memory_space<hbm>> -> memref<10000xi32, #tpu.memory_space<hbm>>
      tpu.wait_dma2 semaphore(%run_scoped3A : memref<!tpu.dma_semaphore, #tpu.memory_space<semaphore_mem>>) src(%dma_wait3A_14 : memref<10000xi32, #tpu.memory_space<hbm>>) dst(%arg7 : memref<10000xi32, #tpu.memory_space<vmem>>)
      tpu.yield
    }) : () -> ()
    "tpu.region"() ({
      %run_scoped3A = tpu.sem_alloc : memref<!tpu.dma_semaphore, #tpu.memory_space<semaphore_mem>>
      %dma_start3A = tpu.memref_slice %arg4[%mul3A_4] : memref<320000xi32, #tpu.memory_space<hbm>> -> memref<10000xi32, #tpu.memory_space<hbm>>
      %dma_start3A_13 = tpu.memref_slice %arg4[%mul3A_4] : memref<320000xi32, #tpu.memory_space<hbm>> -> memref<10000xi32, #tpu.memory_space<hbm>>
      tpu.enqueue_dma source(%dma_start3A_13 : memref<10000xi32, #tpu.memory_space<hbm>>) target(%arg8 : memref<10000xi32, #tpu.memory_space<vmem>>) target_semaphore(%run_scoped3A : memref<!tpu.dma_semaphore, #tpu.memory_space<semaphore_mem>>)
      %dma_wait3A = tpu.memref_slice %arg4[%mul3A_4] : memref<320000xi32, #tpu.memory_space<hbm>> -> memref<10000xi32, #tpu.memory_space<hbm>>
      %dma_wait3A_14 = tpu.memref_slice %arg4[%mul3A_4] : memref<320000xi32, #tpu.memory_space<hbm>> -> memref<10000xi32, #tpu.memory_space<hbm>>
      tpu.wait_dma2 semaphore(%run_scoped3A : memref<!tpu.dma_semaphore, #tpu.memory_space<semaphore_mem>>) src(%dma_wait3A_14 : memref<10000xi32, #tpu.memory_space<hbm>>) dst(%arg8 : memref<10000xi32, #tpu.memory_space<vmem>>)
      tpu.yield
    }) : () -> ()
    %scan3A = arith.constant 0 : i32
    %scan3A_5 = arith.constant 0 : i32
    %scan3A_6 = arith.constant 625 : i32
    %scan3A_7 = arith.addi %scan3A_5, %scan3A_6 : i32
    %scan3A_8 = arith.constant 1 : i32
    scf.for %scan3A_13 = %scan3A_5 to %scan3A_7 step %scan3A_8  : i32 {
      %mul3A_14 = arith.constant 16 : i32
      %mul3A_15 = arith.muli %scan3A_13, %mul3A_14 : i32
      %get3A = arith.index_cast %mul3A_15 : i32 to index
      %get3A_16 = tpu.vector_load %arg7[%get3A] {strides = array<i32>} : memref<10000xi32, #tpu.memory_space<vmem>>, vector<16xi32>,
      %gather3A = tpu.vector_load_idx %arg9[%get3A_16] : memref<10240xf32, #tpu.memory_space<vmem>>[vector<16xi32>], vector<16xf32>,
      %mul3A_17 = arith.constant 16 : i32
      %mul3A_18 = arith.muli %scan3A_13, %mul3A_17 : i32
      %swap3A = arith.index_cast %mul3A_18 : i32 to index
      %swap3A_19 = tpu.vector_load %arg10[%swap3A] {strides = array<i32>} : memref<10000xf32, #tpu.memory_space<vmem>>, vector<16xf32>,
      tpu.vector_store %arg10[%swap3A], %gather3A {strides = array<i32>} : memref<10000xf32, #tpu.memory_space<vmem>>, vector<16xf32>,
    }
    %scan3A_9 = arith.constant 625 : i32
    %barrier3A = arith.constant 0 : index
    tpu.barrier barrier_id(%barrier3A)
    "tpu.region"() ({
      %run_scoped3A = tpu.sem_alloc : memref<!tpu.dma_semaphore, #tpu.memory_space<semaphore_mem>>
      %dma_start3A = arith.constant 0 : i32
      %dma_start3A_13 = tpu.memref_slice %arg11[%dma_start3A] : memref<10240xf32, #tpu.memory_space<vmem_shared>> -> memref<10240xf32, #tpu.memory_space<vmem_shared>>
      tpu.enqueue_indirect_dma source(%arg10 : memref<10000xf32, #tpu.memory_space<vmem>>) target(%dma_start3A_13 : memref<10240xf32, #tpu.memory_space<vmem_shared>>) offsets(%arg8 : memref<10000xi32, #tpu.memory_space<vmem>>) semaphore(%run_scoped3A : memref<!tpu.dma_semaphore, #tpu.memory_space<semaphore_mem>>) {add = true}
      %dma_wait3A = arith.constant 0 : i32
      %dma_wait3A_14 = tpu.memref_slice %arg11[%dma_wait3A] : memref<10240xf32, #tpu.memory_space<vmem_shared>> -> memref<10240xf32, #tpu.memory_space<vmem_shared>>
      tpu.wait_indirect_dma semaphore(%run_scoped3A : memref<!tpu.dma_semaphore, #tpu.memory_space<semaphore_mem>>) src(%arg10 : memref<10000xf32, #tpu.memory_space<vmem>>) dst(%dma_wait3A_14 : memref<10240xf32, #tpu.memory_space<vmem_shared>>)
      tpu.yield
    }) : () -> ()
    %barrier3A_10 = arith.constant 0 : index
    tpu.barrier barrier_id(%barrier3A_10)
    %add3A_11 = arith.constant 0 : i32
    %add3A_12 = arith.addi %add3A_11, %mul3A_2 : i32
    "tpu.region"() ({
      %run_scoped3A = tpu.sem_alloc : memref<!tpu.dma_semaphore, #tpu.memory_space<semaphore_mem>>
      %dma_start3A = tpu.memref_slice %arg6[%arg0, %add3A_12] : memref<2x10240xf32, #tpu.memory_space<hbm>> -> memref<1x640xf32, #tpu.memory_space<hbm>>
      %dma_start3A_13 = tpu.memref_squeeze %dma_start3A : memref<1x640xf32, #tpu.memory_space<hbm>> -> memref<640xf32, #tpu.memory_space<hbm>>
      %dma_start3A_14 = tpu.memref_slice %arg11[%mul3A_2] : memref<10240xf32, #tpu.memory_space<vmem_shared>> -> memref<640xf32, #tpu.memory_space<vmem_shared>>
      tpu.enqueue_dma source(%dma_start3A_14 : memref<640xf32, #tpu.memory_space<vmem_shared>>) target(%dma_start3A_13 : memref<640xf32, #tpu.memory_space<hbm>>) target_semaphore(%run_scoped3A : memref<!tpu.dma_semaphore, #tpu.memory_space<semaphore_mem>>)
      %dma_wait3A = tpu.memref_slice %arg6[%arg0, %add3A_12] : memref<2x10240xf32, #tpu.memory_space<hbm>> -> memref<1x640xf32, #tpu.memory_space<hbm>>
      %dma_wait3A_15 = tpu.memref_squeeze %dma_wait3A : memref<1x640xf32, #tpu.memory_space<hbm>> -> memref<640xf32, #tpu.memory_space<hbm>>
      %dma_wait3A_16 = tpu.memref_slice %arg11[%mul3A_2] : memref<10240xf32, #tpu.memory_space<vmem_shared>> -> memref<640xf32, #tpu.memory_space<vmem_shared>>
      tpu.wait_dma2 semaphore(%run_scoped3A : memref<!tpu.dma_semaphore, #tpu.memory_space<semaphore_mem>>) src(%dma_wait3A_16 : memref<640xf32, #tpu.memory_space<vmem_shared>>) dst(%dma_wait3A_15 : memref<640xf32, #tpu.memory_space<hbm>>)
      tpu.yield
    }) : () -> ()
    return
  }
}

#map = affine_map<(d0, d1) -> (0)>
#map1 = affine_map<(d0, d1) -> (0, 0)>
module attributes {stable_mosaic.version = 14 : i64} {
  func.func @body(%arg0: i32, %arg1: i32, %arg2: memref<10240xf32, #tpu.memory_space<hbm>>, %arg3: memref<320000xi32, #tpu.memory_space<hbm>>, %arg4: memref<320000xi32, #tpu.memory_space<hbm>>, %arg5: memref<10240xf32, #tpu.memory_space<hbm>>, %arg6: memref<2x10240xf32, #tpu.memory_space<hbm>>, %arg7: memref<10000xi32, #tpu.memory_space<vmem>>, %arg8: memref<10000xi32, #tpu.memory_space<vmem>>, %arg9: memref<10240xf32, #tpu.memory_space<vmem>>, %arg10: memref<10000xf32, #tpu.memory_space<vmem>>, %arg11: memref<10240xf32, #tpu.memory_space<vmem_shared>>) attributes {dimension_semantics = [#tpu.dimension_semantics<core_parallel>, #tpu.dimension_semantics<subcore_parallel>], iteration_bounds = array<i64: 2, 16>, scalar_prefetch = 0 : i64, scratch_operands = 5 : i64, tpu.core_type = #tpu.core_type<sc_vector_subcore>, window_params = [{transform_indices = #map}, {transform_indices = #map}, {transform_indices = #map}, {transform_indices = #map}, {transform_indices = #map1}]} {
    %mul3A = arith.constant 2 : i32
    %mul3A_0 = arith.muli %arg1, %mul3A : i32
    %add3A = arith.addi %mul3A_0, %arg0 : i32
    %mul3A_1 = arith.constant 640 : i32
    %mul3A_2 = arith.muli %arg1, %mul3A_1 : i32
    "tpu.region"() ({
      %run_scoped3A = tpu.sem_alloc : memref<!tpu.dma_semaphore, #tpu.memory_space<semaphore_mem>>
      %dma_start3A = arith.constant 0 : i32
      %dma_start3A_13 = tpu.memref_slice %arg2[%dma_start3A] : memref<10240xf32, #tpu.memory_space<hbm>> -> memref<10240xf32, #tpu.memory_space<hbm>>
      %dma_start3A_14 = arith.constant 0 : i32
      %dma_start3A_15 = tpu.memref_slice %arg2[%dma_start3A_14] : memref<10240xf32, #tpu.memory_space<hbm>> -> memref<10240xf32, #tpu.memory_space<hbm>>
      tpu.enqueue_dma source(%dma_start3A_15 : memref<10240xf32, #tpu.memory_space<hbm>>) target(%arg9 : memref<10240xf32, #tpu.memory_space<vmem>>) target_semaphore(%run_scoped3A : memref<!tpu.dma_semaphore, #tpu.memory_space<semaphore_mem>>)
      %dma_wait3A = arith.constant 0 : i32
      %dma_wait3A_16 = tpu.memref_slice %arg2[%dma_wait3A] : memref<10240xf32, #tpu.memory_space<hbm>> -> memref<10240xf32, #tpu.memory_space<hbm>>
      %dma_wait3A_17 = arith.constant 0 : i32
      %dma_wait3A_18 = tpu.memref_slice %arg2[%dma_wait3A_17] : memref<10240xf32, #tpu.memory_space<hbm>> -> memref<10240xf32, #tpu.memory_space<hbm>>
      tpu.wait_dma2 semaphore(%run_scoped3A : memref<!tpu.dma_semaphore, #tpu.memory_space<semaphore_mem>>) src(%dma_wait3A_18 : memref<10240xf32, #tpu.memory_space<hbm>>) dst(%arg9 : memref<10240xf32, #tpu.memory_space<vmem>>)
      tpu.yield
    }) : () -> ()
    "tpu.region"() ({
      %run_scoped3A = tpu.sem_alloc : memref<!tpu.dma_semaphore, #tpu.memory_space<semaphore_mem>>
      %dma_start3A = tpu.memref_slice %arg11[%mul3A_2] : memref<10240xf32, #tpu.memory_space<vmem_shared>> -> memref<640xf32, #tpu.memory_space<vmem_shared>>
      %dma_start3A_13 = tpu.memref_slice %arg5[%mul3A_2] : memref<10240xf32, #tpu.memory_space<hbm>> -> memref<640xf32, #tpu.memory_space<hbm>>
      tpu.enqueue_dma source(%dma_start3A_13 : memref<640xf32, #tpu.memory_space<hbm>>) target(%dma_start3A : memref<640xf32, #tpu.memory_space<vmem_shared>>) target_semaphore(%run_scoped3A : memref<!tpu.dma_semaphore, #tpu.memory_space<semaphore_mem>>)
      %dma_wait3A = tpu.memref_slice %arg11[%mul3A_2] : memref<10240xf32, #tpu.memory_space<vmem_shared>> -> memref<640xf32, #tpu.memory_space<vmem_shared>>
      %dma_wait3A_14 = tpu.memref_slice %arg5[%mul3A_2] : memref<10240xf32, #tpu.memory_space<hbm>> -> memref<640xf32, #tpu.memory_space<hbm>>
      tpu.wait_dma2 semaphore(%run_scoped3A : memref<!tpu.dma_semaphore, #tpu.memory_space<semaphore_mem>>) src(%dma_wait3A_14 : memref<640xf32, #tpu.memory_space<hbm>>) dst(%dma_wait3A : memref<640xf32, #tpu.memory_space<vmem_shared>>)
      tpu.yield
    }) : () -> ()
    %mul3A_3 = arith.constant 10000 : i32
    %mul3A_4 = arith.muli %add3A, %mul3A_3 : i32
    "tpu.region"() ({
      %run_scoped3A = tpu.sem_alloc : memref<!tpu.dma_semaphore, #tpu.memory_space<semaphore_mem>>
      %dma_start3A = tpu.memref_slice %arg3[%mul3A_4] : memref<320000xi32, #tpu.memory_space<hbm>> -> memref<10000xi32, #tpu.memory_space<hbm>>
      %dma_start3A_13 = tpu.memref_slice %arg3[%mul3A_4] : memref<320000xi32, #tpu.memory_space<hbm>> -> memref<10000xi32, #tpu.memory_space<hbm>>
      tpu.enqueue_dma source(%dma_start3A_13 : memref<10000xi32, #tpu.memory_space<hbm>>) target(%arg7 : memref<10000xi32, #tpu.memory_space<vmem>>) target_semaphore(%run_scoped3A : memref<!tpu.dma_semaphore, #tpu.memory_space<semaphore_mem>>)
      %dma_wait3A = tpu.memref_slice %arg3[%mul3A_4] : memref<320000xi32, #tpu.memory_space<hbm>> -> memref<10000xi32, #tpu.memory_space<hbm>>
      %dma_wait3A_14 = tpu.memref_slice %arg3[%mul3A_4] : memref<320000xi32, #tpu.memory_space<hbm>> -> memref<10000xi32, #tpu.memory_space<hbm>>
      tpu.wait_dma2 semaphore(%run_scoped3A : memref<!tpu.dma_semaphore, #tpu.memory_space<semaphore_mem>>) src(%dma_wait3A_14 : memref<10000xi32, #tpu.memory_space<hbm>>) dst(%arg7 : memref<10000xi32, #tpu.memory_space<vmem>>)
      tpu.yield
    }) : () -> ()
    "tpu.region"() ({
      %run_scoped3A = tpu.sem_alloc : memref<!tpu.dma_semaphore, #tpu.memory_space<semaphore_mem>>
      %dma_start3A = tpu.memref_slice %arg4[%mul3A_4] : memref<320000xi32, #tpu.memory_space<hbm>> -> memref<10000xi32, #tpu.memory_space<hbm>>
      %dma_start3A_13 = tpu.memref_slice %arg4[%mul3A_4] : memref<320000xi32, #tpu.memory_space<hbm>> -> memref<10000xi32, #tpu.memory_space<hbm>>
      tpu.enqueue_dma source(%dma_start3A_13 : memref<10000xi32, #tpu.memory_space<hbm>>) target(%arg8 : memref<10000xi32, #tpu.memory_space<vmem>>) target_semaphore(%run_scoped3A : memref<!tpu.dma_semaphore, #tpu.memory_space<semaphore_mem>>)
      %dma_wait3A = tpu.memref_slice %arg4[%mul3A_4] : memref<320000xi32, #tpu.memory_space<hbm>> -> memref<10000xi32, #tpu.memory_space<hbm>>
      %dma_wait3A_14 = tpu.memref_slice %arg4[%mul3A_4] : memref<320000xi32, #tpu.memory_space<hbm>> -> memref<10000xi32, #tpu.memory_space<hbm>>
      tpu.wait_dma2 semaphore(%run_scoped3A : memref<!tpu.dma_semaphore, #tpu.memory_space<semaphore_mem>>) src(%dma_wait3A_14 : memref<10000xi32, #tpu.memory_space<hbm>>) dst(%arg8 : memref<10000xi32, #tpu.memory_space<vmem>>)
      tpu.yield
    }) : () -> ()
    %scan3A = arith.constant 0 : i32
    %scan3A_5 = arith.constant 0 : i32
    %scan3A_6 = arith.constant 625 : i32
    %scan3A_7 = arith.addi %scan3A_5, %scan3A_6 : i32
    %scan3A_8 = arith.constant 1 : i32
    scf.for %scan3A_13 = %scan3A_5 to %scan3A_7 step %scan3A_8  : i32 {
      %mul3A_14 = arith.constant 16 : i32
      %mul3A_15 = arith.muli %scan3A_13, %mul3A_14 : i32
      %get3A = arith.index_cast %mul3A_15 : i32 to index
      %get3A_16 = tpu.vector_load %arg7[%get3A] {strides = array<i32>} : memref<10000xi32, #tpu.memory_space<vmem>>, vector<16xi32>,
      %gather3A = tpu.vector_load_idx %arg9[%get3A_16] : memref<10240xf32, #tpu.memory_space<vmem>>[vector<16xi32>], vector<16xf32>,
      %mul3A_17 = arith.constant 16 : i32
      %mul3A_18 = arith.muli %scan3A_13, %mul3A_17 : i32
      %swap3A = arith.index_cast %mul3A_18 : i32 to index
      %swap3A_19 = tpu.vector_load %arg10[%swap3A] {strides = array<i32>} : memref<10000xf32, #tpu.memory_space<vmem>>, vector<16xf32>,
      tpu.vector_store %arg10[%swap3A], %gather3A {strides = array<i32>} : memref<10000xf32, #tpu.memory_space<vmem>>, vector<16xf32>,
    }
    %scan3A_9 = arith.constant 625 : i32
    %barrier3A = arith.constant 0 : index
    tpu.barrier barrier_id(%barrier3A)
    "tpu.region"() ({
      %run_scoped3A = tpu.sem_alloc : memref<!tpu.dma_semaphore, #tpu.memory_space<semaphore_mem>>
      %dma_start3A = arith.constant 0 : i32
      %dma_start3A_13 = tpu.memref_slice %arg11[%dma_start3A] : memref<10240xf32, #tpu.memory_space<vmem_shared>> -> memref<10240xf32, #tpu.memory_space<vmem_shared>>
      tpu.enqueue_indirect_dma source(%arg10 : memref<10000xf32, #tpu.memory_space<vmem>>) target(%dma_start3A_13 : memref<10240xf32, #tpu.memory_space<vmem_shared>>) offsets(%arg8 : memref<10000xi32, #tpu.memory_space<vmem>>) semaphore(%run_scoped3A : memref<!tpu.dma_semaphore, #tpu.memory_space<semaphore_mem>>) {add = true}
      %dma_wait3A = arith.constant 0 : i32
      %dma_wait3A_14 = tpu.memref_slice %arg11[%dma_wait3A] : memref<10240xf32, #tpu.memory_space<vmem_shared>> -> memref<10240xf32, #tpu.memory_space<vmem_shared>>
      tpu.wait_indirect_dma semaphore(%run_scoped3A : memref<!tpu.dma_semaphore, #tpu.memory_space<semaphore_mem>>) src(%arg10 : memref<10000xf32, #tpu.memory_space<vmem>>) dst(%dma_wait3A_14 : memref<10240xf32, #tpu.memory_space<vmem_shared>>)
      tpu.yield
    }) : () -> ()
    %barrier3A_10 = arith.constant 0 : index
    tpu.barrier barrier_id(%barrier3A_10)
    %add3A_11 = arith.constant 0 : i32
    %add3A_12 = arith.addi %add3A_11, %mul3A_2 : i32
    "tpu.region"() ({
      %run_scoped3A = tpu.sem_alloc : memref<!tpu.dma_semaphore, #tpu.memory_space<semaphore_mem>>
      %dma_start3A = tpu.memref_slice %arg6[%arg0, %add3A_12] : memref<2x10240xf32, #tpu.memory_space<hbm>> -> memref<1x640xf32, #tpu.memory_space<hbm>>
      %dma_start3A_13 = tpu.memref_squeeze %dma_start3A : memref<1x640xf32, #tpu.memory_space<hbm>> -> memref<640xf32, #tpu.memory_space<hbm>>
      %dma_start3A_14 = tpu.memref_slice %arg11[%mul3A_2] : memref<10240xf32, #tpu.memory_space<vmem_shared>> -> memref<640xf32, #tpu.memory_space<vmem_shared>>
      tpu.enqueue_dma source(%dma_start3A_14 : memref<640xf32, #tpu.memory_space<vmem_shared>>) target(%dma_start3A_13 : memref<640xf32, #tpu.memory_space<hbm>>) target_semaphore(%run_scoped3A : memref<!tpu.dma_semaphore, #tpu.memory_space<semaphore_mem>>)
      %dma_wait3A = tpu.memref_slice %arg6[%arg0, %add3A_12] : memref<2x10240xf32, #tpu.memory_space<hbm>> -> memref<1x640xf32, #tpu.memory_space<hbm>>
      %dma_wait3A_15 = tpu.memref_squeeze %dma_wait3A : memref<1x640xf32, #tpu.memory_space<hbm>> -> memref<640xf32, #tpu.memory_space<hbm>>
      %dma_wait3A_16 = tpu.memref_slice %arg11[%mul3A_2] : memref<10240xf32, #tpu.memory_space<vmem_shared>> -> memref<640xf32, #tpu.memory_space<vmem_shared>>
      tpu.wait_dma2 semaphore(%run_scoped3A : memref<!tpu.dma_semaphore, #tpu.memory_space<semaphore_mem>>) src(%dma_wait3A_16 : memref<640xf32, #tpu.memory_space<vmem_shared>>) dst(%dma_wait3A_15 : memref<640xf32, #tpu.memory_space<hbm>>)
      tpu.yield
    }) : () -> ()
    return
  }
}

#map = affine_map<(d0, d1) -> (0, 0)>
#map1 = affine_map<(d0, d1) -> (0)>
module attributes {stable_mosaic.version = 14 : i64} {
  func.func @_edge_pass_body(%arg0: i32, %arg1: i32, %arg2: memref<40960x128xf32, #tpu.memory_space<hbm>>, %arg3: memref<1280000xi32, #tpu.memory_space<hbm>>, %arg4: memref<320000xi32, #tpu.memory_space<hbm>>, %arg5: memref<10240x128xf32, #tpu.memory_space<hbm>>, %arg6: memref<40960x128xf32, #tpu.memory_space<hbm>>, %arg7: memref<4000xi32, #tpu.memory_space<vmem>>, %arg8: memref<160xi32, #tpu.memory_space<vmem>>, %arg9: memref<160x128xf32, #tpu.memory_space<vmem>>, %arg10: memref<160x128xf32, #tpu.memory_space<vmem>>, %arg11: memref<10240x128xf32, #tpu.memory_space<vmem_shared>>, %arg12: memref<!tpu.dma_semaphore, #tpu.memory_space<semaphore_mem>>, %arg13: memref<!tpu.dma_semaphore, #tpu.memory_space<semaphore_mem>>) attributes {dimension_semantics = [#tpu.dimension_semantics<core_parallel>, #tpu.dimension_semantics<subcore_parallel>], iteration_bounds = array<i64: 2, 16>, scalar_prefetch = 0 : i64, scratch_operands = 7 : i64, tpu.core_type = #tpu.core_type<sc_vector_subcore>, window_params = [{transform_indices = #map}, {transform_indices = #map1}, {transform_indices = #map1}, {transform_indices = #map}, {transform_indices = #map}]} {
    %mul3A = arith.constant 640 : i32
    %mul3A_0 = arith.muli %arg1, %mul3A : i32
    %add3A = arith.constant 0 : i32
    %add3A_1 = arith.addi %arg0, %add3A : i32
    "tpu.region"() ({
      %run_scoped3A = tpu.sem_alloc : memref<!tpu.dma_semaphore, #tpu.memory_space<semaphore_mem>>
      %dma_start3A_62 = arith.constant 0 : i32
      %dma_start3A_63 = tpu.memref_slice %arg11[%mul3A_0, %dma_start3A_62] : memref<10240x128xf32, #tpu.memory_space<vmem_shared>> -> memref<640x128xf32, #tpu.memory_space<vmem_shared>>
      %dma_start3A_64 = arith.constant 0 : i32
      %dma_start3A_65 = tpu.memref_slice %arg5[%mul3A_0, %dma_start3A_64] : memref<10240x128xf32, #tpu.memory_space<hbm>> -> memref<640x128xf32, #tpu.memory_space<hbm>>
      tpu.enqueue_dma source(%dma_start3A_65 : memref<640x128xf32, #tpu.memory_space<hbm>>) target(%dma_start3A_63 : memref<640x128xf32, #tpu.memory_space<vmem_shared>>) target_semaphore(%run_scoped3A : memref<!tpu.dma_semaphore, #tpu.memory_space<semaphore_mem>>)
      %dma_wait3A_66 = arith.constant 0 : i32
      %dma_wait3A_67 = tpu.memref_slice %arg11[%mul3A_0, %dma_wait3A_66] : memref<10240x128xf32, #tpu.memory_space<vmem_shared>> -> memref<640x128xf32, #tpu.memory_space<vmem_shared>>
      %dma_wait3A_68 = arith.constant 0 : i32
      %dma_wait3A_69 = tpu.memref_slice %arg5[%mul3A_0, %dma_wait3A_68] : memref<10240x128xf32, #tpu.memory_space<hbm>> -> memref<640x128xf32, #tpu.memory_space<hbm>>
      tpu.wait_dma2 semaphore(%run_scoped3A : memref<!tpu.dma_semaphore, #tpu.memory_space<semaphore_mem>>) src(%dma_wait3A_69 : memref<640x128xf32, #tpu.memory_space<hbm>>) dst(%dma_wait3A_67 : memref<640x128xf32, #tpu.memory_space<vmem_shared>>)
      tpu.yield
    }) : () -> ()
    %barrier3A = arith.constant 0 : index
    tpu.barrier barrier_id(%barrier3A)
    %mul3A_2 = arith.constant 20000 : i32
    %mul3A_3 = arith.muli %arg1, %mul3A_2 : i32
    %mul3A_4 = arith.constant 320000 : i32
    %mul3A_5 = arith.muli %add3A_1, %mul3A_4 : i32
    %add3A_6 = arith.addi %mul3A_5, %mul3A_3 : i32
    %add3A_7 = arith.constant 0 : i32
    %add3A_8 = arith.addi %add3A_6, %add3A_7 : i32
    "tpu.region"() ({
      %run_scoped3A = tpu.sem_alloc : memref<!tpu.dma_semaphore, #tpu.memory_space<semaphore_mem>>
      %dma_start3A_62 = tpu.memref_slice %arg3[%add3A_8] : memref<1280000xi32, #tpu.memory_space<hbm>> -> memref<4000xi32, #tpu.memory_space<hbm>>
      %dma_start3A_63 = tpu.memref_slice %arg3[%add3A_8] : memref<1280000xi32, #tpu.memory_space<hbm>> -> memref<4000xi32, #tpu.memory_space<hbm>>
      tpu.enqueue_dma source(%dma_start3A_63 : memref<4000xi32, #tpu.memory_space<hbm>>) target(%arg7 : memref<4000xi32, #tpu.memory_space<vmem>>) target_semaphore(%run_scoped3A : memref<!tpu.dma_semaphore, #tpu.memory_space<semaphore_mem>>)
      %dma_wait3A_64 = tpu.memref_slice %arg3[%add3A_8] : memref<1280000xi32, #tpu.memory_space<hbm>> -> memref<4000xi32, #tpu.memory_space<hbm>>
      %dma_wait3A_65 = tpu.memref_slice %arg3[%add3A_8] : memref<1280000xi32, #tpu.memory_space<hbm>> -> memref<4000xi32, #tpu.memory_space<hbm>>
      tpu.wait_dma2 semaphore(%run_scoped3A : memref<!tpu.dma_semaphore, #tpu.memory_space<semaphore_mem>>) src(%dma_wait3A_65 : memref<4000xi32, #tpu.memory_space<hbm>>) dst(%arg7 : memref<4000xi32, #tpu.memory_space<vmem>>)
      tpu.yield
    }) : () -> ()
    %dma_start3A = arith.constant 0 : i32
    %dma_start3A_9 = tpu.memref_slice %arg7[%dma_start3A] : memref<4000xi32, #tpu.memory_space<vmem>> -> memref<160xi32, #tpu.memory_space<vmem>>
    %dma_start3A_10 = arith.constant 0 : i32
    %dma_start3A_11 = arith.constant 0 : i32
    %dma_start3A_12 = tpu.memref_slice %arg2[%dma_start3A_10, %dma_start3A_11] : memref<40960x128xf32, #tpu.memory_space<hbm>> -> memref<40960x128xf32, #tpu.memory_space<hbm>>
    tpu.enqueue_indirect_dma source(%dma_start3A_12 : memref<40960x128xf32, #tpu.memory_space<hbm>>) target(%arg9 : memref<160x128xf32, #tpu.memory_space<vmem>>) offsets(%dma_start3A_9 : memref<160xi32, #tpu.memory_space<vmem>>) semaphore(%arg12 : memref<!tpu.dma_semaphore, #tpu.memory_space<semaphore_mem>>)
    %scan3A = arith.constant 0 : i32
    %scan3A_13 = arith.constant 0 : i32
    %scan3A_14 = arith.constant 62 : i32
    %scan3A_15 = arith.addi %scan3A_13, %scan3A_14 : i32
    %scan3A_16 = arith.constant 1 : i32
    scf.for %scan3A_62 = %scan3A_13 to %scan3A_15 step %scan3A_16  : i32 {
      %mul3A_63 = arith.constant 2 : i32
      %mul3A_64 = arith.muli %mul3A_63, %scan3A_62 : i32
      %dma_wait3A_65 = arith.constant 0 : i32
      %dma_wait3A_66 = tpu.memref_slice %arg7[%dma_wait3A_65] : memref<4000xi32, #tpu.memory_space<vmem>> -> memref<160xi32, #tpu.memory_space<vmem>>
      %dma_wait3A_67 = arith.constant 0 : i32
      %dma_wait3A_68 = arith.constant 0 : i32
      %dma_wait3A_69 = tpu.memref_slice %arg2[%dma_wait3A_67, %dma_wait3A_68] : memref<40960x128xf32, #tpu.memory_space<hbm>> -> memref<40960x128xf32, #tpu.memory_space<hbm>>
      tpu.wait_indirect_dma semaphore(%arg12 : memref<!tpu.dma_semaphore, #tpu.memory_space<semaphore_mem>>) src(%dma_wait3A_69 : memref<40960x128xf32, #tpu.memory_space<hbm>>) dst(%arg9 : memref<160x128xf32, #tpu.memory_space<vmem>>)
      %add3A_70 = arith.constant 1 : i32
      %add3A_71 = arith.addi %mul3A_64, %add3A_70 : i32
      %jit3A = arith.constant 25 : i32
      %eq3A = arith.constant 0 : i32
      %eq3A_72 = arith.cmpi eq, %jit3A, %eq3A : i32
      %jit3A_73 = arith.constant 1 : i32
      %select_n3A = arith.select %eq3A_72, %jit3A_73, %jit3A : i32
      %rem3A = arith.remsi %add3A_71, %select_n3A : i32
      %ne3A = arith.constant 0 : i32
      %ne3A_74 = arith.cmpi ne, %rem3A, %ne3A : i32
      %lt3A = arith.constant 0 : i32
      %lt3A_75 = arith.cmpi slt, %rem3A, %lt3A : i32
      %lt3A_76 = arith.constant 0 : i32
      %lt3A_77 = arith.cmpi slt, %select_n3A, %lt3A_76 : i32
      %ne3A_78 = arith.xori %lt3A_75, %lt3A_77 : i1
      %and3A = arith.andi %ne3A_78, %ne3A_74 : i1
      %add3A_79 = arith.addi %rem3A, %select_n3A : i32
      %select_n3A_80 = arith.select %and3A, %add3A_79, %rem3A : i32
      %eq3A_81 = arith.constant 0 : i32
      %eq3A_82 = arith.cmpi eq, %select_n3A_80, %eq3A_81 : i32
      %convert_element_type3A = arith.extui %eq3A_82 : i1 to i32
      %cond3A = arith.constant 0 : i32
      %cond3A_83 = arith.cmpi ne, %convert_element_type3A, %cond3A : i32
      scf.if %cond3A_83 {
        %add3A_168 = arith.constant 1 : i32
        %add3A_169 = arith.addi %mul3A_64, %add3A_168 : i32
        %jit3A_170 = arith.constant 25 : i32
        %div3A = arith.divsi %add3A_169, %jit3A_170 : i32
        %sign3A = arith.constant 0 : i32
        %sign3A_171 = arith.cmpi sgt, %add3A_169, %sign3A : i32
        %sign3A_172 = arith.extui %sign3A_171 : i1 to i32
        %sign3A_173 = arith.constant 0 : i32
        %sign3A_174 = arith.cmpi slt, %add3A_169, %sign3A_173 : i32
        %sign3A_175 = arith.extui %sign3A_174 : i1 to i32
        %sign3A_176 = arith.subi %sign3A_172, %sign3A_175 : i32
        %sign3A_177 = arith.constant 0 : i32
        %sign3A_178 = arith.cmpi sgt, %jit3A_170, %sign3A_177 : i32
        %sign3A_179 = arith.extui %sign3A_178 : i1 to i32
        %sign3A_180 = arith.constant 0 : i32
        %sign3A_181 = arith.cmpi slt, %jit3A_170, %sign3A_180 : i32
        %sign3A_182 = arith.extui %sign3A_181 : i1 to i32
        %sign3A_183 = arith.subi %sign3A_179, %sign3A_182 : i32
        %ne3A_184 = arith.cmpi ne, %sign3A_176, %sign3A_183 : i32
        %rem3A_185 = arith.remsi %add3A_169, %jit3A_170 : i32
        %ne3A_186 = arith.constant 0 : i32
        %ne3A_187 = arith.cmpi ne, %rem3A_185, %ne3A_186 : i32
        %and3A_188 = arith.andi %ne3A_184, %ne3A_187 : i1
        %sub3A = arith.constant 1 : i32
        %sub3A_189 = arith.subi %div3A, %sub3A : i32
        %select_n3A_190 = arith.select %and3A_188, %sub3A_189, %div3A : i32
        %mul3A_191 = arith.constant 320000 : i32
        %mul3A_192 = arith.muli %add3A_1, %mul3A_191 : i32
        %add3A_193 = arith.addi %mul3A_192, %mul3A_3 : i32
        %mul3A_194 = arith.constant 25 : i32
        %mul3A_195 = arith.muli %select_n3A_190, %mul3A_194 : i32
        %mul3A_196 = arith.constant 160 : i32
        %mul3A_197 = arith.muli %mul3A_195, %mul3A_196 : i32
        %add3A_198 = arith.addi %add3A_193, %mul3A_197 : i32
        "tpu.region"() ({
          %run_scoped3A = tpu.sem_alloc : memref<!tpu.dma_semaphore, #tpu.memory_space<semaphore_mem>>
          %dma_start3A_199 = tpu.memref_slice %arg3[%add3A_198] : memref<1280000xi32, #tpu.memory_space<hbm>> -> memref<4000xi32, #tpu.memory_space<hbm>>
          %dma_start3A_200 = tpu.memref_slice %arg3[%add3A_198] : memref<1280000xi32, #tpu.memory_space<hbm>> -> memref<4000xi32, #tpu.memory_space<hbm>>
          tpu.enqueue_dma source(%dma_start3A_200 : memref<4000xi32, #tpu.memory_space<hbm>>) target(%arg7 : memref<4000xi32, #tpu.memory_space<vmem>>) target_semaphore(%run_scoped3A : memref<!tpu.dma_semaphore, #tpu.memory_space<semaphore_mem>>)
          %dma_wait3A_201 = tpu.memref_slice %arg3[%add3A_198] : memref<1280000xi32, #tpu.memory_space<hbm>> -> memref<4000xi32, #tpu.memory_space<hbm>>
          %dma_wait3A_202 = tpu.memref_slice %arg3[%add3A_198] : memref<1280000xi32, #tpu.memory_space<hbm>> -> memref<4000xi32, #tpu.memory_space<hbm>>
          tpu.wait_dma2 semaphore(%run_scoped3A : memref<!tpu.dma_semaphore, #tpu.memory_space<semaphore_mem>>) src(%dma_wait3A_202 : memref<4000xi32, #tpu.memory_space<hbm>>) dst(%arg7 : memref<4000xi32, #tpu.memory_space<vmem>>)
          tpu.yield
        }) : () -> ()
      } else {
      }
      %add3A_84 = arith.constant 1 : i32
      %add3A_85 = arith.addi %mul3A_64, %add3A_84 : i32
      %jit3A_86 = arith.constant 25 : i32
      %eq3A_87 = arith.constant 0 : i32
      %eq3A_88 = arith.cmpi eq, %jit3A_86, %eq3A_87 : i32
      %jit3A_89 = arith.constant 1 : i32
      %select_n3A_90 = arith.select %eq3A_88, %jit3A_89, %jit3A_86 : i32
      %rem3A_91 = arith.remsi %add3A_85, %select_n3A_90 : i32
      %ne3A_92 = arith.constant 0 : i32
      %ne3A_93 = arith.cmpi ne, %rem3A_91, %ne3A_92 : i32
      %lt3A_94 = arith.constant 0 : i32
      %lt3A_95 = arith.cmpi slt, %rem3A_91, %lt3A_94 : i32
      %lt3A_96 = arith.constant 0 : i32
      %lt3A_97 = arith.cmpi slt, %select_n3A_90, %lt3A_96 : i32
      %ne3A_98 = arith.xori %lt3A_95, %lt3A_97 : i1
      %and3A_99 = arith.andi %ne3A_98, %ne3A_93 : i1
      %add3A_100 = arith.addi %rem3A_91, %select_n3A_90 : i32
      %select_n3A_101 = arith.select %and3A_99, %add3A_100, %rem3A_91 : i32
      %mul3A_102 = arith.constant 160 : i32
      %mul3A_103 = arith.muli %select_n3A_101, %mul3A_102 : i32
      %dma_start3A_104 = tpu.memref_slice %arg7[%mul3A_103] : memref<4000xi32, #tpu.memory_space<vmem>> -> memref<160xi32, #tpu.memory_space<vmem>>
      %dma_start3A_105 = arith.constant 0 : i32
      %dma_start3A_106 = arith.constant 0 : i32
      %dma_start3A_107 = tpu.memref_slice %arg2[%dma_start3A_105, %dma_start3A_106] : memref<40960x128xf32, #tpu.memory_space<hbm>> -> memref<40960x128xf32, #tpu.memory_space<hbm>>
      tpu.enqueue_indirect_dma source(%dma_start3A_107 : memref<40960x128xf32, #tpu.memory_space<hbm>>) target(%arg10 : memref<160x128xf32, #tpu.memory_space<vmem>>) offsets(%dma_start3A_104 : memref<160xi32, #tpu.memory_space<vmem>>) semaphore(%arg13 : memref<!tpu.dma_semaphore, #tpu.memory_space<semaphore_mem>>)
      %mul3A_108 = arith.constant 160 : i32
      %mul3A_109 = arith.muli %mul3A_64, %mul3A_108 : i32
      %add3A_110 = arith.addi %mul3A_3, %mul3A_109 : i32
      "tpu.region"() ({
        %run_scoped3A = tpu.sem_alloc : memref<!tpu.dma_semaphore, #tpu.memory_space<semaphore_mem>>
        %dma_start3A_168 = tpu.memref_slice %arg4[%add3A_110] : memref<320000xi32, #tpu.memory_space<hbm>> -> memref<160xi32, #tpu.memory_space<hbm>>
        %dma_start3A_169 = tpu.memref_slice %arg4[%add3A_110] : memref<320000xi32, #tpu.memory_space<hbm>> -> memref<160xi32, #tpu.memory_space<hbm>>
        tpu.enqueue_dma source(%dma_start3A_169 : memref<160xi32, #tpu.memory_space<hbm>>) target(%arg8 : memref<160xi32, #tpu.memory_space<vmem>>) target_semaphore(%run_scoped3A : memref<!tpu.dma_semaphore, #tpu.memory_space<semaphore_mem>>)
        %dma_wait3A_170 = tpu.memref_slice %arg4[%add3A_110] : memref<320000xi32, #tpu.memory_space<hbm>> -> memref<160xi32, #tpu.memory_space<hbm>>
        %dma_wait3A_171 = tpu.memref_slice %arg4[%add3A_110] : memref<320000xi32, #tpu.memory_space<hbm>> -> memref<160xi32, #tpu.memory_space<hbm>>
        tpu.wait_dma2 semaphore(%run_scoped3A : memref<!tpu.dma_semaphore, #tpu.memory_space<semaphore_mem>>) src(%dma_wait3A_171 : memref<160xi32, #tpu.memory_space<hbm>>) dst(%arg8 : memref<160xi32, #tpu.memory_space<vmem>>)
        tpu.yield
      }) : () -> ()
      "tpu.region"() ({
        %run_scoped3A = tpu.sem_alloc : memref<!tpu.dma_semaphore, #tpu.memory_space<semaphore_mem>>
        %dma_start3A_168 = arith.constant 0 : i32
        %dma_start3A_169 = arith.constant 0 : i32
        %dma_start3A_170 = tpu.memref_slice %arg11[%dma_start3A_168, %dma_start3A_169] : memref<10240x128xf32, #tpu.memory_space<vmem_shared>> -> memref<10240x128xf32, #tpu.memory_space<vmem_shared>>
        tpu.enqueue_indirect_dma source(%arg9 : memref<160x128xf32, #tpu.memory_space<vmem>>) target(%dma_start3A_170 : memref<10240x128xf32, #tpu.memory_space<vmem_shared>>) offsets(%arg8 : memref<160xi32, #tpu.memory_space<vmem>>) semaphore(%run_scoped3A : memref<!tpu.dma_semaphore, #tpu.memory_space<semaphore_mem>>) {add = true}
        %dma_wait3A_171 = arith.constant 0 : i32
        %dma_wait3A_172 = arith.constant 0 : i32
        %dma_wait3A_173 = tpu.memref_slice %arg11[%dma_wait3A_171, %dma_wait3A_172] : memref<10240x128xf32, #tpu.memory_space<vmem_shared>> -> memref<10240x128xf32, #tpu.memory_space<vmem_shared>>
        tpu.wait_indirect_dma semaphore(%run_scoped3A : memref<!tpu.dma_semaphore, #tpu.memory_space<semaphore_mem>>) src(%arg9 : memref<160x128xf32, #tpu.memory_space<vmem>>) dst(%dma_wait3A_173 : memref<10240x128xf32, #tpu.memory_space<vmem_shared>>)
        tpu.yield
      }) : () -> ()
      %dma_wait3A_111 = arith.constant 0 : i32
      %dma_wait3A_112 = tpu.memref_slice %arg7[%dma_wait3A_111] : memref<4000xi32, #tpu.memory_space<vmem>> -> memref<160xi32, #tpu.memory_space<vmem>>
      %dma_wait3A_113 = arith.constant 0 : i32
      %dma_wait3A_114 = arith.constant 0 : i32
      %dma_wait3A_115 = tpu.memref_slice %arg2[%dma_wait3A_113, %dma_wait3A_114] : memref<40960x128xf32, #tpu.memory_space<hbm>> -> memref<40960x128xf32, #tpu.memory_space<hbm>>
      tpu.wait_indirect_dma semaphore(%arg13 : memref<!tpu.dma_semaphore, #tpu.memory_space<semaphore_mem>>) src(%dma_wait3A_115 : memref<40960x128xf32, #tpu.memory_space<hbm>>) dst(%arg10 : memref<160x128xf32, #tpu.memory_space<vmem>>)
      %add3A_116 = arith.constant 2 : i32
      %add3A_117 = arith.addi %mul3A_64, %add3A_116 : i32
      %jit3A_118 = arith.constant 25 : i32
      %eq3A_119 = arith.constant 0 : i32
      %eq3A_120 = arith.cmpi eq, %jit3A_118, %eq3A_119 : i32
      %jit3A_121 = arith.constant 1 : i32
      %select_n3A_122 = arith.select %eq3A_120, %jit3A_121, %jit3A_118 : i32
      %rem3A_123 = arith.remsi %add3A_117, %select_n3A_122 : i32
      %ne3A_124 = arith.constant 0 : i32
      %ne3A_125 = arith.cmpi ne, %rem3A_123, %ne3A_124 : i32
      %lt3A_126 = arith.constant 0 : i32
      %lt3A_127 = arith.cmpi slt, %rem3A_123, %lt3A_126 : i32
      %lt3A_128 = arith.constant 0 : i32
      %lt3A_129 = arith.cmpi slt, %select_n3A_122, %lt3A_128 : i32
      %ne3A_130 = arith.xori %lt3A_127, %lt3A_129 : i1
      %and3A_131 = arith.andi %ne3A_130, %ne3A_125 : i1
      %add3A_132 = arith.addi %rem3A_123, %select_n3A_122 : i32
      %select_n3A_133 = arith.select %and3A_131, %add3A_132, %rem3A_123 : i32
      %eq3A_134 = arith.constant 0 : i32
      %eq3A_135 = arith.cmpi eq, %select_n3A_133, %eq3A_134 : i32
      %convert_element_type3A_136 = arith.extui %eq3A_135 : i1 to i32
      %cond3A_137 = arith.constant 0 : i32
      %cond3A_138 = arith.cmpi ne, %convert_element_type3A_136, %cond3A_137 : i32
      scf.if %cond3A_138 {
        %add3A_168 = arith.constant 2 : i32
        %add3A_169 = arith.addi %mul3A_64, %add3A_168 : i32
        %jit3A_170 = arith.constant 25 : i32
        %div3A = arith.divsi %add3A_169, %jit3A_170 : i32
        %sign3A = arith.constant 0 : i32
        %sign3A_171 = arith.cmpi sgt, %add3A_169, %sign3A : i32
        %sign3A_172 = arith.extui %sign3A_171 : i1 to i32
        %sign3A_173 = arith.constant 0 : i32
        %sign3A_174 = arith.cmpi slt, %add3A_169, %sign3A_173 : i32
        %sign3A_175 = arith.extui %sign3A_174 : i1 to i32
        %sign3A_176 = arith.subi %sign3A_172, %sign3A_175 : i32
        %sign3A_177 = arith.constant 0 : i32
        %sign3A_178 = arith.cmpi sgt, %jit3A_170, %sign3A_177 : i32
        %sign3A_179 = arith.extui %sign3A_178 : i1 to i32
        %sign3A_180 = arith.constant 0 : i32
        %sign3A_181 = arith.cmpi slt, %jit3A_170, %sign3A_180 : i32
        %sign3A_182 = arith.extui %sign3A_181 : i1 to i32
        %sign3A_183 = arith.subi %sign3A_179, %sign3A_182 : i32
        %ne3A_184 = arith.cmpi ne, %sign3A_176, %sign3A_183 : i32
        %rem3A_185 = arith.remsi %add3A_169, %jit3A_170 : i32
        %ne3A_186 = arith.constant 0 : i32
        %ne3A_187 = arith.cmpi ne, %rem3A_185, %ne3A_186 : i32
        %and3A_188 = arith.andi %ne3A_184, %ne3A_187 : i1
        %sub3A = arith.constant 1 : i32
        %sub3A_189 = arith.subi %div3A, %sub3A : i32
        %select_n3A_190 = arith.select %and3A_188, %sub3A_189, %div3A : i32
        %mul3A_191 = arith.constant 320000 : i32
        %mul3A_192 = arith.muli %add3A_1, %mul3A_191 : i32
        %add3A_193 = arith.addi %mul3A_192, %mul3A_3 : i32
        %mul3A_194 = arith.constant 25 : i32
        %mul3A_195 = arith.muli %select_n3A_190, %mul3A_194 : i32
        %mul3A_196 = arith.constant 160 : i32
        %mul3A_197 = arith.muli %mul3A_195, %mul3A_196 : i32
        %add3A_198 = arith.addi %add3A_193, %mul3A_197 : i32
        "tpu.region"() ({
          %run_scoped3A = tpu.sem_alloc : memref<!tpu.dma_semaphore, #tpu.memory_space<semaphore_mem>>
          %dma_start3A_199 = tpu.memref_slice %arg3[%add3A_198] : memref<1280000xi32, #tpu.memory_space<hbm>> -> memref<4000xi32, #tpu.memory_space<hbm>>
          %dma_start3A_200 = tpu.memref_slice %arg3[%add3A_198] : memref<1280000xi32, #tpu.memory_space<hbm>> -> memref<4000xi32, #tpu.memory_space<hbm>>
          tpu.enqueue_dma source(%dma_start3A_200 : memref<4000xi32, #tpu.memory_space<hbm>>) target(%arg7 : memref<4000xi32, #tpu.memory_space<vmem>>) target_semaphore(%run_scoped3A : memref<!tpu.dma_semaphore, #tpu.memory_space<semaphore_mem>>)
          %dma_wait3A_201 = tpu.memref_slice %arg3[%add3A_198] : memref<1280000xi32, #tpu.memory_space<hbm>> -> memref<4000xi32, #tpu.memory_space<hbm>>
          %dma_wait3A_202 = tpu.memref_slice %arg3[%add3A_198] : memref<1280000xi32, #tpu.memory_space<hbm>> -> memref<4000xi32, #tpu.memory_space<hbm>>
          tpu.wait_dma2 semaphore(%run_scoped3A : memref<!tpu.dma_semaphore, #tpu.memory_space<semaphore_mem>>) src(%dma_wait3A_202 : memref<4000xi32, #tpu.memory_space<hbm>>) dst(%arg7 : memref<4000xi32, #tpu.memory_space<vmem>>)
          tpu.yield
        }) : () -> ()
      } else {
      }
      %add3A_139 = arith.constant 2 : i32
      %add3A_140 = arith.addi %mul3A_64, %add3A_139 : i32
      %jit3A_141 = arith.constant 25 : i32
      %eq3A_142 = arith.constant 0 : i32
      %eq3A_143 = arith.cmpi eq, %jit3A_141, %eq3A_142 : i32
      %jit3A_144 = arith.constant 1 : i32
      %select_n3A_145 = arith.select %eq3A_143, %jit3A_144, %jit3A_141 : i32
      %rem3A_146 = arith.remsi %add3A_140, %select_n3A_145 : i32
      %ne3A_147 = arith.constant 0 : i32
      %ne3A_148 = arith.cmpi ne, %rem3A_146, %ne3A_147 : i32
      %lt3A_149 = arith.constant 0 : i32
      %lt3A_150 = arith.cmpi slt, %rem3A_146, %lt3A_149 : i32
      %lt3A_151 = arith.constant 0 : i32
      %lt3A_152 = arith.cmpi slt, %select_n3A_145, %lt3A_151 : i32
      %ne3A_153 = arith.xori %lt3A_150, %lt3A_152 : i1
      %and3A_154 = arith.andi %ne3A_153, %ne3A_148 : i1
      %add3A_155 = arith.addi %rem3A_146, %select_n3A_145 : i32
      %select_n3A_156 = arith.select %and3A_154, %add3A_155, %rem3A_146 : i32
      %mul3A_157 = arith.constant 160 : i32
      %mul3A_158 = arith.muli %select_n3A_156, %mul3A_157 : i32
      %dma_start3A_159 = tpu.memref_slice %arg7[%mul3A_158] : memref<4000xi32, #tpu.memory_space<vmem>> -> memref<160xi32, #tpu.memory_space<vmem>>
      %dma_start3A_160 = arith.constant 0 : i32
      %dma_start3A_161 = arith.constant 0 : i32
      %dma_start3A_162 = tpu.memref_slice %arg2[%dma_start3A_160, %dma_start3A_161] : memref<40960x128xf32, #tpu.memory_space<hbm>> -> memref<40960x128xf32, #tpu.memory_space<hbm>>
      tpu.enqueue_indirect_dma source(%dma_start3A_162 : memref<40960x128xf32, #tpu.memory_space<hbm>>) target(%arg9 : memref<160x128xf32, #tpu.memory_space<vmem>>) offsets(%dma_start3A_159 : memref<160xi32, #tpu.memory_space<vmem>>) semaphore(%arg12 : memref<!tpu.dma_semaphore, #tpu.memory_space<semaphore_mem>>)
      %add3A_163 = arith.constant 1 : i32
      %add3A_164 = arith.addi %mul3A_64, %add3A_163 : i32
      %mul3A_165 = arith.constant 160 : i32
      %mul3A_166 = arith.muli %add3A_164, %mul3A_165 : i32
      %add3A_167 = arith.addi %mul3A_3, %mul3A_166 : i32
      "tpu.region"() ({
        %run_scoped3A = tpu.sem_alloc : memref<!tpu.dma_semaphore, #tpu.memory_space<semaphore_mem>>
        %dma_start3A_168 = tpu.memref_slice %arg4[%add3A_167] : memref<320000xi32, #tpu.memory_space<hbm>> -> memref<160xi32, #tpu.memory_space<hbm>>
        %dma_start3A_169 = tpu.memref_slice %arg4[%add3A_167] : memref<320000xi32, #tpu.memory_space<hbm>> -> memref<160xi32, #tpu.memory_space<hbm>>
        tpu.enqueue_dma source(%dma_start3A_169 : memref<160xi32, #tpu.memory_space<hbm>>) target(%arg8 : memref<160xi32, #tpu.memory_space<vmem>>) target_semaphore(%run_scoped3A : memref<!tpu.dma_semaphore, #tpu.memory_space<semaphore_mem>>)
        %dma_wait3A_170 = tpu.memref_slice %arg4[%add3A_167] : memref<320000xi32, #tpu.memory_space<hbm>> -> memref<160xi32, #tpu.memory_space<hbm>>
        %dma_wait3A_171 = tpu.memref_slice %arg4[%add3A_167] : memref<320000xi32, #tpu.memory_space<hbm>> -> memref<160xi32, #tpu.memory_space<hbm>>
        tpu.wait_dma2 semaphore(%run_scoped3A : memref<!tpu.dma_semaphore, #tpu.memory_space<semaphore_mem>>) src(%dma_wait3A_171 : memref<160xi32, #tpu.memory_space<hbm>>) dst(%arg8 : memref<160xi32, #tpu.memory_space<vmem>>)
        tpu.yield
      }) : () -> ()
      "tpu.region"() ({
        %run_scoped3A = tpu.sem_alloc : memref<!tpu.dma_semaphore, #tpu.memory_space<semaphore_mem>>
        %dma_start3A_168 = arith.constant 0 : i32
        %dma_start3A_169 = arith.constant 0 : i32
        %dma_start3A_170 = tpu.memref_slice %arg11[%dma_start3A_168, %dma_start3A_169] : memref<10240x128xf32, #tpu.memory_space<vmem_shared>> -> memref<10240x128xf32, #tpu.memory_space<vmem_shared>>
        tpu.enqueue_indirect_dma source(%arg10 : memref<160x128xf32, #tpu.memory_space<vmem>>) target(%dma_start3A_170 : memref<10240x128xf32, #tpu.memory_space<vmem_shared>>) offsets(%arg8 : memref<160xi32, #tpu.memory_space<vmem>>) semaphore(%run_scoped3A : memref<!tpu.dma_semaphore, #tpu.memory_space<semaphore_mem>>) {add = true}
        %dma_wait3A_171 = arith.constant 0 : i32
        %dma_wait3A_172 = arith.constant 0 : i32
        %dma_wait3A_173 = tpu.memref_slice %arg11[%dma_wait3A_171, %dma_wait3A_172] : memref<10240x128xf32, #tpu.memory_space<vmem_shared>> -> memref<10240x128xf32, #tpu.memory_space<vmem_shared>>
        tpu.wait_indirect_dma semaphore(%run_scoped3A : memref<!tpu.dma_semaphore, #tpu.memory_space<semaphore_mem>>) src(%arg10 : memref<160x128xf32, #tpu.memory_space<vmem>>) dst(%dma_wait3A_173 : memref<10240x128xf32, #tpu.memory_space<vmem_shared>>)
        tpu.yield
      }) : () -> ()
    }
    %scan3A_17 = arith.constant 62 : i32
    %dma_wait3A = arith.constant 0 : i32
    %dma_wait3A_18 = tpu.memref_slice %arg7[%dma_wait3A] : memref<4000xi32, #tpu.memory_space<vmem>> -> memref<160xi32, #tpu.memory_space<vmem>>
    %dma_wait3A_19 = arith.constant 0 : i32
    %dma_wait3A_20 = arith.constant 0 : i32
    %dma_wait3A_21 = tpu.memref_slice %arg2[%dma_wait3A_19, %dma_wait3A_20] : memref<40960x128xf32, #tpu.memory_space<hbm>> -> memref<40960x128xf32, #tpu.memory_space<hbm>>
    tpu.wait_indirect_dma semaphore(%arg12 : memref<!tpu.dma_semaphore, #tpu.memory_space<semaphore_mem>>) src(%dma_wait3A_21 : memref<40960x128xf32, #tpu.memory_space<hbm>>) dst(%arg9 : memref<160x128xf32, #tpu.memory_space<vmem>>)
    %add3A_22 = arith.constant 19840 : i32
    %add3A_23 = arith.addi %mul3A_3, %add3A_22 : i32
    "tpu.region"() ({
      %run_scoped3A = tpu.sem_alloc : memref<!tpu.dma_semaphore, #tpu.memory_space<semaphore_mem>>
      %dma_start3A_62 = tpu.memref_slice %arg4[%add3A_23] : memref<320000xi32, #tpu.memory_space<hbm>> -> memref<160xi32, #tpu.memory_space<hbm>>
      %dma_start3A_63 = tpu.memref_slice %arg4[%add3A_23] : memref<320000xi32, #tpu.memory_space<hbm>> -> memref<160xi32, #tpu.memory_space<hbm>>
      tpu.enqueue_dma source(%dma_start3A_63 : memref<160xi32, #tpu.memory_space<hbm>>) target(%arg8 : memref<160xi32, #tpu.memory_space<vmem>>) target_semaphore(%run_scoped3A : memref<!tpu.dma_semaphore, #tpu.memory_space<semaphore_mem>>)
      %dma_wait3A_64 = tpu.memref_slice %arg4[%add3A_23] : memref<320000xi32, #tpu.memory_space<hbm>> -> memref<160xi32, #tpu.memory_space<hbm>>
      %dma_wait3A_65 = tpu.memref_slice %arg4[%add3A_23] : memref<320000xi32, #tpu.memory_space<hbm>> -> memref<160xi32, #tpu.memory_space<hbm>>
      tpu.wait_dma2 semaphore(%run_scoped3A : memref<!tpu.dma_semaphore, #tpu.memory_space<semaphore_mem>>) src(%dma_wait3A_65 : memref<160xi32, #tpu.memory_space<hbm>>) dst(%arg8 : memref<160xi32, #tpu.memory_space<vmem>>)
      tpu.yield
    }) : () -> ()
    "tpu.region"() ({
      %run_scoped3A = tpu.sem_alloc : memref<!tpu.dma_semaphore, #tpu.memory_space<semaphore_mem>>
      %dma_start3A_62 = arith.constant 0 : i32
      %dma_start3A_63 = arith.constant 0 : i32
      %dma_start3A_64 = tpu.memref_slice %arg11[%dma_start3A_62, %dma_start3A_63] : memref<10240x128xf32, #tpu.memory_space<vmem_shared>> -> memref<10240x128xf32, #tpu.memory_space<vmem_shared>>
      tpu.enqueue_indirect_dma source(%arg9 : memref<160x128xf32, #tpu.memory_space<vmem>>) target(%dma_start3A_64 : memref<10240x128xf32, #tpu.memory_space<vmem_shared>>) offsets(%arg8 : memref<160xi32, #tpu.memory_space<vmem>>) semaphore(%run_scoped3A : memref<!tpu.dma_semaphore, #tpu.memory_space<semaphore_mem>>) {add = true}
      %dma_wait3A_65 = arith.constant 0 : i32
      %dma_wait3A_66 = arith.constant 0 : i32
      %dma_wait3A_67 = tpu.memref_slice %arg11[%dma_wait3A_65, %dma_wait3A_66] : memref<10240x128xf32, #tpu.memory_space<vmem_shared>> -> memref<10240x128xf32, #tpu.memory_space<vmem_shared>>
      tpu.wait_indirect_dma semaphore(%run_scoped3A : memref<!tpu.dma_semaphore, #tpu.memory_space<semaphore_mem>>) src(%arg9 : memref<160x128xf32, #tpu.memory_space<vmem>>) dst(%dma_wait3A_67 : memref<10240x128xf32, #tpu.memory_space<vmem_shared>>)
      tpu.yield
    }) : () -> ()
    %barrier3A_24 = arith.constant 0 : index
    tpu.barrier barrier_id(%barrier3A_24)
    %mul3A_25 = arith.constant 10240 : i32
    %mul3A_26 = arith.muli %add3A_1, %mul3A_25 : i32
    %add3A_27 = arith.addi %mul3A_26, %mul3A_0 : i32
    "tpu.region"() ({
      %run_scoped3A = tpu.sem_alloc : memref<!tpu.dma_semaphore, #tpu.memory_space<semaphore_mem>>
      %dma_start3A_62 = arith.constant 0 : i32
      %dma_start3A_63 = tpu.memref_slice %arg6[%add3A_27, %dma_start3A_62] : memref<40960x128xf32, #tpu.memory_space<hbm>> -> memref<640x128xf32, #tpu.memory_space<hbm>>
      %dma_start3A_64 = arith.constant 0 : i32
      %dma_start3A_65 = tpu.memref_slice %arg11[%mul3A_0, %dma_start3A_64] : memref<10240x128xf32, #tpu.memory_space<vmem_shared>> -> memref<640x128xf32, #tpu.memory_space<vmem_shared>>
      tpu.enqueue_dma source(%dma_start3A_65 : memref<640x128xf32, #tpu.memory_space<vmem_shared>>) target(%dma_start3A_63 : memref<640x128xf32, #tpu.memory_space<hbm>>) target_semaphore(%run_scoped3A : memref<!tpu.dma_semaphore, #tpu.memory_space<semaphore_mem>>)
      %dma_wait3A_66 = arith.constant 0 : i32
      %dma_wait3A_67 = tpu.memref_slice %arg6[%add3A_27, %dma_wait3A_66] : memref<40960x128xf32, #tpu.memory_space<hbm>> -> memref<640x128xf32, #tpu.memory_space<hbm>>
      %dma_wait3A_68 = arith.constant 0 : i32
      %dma_wait3A_69 = tpu.memref_slice %arg11[%mul3A_0, %dma_wait3A_68] : memref<10240x128xf32, #tpu.memory_space<vmem_shared>> -> memref<640x128xf32, #tpu.memory_space<vmem_shared>>
      tpu.wait_dma2 semaphore(%run_scoped3A : memref<!tpu.dma_semaphore, #tpu.memory_space<semaphore_mem>>) src(%dma_wait3A_69 : memref<640x128xf32, #tpu.memory_space<vmem_shared>>) dst(%dma_wait3A_67 : memref<640x128xf32, #tpu.memory_space<hbm>>)
      tpu.yield
    }) : () -> ()
    %barrier3A_28 = arith.constant 0 : index
    tpu.barrier barrier_id(%barrier3A_28)
    %add3A_29 = arith.constant 2 : i32
    %add3A_30 = arith.addi %arg0, %add3A_29 : i32
    "tpu.region"() ({
      %run_scoped3A = tpu.sem_alloc : memref<!tpu.dma_semaphore, #tpu.memory_space<semaphore_mem>>
      %dma_start3A_62 = arith.constant 0 : i32
      %dma_start3A_63 = tpu.memref_slice %arg11[%mul3A_0, %dma_start3A_62] : memref<10240x128xf32, #tpu.memory_space<vmem_shared>> -> memref<640x128xf32, #tpu.memory_space<vmem_shared>>
      %dma_start3A_64 = arith.constant 0 : i32
      %dma_start3A_65 = tpu.memref_slice %arg5[%mul3A_0, %dma_start3A_64] : memref<10240x128xf32, #tpu.memory_space<hbm>> -> memref<640x128xf32, #tpu.memory_space<hbm>>
      tpu.enqueue_dma source(%dma_start3A_65 : memref<640x128xf32, #tpu.memory_space<hbm>>) target(%dma_start3A_63 : memref<640x128xf32, #tpu.memory_space<vmem_shared>>) target_semaphore(%run_scoped3A : memref<!tpu.dma_semaphore, #tpu.memory_space<semaphore_mem>>)
      %dma_wait3A_66 = arith.constant 0 : i32
      %dma_wait3A_67 = tpu.memref_slice %arg11[%mul3A_0, %dma_wait3A_66] : memref<10240x128xf32, #tpu.memory_space<vmem_shared>> -> memref<640x128xf32, #tpu.memory_space<vmem_shared>>
      %dma_wait3A_68 = arith.constant 0 : i32
      %dma_wait3A_69 = tpu.memref_slice %arg5[%mul3A_0, %dma_wait3A_68] : memref<10240x128xf32, #tpu.memory_space<hbm>> -> memref<640x128xf32, #tpu.memory_space<hbm>>
      tpu.wait_dma2 semaphore(%run_scoped3A : memref<!tpu.dma_semaphore, #tpu.memory_space<semaphore_mem>>) src(%dma_wait3A_69 : memref<640x128xf32, #tpu.memory_space<hbm>>) dst(%dma_wait3A_67 : memref<640x128xf32, #tpu.memory_space<vmem_shared>>)
      tpu.yield
    }) : () -> ()
    %barrier3A_31 = arith.constant 0 : index
    tpu.barrier barrier_id(%barrier3A_31)
    %mul3A_32 = arith.constant 20000 : i32
    %mul3A_33 = arith.muli %arg1, %mul3A_32 : i32
    %mul3A_34 = arith.constant 320000 : i32
    %mul3A_35 = arith.muli %add3A_30, %mul3A_34 : i32
    %add3A_36 = arith.addi %mul3A_35, %mul3A_33 : i32
    %add3A_37 = arith.constant 0 : i32
    %add3A_38 = arith.addi %add3A_36, %add3A_37 : i32
    "tpu.region"() ({
      %run_scoped3A = tpu.sem_alloc : memref<!tpu.dma_semaphore, #tpu.memory_space<semaphore_mem>>
      %dma_start3A_62 = tpu.memref_slice %arg3[%add3A_38] : memref<1280000xi32, #tpu.memory_space<hbm>> -> memref<4000xi32, #tpu.memory_space<hbm>>
      %dma_start3A_63 = tpu.memref_slice %arg3[%add3A_38] : memref<1280000xi32, #tpu.memory_space<hbm>> -> memref<4000xi32, #tpu.memory_space<hbm>>
      tpu.enqueue_dma source(%dma_start3A_63 : memref<4000xi32, #tpu.memory_space<hbm>>) target(%arg7 : memref<4000xi32, #tpu.memory_space<vmem>>) target_semaphore(%run_scoped3A : memref<!tpu.dma_semaphore, #tpu.memory_space<semaphore_mem>>)
      %dma_wait3A_64 = tpu.memref_slice %arg3[%add3A_38] : memref<1280000xi32, #tpu.memory_space<hbm>> -> memref<4000xi32, #tpu.memory_space<hbm>>
      %dma_wait3A_65 = tpu.memref_slice %arg3[%add3A_38] : memref<1280000xi32, #tpu.memory_space<hbm>> -> memref<4000xi32, #tpu.memory_space<hbm>>
      tpu.wait_dma2 semaphore(%run_scoped3A : memref<!tpu.dma_semaphore, #tpu.memory_space<semaphore_mem>>) src(%dma_wait3A_65 : memref<4000xi32, #tpu.memory_space<hbm>>) dst(%arg7 : memref<4000xi32, #tpu.memory_space<vmem>>)
      tpu.yield
    }) : () -> ()
    %dma_start3A_39 = arith.constant 0 : i32
    %dma_start3A_40 = tpu.memref_slice %arg7[%dma_start3A_39] : memref<4000xi32, #tpu.memory_space<vmem>> -> memref<160xi32, #tpu.memory_space<vmem>>
    %dma_start3A_41 = arith.constant 0 : i32
    %dma_start3A_42 = arith.constant 0 : i32
    %dma_start3A_43 = tpu.memref_slice %arg2[%dma_start3A_41, %dma_start3A_42] : memref<40960x128xf32, #tpu.memory_space<hbm>> -> memref<40960x128xf32, #tpu.memory_space<hbm>>
    tpu.enqueue_indirect_dma source(%dma_start3A_43 : memref<40960x128xf32, #tpu.memory_space<hbm>>) target(%arg9 : memref<160x128xf32, #tpu.memory_space<vmem>>) offsets(%dma_start3A_40 : memref<160xi32, #tpu.memory_space<vmem>>) semaphore(%arg12 : memref<!tpu.dma_semaphore, #tpu.memory_space<semaphore_mem>>)
    %scan3A_44 = arith.constant 0 : i32
    %scan3A_45 = arith.constant 0 : i32
    %scan3A_46 = arith.constant 62 : i32
    %scan3A_47 = arith.addi %scan3A_45, %scan3A_46 : i32
    %scan3A_48 = arith.constant 1 : i32
    scf.for %scan3A_62 = %scan3A_45 to %scan3A_47 step %scan3A_48  : i32 {
      %mul3A_63 = arith.constant 2 : i32
      %mul3A_64 = arith.muli %mul3A_63, %scan3A_62 : i32
      %dma_wait3A_65 = arith.constant 0 : i32
      %dma_wait3A_66 = tpu.memref_slice %arg7[%dma_wait3A_65] : memref<4000xi32, #tpu.memory_space<vmem>> -> memref<160xi32, #tpu.memory_space<vmem>>
      %dma_wait3A_67 = arith.constant 0 : i32
      %dma_wait3A_68 = arith.constant 0 : i32
      %dma_wait3A_69 = tpu.memref_slice %arg2[%dma_wait3A_67, %dma_wait3A_68] : memref<40960x128xf32, #tpu.memory_space<hbm>> -> memref<40960x128xf32, #tpu.memory_space<hbm>>
      tpu.wait_indirect_dma semaphore(%arg12 : memref<!tpu.dma_semaphore, #tpu.memory_space<semaphore_mem>>) src(%dma_wait3A_69 : memref<40960x128xf32, #tpu.memory_space<hbm>>) dst(%arg9 : memref<160x128xf32, #tpu.memory_space<vmem>>)
      %add3A_70 = arith.constant 1 : i32
      %add3A_71 = arith.addi %mul3A_64, %add3A_70 : i32
      %jit3A = arith.constant 25 : i32
      %eq3A = arith.constant 0 : i32
      %eq3A_72 = arith.cmpi eq, %jit3A, %eq3A : i32
      %jit3A_73 = arith.constant 1 : i32
      %select_n3A = arith.select %eq3A_72, %jit3A_73, %jit3A : i32
      %rem3A = arith.remsi %add3A_71, %select_n3A : i32
      %ne3A = arith.constant 0 : i32
      %ne3A_74 = arith.cmpi ne, %rem3A, %ne3A : i32
      %lt3A = arith.constant 0 : i32
      %lt3A_75 = arith.cmpi slt, %rem3A, %lt3A : i32
      %lt3A_76 = arith.constant 0 : i32
      %lt3A_77 = arith.cmpi slt, %select_n3A, %lt3A_76 : i32
      %ne3A_78 = arith.xori %lt3A_75, %lt3A_77 : i1
      %and3A = arith.andi %ne3A_78, %ne3A_74 : i1
      %add3A_79 = arith.addi %rem3A, %select_n3A : i32
      %select_n3A_80 = arith.select %and3A, %add3A_79, %rem3A : i32
      %eq3A_81 = arith.constant 0 : i32
      %eq3A_82 = arith.cmpi eq, %select_n3A_80, %eq3A_81 : i32
      %convert_element_type3A = arith.extui %eq3A_82 : i1 to i32
      %cond3A = arith.constant 0 : i32
      %cond3A_83 = arith.cmpi ne, %convert_element_type3A, %cond3A : i32
      scf.if %cond3A_83 {
        %add3A_168 = arith.constant 1 : i32
        %add3A_169 = arith.addi %mul3A_64, %add3A_168 : i32
        %jit3A_170 = arith.constant 25 : i32
        %div3A = arith.divsi %add3A_169, %jit3A_170 : i32
        %sign3A = arith.constant 0 : i32
        %sign3A_171 = arith.cmpi sgt, %add3A_169, %sign3A : i32
        %sign3A_172 = arith.extui %sign3A_171 : i1 to i32
        %sign3A_173 = arith.constant 0 : i32
        %sign3A_174 = arith.cmpi slt, %add3A_169, %sign3A_173 : i32
        %sign3A_175 = arith.extui %sign3A_174 : i1 to i32
        %sign3A_176 = arith.subi %sign3A_172, %sign3A_175 : i32
        %sign3A_177 = arith.constant 0 : i32
        %sign3A_178 = arith.cmpi sgt, %jit3A_170, %sign3A_177 : i32
        %sign3A_179 = arith.extui %sign3A_178 : i1 to i32
        %sign3A_180 = arith.constant 0 : i32
        %sign3A_181 = arith.cmpi slt, %jit3A_170, %sign3A_180 : i32
        %sign3A_182 = arith.extui %sign3A_181 : i1 to i32
        %sign3A_183 = arith.subi %sign3A_179, %sign3A_182 : i32
        %ne3A_184 = arith.cmpi ne, %sign3A_176, %sign3A_183 : i32
        %rem3A_185 = arith.remsi %add3A_169, %jit3A_170 : i32
        %ne3A_186 = arith.constant 0 : i32
        %ne3A_187 = arith.cmpi ne, %rem3A_185, %ne3A_186 : i32
        %and3A_188 = arith.andi %ne3A_184, %ne3A_187 : i1
        %sub3A = arith.constant 1 : i32
        %sub3A_189 = arith.subi %div3A, %sub3A : i32
        %select_n3A_190 = arith.select %and3A_188, %sub3A_189, %div3A : i32
        %mul3A_191 = arith.constant 320000 : i32
        %mul3A_192 = arith.muli %add3A_30, %mul3A_191 : i32
        %add3A_193 = arith.addi %mul3A_192, %mul3A_33 : i32
        %mul3A_194 = arith.constant 25 : i32
        %mul3A_195 = arith.muli %select_n3A_190, %mul3A_194 : i32
        %mul3A_196 = arith.constant 160 : i32
        %mul3A_197 = arith.muli %mul3A_195, %mul3A_196 : i32
        %add3A_198 = arith.addi %add3A_193, %mul3A_197 : i32
        "tpu.region"() ({
          %run_scoped3A = tpu.sem_alloc : memref<!tpu.dma_semaphore, #tpu.memory_space<semaphore_mem>>
          %dma_start3A_199 = tpu.memref_slice %arg3[%add3A_198] : memref<1280000xi32, #tpu.memory_space<hbm>> -> memref<4000xi32, #tpu.memory_space<hbm>>
          %dma_start3A_200 = tpu.memref_slice %arg3[%add3A_198] : memref<1280000xi32, #tpu.memory_space<hbm>> -> memref<4000xi32, #tpu.memory_space<hbm>>
          tpu.enqueue_dma source(%dma_start3A_200 : memref<4000xi32, #tpu.memory_space<hbm>>) target(%arg7 : memref<4000xi32, #tpu.memory_space<vmem>>) target_semaphore(%run_scoped3A : memref<!tpu.dma_semaphore, #tpu.memory_space<semaphore_mem>>)
          %dma_wait3A_201 = tpu.memref_slice %arg3[%add3A_198] : memref<1280000xi32, #tpu.memory_space<hbm>> -> memref<4000xi32, #tpu.memory_space<hbm>>
          %dma_wait3A_202 = tpu.memref_slice %arg3[%add3A_198] : memref<1280000xi32, #tpu.memory_space<hbm>> -> memref<4000xi32, #tpu.memory_space<hbm>>
          tpu.wait_dma2 semaphore(%run_scoped3A : memref<!tpu.dma_semaphore, #tpu.memory_space<semaphore_mem>>) src(%dma_wait3A_202 : memref<4000xi32, #tpu.memory_space<hbm>>) dst(%arg7 : memref<4000xi32, #tpu.memory_space<vmem>>)
          tpu.yield
        }) : () -> ()
      } else {
      }
      %add3A_84 = arith.constant 1 : i32
      %add3A_85 = arith.addi %mul3A_64, %add3A_84 : i32
      %jit3A_86 = arith.constant 25 : i32
      %eq3A_87 = arith.constant 0 : i32
      %eq3A_88 = arith.cmpi eq, %jit3A_86, %eq3A_87 : i32
      %jit3A_89 = arith.constant 1 : i32
      %select_n3A_90 = arith.select %eq3A_88, %jit3A_89, %jit3A_86 : i32
      %rem3A_91 = arith.remsi %add3A_85, %select_n3A_90 : i32
      %ne3A_92 = arith.constant 0 : i32
      %ne3A_93 = arith.cmpi ne, %rem3A_91, %ne3A_92 : i32
      %lt3A_94 = arith.constant 0 : i32
      %lt3A_95 = arith.cmpi slt, %rem3A_91, %lt3A_94 : i32
      %lt3A_96 = arith.constant 0 : i32
      %lt3A_97 = arith.cmpi slt, %select_n3A_90, %lt3A_96 : i32
      %ne3A_98 = arith.xori %lt3A_95, %lt3A_97 : i1
      %and3A_99 = arith.andi %ne3A_98, %ne3A_93 : i1
      %add3A_100 = arith.addi %rem3A_91, %select_n3A_90 : i32
      %select_n3A_101 = arith.select %and3A_99, %add3A_100, %rem3A_91 : i32
      %mul3A_102 = arith.constant 160 : i32
      %mul3A_103 = arith.muli %select_n3A_101, %mul3A_102 : i32
      %dma_start3A_104 = tpu.memref_slice %arg7[%mul3A_103] : memref<4000xi32, #tpu.memory_space<vmem>> -> memref<160xi32, #tpu.memory_space<vmem>>
      %dma_start3A_105 = arith.constant 0 : i32
      %dma_start3A_106 = arith.constant 0 : i32
      %dma_start3A_107 = tpu.memref_slice %arg2[%dma_start3A_105, %dma_start3A_106] : memref<40960x128xf32, #tpu.memory_space<hbm>> -> memref<40960x128xf32, #tpu.memory_space<hbm>>
      tpu.enqueue_indirect_dma source(%dma_start3A_107 : memref<40960x128xf32, #tpu.memory_space<hbm>>) target(%arg10 : memref<160x128xf32, #tpu.memory_space<vmem>>) offsets(%dma_start3A_104 : memref<160xi32, #tpu.memory_space<vmem>>) semaphore(%arg13 : memref<!tpu.dma_semaphore, #tpu.memory_space<semaphore_mem>>)
      %mul3A_108 = arith.constant 160 : i32
      %mul3A_109 = arith.muli %mul3A_64, %mul3A_108 : i32
      %add3A_110 = arith.addi %mul3A_33, %mul3A_109 : i32
      "tpu.region"() ({
        %run_scoped3A = tpu.sem_alloc : memref<!tpu.dma_semaphore, #tpu.memory_space<semaphore_mem>>
        %dma_start3A_168 = tpu.memref_slice %arg4[%add3A_110] : memref<320000xi32, #tpu.memory_space<hbm>> -> memref<160xi32, #tpu.memory_space<hbm>>
        %dma_start3A_169 = tpu.memref_slice %arg4[%add3A_110] : memref<320000xi32, #tpu.memory_space<hbm>> -> memref<160xi32, #tpu.memory_space<hbm>>
        tpu.enqueue_dma source(%dma_start3A_169 : memref<160xi32, #tpu.memory_space<hbm>>) target(%arg8 : memref<160xi32, #tpu.memory_space<vmem>>) target_semaphore(%run_scoped3A : memref<!tpu.dma_semaphore, #tpu.memory_space<semaphore_mem>>)
        %dma_wait3A_170 = tpu.memref_slice %arg4[%add3A_110] : memref<320000xi32, #tpu.memory_space<hbm>> -> memref<160xi32, #tpu.memory_space<hbm>>
        %dma_wait3A_171 = tpu.memref_slice %arg4[%add3A_110] : memref<320000xi32, #tpu.memory_space<hbm>> -> memref<160xi32, #tpu.memory_space<hbm>>
        tpu.wait_dma2 semaphore(%run_scoped3A : memref<!tpu.dma_semaphore, #tpu.memory_space<semaphore_mem>>) src(%dma_wait3A_171 : memref<160xi32, #tpu.memory_space<hbm>>) dst(%arg8 : memref<160xi32, #tpu.memory_space<vmem>>)
        tpu.yield
      }) : () -> ()
      "tpu.region"() ({
        %run_scoped3A = tpu.sem_alloc : memref<!tpu.dma_semaphore, #tpu.memory_space<semaphore_mem>>
        %dma_start3A_168 = arith.constant 0 : i32
        %dma_start3A_169 = arith.constant 0 : i32
        %dma_start3A_170 = tpu.memref_slice %arg11[%dma_start3A_168, %dma_start3A_169] : memref<10240x128xf32, #tpu.memory_space<vmem_shared>> -> memref<10240x128xf32, #tpu.memory_space<vmem_shared>>
        tpu.enqueue_indirect_dma source(%arg9 : memref<160x128xf32, #tpu.memory_space<vmem>>) target(%dma_start3A_170 : memref<10240x128xf32, #tpu.memory_space<vmem_shared>>) offsets(%arg8 : memref<160xi32, #tpu.memory_space<vmem>>) semaphore(%run_scoped3A : memref<!tpu.dma_semaphore, #tpu.memory_space<semaphore_mem>>) {add = true}
        %dma_wait3A_171 = arith.constant 0 : i32
        %dma_wait3A_172 = arith.constant 0 : i32
        %dma_wait3A_173 = tpu.memref_slice %arg11[%dma_wait3A_171, %dma_wait3A_172] : memref<10240x128xf32, #tpu.memory_space<vmem_shared>> -> memref<10240x128xf32, #tpu.memory_space<vmem_shared>>
        tpu.wait_indirect_dma semaphore(%run_scoped3A : memref<!tpu.dma_semaphore, #tpu.memory_space<semaphore_mem>>) src(%arg9 : memref<160x128xf32, #tpu.memory_space<vmem>>) dst(%dma_wait3A_173 : memref<10240x128xf32, #tpu.memory_space<vmem_shared>>)
        tpu.yield
      }) : () -> ()
      %dma_wait3A_111 = arith.constant 0 : i32
      %dma_wait3A_112 = tpu.memref_slice %arg7[%dma_wait3A_111] : memref<4000xi32, #tpu.memory_space<vmem>> -> memref<160xi32, #tpu.memory_space<vmem>>
      %dma_wait3A_113 = arith.constant 0 : i32
      %dma_wait3A_114 = arith.constant 0 : i32
      %dma_wait3A_115 = tpu.memref_slice %arg2[%dma_wait3A_113, %dma_wait3A_114] : memref<40960x128xf32, #tpu.memory_space<hbm>> -> memref<40960x128xf32, #tpu.memory_space<hbm>>
      tpu.wait_indirect_dma semaphore(%arg13 : memref<!tpu.dma_semaphore, #tpu.memory_space<semaphore_mem>>) src(%dma_wait3A_115 : memref<40960x128xf32, #tpu.memory_space<hbm>>) dst(%arg10 : memref<160x128xf32, #tpu.memory_space<vmem>>)
      %add3A_116 = arith.constant 2 : i32
      %add3A_117 = arith.addi %mul3A_64, %add3A_116 : i32
      %jit3A_118 = arith.constant 25 : i32
      %eq3A_119 = arith.constant 0 : i32
      %eq3A_120 = arith.cmpi eq, %jit3A_118, %eq3A_119 : i32
      %jit3A_121 = arith.constant 1 : i32
      %select_n3A_122 = arith.select %eq3A_120, %jit3A_121, %jit3A_118 : i32
      %rem3A_123 = arith.remsi %add3A_117, %select_n3A_122 : i32
      %ne3A_124 = arith.constant 0 : i32
      %ne3A_125 = arith.cmpi ne, %rem3A_123, %ne3A_124 : i32
      %lt3A_126 = arith.constant 0 : i32
      %lt3A_127 = arith.cmpi slt, %rem3A_123, %lt3A_126 : i32
      %lt3A_128 = arith.constant 0 : i32
      %lt3A_129 = arith.cmpi slt, %select_n3A_122, %lt3A_128 : i32
      %ne3A_130 = arith.xori %lt3A_127, %lt3A_129 : i1
      %and3A_131 = arith.andi %ne3A_130, %ne3A_125 : i1
      %add3A_132 = arith.addi %rem3A_123, %select_n3A_122 : i32
      %select_n3A_133 = arith.select %and3A_131, %add3A_132, %rem3A_123 : i32
      %eq3A_134 = arith.constant 0 : i32
      %eq3A_135 = arith.cmpi eq, %select_n3A_133, %eq3A_134 : i32
      %convert_element_type3A_136 = arith.extui %eq3A_135 : i1 to i32
      %cond3A_137 = arith.constant 0 : i32
      %cond3A_138 = arith.cmpi ne, %convert_element_type3A_136, %cond3A_137 : i32
      scf.if %cond3A_138 {
        %add3A_168 = arith.constant 2 : i32
        %add3A_169 = arith.addi %mul3A_64, %add3A_168 : i32
        %jit3A_170 = arith.constant 25 : i32
        %div3A = arith.divsi %add3A_169, %jit3A_170 : i32
        %sign3A = arith.constant 0 : i32
        %sign3A_171 = arith.cmpi sgt, %add3A_169, %sign3A : i32
        %sign3A_172 = arith.extui %sign3A_171 : i1 to i32
        %sign3A_173 = arith.constant 0 : i32
        %sign3A_174 = arith.cmpi slt, %add3A_169, %sign3A_173 : i32
        %sign3A_175 = arith.extui %sign3A_174 : i1 to i32
        %sign3A_176 = arith.subi %sign3A_172, %sign3A_175 : i32
        %sign3A_177 = arith.constant 0 : i32
        %sign3A_178 = arith.cmpi sgt, %jit3A_170, %sign3A_177 : i32
        %sign3A_179 = arith.extui %sign3A_178 : i1 to i32
        %sign3A_180 = arith.constant 0 : i32
        %sign3A_181 = arith.cmpi slt, %jit3A_170, %sign3A_180 : i32
        %sign3A_182 = arith.extui %sign3A_181 : i1 to i32
        %sign3A_183 = arith.subi %sign3A_179, %sign3A_182 : i32
        %ne3A_184 = arith.cmpi ne, %sign3A_176, %sign3A_183 : i32
        %rem3A_185 = arith.remsi %add3A_169, %jit3A_170 : i32
        %ne3A_186 = arith.constant 0 : i32
        %ne3A_187 = arith.cmpi ne, %rem3A_185, %ne3A_186 : i32
        %and3A_188 = arith.andi %ne3A_184, %ne3A_187 : i1
        %sub3A = arith.constant 1 : i32
        %sub3A_189 = arith.subi %div3A, %sub3A : i32
        %select_n3A_190 = arith.select %and3A_188, %sub3A_189, %div3A : i32
        %mul3A_191 = arith.constant 320000 : i32
        %mul3A_192 = arith.muli %add3A_30, %mul3A_191 : i32
        %add3A_193 = arith.addi %mul3A_192, %mul3A_33 : i32
        %mul3A_194 = arith.constant 25 : i32
        %mul3A_195 = arith.muli %select_n3A_190, %mul3A_194 : i32
        %mul3A_196 = arith.constant 160 : i32
        %mul3A_197 = arith.muli %mul3A_195, %mul3A_196 : i32
        %add3A_198 = arith.addi %add3A_193, %mul3A_197 : i32
        "tpu.region"() ({
          %run_scoped3A = tpu.sem_alloc : memref<!tpu.dma_semaphore, #tpu.memory_space<semaphore_mem>>
          %dma_start3A_199 = tpu.memref_slice %arg3[%add3A_198] : memref<1280000xi32, #tpu.memory_space<hbm>> -> memref<4000xi32, #tpu.memory_space<hbm>>
          %dma_start3A_200 = tpu.memref_slice %arg3[%add3A_198] : memref<1280000xi32, #tpu.memory_space<hbm>> -> memref<4000xi32, #tpu.memory_space<hbm>>
          tpu.enqueue_dma source(%dma_start3A_200 : memref<4000xi32, #tpu.memory_space<hbm>>) target(%arg7 : memref<4000xi32, #tpu.memory_space<vmem>>) target_semaphore(%run_scoped3A : memref<!tpu.dma_semaphore, #tpu.memory_space<semaphore_mem>>)
          %dma_wait3A_201 = tpu.memref_slice %arg3[%add3A_198] : memref<1280000xi32, #tpu.memory_space<hbm>> -> memref<4000xi32, #tpu.memory_space<hbm>>
          %dma_wait3A_202 = tpu.memref_slice %arg3[%add3A_198] : memref<1280000xi32, #tpu.memory_space<hbm>> -> memref<4000xi32, #tpu.memory_space<hbm>>
          tpu.wait_dma2 semaphore(%run_scoped3A : memref<!tpu.dma_semaphore, #tpu.memory_space<semaphore_mem>>) src(%dma_wait3A_202 : memref<4000xi32, #tpu.memory_space<hbm>>) dst(%arg7 : memref<4000xi32, #tpu.memory_space<vmem>>)
          tpu.yield
        }) : () -> ()
      } else {
      }
      %add3A_139 = arith.constant 2 : i32
      %add3A_140 = arith.addi %mul3A_64, %add3A_139 : i32
      %jit3A_141 = arith.constant 25 : i32
      %eq3A_142 = arith.constant 0 : i32
      %eq3A_143 = arith.cmpi eq, %jit3A_141, %eq3A_142 : i32
      %jit3A_144 = arith.constant 1 : i32
      %select_n3A_145 = arith.select %eq3A_143, %jit3A_144, %jit3A_141 : i32
      %rem3A_146 = arith.remsi %add3A_140, %select_n3A_145 : i32
      %ne3A_147 = arith.constant 0 : i32
      %ne3A_148 = arith.cmpi ne, %rem3A_146, %ne3A_147 : i32
      %lt3A_149 = arith.constant 0 : i32
      %lt3A_150 = arith.cmpi slt, %rem3A_146, %lt3A_149 : i32
      %lt3A_151 = arith.constant 0 : i32
      %lt3A_152 = arith.cmpi slt, %select_n3A_145, %lt3A_151 : i32
      %ne3A_153 = arith.xori %lt3A_150, %lt3A_152 : i1
      %and3A_154 = arith.andi %ne3A_153, %ne3A_148 : i1
      %add3A_155 = arith.addi %rem3A_146, %select_n3A_145 : i32
      %select_n3A_156 = arith.select %and3A_154, %add3A_155, %rem3A_146 : i32
      %mul3A_157 = arith.constant 160 : i32
      %mul3A_158 = arith.muli %select_n3A_156, %mul3A_157 : i32
      %dma_start3A_159 = tpu.memref_slice %arg7[%mul3A_158] : memref<4000xi32, #tpu.memory_space<vmem>> -> memref<160xi32, #tpu.memory_space<vmem>>
      %dma_start3A_160 = arith.constant 0 : i32
      %dma_start3A_161 = arith.constant 0 : i32
      %dma_start3A_162 = tpu.memref_slice %arg2[%dma_start3A_160, %dma_start3A_161] : memref<40960x128xf32, #tpu.memory_space<hbm>> -> memref<40960x128xf32, #tpu.memory_space<hbm>>
      tpu.enqueue_indirect_dma source(%dma_start3A_162 : memref<40960x128xf32, #tpu.memory_space<hbm>>) target(%arg9 : memref<160x128xf32, #tpu.memory_space<vmem>>) offsets(%dma_start3A_159 : memref<160xi32, #tpu.memory_space<vmem>>) semaphore(%arg12 : memref<!tpu.dma_semaphore, #tpu.memory_space<semaphore_mem>>)
      %add3A_163 = arith.constant 1 : i32
      %add3A_164 = arith.addi %mul3A_64, %add3A_163 : i32
      %mul3A_165 = arith.constant 160 : i32
      %mul3A_166 = arith.muli %add3A_164, %mul3A_165 : i32
      %add3A_167 = arith.addi %mul3A_33, %mul3A_166 : i32
      "tpu.region"() ({
        %run_scoped3A = tpu.sem_alloc : memref<!tpu.dma_semaphore, #tpu.memory_space<semaphore_mem>>
        %dma_start3A_168 = tpu.memref_slice %arg4[%add3A_167] : memref<320000xi32, #tpu.memory_space<hbm>> -> memref<160xi32, #tpu.memory_space<hbm>>
        %dma_start3A_169 = tpu.memref_slice %arg4[%add3A_167] : memref<320000xi32, #tpu.memory_space<hbm>> -> memref<160xi32, #tpu.memory_space<hbm>>
        tpu.enqueue_dma source(%dma_start3A_169 : memref<160xi32, #tpu.memory_space<hbm>>) target(%arg8 : memref<160xi32, #tpu.memory_space<vmem>>) target_semaphore(%run_scoped3A : memref<!tpu.dma_semaphore, #tpu.memory_space<semaphore_mem>>)
        %dma_wait3A_170 = tpu.memref_slice %arg4[%add3A_167] : memref<320000xi32, #tpu.memory_space<hbm>> -> memref<160xi32, #tpu.memory_space<hbm>>
        %dma_wait3A_171 = tpu.memref_slice %arg4[%add3A_167] : memref<320000xi32, #tpu.memory_space<hbm>> -> memref<160xi32, #tpu.memory_space<hbm>>
        tpu.wait_dma2 semaphore(%run_scoped3A : memref<!tpu.dma_semaphore, #tpu.memory_space<semaphore_mem>>) src(%dma_wait3A_171 : memref<160xi32, #tpu.memory_space<hbm>>) dst(%arg8 : memref<160xi32, #tpu.memory_space<vmem>>)
        tpu.yield
      }) : () -> ()
      "tpu.region"() ({
        %run_scoped3A = tpu.sem_alloc : memref<!tpu.dma_semaphore, #tpu.memory_space<semaphore_mem>>
        %dma_start3A_168 = arith.constant 0 : i32
        %dma_start3A_169 = arith.constant 0 : i32
        %dma_start3A_170 = tpu.memref_slice %arg11[%dma_start3A_168, %dma_start3A_169] : memref<10240x128xf32, #tpu.memory_space<vmem_shared>> -> memref<10240x128xf32, #tpu.memory_space<vmem_shared>>
        tpu.enqueue_indirect_dma source(%arg10 : memref<160x128xf32, #tpu.memory_space<vmem>>) target(%dma_start3A_170 : memref<10240x128xf32, #tpu.memory_space<vmem_shared>>) offsets(%arg8 : memref<160xi32, #tpu.memory_space<vmem>>) semaphore(%run_scoped3A : memref<!tpu.dma_semaphore, #tpu.memory_space<semaphore_mem>>) {add = true}
        %dma_wait3A_171 = arith.constant 0 : i32
        %dma_wait3A_172 = arith.constant 0 : i32
        %dma_wait3A_173 = tpu.memref_slice %arg11[%dma_wait3A_171, %dma_wait3A_172] : memref<10240x128xf32, #tpu.memory_space<vmem_shared>> -> memref<10240x128xf32, #tpu.memory_space<vmem_shared>>
        tpu.wait_indirect_dma semaphore(%run_scoped3A : memref<!tpu.dma_semaphore, #tpu.memory_space<semaphore_mem>>) src(%arg10 : memref<160x128xf32, #tpu.memory_space<vmem>>) dst(%dma_wait3A_173 : memref<10240x128xf32, #tpu.memory_space<vmem_shared>>)
        tpu.yield
      }) : () -> ()
    }
    %scan3A_49 = arith.constant 62 : i32
    %dma_wait3A_50 = arith.constant 0 : i32
    %dma_wait3A_51 = tpu.memref_slice %arg7[%dma_wait3A_50] : memref<4000xi32, #tpu.memory_space<vmem>> -> memref<160xi32, #tpu.memory_space<vmem>>
    %dma_wait3A_52 = arith.constant 0 : i32
    %dma_wait3A_53 = arith.constant 0 : i32
    %dma_wait3A_54 = tpu.memref_slice %arg2[%dma_wait3A_52, %dma_wait3A_53] : memref<40960x128xf32, #tpu.memory_space<hbm>> -> memref<40960x128xf32, #tpu.memory_space<hbm>>
    tpu.wait_indirect_dma semaphore(%arg12 : memref<!tpu.dma_semaphore, #tpu.memory_space<semaphore_mem>>) src(%dma_wait3A_54 : memref<40960x128xf32, #tpu.memory_space<hbm>>) dst(%arg9 : memref<160x128xf32, #tpu.memory_space<vmem>>)
    %add3A_55 = arith.constant 19840 : i32
    %add3A_56 = arith.addi %mul3A_33, %add3A_55 : i32
    "tpu.region"() ({
      %run_scoped3A = tpu.sem_alloc : memref<!tpu.dma_semaphore, #tpu.memory_space<semaphore_mem>>
      %dma_start3A_62 = tpu.memref_slice %arg4[%add3A_56] : memref<320000xi32, #tpu.memory_space<hbm>> -> memref<160xi32, #tpu.memory_space<hbm>>
      %dma_start3A_63 = tpu.memref_slice %arg4[%add3A_56] : memref<320000xi32, #tpu.memory_space<hbm>> -> memref<160xi32, #tpu.memory_space<hbm>>
      tpu.enqueue_dma source(%dma_start3A_63 : memref<160xi32, #tpu.memory_space<hbm>>) target(%arg8 : memref<160xi32, #tpu.memory_space<vmem>>) target_semaphore(%run_scoped3A : memref<!tpu.dma_semaphore, #tpu.memory_space<semaphore_mem>>)
      %dma_wait3A_64 = tpu.memref_slice %arg4[%add3A_56] : memref<320000xi32, #tpu.memory_space<hbm>> -> memref<160xi32, #tpu.memory_space<hbm>>
      %dma_wait3A_65 = tpu.memref_slice %arg4[%add3A_56] : memref<320000xi32, #tpu.memory_space<hbm>> -> memref<160xi32, #tpu.memory_space<hbm>>
      tpu.wait_dma2 semaphore(%run_scoped3A : memref<!tpu.dma_semaphore, #tpu.memory_space<semaphore_mem>>) src(%dma_wait3A_65 : memref<160xi32, #tpu.memory_space<hbm>>) dst(%arg8 : memref<160xi32, #tpu.memory_space<vmem>>)
      tpu.yield
    }) : () -> ()
    "tpu.region"() ({
      %run_scoped3A = tpu.sem_alloc : memref<!tpu.dma_semaphore, #tpu.memory_space<semaphore_mem>>
      %dma_start3A_62 = arith.constant 0 : i32
      %dma_start3A_63 = arith.constant 0 : i32
      %dma_start3A_64 = tpu.memref_slice %arg11[%dma_start3A_62, %dma_start3A_63] : memref<10240x128xf32, #tpu.memory_space<vmem_shared>> -> memref<10240x128xf32, #tpu.memory_space<vmem_shared>>
      tpu.enqueue_indirect_dma source(%arg9 : memref<160x128xf32, #tpu.memory_space<vmem>>) target(%dma_start3A_64 : memref<10240x128xf32, #tpu.memory_space<vmem_shared>>) offsets(%arg8 : memref<160xi32, #tpu.memory_space<vmem>>) semaphore(%run_scoped3A : memref<!tpu.dma_semaphore, #tpu.memory_space<semaphore_mem>>) {add = true}
      %dma_wait3A_65 = arith.constant 0 : i32
      %dma_wait3A_66 = arith.constant 0 : i32
      %dma_wait3A_67 = tpu.memref_slice %arg11[%dma_wait3A_65, %dma_wait3A_66] : memref<10240x128xf32, #tpu.memory_space<vmem_shared>> -> memref<10240x128xf32, #tpu.memory_space<vmem_shared>>
      tpu.wait_indirect_dma semaphore(%run_scoped3A : memref<!tpu.dma_semaphore, #tpu.memory_space<semaphore_mem>>) src(%arg9 : memref<160x128xf32, #tpu.memory_space<vmem>>) dst(%dma_wait3A_67 : memref<10240x128xf32, #tpu.memory_space<vmem_shared>>)
      tpu.yield
    }) : () -> ()
    %barrier3A_57 = arith.constant 0 : index
    tpu.barrier barrier_id(%barrier3A_57)
    %mul3A_58 = arith.constant 10240 : i32
    %mul3A_59 = arith.muli %add3A_30, %mul3A_58 : i32
    %add3A_60 = arith.addi %mul3A_59, %mul3A_0 : i32
    "tpu.region"() ({
      %run_scoped3A = tpu.sem_alloc : memref<!tpu.dma_semaphore, #tpu.memory_space<semaphore_mem>>
      %dma_start3A_62 = arith.constant 0 : i32
      %dma_start3A_63 = tpu.memref_slice %arg6[%add3A_60, %dma_start3A_62] : memref<40960x128xf32, #tpu.memory_space<hbm>> -> memref<640x128xf32, #tpu.memory_space<hbm>>
      %dma_start3A_64 = arith.constant 0 : i32
      %dma_start3A_65 = tpu.memref_slice %arg11[%mul3A_0, %dma_start3A_64] : memref<10240x128xf32, #tpu.memory_space<vmem_shared>> -> memref<640x128xf32, #tpu.memory_space<vmem_shared>>
      tpu.enqueue_dma source(%dma_start3A_65 : memref<640x128xf32, #tpu.memory_space<vmem_shared>>) target(%dma_start3A_63 : memref<640x128xf32, #tpu.memory_space<hbm>>) target_semaphore(%run_scoped3A : memref<!tpu.dma_semaphore, #tpu.memory_space<semaphore_mem>>)
      %dma_wait3A_66 = arith.constant 0 : i32
      %dma_wait3A_67 = tpu.memref_slice %arg6[%add3A_60, %dma_wait3A_66] : memref<40960x128xf32, #tpu.memory_space<hbm>> -> memref<640x128xf32, #tpu.memory_space<hbm>>
      %dma_wait3A_68 = arith.constant 0 : i32
      %dma_wait3A_69 = tpu.memref_slice %arg11[%mul3A_0, %dma_wait3A_68] : memref<10240x128xf32, #tpu.memory_space<vmem_shared>> -> memref<640x128xf32, #tpu.memory_space<vmem_shared>>
      tpu.wait_dma2 semaphore(%run_scoped3A : memref<!tpu.dma_semaphore, #tpu.memory_space<semaphore_mem>>) src(%dma_wait3A_69 : memref<640x128xf32, #tpu.memory_space<vmem_shared>>) dst(%dma_wait3A_67 : memref<640x128xf32, #tpu.memory_space<hbm>>)
      tpu.yield
    }) : () -> ()
    %barrier3A_61 = arith.constant 0 : index
    tpu.barrier barrier_id(%barrier3A_61)
    return
  }
}

#map = affine_map<(d0, d1) -> (0)>
#map1 = affine_map<(d0, d1) -> (0, 0)>
module attributes {stable_mosaic.version = 14 : i64} {
  func.func @_scalar_pass_body(%arg0: i32, %arg1: i32, %arg2: memref<320000xi32, #tpu.memory_space<hbm>>, %arg3: memref<320000xi32, #tpu.memory_space<hbm>>, %arg4: memref<10240xf32, #tpu.memory_space<hbm>>, %arg5: memref<10240xf32, #tpu.memory_space<hbm>>, %arg6: memref<2x10240xf32, #tpu.memory_space<hbm>>, %arg7: memref<320000xi32, #tpu.memory_space<hbm>>, %arg8: memref<10240xf32, #tpu.memory_space<vmem>>, %arg9: memref<10000xi32, #tpu.memory_space<vmem>>, %arg10: memref<10000xi32, #tpu.memory_space<vmem>>, %arg11: memref<10000xf32, #tpu.memory_space<vmem>>, %arg12: memref<10000xi32, #tpu.memory_space<vmem>>, %arg13: memref<10240xf32, #tpu.memory_space<vmem_shared>>) attributes {dimension_semantics = [#tpu.dimension_semantics<core_parallel>, #tpu.dimension_semantics<subcore_parallel>], iteration_bounds = array<i64: 2, 16>, scalar_prefetch = 0 : i64, scratch_operands = 6 : i64, tpu.core_type = #tpu.core_type<sc_vector_subcore>, window_params = [{transform_indices = #map}, {transform_indices = #map}, {transform_indices = #map}, {transform_indices = #map}, {transform_indices = #map1}, {transform_indices = #map}]} {
    %mul3A = arith.constant 2 : i32
    %mul3A_0 = arith.muli %arg1, %mul3A : i32
    %add3A = arith.addi %mul3A_0, %arg0 : i32
    %mul3A_1 = arith.constant 640 : i32
    %mul3A_2 = arith.muli %arg1, %mul3A_1 : i32
    "tpu.region"() ({
      %run_scoped3A = tpu.sem_alloc : memref<!tpu.dma_semaphore, #tpu.memory_space<semaphore_mem>>
      tpu.enqueue_dma source(%arg4 : memref<10240xf32, #tpu.memory_space<hbm>>) target(%arg8 : memref<10240xf32, #tpu.memory_space<vmem>>) target_semaphore(%run_scoped3A : memref<!tpu.dma_semaphore, #tpu.memory_space<semaphore_mem>>)
      tpu.wait_dma2 semaphore(%run_scoped3A : memref<!tpu.dma_semaphore, #tpu.memory_space<semaphore_mem>>) src(%arg4 : memref<10240xf32, #tpu.memory_space<hbm>>) dst(%arg8 : memref<10240xf32, #tpu.memory_space<vmem>>)
      tpu.yield
    }) : () -> ()
    "tpu.region"() ({
      %run_scoped3A = tpu.sem_alloc : memref<!tpu.dma_semaphore, #tpu.memory_space<semaphore_mem>>
      %dma_start3A = tpu.memref_slice %arg13[%mul3A_2] : memref<10240xf32, #tpu.memory_space<vmem_shared>> -> memref<640xf32, #tpu.memory_space<vmem_shared>>
      %dma_start3A_11 = tpu.memref_slice %arg5[%mul3A_2] : memref<10240xf32, #tpu.memory_space<hbm>> -> memref<640xf32, #tpu.memory_space<hbm>>
      tpu.enqueue_dma source(%dma_start3A_11 : memref<640xf32, #tpu.memory_space<hbm>>) target(%dma_start3A : memref<640xf32, #tpu.memory_space<vmem_shared>>) target_semaphore(%run_scoped3A : memref<!tpu.dma_semaphore, #tpu.memory_space<semaphore_mem>>)
      %dma_wait3A = tpu.memref_slice %arg13[%mul3A_2] : memref<10240xf32, #tpu.memory_space<vmem_shared>> -> memref<640xf32, #tpu.memory_space<vmem_shared>>
      %dma_wait3A_12 = tpu.memref_slice %arg5[%mul3A_2] : memref<10240xf32, #tpu.memory_space<hbm>> -> memref<640xf32, #tpu.memory_space<hbm>>
      tpu.wait_dma2 semaphore(%run_scoped3A : memref<!tpu.dma_semaphore, #tpu.memory_space<semaphore_mem>>) src(%dma_wait3A_12 : memref<640xf32, #tpu.memory_space<hbm>>) dst(%dma_wait3A : memref<640xf32, #tpu.memory_space<vmem_shared>>)
      tpu.yield
    }) : () -> ()
    %mul3A_3 = arith.constant 10000 : i32
    %mul3A_4 = arith.muli %add3A, %mul3A_3 : i32
    "tpu.region"() ({
      %run_scoped3A = tpu.sem_alloc : memref<!tpu.dma_semaphore, #tpu.memory_space<semaphore_mem>>
      %dma_start3A = tpu.memref_slice %arg2[%mul3A_4] : memref<320000xi32, #tpu.memory_space<hbm>> -> memref<10000xi32, #tpu.memory_space<hbm>>
      %dma_start3A_11 = tpu.memref_slice %arg2[%mul3A_4] : memref<320000xi32, #tpu.memory_space<hbm>> -> memref<10000xi32, #tpu.memory_space<hbm>>
      tpu.enqueue_dma source(%dma_start3A_11 : memref<10000xi32, #tpu.memory_space<hbm>>) target(%arg9 : memref<10000xi32, #tpu.memory_space<vmem>>) target_semaphore(%run_scoped3A : memref<!tpu.dma_semaphore, #tpu.memory_space<semaphore_mem>>)
      %dma_wait3A = tpu.memref_slice %arg2[%mul3A_4] : memref<320000xi32, #tpu.memory_space<hbm>> -> memref<10000xi32, #tpu.memory_space<hbm>>
      %dma_wait3A_12 = tpu.memref_slice %arg2[%mul3A_4] : memref<320000xi32, #tpu.memory_space<hbm>> -> memref<10000xi32, #tpu.memory_space<hbm>>
      tpu.wait_dma2 semaphore(%run_scoped3A : memref<!tpu.dma_semaphore, #tpu.memory_space<semaphore_mem>>) src(%dma_wait3A_12 : memref<10000xi32, #tpu.memory_space<hbm>>) dst(%arg9 : memref<10000xi32, #tpu.memory_space<vmem>>)
      tpu.yield
    }) : () -> ()
    "tpu.region"() ({
      %run_scoped3A = tpu.sem_alloc : memref<!tpu.dma_semaphore, #tpu.memory_space<semaphore_mem>>
      %dma_start3A = tpu.memref_slice %arg3[%mul3A_4] : memref<320000xi32, #tpu.memory_space<hbm>> -> memref<10000xi32, #tpu.memory_space<hbm>>
      %dma_start3A_11 = tpu.memref_slice %arg3[%mul3A_4] : memref<320000xi32, #tpu.memory_space<hbm>> -> memref<10000xi32, #tpu.memory_space<hbm>>
      tpu.enqueue_dma source(%dma_start3A_11 : memref<10000xi32, #tpu.memory_space<hbm>>) target(%arg10 : memref<10000xi32, #tpu.memory_space<vmem>>) target_semaphore(%run_scoped3A : memref<!tpu.dma_semaphore, #tpu.memory_space<semaphore_mem>>)
      %dma_wait3A = tpu.memref_slice %arg3[%mul3A_4] : memref<320000xi32, #tpu.memory_space<hbm>> -> memref<10000xi32, #tpu.memory_space<hbm>>
      %dma_wait3A_12 = tpu.memref_slice %arg3[%mul3A_4] : memref<320000xi32, #tpu.memory_space<hbm>> -> memref<10000xi32, #tpu.memory_space<hbm>>
      tpu.wait_dma2 semaphore(%run_scoped3A : memref<!tpu.dma_semaphore, #tpu.memory_space<semaphore_mem>>) src(%dma_wait3A_12 : memref<10000xi32, #tpu.memory_space<hbm>>) dst(%arg10 : memref<10000xi32, #tpu.memory_space<vmem>>)
      tpu.yield
    }) : () -> ()
    %scan3A = arith.constant 0 : i32
    %scan3A_5 = arith.constant 0 : i32
    %scan3A_6 = arith.constant 625 : i32
    %scan3A_7 = arith.addi %scan3A_5, %scan3A_6 : i32
    %scan3A_8 = arith.constant 1 : i32
    scf.for %scan3A_11 = %scan3A_5 to %scan3A_7 step %scan3A_8  : i32 {
      %mul3A_12 = arith.constant 16 : i32
      %mul3A_13 = arith.muli %scan3A_11, %mul3A_12 : i32
      %get3A = arith.index_cast %mul3A_13 : i32 to index
      %get3A_14 = tpu.vector_load %arg9[%get3A] {strides = array<i32>} : memref<10000xi32, #tpu.memory_space<vmem>>, vector<16xi32>,
      %mul3A_15 = arith.constant 16 : i32
      %mul3A_16 = arith.muli %scan3A_11, %mul3A_15 : i32
      %get3A_17 = arith.index_cast %mul3A_16 : i32 to index
      %get3A_18 = tpu.vector_load %arg10[%get3A_17] {strides = array<i32>} : memref<10000xi32, #tpu.memory_space<vmem>>, vector<16xi32>,
      %gather3A = tpu.vector_load_idx %arg8[%get3A_14] : memref<10240xf32, #tpu.memory_space<vmem>>[vector<16xi32>], vector<16xf32>,
      %gather3A_19 = tpu.vector_load_idx %arg8[%get3A_18] : memref<10240xf32, #tpu.memory_space<vmem>>[vector<16xi32>], vector<16xf32>,
      %mul3A_20 = arith.mulf %gather3A, %gather3A_19 : vector<16xf32>
      %mul3A_21 = arith.constant 16 : i32
      %mul3A_22 = arith.muli %scan3A_11, %mul3A_21 : i32
      %swap3A = arith.index_cast %mul3A_22 : i32 to index
      %swap3A_23 = tpu.vector_load %arg11[%swap3A] {strides = array<i32>} : memref<10000xf32, #tpu.memory_space<vmem>>, vector<16xf32>,
      tpu.vector_store %arg11[%swap3A], %mul3A_20 {strides = array<i32>} : memref<10000xf32, #tpu.memory_space<vmem>>, vector<16xf32>,
      %gt3A = arith.constant 0.000000e+00 : f32
      %gt3A_24 = vector.broadcast %gt3A : f32 to vector<16xf32>
      %gt3A_25 = arith.cmpf ogt, %mul3A_20, %gt3A_24 : vector<16xf32>
      %and3A = arith.constant 127 : i32
      %and3A_26 = vector.broadcast %and3A : i32 to vector<16xi32>
      %and3A_27 = arith.andi %get3A_18, %and3A_26 : vector<16xi32>
      %add3A_28 = arith.constant 10000 : i32
      %add3A_29 = vector.broadcast %add3A_28 : i32 to vector<16xi32>
      %add3A_30 = arith.addi %add3A_29, %and3A_27 : vector<16xi32>
      %select_n3A = arith.select %gt3A_25, %get3A_18, %add3A_30 : vector<16xi1>, vector<16xi32>
      %mul3A_31 = arith.constant 16 : i32
      %mul3A_32 = arith.muli %scan3A_11, %mul3A_31 : i32
      %swap3A_33 = arith.index_cast %mul3A_32 : i32 to index
      %swap3A_34 = tpu.vector_load %arg12[%swap3A_33] {strides = array<i32>} : memref<10000xi32, #tpu.memory_space<vmem>>, vector<16xi32>,
      tpu.vector_store %arg12[%swap3A_33], %select_n3A {strides = array<i32>} : memref<10000xi32, #tpu.memory_space<vmem>>, vector<16xi32>,
    }
    %scan3A_9 = arith.constant 625 : i32
    %barrier3A = arith.constant 0 : index
    tpu.barrier barrier_id(%barrier3A)
    "tpu.region"() ({
      %run_scoped3A = tpu.sem_alloc : memref<!tpu.dma_semaphore, #tpu.memory_space<semaphore_mem>>
      %dma_start3A = arith.constant 0 : i32
      %dma_start3A_11 = tpu.memref_slice %arg13[%dma_start3A] : memref<10240xf32, #tpu.memory_space<vmem_shared>> -> memref<10240xf32, #tpu.memory_space<vmem_shared>>
      tpu.enqueue_indirect_dma source(%arg11 : memref<10000xf32, #tpu.memory_space<vmem>>) target(%dma_start3A_11 : memref<10240xf32, #tpu.memory_space<vmem_shared>>) offsets(%arg12 : memref<10000xi32, #tpu.memory_space<vmem>>) semaphore(%run_scoped3A : memref<!tpu.dma_semaphore, #tpu.memory_space<semaphore_mem>>) {add = true}
      %dma_wait3A = arith.constant 0 : i32
      %dma_wait3A_12 = tpu.memref_slice %arg13[%dma_wait3A] : memref<10240xf32, #tpu.memory_space<vmem_shared>> -> memref<10240xf32, #tpu.memory_space<vmem_shared>>
      tpu.wait_indirect_dma semaphore(%run_scoped3A : memref<!tpu.dma_semaphore, #tpu.memory_space<semaphore_mem>>) src(%arg11 : memref<10000xf32, #tpu.memory_space<vmem>>) dst(%dma_wait3A_12 : memref<10240xf32, #tpu.memory_space<vmem_shared>>)
      tpu.yield
    }) : () -> ()
    "tpu.region"() ({
      %run_scoped3A = tpu.sem_alloc : memref<!tpu.dma_semaphore, #tpu.memory_space<semaphore_mem>>
      %dma_start3A = tpu.memref_slice %arg7[%mul3A_4] : memref<320000xi32, #tpu.memory_space<hbm>> -> memref<10000xi32, #tpu.memory_space<hbm>>
      %dma_start3A_11 = tpu.memref_slice %arg7[%mul3A_4] : memref<320000xi32, #tpu.memory_space<hbm>> -> memref<10000xi32, #tpu.memory_space<hbm>>
      tpu.enqueue_dma source(%arg12 : memref<10000xi32, #tpu.memory_space<vmem>>) target(%dma_start3A_11 : memref<10000xi32, #tpu.memory_space<hbm>>) target_semaphore(%run_scoped3A : memref<!tpu.dma_semaphore, #tpu.memory_space<semaphore_mem>>)
      %dma_wait3A = tpu.memref_slice %arg7[%mul3A_4] : memref<320000xi32, #tpu.memory_space<hbm>> -> memref<10000xi32, #tpu.memory_space<hbm>>
      %dma_wait3A_12 = tpu.memref_slice %arg7[%mul3A_4] : memref<320000xi32, #tpu.memory_space<hbm>> -> memref<10000xi32, #tpu.memory_space<hbm>>
      tpu.wait_dma2 semaphore(%run_scoped3A : memref<!tpu.dma_semaphore, #tpu.memory_space<semaphore_mem>>) src(%arg12 : memref<10000xi32, #tpu.memory_space<vmem>>) dst(%dma_wait3A_12 : memref<10000xi32, #tpu.memory_space<hbm>>)
      tpu.yield
    }) : () -> ()
    %barrier3A_10 = arith.constant 0 : index
    tpu.barrier barrier_id(%barrier3A_10)
    "tpu.region"() ({
      %run_scoped3A = tpu.sem_alloc : memref<!tpu.dma_semaphore, #tpu.memory_space<semaphore_mem>>
      %dma_start3A = tpu.memref_slice %arg6[%arg0, %mul3A_2] : memref<2x10240xf32, #tpu.memory_space<hbm>> -> memref<1x640xf32, #tpu.memory_space<hbm>>
      %dma_start3A_11 = tpu.memref_squeeze %dma_start3A : memref<1x640xf32, #tpu.memory_space<hbm>> -> memref<640xf32, #tpu.memory_space<hbm>>
      %dma_start3A_12 = tpu.memref_slice %arg13[%mul3A_2] : memref<10240xf32, #tpu.memory_space<vmem_shared>> -> memref<640xf32, #tpu.memory_space<vmem_shared>>
      tpu.enqueue_dma source(%dma_start3A_12 : memref<640xf32, #tpu.memory_space<vmem_shared>>) target(%dma_start3A_11 : memref<640xf32, #tpu.memory_space<hbm>>) target_semaphore(%run_scoped3A : memref<!tpu.dma_semaphore, #tpu.memory_space<semaphore_mem>>)
      %dma_wait3A = tpu.memref_slice %arg6[%arg0, %mul3A_2] : memref<2x10240xf32, #tpu.memory_space<hbm>> -> memref<1x640xf32, #tpu.memory_space<hbm>>
      %dma_wait3A_13 = tpu.memref_squeeze %dma_wait3A : memref<1x640xf32, #tpu.memory_space<hbm>> -> memref<640xf32, #tpu.memory_space<hbm>>
      %dma_wait3A_14 = tpu.memref_slice %arg13[%mul3A_2] : memref<10240xf32, #tpu.memory_space<vmem_shared>> -> memref<640xf32, #tpu.memory_space<vmem_shared>>
      tpu.wait_dma2 semaphore(%run_scoped3A : memref<!tpu.dma_semaphore, #tpu.memory_space<semaphore_mem>>) src(%dma_wait3A_14 : memref<640xf32, #tpu.memory_space<vmem_shared>>) dst(%dma_wait3A_13 : memref<640xf32, #tpu.memory_space<hbm>>)
      tpu.yield
    }) : () -> ()
    return
  }
}

#map = affine_map<(d0, d1) -> (0)>
#map1 = affine_map<(d0, d1) -> (0, 0)>
module attributes {stable_mosaic.version = 14 : i64} {
  func.func @body(%arg0: i32, %arg1: i32, %arg2: memref<40960xf32, #tpu.memory_space<hbm>>, %arg3: memref<320000xi32, #tpu.memory_space<hbm>>, %arg4: memref<320000xi32, #tpu.memory_space<hbm>>, %arg5: memref<10240xf32, #tpu.memory_space<hbm>>, %arg6: memref<2x40960xf32, #tpu.memory_space<hbm>>, %arg7: memref<10000xi32, #tpu.memory_space<vmem>>, %arg8: memref<10000xi32, #tpu.memory_space<vmem>>, %arg9: memref<10240xf32, #tpu.memory_space<vmem>>, %arg10: memref<10240xf32, #tpu.memory_space<vmem>>, %arg11: memref<10240xf32, #tpu.memory_space<vmem>>, %arg12: memref<10240xf32, #tpu.memory_space<vmem>>, %arg13: memref<10000xf32, #tpu.memory_space<vmem>>, %arg14: memref<10000xf32, #tpu.memory_space<vmem>>, %arg15: memref<10000xf32, #tpu.memory_space<vmem>>, %arg16: memref<10000xf32, #tpu.memory_space<vmem>>, %arg17: memref<10240xf32, #tpu.memory_space<vmem_shared>>, %arg18: memref<10240xf32, #tpu.memory_space<vmem_shared>>, %arg19: memref<10240xf32, #tpu.memory_space<vmem_shared>>, %arg20: memref<10240xf32, #tpu.memory_space<vmem_shared>>) attributes {dimension_semantics = [#tpu.dimension_semantics<core_parallel>, #tpu.dimension_semantics<subcore_parallel>], iteration_bounds = array<i64: 2, 16>, scalar_prefetch = 0 : i64, scratch_operands = 14 : i64, tpu.core_type = #tpu.core_type<sc_vector_subcore>, window_params = [{transform_indices = #map}, {transform_indices = #map}, {transform_indices = #map}, {transform_indices = #map}, {transform_indices = #map1}]} {
    %mul3A = arith.constant 2 : i32
    %mul3A_0 = arith.muli %arg1, %mul3A : i32
    %add3A = arith.addi %mul3A_0, %arg0 : i32
    %mul3A_1 = arith.constant 640 : i32
    %mul3A_2 = arith.muli %arg1, %mul3A_1 : i32
    "tpu.region"() ({
      %run_scoped3A = tpu.sem_alloc : memref<!tpu.dma_semaphore, #tpu.memory_space<semaphore_mem>>
      %dma_start3A = arith.constant 0 : i32
      %dma_start3A_19 = tpu.memref_slice %arg2[%dma_start3A] : memref<40960xf32, #tpu.memory_space<hbm>> -> memref<10240xf32, #tpu.memory_space<hbm>>
      %dma_start3A_20 = arith.constant 0 : i32
      %dma_start3A_21 = tpu.memref_slice %arg2[%dma_start3A_20] : memref<40960xf32, #tpu.memory_space<hbm>> -> memref<10240xf32, #tpu.memory_space<hbm>>
      tpu.enqueue_dma source(%dma_start3A_21 : memref<10240xf32, #tpu.memory_space<hbm>>) target(%arg9 : memref<10240xf32, #tpu.memory_space<vmem>>) target_semaphore(%run_scoped3A : memref<!tpu.dma_semaphore, #tpu.memory_space<semaphore_mem>>)
      %dma_wait3A = arith.constant 0 : i32
      %dma_wait3A_22 = tpu.memref_slice %arg2[%dma_wait3A] : memref<40960xf32, #tpu.memory_space<hbm>> -> memref<10240xf32, #tpu.memory_space<hbm>>
      %dma_wait3A_23 = arith.constant 0 : i32
      %dma_wait3A_24 = tpu.memref_slice %arg2[%dma_wait3A_23] : memref<40960xf32, #tpu.memory_space<hbm>> -> memref<10240xf32, #tpu.memory_space<hbm>>
      tpu.wait_dma2 semaphore(%run_scoped3A : memref<!tpu.dma_semaphore, #tpu.memory_space<semaphore_mem>>) src(%dma_wait3A_24 : memref<10240xf32, #tpu.memory_space<hbm>>) dst(%arg9 : memref<10240xf32, #tpu.memory_space<vmem>>)
      tpu.yield
    }) : () -> ()
    "tpu.region"() ({
      %run_scoped3A = tpu.sem_alloc : memref<!tpu.dma_semaphore, #tpu.memory_space<semaphore_mem>>
      %dma_start3A = tpu.memref_slice %arg17[%mul3A_2] : memref<10240xf32, #tpu.memory_space<vmem_shared>> -> memref<640xf32, #tpu.memory_space<vmem_shared>>
      %dma_start3A_19 = tpu.memref_slice %arg5[%mul3A_2] : memref<10240xf32, #tpu.memory_space<hbm>> -> memref<640xf32, #tpu.memory_space<hbm>>
      tpu.enqueue_dma source(%dma_start3A_19 : memref<640xf32, #tpu.memory_space<hbm>>) target(%dma_start3A : memref<640xf32, #tpu.memory_space<vmem_shared>>) target_semaphore(%run_scoped3A : memref<!tpu.dma_semaphore, #tpu.memory_space<semaphore_mem>>)
      %dma_wait3A = tpu.memref_slice %arg17[%mul3A_2] : memref<10240xf32, #tpu.memory_space<vmem_shared>> -> memref<640xf32, #tpu.memory_space<vmem_shared>>
      %dma_wait3A_20 = tpu.memref_slice %arg5[%mul3A_2] : memref<10240xf32, #tpu.memory_space<hbm>> -> memref<640xf32, #tpu.memory_space<hbm>>
      tpu.wait_dma2 semaphore(%run_scoped3A : memref<!tpu.dma_semaphore, #tpu.memory_space<semaphore_mem>>) src(%dma_wait3A_20 : memref<640xf32, #tpu.memory_space<hbm>>) dst(%dma_wait3A : memref<640xf32, #tpu.memory_space<vmem_shared>>)
      tpu.yield
    }) : () -> ()
    "tpu.region"() ({
      %run_scoped3A = tpu.sem_alloc : memref<!tpu.dma_semaphore, #tpu.memory_space<semaphore_mem>>
      %dma_start3A = arith.constant 10240 : i32
      %dma_start3A_19 = tpu.memref_slice %arg2[%dma_start3A] : memref<40960xf32, #tpu.memory_space<hbm>> -> memref<10240xf32, #tpu.memory_space<hbm>>
      %dma_start3A_20 = arith.constant 10240 : i32
      %dma_start3A_21 = tpu.memref_slice %arg2[%dma_start3A_20] : memref<40960xf32, #tpu.memory_space<hbm>> -> memref<10240xf32, #tpu.memory_space<hbm>>
      tpu.enqueue_dma source(%dma_start3A_21 : memref<10240xf32, #tpu.memory_space<hbm>>) target(%arg10 : memref<10240xf32, #tpu.memory_space<vmem>>) target_semaphore(%run_scoped3A : memref<!tpu.dma_semaphore, #tpu.memory_space<semaphore_mem>>)
      %dma_wait3A = arith.constant 10240 : i32
      %dma_wait3A_22 = tpu.memref_slice %arg2[%dma_wait3A] : memref<40960xf32, #tpu.memory_space<hbm>> -> memref<10240xf32, #tpu.memory_space<hbm>>
      %dma_wait3A_23 = arith.constant 10240 : i32
      %dma_wait3A_24 = tpu.memref_slice %arg2[%dma_wait3A_23] : memref<40960xf32, #tpu.memory_space<hbm>> -> memref<10240xf32, #tpu.memory_space<hbm>>
      tpu.wait_dma2 semaphore(%run_scoped3A : memref<!tpu.dma_semaphore, #tpu.memory_space<semaphore_mem>>) src(%dma_wait3A_24 : memref<10240xf32, #tpu.memory_space<hbm>>) dst(%arg10 : memref<10240xf32, #tpu.memory_space<vmem>>)
      tpu.yield
    }) : () -> ()
    "tpu.region"() ({
      %run_scoped3A = tpu.sem_alloc : memref<!tpu.dma_semaphore, #tpu.memory_space<semaphore_mem>>
      %dma_start3A = tpu.memref_slice %arg18[%mul3A_2] : memref<10240xf32, #tpu.memory_space<vmem_shared>> -> memref<640xf32, #tpu.memory_space<vmem_shared>>
      %dma_start3A_19 = tpu.memref_slice %arg5[%mul3A_2] : memref<10240xf32, #tpu.memory_space<hbm>> -> memref<640xf32, #tpu.memory_space<hbm>>
      tpu.enqueue_dma source(%dma_start3A_19 : memref<640xf32, #tpu.memory_space<hbm>>) target(%dma_start3A : memref<640xf32, #tpu.memory_space<vmem_shared>>) target_semaphore(%run_scoped3A : memref<!tpu.dma_semaphore, #tpu.memory_space<semaphore_mem>>)
      %dma_wait3A = tpu.memref_slice %arg18[%mul3A_2] : memref<10240xf32, #tpu.memory_space<vmem_shared>> -> memref<640xf32, #tpu.memory_space<vmem_shared>>
      %dma_wait3A_20 = tpu.memref_slice %arg5[%mul3A_2] : memref<10240xf32, #tpu.memory_space<hbm>> -> memref<640xf32, #tpu.memory_space<hbm>>
      tpu.wait_dma2 semaphore(%run_scoped3A : memref<!tpu.dma_semaphore, #tpu.memory_space<semaphore_mem>>) src(%dma_wait3A_20 : memref<640xf32, #tpu.memory_space<hbm>>) dst(%dma_wait3A : memref<640xf32, #tpu.memory_space<vmem_shared>>)
      tpu.yield
    }) : () -> ()
    "tpu.region"() ({
      %run_scoped3A = tpu.sem_alloc : memref<!tpu.dma_semaphore, #tpu.memory_space<semaphore_mem>>
      %dma_start3A = arith.constant 20480 : i32
      %dma_start3A_19 = tpu.memref_slice %arg2[%dma_start3A] : memref<40960xf32, #tpu.memory_space<hbm>> -> memref<10240xf32, #tpu.memory_space<hbm>>
      %dma_start3A_20 = arith.constant 20480 : i32
      %dma_start3A_21 = tpu.memref_slice %arg2[%dma_start3A_20] : memref<40960xf32, #tpu.memory_space<hbm>> -> memref<10240xf32, #tpu.memory_space<hbm>>
      tpu.enqueue_dma source(%dma_start3A_21 : memref<10240xf32, #tpu.memory_space<hbm>>) target(%arg11 : memref<10240xf32, #tpu.memory_space<vmem>>) target_semaphore(%run_scoped3A : memref<!tpu.dma_semaphore, #tpu.memory_space<semaphore_mem>>)
      %dma_wait3A = arith.constant 20480 : i32
      %dma_wait3A_22 = tpu.memref_slice %arg2[%dma_wait3A] : memref<40960xf32, #tpu.memory_space<hbm>> -> memref<10240xf32, #tpu.memory_space<hbm>>
      %dma_wait3A_23 = arith.constant 20480 : i32
      %dma_wait3A_24 = tpu.memref_slice %arg2[%dma_wait3A_23] : memref<40960xf32, #tpu.memory_space<hbm>> -> memref<10240xf32, #tpu.memory_space<hbm>>
      tpu.wait_dma2 semaphore(%run_scoped3A : memref<!tpu.dma_semaphore, #tpu.memory_space<semaphore_mem>>) src(%dma_wait3A_24 : memref<10240xf32, #tpu.memory_space<hbm>>) dst(%arg11 : memref<10240xf32, #tpu.memory_space<vmem>>)
      tpu.yield
    }) : () -> ()
    "tpu.region"() ({
      %run_scoped3A = tpu.sem_alloc : memref<!tpu.dma_semaphore, #tpu.memory_space<semaphore_mem>>
      %dma_start3A = tpu.memref_slice %arg19[%mul3A_2] : memref<10240xf32, #tpu.memory_space<vmem_shared>> -> memref<640xf32, #tpu.memory_space<vmem_shared>>
      %dma_start3A_19 = tpu.memref_slice %arg5[%mul3A_2] : memref<10240xf32, #tpu.memory_space<hbm>> -> memref<640xf32, #tpu.memory_space<hbm>>
      tpu.enqueue_dma source(%dma_start3A_19 : memref<640xf32, #tpu.memory_space<hbm>>) target(%dma_start3A : memref<640xf32, #tpu.memory_space<vmem_shared>>) target_semaphore(%run_scoped3A : memref<!tpu.dma_semaphore, #tpu.memory_space<semaphore_mem>>)
      %dma_wait3A = tpu.memref_slice %arg19[%mul3A_2] : memref<10240xf32, #tpu.memory_space<vmem_shared>> -> memref<640xf32, #tpu.memory_space<vmem_shared>>
      %dma_wait3A_20 = tpu.memref_slice %arg5[%mul3A_2] : memref<10240xf32, #tpu.memory_space<hbm>> -> memref<640xf32, #tpu.memory_space<hbm>>
      tpu.wait_dma2 semaphore(%run_scoped3A : memref<!tpu.dma_semaphore, #tpu.memory_space<semaphore_mem>>) src(%dma_wait3A_20 : memref<640xf32, #tpu.memory_space<hbm>>) dst(%dma_wait3A : memref<640xf32, #tpu.memory_space<vmem_shared>>)
      tpu.yield
    }) : () -> ()
    "tpu.region"() ({
      %run_scoped3A = tpu.sem_alloc : memref<!tpu.dma_semaphore, #tpu.memory_space<semaphore_mem>>
      %dma_start3A = arith.constant 30720 : i32
      %dma_start3A_19 = tpu.memref_slice %arg2[%dma_start3A] : memref<40960xf32, #tpu.memory_space<hbm>> -> memref<10240xf32, #tpu.memory_space<hbm>>
      %dma_start3A_20 = arith.constant 30720 : i32
      %dma_start3A_21 = tpu.memref_slice %arg2[%dma_start3A_20] : memref<40960xf32, #tpu.memory_space<hbm>> -> memref<10240xf32, #tpu.memory_space<hbm>>
      tpu.enqueue_dma source(%dma_start3A_21 : memref<10240xf32, #tpu.memory_space<hbm>>) target(%arg12 : memref<10240xf32, #tpu.memory_space<vmem>>) target_semaphore(%run_scoped3A : memref<!tpu.dma_semaphore, #tpu.memory_space<semaphore_mem>>)
      %dma_wait3A = arith.constant 30720 : i32
      %dma_wait3A_22 = tpu.memref_slice %arg2[%dma_wait3A] : memref<40960xf32, #tpu.memory_space<hbm>> -> memref<10240xf32, #tpu.memory_space<hbm>>
      %dma_wait3A_23 = arith.constant 30720 : i32
      %dma_wait3A_24 = tpu.memref_slice %arg2[%dma_wait3A_23] : memref<40960xf32, #tpu.memory_space<hbm>> -> memref<10240xf32, #tpu.memory_space<hbm>>
      tpu.wait_dma2 semaphore(%run_scoped3A : memref<!tpu.dma_semaphore, #tpu.memory_space<semaphore_mem>>) src(%dma_wait3A_24 : memref<10240xf32, #tpu.memory_space<hbm>>) dst(%arg12 : memref<10240xf32, #tpu.memory_space<vmem>>)
      tpu.yield
    }) : () -> ()
    "tpu.region"() ({
      %run_scoped3A = tpu.sem_alloc : memref<!tpu.dma_semaphore, #tpu.memory_space<semaphore_mem>>
      %dma_start3A = tpu.memref_slice %arg20[%mul3A_2] : memref<10240xf32, #tpu.memory_space<vmem_shared>> -> memref<640xf32, #tpu.memory_space<vmem_shared>>
      %dma_start3A_19 = tpu.memref_slice %arg5[%mul3A_2] : memref<10240xf32, #tpu.memory_space<hbm>> -> memref<640xf32, #tpu.memory_space<hbm>>
      tpu.enqueue_dma source(%dma_start3A_19 : memref<640xf32, #tpu.memory_space<hbm>>) target(%dma_start3A : memref<640xf32, #tpu.memory_space<vmem_shared>>) target_semaphore(%run_scoped3A : memref<!tpu.dma_semaphore, #tpu.memory_space<semaphore_mem>>)
      %dma_wait3A = tpu.memref_slice %arg20[%mul3A_2] : memref<10240xf32, #tpu.memory_space<vmem_shared>> -> memref<640xf32, #tpu.memory_space<vmem_shared>>
      %dma_wait3A_20 = tpu.memref_slice %arg5[%mul3A_2] : memref<10240xf32, #tpu.memory_space<hbm>> -> memref<640xf32, #tpu.memory_space<hbm>>
      tpu.wait_dma2 semaphore(%run_scoped3A : memref<!tpu.dma_semaphore, #tpu.memory_space<semaphore_mem>>) src(%dma_wait3A_20 : memref<640xf32, #tpu.memory_space<hbm>>) dst(%dma_wait3A : memref<640xf32, #tpu.memory_space<vmem_shared>>)
      tpu.yield
    }) : () -> ()
    %mul3A_3 = arith.constant 10000 : i32
    %mul3A_4 = arith.muli %add3A, %mul3A_3 : i32
    "tpu.region"() ({
      %run_scoped3A = tpu.sem_alloc : memref<!tpu.dma_semaphore, #tpu.memory_space<semaphore_mem>>
      %dma_start3A = tpu.memref_slice %arg3[%mul3A_4] : memref<320000xi32, #tpu.memory_space<hbm>> -> memref<10000xi32, #tpu.memory_space<hbm>>
      %dma_start3A_19 = tpu.memref_slice %arg3[%mul3A_4] : memref<320000xi32, #tpu.memory_space<hbm>> -> memref<10000xi32, #tpu.memory_space<hbm>>
      tpu.enqueue_dma source(%dma_start3A_19 : memref<10000xi32, #tpu.memory_space<hbm>>) target(%arg7 : memref<10000xi32, #tpu.memory_space<vmem>>) target_semaphore(%run_scoped3A : memref<!tpu.dma_semaphore, #tpu.memory_space<semaphore_mem>>)
      %dma_wait3A = tpu.memref_slice %arg3[%mul3A_4] : memref<320000xi32, #tpu.memory_space<hbm>> -> memref<10000xi32, #tpu.memory_space<hbm>>
      %dma_wait3A_20 = tpu.memref_slice %arg3[%mul3A_4] : memref<320000xi32, #tpu.memory_space<hbm>> -> memref<10000xi32, #tpu.memory_space<hbm>>
      tpu.wait_dma2 semaphore(%run_scoped3A : memref<!tpu.dma_semaphore, #tpu.memory_space<semaphore_mem>>) src(%dma_wait3A_20 : memref<10000xi32, #tpu.memory_space<hbm>>) dst(%arg7 : memref<10000xi32, #tpu.memory_space<vmem>>)
      tpu.yield
    }) : () -> ()
    "tpu.region"() ({
      %run_scoped3A = tpu.sem_alloc : memref<!tpu.dma_semaphore, #tpu.memory_space<semaphore_mem>>
      %dma_start3A = tpu.memref_slice %arg4[%mul3A_4] : memref<320000xi32, #tpu.memory_space<hbm>> -> memref<10000xi32, #tpu.memory_space<hbm>>
      %dma_start3A_19 = tpu.memref_slice %arg4[%mul3A_4] : memref<320000xi32, #tpu.memory_space<hbm>> -> memref<10000xi32, #tpu.memory_space<hbm>>
      tpu.enqueue_dma source(%dma_start3A_19 : memref<10000xi32, #tpu.memory_space<hbm>>) target(%arg8 : memref<10000xi32, #tpu.memory_space<vmem>>) target_semaphore(%run_scoped3A : memref<!tpu.dma_semaphore, #tpu.memory_space<semaphore_mem>>)
      %dma_wait3A = tpu.memref_slice %arg4[%mul3A_4] : memref<320000xi32, #tpu.memory_space<hbm>> -> memref<10000xi32, #tpu.memory_space<hbm>>
      %dma_wait3A_20 = tpu.memref_slice %arg4[%mul3A_4] : memref<320000xi32, #tpu.memory_space<hbm>> -> memref<10000xi32, #tpu.memory_space<hbm>>
      tpu.wait_dma2 semaphore(%run_scoped3A : memref<!tpu.dma_semaphore, #tpu.memory_space<semaphore_mem>>) src(%dma_wait3A_20 : memref<10000xi32, #tpu.memory_space<hbm>>) dst(%arg8 : memref<10000xi32, #tpu.memory_space<vmem>>)
      tpu.yield
    }) : () -> ()
    %scan3A = arith.constant 0 : i32
    %scan3A_5 = arith.constant 0 : i32
    %scan3A_6 = arith.constant 625 : i32
    %scan3A_7 = arith.addi %scan3A_5, %scan3A_6 : i32
    %scan3A_8 = arith.constant 1 : i32
    scf.for %scan3A_19 = %scan3A_5 to %scan3A_7 step %scan3A_8  : i32 {
      %mul3A_20 = arith.constant 16 : i32
      %mul3A_21 = arith.muli %scan3A_19, %mul3A_20 : i32
      %get3A = arith.index_cast %mul3A_21 : i32 to index
      %get3A_22 = tpu.vector_load %arg7[%get3A] {strides = array<i32>} : memref<10000xi32, #tpu.memory_space<vmem>>, vector<16xi32>,
      %gather3A = tpu.vector_load_idx %arg9[%get3A_22] : memref<10240xf32, #tpu.memory_space<vmem>>[vector<16xi32>], vector<16xf32>,
      %mul3A_23 = arith.constant 16 : i32
      %mul3A_24 = arith.muli %scan3A_19, %mul3A_23 : i32
      %swap3A = arith.index_cast %mul3A_24 : i32 to index
      %swap3A_25 = tpu.vector_load %arg13[%swap3A] {strides = array<i32>} : memref<10000xf32, #tpu.memory_space<vmem>>, vector<16xf32>,
      tpu.vector_store %arg13[%swap3A], %gather3A {strides = array<i32>} : memref<10000xf32, #tpu.memory_space<vmem>>, vector<16xf32>,
      %gather3A_26 = tpu.vector_load_idx %arg10[%get3A_22] : memref<10240xf32, #tpu.memory_space<vmem>>[vector<16xi32>], vector<16xf32>,
      %mul3A_27 = arith.constant 16 : i32
      %mul3A_28 = arith.muli %scan3A_19, %mul3A_27 : i32
      %swap3A_29 = arith.index_cast %mul3A_28 : i32 to index
      %swap3A_30 = tpu.vector_load %arg14[%swap3A_29] {strides = array<i32>} : memref<10000xf32, #tpu.memory_space<vmem>>, vector<16xf32>,
      tpu.vector_store %arg14[%swap3A_29], %gather3A_26 {strides = array<i32>} : memref<10000xf32, #tpu.memory_space<vmem>>, vector<16xf32>,
      %gather3A_31 = tpu.vector_load_idx %arg11[%get3A_22] : memref<10240xf32, #tpu.memory_space<vmem>>[vector<16xi32>], vector<16xf32>,
      %mul3A_32 = arith.constant 16 : i32
      %mul3A_33 = arith.muli %scan3A_19, %mul3A_32 : i32
      %swap3A_34 = arith.index_cast %mul3A_33 : i32 to index
      %swap3A_35 = tpu.vector_load %arg15[%swap3A_34] {strides = array<i32>} : memref<10000xf32, #tpu.memory_space<vmem>>, vector<16xf32>,
      tpu.vector_store %arg15[%swap3A_34], %gather3A_31 {strides = array<i32>} : memref<10000xf32, #tpu.memory_space<vmem>>, vector<16xf32>,
      %gather3A_36 = tpu.vector_load_idx %arg12[%get3A_22] : memref<10240xf32, #tpu.memory_space<vmem>>[vector<16xi32>], vector<16xf32>,
      %mul3A_37 = arith.constant 16 : i32
      %mul3A_38 = arith.muli %scan3A_19, %mul3A_37 : i32
      %swap3A_39 = arith.index_cast %mul3A_38 : i32 to index
      %swap3A_40 = tpu.vector_load %arg16[%swap3A_39] {strides = array<i32>} : memref<10000xf32, #tpu.memory_space<vmem>>, vector<16xf32>,
      tpu.vector_store %arg16[%swap3A_39], %gather3A_36 {strides = array<i32>} : memref<10000xf32, #tpu.memory_space<vmem>>, vector<16xf32>,
    }
    %scan3A_9 = arith.constant 625 : i32
    %barrier3A = arith.constant 0 : index
    tpu.barrier barrier_id(%barrier3A)
    "tpu.region"() ({
      %run_scoped3A = tpu.sem_alloc : memref<!tpu.dma_semaphore, #tpu.memory_space<semaphore_mem>>
      %dma_start3A = arith.constant 0 : i32
      %dma_start3A_19 = tpu.memref_slice %arg17[%dma_start3A] : memref<10240xf32, #tpu.memory_space<vmem_shared>> -> memref<10240xf32, #tpu.memory_space<vmem_shared>>
      tpu.enqueue_indirect_dma source(%arg13 : memref<10000xf32, #tpu.memory_space<vmem>>) target(%dma_start3A_19 : memref<10240xf32, #tpu.memory_space<vmem_shared>>) offsets(%arg8 : memref<10000xi32, #tpu.memory_space<vmem>>) semaphore(%run_scoped3A : memref<!tpu.dma_semaphore, #tpu.memory_space<semaphore_mem>>) {add = true}
      %dma_wait3A = arith.constant 0 : i32
      %dma_wait3A_20 = tpu.memref_slice %arg17[%dma_wait3A] : memref<10240xf32, #tpu.memory_space<vmem_shared>> -> memref<10240xf32, #tpu.memory_space<vmem_shared>>
      tpu.wait_indirect_dma semaphore(%run_scoped3A : memref<!tpu.dma_semaphore, #tpu.memory_space<semaphore_mem>>) src(%arg13 : memref<10000xf32, #tpu.memory_space<vmem>>) dst(%dma_wait3A_20 : memref<10240xf32, #tpu.memory_space<vmem_shared>>)
      tpu.yield
    }) : () -> ()
    "tpu.region"() ({
      %run_scoped3A = tpu.sem_alloc : memref<!tpu.dma_semaphore, #tpu.memory_space<semaphore_mem>>
      %dma_start3A = arith.constant 0 : i32
      %dma_start3A_19 = tpu.memref_slice %arg18[%dma_start3A] : memref<10240xf32, #tpu.memory_space<vmem_shared>> -> memref<10240xf32, #tpu.memory_space<vmem_shared>>
      tpu.enqueue_indirect_dma source(%arg14 : memref<10000xf32, #tpu.memory_space<vmem>>) target(%dma_start3A_19 : memref<10240xf32, #tpu.memory_space<vmem_shared>>) offsets(%arg8 : memref<10000xi32, #tpu.memory_space<vmem>>) semaphore(%run_scoped3A : memref<!tpu.dma_semaphore, #tpu.memory_space<semaphore_mem>>) {add = true}
      %dma_wait3A = arith.constant 0 : i32
      %dma_wait3A_20 = tpu.memref_slice %arg18[%dma_wait3A] : memref<10240xf32, #tpu.memory_space<vmem_shared>> -> memref<10240xf32, #tpu.memory_space<vmem_shared>>
      tpu.wait_indirect_dma semaphore(%run_scoped3A : memref<!tpu.dma_semaphore, #tpu.memory_space<semaphore_mem>>) src(%arg14 : memref<10000xf32, #tpu.memory_space<vmem>>) dst(%dma_wait3A_20 : memref<10240xf32, #tpu.memory_space<vmem_shared>>)
      tpu.yield
    }) : () -> ()
    "tpu.region"() ({
      %run_scoped3A = tpu.sem_alloc : memref<!tpu.dma_semaphore, #tpu.memory_space<semaphore_mem>>
      %dma_start3A = arith.constant 0 : i32
      %dma_start3A_19 = tpu.memref_slice %arg19[%dma_start3A] : memref<10240xf32, #tpu.memory_space<vmem_shared>> -> memref<10240xf32, #tpu.memory_space<vmem_shared>>
      tpu.enqueue_indirect_dma source(%arg15 : memref<10000xf32, #tpu.memory_space<vmem>>) target(%dma_start3A_19 : memref<10240xf32, #tpu.memory_space<vmem_shared>>) offsets(%arg8 : memref<10000xi32, #tpu.memory_space<vmem>>) semaphore(%run_scoped3A : memref<!tpu.dma_semaphore, #tpu.memory_space<semaphore_mem>>) {add = true}
      %dma_wait3A = arith.constant 0 : i32
      %dma_wait3A_20 = tpu.memref_slice %arg19[%dma_wait3A] : memref<10240xf32, #tpu.memory_space<vmem_shared>> -> memref<10240xf32, #tpu.memory_space<vmem_shared>>
      tpu.wait_indirect_dma semaphore(%run_scoped3A : memref<!tpu.dma_semaphore, #tpu.memory_space<semaphore_mem>>) src(%arg15 : memref<10000xf32, #tpu.memory_space<vmem>>) dst(%dma_wait3A_20 : memref<10240xf32, #tpu.memory_space<vmem_shared>>)
      tpu.yield
    }) : () -> ()
    "tpu.region"() ({
      %run_scoped3A = tpu.sem_alloc : memref<!tpu.dma_semaphore, #tpu.memory_space<semaphore_mem>>
      %dma_start3A = arith.constant 0 : i32
      %dma_start3A_19 = tpu.memref_slice %arg20[%dma_start3A] : memref<10240xf32, #tpu.memory_space<vmem_shared>> -> memref<10240xf32, #tpu.memory_space<vmem_shared>>
      tpu.enqueue_indirect_dma source(%arg16 : memref<10000xf32, #tpu.memory_space<vmem>>) target(%dma_start3A_19 : memref<10240xf32, #tpu.memory_space<vmem_shared>>) offsets(%arg8 : memref<10000xi32, #tpu.memory_space<vmem>>) semaphore(%run_scoped3A : memref<!tpu.dma_semaphore, #tpu.memory_space<semaphore_mem>>) {add = true}
      %dma_wait3A = arith.constant 0 : i32
      %dma_wait3A_20 = tpu.memref_slice %arg20[%dma_wait3A] : memref<10240xf32, #tpu.memory_space<vmem_shared>> -> memref<10240xf32, #tpu.memory_space<vmem_shared>>
      tpu.wait_indirect_dma semaphore(%run_scoped3A : memref<!tpu.dma_semaphore, #tpu.memory_space<semaphore_mem>>) src(%arg16 : memref<10000xf32, #tpu.memory_space<vmem>>) dst(%dma_wait3A_20 : memref<10240xf32, #tpu.memory_space<vmem_shared>>)
      tpu.yield
    }) : () -> ()
    %barrier3A_10 = arith.constant 0 : index
    tpu.barrier barrier_id(%barrier3A_10)
    %add3A_11 = arith.constant 0 : i32
    %add3A_12 = arith.addi %add3A_11, %mul3A_2 : i32
    "tpu.region"() ({
      %run_scoped3A = tpu.sem_alloc : memref<!tpu.dma_semaphore, #tpu.memory_space<semaphore_mem>>
      %dma_start3A = tpu.memref_slice %arg6[%arg0, %add3A_12] : memref<2x40960xf32, #tpu.memory_space<hbm>> -> memref<1x640xf32, #tpu.memory_space<hbm>>
      %dma_start3A_19 = tpu.memref_squeeze %dma_start3A : memref<1x640xf32, #tpu.memory_space<hbm>> -> memref<640xf32, #tpu.memory_space<hbm>>
      %dma_start3A_20 = tpu.memref_slice %arg17[%mul3A_2] : memref<10240xf32, #tpu.memory_space<vmem_shared>> -> memref<640xf32, #tpu.memory_space<vmem_shared>>
      tpu.enqueue_dma source(%dma_start3A_20 : memref<640xf32, #tpu.memory_space<vmem_shared>>) target(%dma_start3A_19 : memref<640xf32, #tpu.memory_space<hbm>>) target_semaphore(%run_scoped3A : memref<!tpu.dma_semaphore, #tpu.memory_space<semaphore_mem>>)
      %dma_wait3A = tpu.memref_slice %arg6[%arg0, %add3A_12] : memref<2x40960xf32, #tpu.memory_space<hbm>> -> memref<1x640xf32, #tpu.memory_space<hbm>>
      %dma_wait3A_21 = tpu.memref_squeeze %dma_wait3A : memref<1x640xf32, #tpu.memory_space<hbm>> -> memref<640xf32, #tpu.memory_space<hbm>>
      %dma_wait3A_22 = tpu.memref_slice %arg17[%mul3A_2] : memref<10240xf32, #tpu.memory_space<vmem_shared>> -> memref<640xf32, #tpu.memory_space<vmem_shared>>
      tpu.wait_dma2 semaphore(%run_scoped3A : memref<!tpu.dma_semaphore, #tpu.memory_space<semaphore_mem>>) src(%dma_wait3A_22 : memref<640xf32, #tpu.memory_space<vmem_shared>>) dst(%dma_wait3A_21 : memref<640xf32, #tpu.memory_space<hbm>>)
      tpu.yield
    }) : () -> ()
    %add3A_13 = arith.constant 10240 : i32
    %add3A_14 = arith.addi %add3A_13, %mul3A_2 : i32
    "tpu.region"() ({
      %run_scoped3A = tpu.sem_alloc : memref<!tpu.dma_semaphore, #tpu.memory_space<semaphore_mem>>
      %dma_start3A = tpu.memref_slice %arg6[%arg0, %add3A_14] : memref<2x40960xf32, #tpu.memory_space<hbm>> -> memref<1x640xf32, #tpu.memory_space<hbm>>
      %dma_start3A_19 = tpu.memref_squeeze %dma_start3A : memref<1x640xf32, #tpu.memory_space<hbm>> -> memref<640xf32, #tpu.memory_space<hbm>>
      %dma_start3A_20 = tpu.memref_slice %arg18[%mul3A_2] : memref<10240xf32, #tpu.memory_space<vmem_shared>> -> memref<640xf32, #tpu.memory_space<vmem_shared>>
      tpu.enqueue_dma source(%dma_start3A_20 : memref<640xf32, #tpu.memory_space<vmem_shared>>) target(%dma_start3A_19 : memref<640xf32, #tpu.memory_space<hbm>>) target_semaphore(%run_scoped3A : memref<!tpu.dma_semaphore, #tpu.memory_space<semaphore_mem>>)
      %dma_wait3A = tpu.memref_slice %arg6[%arg0, %add3A_14] : memref<2x40960xf32, #tpu.memory_space<hbm>> -> memref<1x640xf32, #tpu.memory_space<hbm>>
      %dma_wait3A_21 = tpu.memref_squeeze %dma_wait3A : memref<1x640xf32, #tpu.memory_space<hbm>> -> memref<640xf32, #tpu.memory_space<hbm>>
      %dma_wait3A_22 = tpu.memref_slice %arg18[%mul3A_2] : memref<10240xf32, #tpu.memory_space<vmem_shared>> -> memref<640xf32, #tpu.memory_space<vmem_shared>>
      tpu.wait_dma2 semaphore(%run_scoped3A : memref<!tpu.dma_semaphore, #tpu.memory_space<semaphore_mem>>) src(%dma_wait3A_22 : memref<640xf32, #tpu.memory_space<vmem_shared>>) dst(%dma_wait3A_21 : memref<640xf32, #tpu.memory_space<hbm>>)
      tpu.yield
    }) : () -> ()
    %add3A_15 = arith.constant 20480 : i32
    %add3A_16 = arith.addi %add3A_15, %mul3A_2 : i32
    "tpu.region"() ({
      %run_scoped3A = tpu.sem_alloc : memref<!tpu.dma_semaphore, #tpu.memory_space<semaphore_mem>>
      %dma_start3A = tpu.memref_slice %arg6[%arg0, %add3A_16] : memref<2x40960xf32, #tpu.memory_space<hbm>> -> memref<1x640xf32, #tpu.memory_space<hbm>>
      %dma_start3A_19 = tpu.memref_squeeze %dma_start3A : memref<1x640xf32, #tpu.memory_space<hbm>> -> memref<640xf32, #tpu.memory_space<hbm>>
      %dma_start3A_20 = tpu.memref_slice %arg19[%mul3A_2] : memref<10240xf32, #tpu.memory_space<vmem_shared>> -> memref<640xf32, #tpu.memory_space<vmem_shared>>
      tpu.enqueue_dma source(%dma_start3A_20 : memref<640xf32, #tpu.memory_space<vmem_shared>>) target(%dma_start3A_19 : memref<640xf32, #tpu.memory_space<hbm>>) target_semaphore(%run_scoped3A : memref<!tpu.dma_semaphore, #tpu.memory_space<semaphore_mem>>)
      %dma_wait3A = tpu.memref_slice %arg6[%arg0, %add3A_16] : memref<2x40960xf32, #tpu.memory_space<hbm>> -> memref<1x640xf32, #tpu.memory_space<hbm>>
      %dma_wait3A_21 = tpu.memref_squeeze %dma_wait3A : memref<1x640xf32, #tpu.memory_space<hbm>> -> memref<640xf32, #tpu.memory_space<hbm>>
      %dma_wait3A_22 = tpu.memref_slice %arg19[%mul3A_2] : memref<10240xf32, #tpu.memory_space<vmem_shared>> -> memref<640xf32, #tpu.memory_space<vmem_shared>>
      tpu.wait_dma2 semaphore(%run_scoped3A : memref<!tpu.dma_semaphore, #tpu.memory_space<semaphore_mem>>) src(%dma_wait3A_22 : memref<640xf32, #tpu.memory_space<vmem_shared>>) dst(%dma_wait3A_21 : memref<640xf32, #tpu.memory_space<hbm>>)
      tpu.yield
    }) : () -> ()
    %add3A_17 = arith.constant 30720 : i32
    %add3A_18 = arith.addi %add3A_17, %mul3A_2 : i32
    "tpu.region"() ({
      %run_scoped3A = tpu.sem_alloc : memref<!tpu.dma_semaphore, #tpu.memory_space<semaphore_mem>>
      %dma_start3A = tpu.memref_slice %arg6[%arg0, %add3A_18] : memref<2x40960xf32, #tpu.memory_space<hbm>> -> memref<1x640xf32, #tpu.memory_space<hbm>>
      %dma_start3A_19 = tpu.memref_squeeze %dma_start3A : memref<1x640xf32, #tpu.memory_space<hbm>> -> memref<640xf32, #tpu.memory_space<hbm>>
      %dma_start3A_20 = tpu.memref_slice %arg20[%mul3A_2] : memref<10240xf32, #tpu.memory_space<vmem_shared>> -> memref<640xf32, #tpu.memory_space<vmem_shared>>
      tpu.enqueue_dma source(%dma_start3A_20 : memref<640xf32, #tpu.memory_space<vmem_shared>>) target(%dma_start3A_19 : memref<640xf32, #tpu.memory_space<hbm>>) target_semaphore(%run_scoped3A : memref<!tpu.dma_semaphore, #tpu.memory_space<semaphore_mem>>)
      %dma_wait3A = tpu.memref_slice %arg6[%arg0, %add3A_18] : memref<2x40960xf32, #tpu.memory_space<hbm>> -> memref<1x640xf32, #tpu.memory_space<hbm>>
      %dma_wait3A_21 = tpu.memref_squeeze %dma_wait3A : memref<1x640xf32, #tpu.memory_space<hbm>> -> memref<640xf32, #tpu.memory_space<hbm>>
      %dma_wait3A_22 = tpu.memref_slice %arg20[%mul3A_2] : memref<10240xf32, #tpu.memory_space<vmem_shared>> -> memref<640xf32, #tpu.memory_space<vmem_shared>>
      tpu.wait_dma2 semaphore(%run_scoped3A : memref<!tpu.dma_semaphore, #tpu.memory_space<semaphore_mem>>) src(%dma_wait3A_22 : memref<640xf32, #tpu.memory_space<vmem_shared>>) dst(%dma_wait3A_21 : memref<640xf32, #tpu.memory_space<hbm>>)
      tpu.yield
    }) : () -> ()
    return
  }
}

module attributes {stable_mosaic.version = 14 : i64} {
  func.func @wrapped(%arg0: i32, %arg1: memref<256x128xf32, #tpu.memory_space<vmem>>, %arg2: memref<256xf32, #tpu.memory_space<vmem>>, %arg3: memref<256xf32, #tpu.memory_space<vmem>>, %arg4: memref<128x528xf32, #tpu.memory_space<vmem>>, %arg5: memref<528xf32, #tpu.memory_space<vmem>>, %arg6: memref<256xf32, #tpu.memory_space<vmem>>, %arg7: memref<256xf32, #tpu.memory_space<vmem>>, %arg8: memref<4x256x128xf32, #tpu.memory_space<vmem>>, %arg9: memref<256xf32, #tpu.memory_space<vmem>>) attributes {dimension_semantics = [#tpu.dimension_semantics<arbitrary>], iteration_bounds = array<i64: 40>, scalar_prefetch = 0 : i64, scratch_operands = 0 : i64, tpu.core_type = #tpu.core_type<tc>, window_params = [{transform_indices = @transform_0, window_bounds = array<i64: 256, 128>}, {transform_indices = @transform_1, window_bounds = array<i64: 256>}, {transform_indices = @transform_2, window_bounds = array<i64: 256>}, {pipeline_mode = #tpu.pipeline_mode<synchronous>, transform_indices = @transform_3, window_bounds = array<i64: 128, 528>}, {pipeline_mode = #tpu.pipeline_mode<synchronous>, transform_indices = @transform_4, window_bounds = array<i64: 528>}, {transform_indices = @transform_5, window_bounds = array<i64: 256>}, {transform_indices = @transform_6, window_bounds = array<i64: 256>}, {transform_indices = @transform_7, window_bounds = array<i64: 4, 256, 128>}, {transform_indices = @transform_8, window_bounds = array<i64: 256>}]} {
    %get3A = arith.constant 0 : index
    %get3A_0 = arith.constant 0 : index
    %get3A_1 = vector.load %arg1[%get3A, %get3A_0] : memref<256x128xf32, #tpu.memory_space<vmem>>, vector<256x128xf32>
    %get3A_2 = arith.constant 0 : index
    %get3A_3 = vector.load %arg6[%get3A_2] : memref<256xf32, #tpu.memory_space<vmem>>, vector<256xf32>
    %get3A_4 = arith.constant 0 : index
    %get3A_5 = vector.load %arg7[%get3A_4] : memref<256xf32, #tpu.memory_space<vmem>>, vector<256xf32>
    %add3A = arith.addf %get3A_3, %get3A_5 : vector<256xf32>
    %add3A_6 = arith.constant 1.000000e+00 : f32
    %add3A_7 = vector.broadcast %add3A_6 : f32 to vector<256xf32>
    %add3A_8 = arith.addf %add3A, %add3A_7 : vector<256xf32>
    %rsqrt3A = math.rsqrt %add3A_8 : vector<256xf32>
    %get3A_9 = arith.constant 0 : index
    %get3A_10 = arith.constant 0 : index
    %get3A_11 = vector.load %arg4[%get3A_9, %get3A_10] : memref<128x528xf32, #tpu.memory_space<vmem>>, vector<128x528xf32>
    %dot_general3A = arith.constant dense<0.000000e+00> : vector<256x528xf32>
    %dot_general3A_12 = tpu.matmul %get3A_1, %get3A_11, %dot_general3A {dimension_numbers = #tpu.dot_dimension_numbers<[1], [0], [0], [1], [0, 0, 1, 1], [], []>, transpose_lhs_hint = false} : vector<256x128xf32>, vector<128x528xf32>, vector<256x528xf32> -> vector<256x528xf32>
    %get3A_13 = arith.constant 0 : index
    %get3A_14 = vector.load %arg5[%get3A_13] : memref<528xf32, #tpu.memory_space<vmem>>, vector<528xf32>
    %broadcast_in_dim3A = vector.shape_cast %get3A_14 : vector<528xf32> to vector<1x528xf32>
    %add3A_15 = vector.broadcast %broadcast_in_dim3A : vector<1x528xf32> to vector<256x528xf32>
    %add3A_16 = arith.addf %dot_general3A_12, %add3A_15 : vector<256x528xf32>
    %slice3A = vector.extract_strided_slice %add3A_16 {offsets = [0, 0], sizes = [256, 512], strides = [1, 1]} : vector<256x528xf32> to vector<256x512xf32>
    %broadcast_in_dim3A_17 = vector.shape_cast %rsqrt3A : vector<256xf32> to vector<256x1xf32>
    %mul3A = vector.broadcast %broadcast_in_dim3A_17 : vector<256x1xf32> to vector<256x512xf32>
    %mul3A_18 = arith.mulf %slice3A, %mul3A : vector<256x512xf32>
    %reshape3A = vector.shape_cast %mul3A_18 : vector<256x512xf32> to vector<256x4x128xf32>
    %transpose3A = tpu.transpose %reshape3A, [1, 0, 2] : vector<256x4x128xf32> -> vector<4x256x128xf32>
    %swap3A = arith.constant 0 : index
    %swap3A_19 = arith.constant 0 : index
    %swap3A_20 = arith.constant 0 : index
    %swap3A_21 = vector.load %arg8[%swap3A, %swap3A_19, %swap3A_20] : memref<4x256x128xf32, #tpu.memory_space<vmem>>, vector<4x256x128xf32>
    tpu.vector_store %arg8[%swap3A, %swap3A_19, %swap3A_20], %transpose3A {strides = array<i32>} : memref<4x256x128xf32, #tpu.memory_space<vmem>>, vector<4x256x128xf32>,
    %slice3A_22 = vector.extract_strided_slice %add3A_16 {offsets = [0, 512], sizes = [256, 1], strides = [1, 1]} : vector<256x528xf32> to vector<256x1xf32>
    %squeeze3A = vector.shape_cast %slice3A_22 : vector<256x1xf32> to vector<256xf32>
    %mul3A_23 = arith.mulf %squeeze3A, %rsqrt3A : vector<256xf32>
    %swap3A_24 = arith.constant 0 : index
    %swap3A_25 = vector.load %arg9[%swap3A_24] : memref<256xf32, #tpu.memory_space<vmem>>, vector<256xf32>
    tpu.vector_store %arg9[%swap3A_24], %mul3A_23 {strides = array<i32>} : memref<256xf32, #tpu.memory_space<vmem>>, vector<256xf32>,
    return
  }
  func.func @transform_0(%arg0: i32) -> (i32, i32) {
    %c0_i32 = arith.constant 0 : i32
    %c0_i32_0 = arith.constant 0 : i32
    return %arg0, %c0_i32 : i32, i32
  }
  func.func @transform_1(%arg0: i32) -> i32 {
    %c0_i32 = arith.constant 0 : i32
    return %arg0 : i32
  }
  func.func @transform_2(%arg0: i32) -> i32 {
    %c0_i32 = arith.constant 0 : i32
    return %arg0 : i32
  }
  func.func @transform_3(%arg0: i32) -> (i32, i32) {
    %c0_i32 = arith.constant 0 : i32
    %c0_i32_0 = arith.constant 0 : i32
    %c0_i32_1 = arith.constant 0 : i32
    return %c0_i32, %c0_i32_0 : i32, i32
  }
  func.func @transform_4(%arg0: i32) -> i32 {
    %c0_i32 = arith.constant 0 : i32
    %c0_i32_0 = arith.constant 0 : i32
    return %c0_i32 : i32
  }
  func.func @transform_5(%arg0: i32) -> i32 {
    %c0_i32 = arith.constant 0 : i32
    return %arg0 : i32
  }
  func.func @transform_6(%arg0: i32) -> i32 {
    %c0_i32 = arith.constant 0 : i32
    return %arg0 : i32
  }
  func.func @transform_7(%arg0: i32) -> (i32, i32, i32) {
    %c0_i32 = arith.constant 0 : i32
    %c0_i32_0 = arith.constant 0 : i32
    %c0_i32_1 = arith.constant 0 : i32
    return %c0_i32, %arg0, %c0_i32_0 : i32, i32, i32
  }
  func.func @transform_8(%arg0: i32) -> i32 {
    %c0_i32 = arith.constant 0 : i32
    return %arg0 : i32
  }
}

module attributes {stable_mosaic.version = 14 : i64} {
  func.func @wrapped(%arg0: i32, %arg1: memref<4x256x128xf32, #tpu.memory_space<vmem>>, %arg2: memref<4x256x128xf32, #tpu.memory_space<vmem>>, %arg3: memref<256xf32, #tpu.memory_space<vmem>>, %arg4: memref<256xf32, #tpu.memory_space<vmem>>, %arg5: memref<256xf32, #tpu.memory_space<vmem>>, %arg6: memref<256xf32, #tpu.memory_space<vmem>>, %arg7: memref<256xf32, #tpu.memory_space<vmem>>, %arg8: memref<256xf32, #tpu.memory_space<vmem>>, %arg9: memref<256x256xf32, #tpu.memory_space<vmem>>, %arg10: memref<256xf32, #tpu.memory_space<vmem>>) attributes {dimension_semantics = [#tpu.dimension_semantics<arbitrary>], iteration_bounds = array<i64: 40>, scalar_prefetch = 0 : i64, scratch_operands = 0 : i64, tpu.core_type = #tpu.core_type<tc>, window_params = [{transform_indices = @transform_0, window_bounds = array<i64: 4, 256, 128>}, {transform_indices = @transform_1, window_bounds = array<i64: 4, 256, 128>}, {transform_indices = @transform_2, window_bounds = array<i64: 256>}, {transform_indices = @transform_3, window_bounds = array<i64: 256>}, {transform_indices = @transform_4, window_bounds = array<i64: 256>}, {transform_indices = @transform_5, window_bounds = array<i64: 256>}, {transform_indices = @transform_6, window_bounds = array<i64: 256>}, {transform_indices = @transform_7, window_bounds = array<i64: 256>}, {transform_indices = @transform_8, window_bounds = array<i64: 256, 256>}, {transform_indices = @transform_9, window_bounds = array<i64: 256>}]} {
    %get3A = arith.constant 0 : index
    %get3A_0 = vector.load %arg6[%get3A] : memref<256xf32, #tpu.memory_space<vmem>>, vector<256xf32>
    %get3A_1 = arith.constant 0 : index
    %get3A_2 = vector.load %arg7[%get3A_1] : memref<256xf32, #tpu.memory_space<vmem>>, vector<256xf32>
    %add3A = arith.addf %get3A_0, %get3A_2 : vector<256xf32>
    %add3A_3 = arith.constant 1.000000e+00 : f32
    %add3A_4 = vector.broadcast %add3A_3 : f32 to vector<256xf32>
    %add3A_5 = arith.addf %add3A, %add3A_4 : vector<256xf32>
    %rsqrt3A = math.rsqrt %add3A_5 : vector<256xf32>
    %broadcast_in_dim3A = vector.shape_cast %rsqrt3A : vector<256xf32> to vector<1x256x1xf32>
    %get3A_6 = arith.constant 0 : index
    %get3A_7 = arith.constant 0 : index
    %get3A_8 = arith.constant 0 : index
    %get3A_9 = vector.load %arg1[%get3A_6, %get3A_7, %get3A_8] : memref<4x256x128xf32, #tpu.memory_space<vmem>>, vector<4x256x128xf32>
    %get3A_10 = arith.constant 0 : index
    %get3A_11 = arith.constant 0 : index
    %get3A_12 = arith.constant 0 : index
    %get3A_13 = vector.load %arg2[%get3A_10, %get3A_11, %get3A_12] : memref<4x256x128xf32, #tpu.memory_space<vmem>>, vector<4x256x128xf32>
    %add3A_14 = arith.addf %get3A_9, %get3A_13 : vector<4x256x128xf32>
    %mul3A = vector.broadcast %broadcast_in_dim3A : vector<1x256x1xf32> to vector<4x256x128xf32>
    %mul3A_15 = arith.mulf %mul3A, %add3A_14 : vector<4x256x128xf32>
    %slice3A = vector.extract_strided_slice %mul3A_15 {offsets = [0, 0, 0], sizes = [2, 256, 128], strides = [1, 1, 1]} : vector<4x256x128xf32> to vector<2x256x128xf32>
    %slice3A_16 = vector.extract_strided_slice %mul3A_15 {offsets = [2, 0, 0], sizes = [2, 256, 128], strides = [1, 1, 1]} : vector<4x256x128xf32> to vector<2x256x128xf32>
    %logistic3A = arith.negf %slice3A_16 : vector<2x256x128xf32>
    %logistic3A_17 = math.exp %logistic3A : vector<2x256x128xf32>
    %logistic3A_18 = arith.constant 1.000000e+00 : f32
    %logistic3A_19 = vector.broadcast %logistic3A_18 : f32 to vector<2x256x128xf32>
    %logistic3A_20 = arith.addf %logistic3A_19, %logistic3A_17 : vector<2x256x128xf32>
    %logistic3A_21 = arith.divf %logistic3A_19, %logistic3A_20 : vector<2x256x128xf32>
    %mul3A_22 = arith.mulf %logistic3A_21, %slice3A : vector<2x256x128xf32>
    %transpose3A = tpu.transpose %mul3A_22, [1, 0, 2] : vector<2x256x128xf32> -> vector<256x2x128xf32>
    %reshape3A = vector.shape_cast %transpose3A : vector<256x2x128xf32> to vector<256x256xf32>
    %swap3A = arith.constant 0 : index
    %swap3A_23 = arith.constant 0 : index
    %swap3A_24 = vector.load %arg9[%swap3A, %swap3A_23] : memref<256x256xf32, #tpu.memory_space<vmem>>, vector<256x256xf32>
    tpu.vector_store %arg9[%swap3A, %swap3A_23], %reshape3A {strides = array<i32>} : memref<256x256xf32, #tpu.memory_space<vmem>>, vector<256x256xf32>,
    %get3A_25 = arith.constant 0 : index
    %get3A_26 = vector.load %arg3[%get3A_25] : memref<256xf32, #tpu.memory_space<vmem>>, vector<256xf32>
    %get3A_27 = arith.constant 0 : index
    %get3A_28 = vector.load %arg4[%get3A_27] : memref<256xf32, #tpu.memory_space<vmem>>, vector<256xf32>
    %add3A_29 = arith.addf %get3A_26, %get3A_28 : vector<256xf32>
    %get3A_30 = arith.constant 0 : index
    %get3A_31 = vector.load %arg5[%get3A_30] : memref<256xf32, #tpu.memory_space<vmem>>, vector<256xf32>
    %add3A_32 = arith.addf %add3A_29, %get3A_31 : vector<256xf32>
    %mul3A_33 = arith.mulf %add3A_32, %rsqrt3A : vector<256xf32>
    %get3A_34 = arith.constant 0 : index
    %get3A_35 = vector.load %arg8[%get3A_34] : memref<256xf32, #tpu.memory_space<vmem>>, vector<256xf32>
    %gt3A = arith.constant 0.000000e+00 : f32
    %gt3A_36 = vector.broadcast %gt3A : f32 to vector<256xf32>
    %gt3A_37 = arith.cmpf ogt, %get3A_35, %gt3A_36 : vector<256xf32>
    %jit3A = arith.constant 0xFF800000 : f32
    %broadcast_in_dim3A_38 = vector.broadcast %jit3A : f32 to vector<256xf32>
    %select_n3A = arith.select %gt3A_37, %mul3A_33, %broadcast_in_dim3A_38 : vector<256xi1>, vector<256xf32>
    %swap3A_39 = arith.constant 0 : index
    %swap3A_40 = vector.load %arg10[%swap3A_39] : memref<256xf32, #tpu.memory_space<vmem>>, vector<256xf32>
    tpu.vector_store %arg10[%swap3A_39], %select_n3A {strides = array<i32>} : memref<256xf32, #tpu.memory_space<vmem>>, vector<256xf32>,
    return
  }
  func.func @transform_0(%arg0: i32) -> (i32, i32, i32) {
    %c0_i32 = arith.constant 0 : i32
    %c0_i32_0 = arith.constant 0 : i32
    %c0_i32_1 = arith.constant 0 : i32
    return %c0_i32, %arg0, %c0_i32_0 : i32, i32, i32
  }
  func.func @transform_1(%arg0: i32) -> (i32, i32, i32) {
    %c0_i32 = arith.constant 0 : i32
    %c0_i32_0 = arith.constant 0 : i32
    %c0_i32_1 = arith.constant 0 : i32
    return %c0_i32, %arg0, %c0_i32_0 : i32, i32, i32
  }
  func.func @transform_2(%arg0: i32) -> i32 {
    %c0_i32 = arith.constant 0 : i32
    return %arg0 : i32
  }
  func.func @transform_3(%arg0: i32) -> i32 {
    %c0_i32 = arith.constant 0 : i32
    return %arg0 : i32
  }
  func.func @transform_4(%arg0: i32) -> i32 {
    %c0_i32 = arith.constant 0 : i32
    return %arg0 : i32
  }
  func.func @transform_5(%arg0: i32) -> i32 {
    %c0_i32 = arith.constant 0 : i32
    return %arg0 : i32
  }
  func.func @transform_6(%arg0: i32) -> i32 {
    %c0_i32 = arith.constant 0 : i32
    return %arg0 : i32
  }
  func.func @transform_7(%arg0: i32) -> i32 {
    %c0_i32 = arith.constant 0 : i32
    return %arg0 : i32
  }
  func.func @transform_8(%arg0: i32) -> (i32, i32) {
    %c0_i32 = arith.constant 0 : i32
    %c0_i32_0 = arith.constant 0 : i32
    return %arg0, %c0_i32 : i32, i32
  }
  func.func @transform_9(%arg0: i32) -> i32 {
    %c0_i32 = arith.constant 0 : i32
    return %arg0 : i32
  }
}

module attributes {stable_mosaic.version = 14 : i64} {
  func.func @_topk_body(%arg0: memref<10240xf32, #tpu.memory_space<vmem>>, %arg1: memref<10240xf32, #tpu.memory_space<vmem>>) attributes {dimension_semantics = [], scalar_prefetch = 0 : i64, scratch_operands = 0 : i64, tpu.core_type = #tpu.core_type<tc>} {
    %get3A = arith.constant 0 : index
    %get3A_0 = vector.load %arg0[%get3A] : memref<10240xf32, #tpu.memory_space<vmem>>, vector<10240xf32>
    %bitcast_convert_type3A = tpu.bitcast %get3A_0 : vector<10240xf32> -> vector<10240xi32>
    %lt3A = arith.constant 0 : i32
    %lt3A_1 = vector.broadcast %lt3A : i32 to vector<10240xi32>
    %lt3A_2 = arith.cmpi slt, %bitcast_convert_type3A, %lt3A_1 : vector<10240xi32>
    %not3A = arith.constant dense<-1> : vector<10240xi32>
    %not3A_3 = arith.xori %bitcast_convert_type3A, %not3A : vector<10240xi32>
    %xor3A = arith.constant -2147483648 : i32
    %xor3A_4 = vector.broadcast %xor3A : i32 to vector<10240xi32>
    %xor3A_5 = arith.xori %bitcast_convert_type3A, %xor3A_4 : vector<10240xi32>
    %select_n3A = arith.select %lt3A_2, %not3A_3, %xor3A_5 : vector<10240xi1>, vector<10240xi32>
    %xor3A_6 = arith.constant -2147483648 : i32
    %xor3A_7 = vector.broadcast %xor3A_6 : i32 to vector<10240xi32>
    %xor3A_8 = arith.xori %select_n3A, %xor3A_7 : vector<10240xi32>
    %scan3A = arith.constant 0 : i32
    %scan3A_9 = arith.constant 0 : i32
    %scan3A_10 = arith.constant 32 : i32
    %scan3A_11 = arith.addi %scan3A_9, %scan3A_10 : i32
    %scan3A_12 = arith.constant 1 : i32
    %scan3A_13 = scf.for %scan3A_20 = %scan3A_9 to %scan3A_11 step %scan3A_12 iter_args(%scan3A_21 = %scan3A) -> (i32)  : i32 {
      %sub3A = arith.constant 31 : i32
      %sub3A_22 = arith.subi %sub3A, %scan3A_20 : i32
      %shift_left3A = arith.constant 1 : i32
      %shift_left3A_23 = arith.shli %shift_left3A, %sub3A_22 : i32
      %or3A = arith.ori %scan3A_21, %shift_left3A_23 : i32
      %xor3A_24 = arith.constant -2147483648 : i32
      %xor3A_25 = arith.xori %or3A, %xor3A_24 : i32
      %ge3A_26 = vector.broadcast %xor3A_25 : i32 to vector<10240xi32>
      %ge3A_27 = arith.cmpi sge, %xor3A_8, %ge3A_26 : vector<10240xi32>
      %convert_element_type3A_28 = arith.extui %ge3A_27 : vector<10240xi1> to vector<10240xi32>
      %reduce_sum3A = vector.shape_cast %convert_element_type3A_28 : vector<10240xi32> to vector<1x10240xi32>
      %reduce_sum3A_29 = arith.constant dense<0> : vector<1xi32>
      %reduce_sum3A_30 = vector.multi_reduction <add>, %reduce_sum3A, %reduce_sum3A_29 [1] : vector<1x10240xi32> to vector<1xi32>
      %reduce_sum3A_31 = vector.shape_cast %reduce_sum3A_30 : vector<1xi32> to vector<1x1xi32>
      %reduce_sum3A_32 = vector.extract %reduce_sum3A_31[0, 0] : i32 from vector<1x1xi32>
      %ge3A_33 = arith.constant 5000 : i32
      %ge3A_34 = arith.cmpi sge, %reduce_sum3A_32, %ge3A_33 : i32
      %select_n3A_35 = arith.select %ge3A_34, %or3A, %scan3A_21 : i32
      scf.yield %select_n3A_35 : i32
    }
    %scan3A_14 = arith.constant 32 : i32
    %xor3A_15 = arith.constant -2147483648 : i32
    %xor3A_16 = arith.xori %scan3A_13, %xor3A_15 : i32
    %ge3A = vector.broadcast %xor3A_16 : i32 to vector<10240xi32>
    %ge3A_17 = arith.cmpi sge, %xor3A_8, %ge3A : vector<10240xi32>
    %convert_element_type3A = arith.extui %ge3A_17 : vector<10240xi1> to vector<10240xi32>
    %convert_element_type3A_18 = arith.sitofp %convert_element_type3A : vector<10240xi32> to vector<10240xf32>
    %swap3A = arith.constant 0 : index
    %swap3A_19 = vector.load %arg1[%swap3A] : memref<10240xf32, #tpu.memory_space<vmem>>, vector<10240xf32>
    tpu.vector_store %arg1[%swap3A], %convert_element_type3A_18 {strides = array<i32>} : memref<10240xf32, #tpu.memory_space<vmem>>, vector<10240xf32>,
    return
  }
}

module attributes {stable_mosaic.version = 14 : i64} {
  func.func @wrapped(%arg0: i32, %arg1: memref<256x256xf32, #tpu.memory_space<vmem>>, %arg2: memref<256xf32, #tpu.memory_space<vmem>>, %arg3: memref<256xf32, #tpu.memory_space<vmem>>, %arg4: memref<256x784xf32, #tpu.memory_space<vmem>>, %arg5: memref<784xf32, #tpu.memory_space<vmem>>, %arg6: memref<256xf32, #tpu.memory_space<vmem>>, %arg7: memref<256xf32, #tpu.memory_space<vmem>>, %arg8: memref<4x256x128xf32, #tpu.memory_space<vmem>>, %arg9: memref<256xf32, #tpu.memory_space<vmem>>, %arg10: memref<256x256xf32, #tpu.memory_space<vmem>>) attributes {dimension_semantics = [#tpu.dimension_semantics<arbitrary>], iteration_bounds = array<i64: 40>, scalar_prefetch = 0 : i64, scratch_operands = 0 : i64, tpu.core_type = #tpu.core_type<tc>, window_params = [{transform_indices = @transform_0, window_bounds = array<i64: 256, 256>}, {transform_indices = @transform_1, window_bounds = array<i64: 256>}, {transform_indices = @transform_2, window_bounds = array<i64: 256>}, {pipeline_mode = #tpu.pipeline_mode<synchronous>, transform_indices = @transform_3, window_bounds = array<i64: 256, 784>}, {pipeline_mode = #tpu.pipeline_mode<synchronous>, transform_indices = @transform_4, window_bounds = array<i64: 784>}, {transform_indices = @transform_5, window_bounds = array<i64: 256>}, {transform_indices = @transform_6, window_bounds = array<i64: 256>}, {transform_indices = @transform_7, window_bounds = array<i64: 4, 256, 128>}, {transform_indices = @transform_8, window_bounds = array<i64: 256>}, {transform_indices = @transform_9, window_bounds = array<i64: 256, 256>}]} {
    %get3A = arith.constant 0 : index
    %get3A_0 = arith.constant 0 : index
    %get3A_1 = vector.load %arg1[%get3A, %get3A_0] : memref<256x256xf32, #tpu.memory_space<vmem>>, vector<256x256xf32>
    %get3A_2 = arith.constant 0 : index
    %get3A_3 = vector.load %arg2[%get3A_2] : memref<256xf32, #tpu.memory_space<vmem>>, vector<256xf32>
    %get3A_4 = arith.constant 0 : index
    %get3A_5 = vector.load %arg3[%get3A_4] : memref<256xf32, #tpu.memory_space<vmem>>, vector<256xf32>
    %tanh3A = math.tanh %get3A_3 : vector<256xf32>
    %broadcast_in_dim3A = vector.shape_cast %tanh3A : vector<256xf32> to vector<256x1xf32>
    %mul3A = vector.broadcast %broadcast_in_dim3A : vector<256x1xf32> to vector<256x256xf32>
    %mul3A_6 = arith.mulf %get3A_1, %mul3A : vector<256x256xf32>
    %gt3A = arith.constant 0.000000e+00 : f32
    %gt3A_7 = vector.broadcast %gt3A : f32 to vector<256x256xf32>
    %gt3A_8 = arith.cmpf ogt, %mul3A_6, %gt3A_7 : vector<256x256xf32>
    %min3A = arith.constant 0.000000e+00 : f32
    %min3A_9 = vector.broadcast %min3A : f32 to vector<256x256xf32>
    %min3A_10 = arith.minimumf %mul3A_6, %min3A_9 : vector<256x256xf32>
    %exp3A = math.exp %min3A_10 : vector<256x256xf32>
    %sub3A = arith.constant 1.000000e+00 : f32
    %sub3A_11 = vector.broadcast %sub3A : f32 to vector<256x256xf32>
    %sub3A_12 = arith.subf %exp3A, %sub3A_11 : vector<256x256xf32>
    %select_n3A = arith.select %gt3A_8, %mul3A_6, %sub3A_12 : vector<256x256xi1>, vector<256x256xf32>
    %broadcast_in_dim3A_13 = vector.shape_cast %get3A_5 : vector<256xf32> to vector<256x1xf32>
    %mul3A_14 = vector.broadcast %broadcast_in_dim3A_13 : vector<256x1xf32> to vector<256x256xf32>
    %mul3A_15 = arith.mulf %select_n3A, %mul3A_14 : vector<256x256xf32>
    %get3A_16 = arith.constant 0 : index
    %get3A_17 = vector.load %arg6[%get3A_16] : memref<256xf32, #tpu.memory_space<vmem>>, vector<256xf32>
    %get3A_18 = arith.constant 0 : index
    %get3A_19 = vector.load %arg7[%get3A_18] : memref<256xf32, #tpu.memory_space<vmem>>, vector<256xf32>
    %add3A = arith.addf %get3A_17, %get3A_19 : vector<256xf32>
    %add3A_20 = arith.constant 1.000000e+00 : f32
    %add3A_21 = vector.broadcast %add3A_20 : f32 to vector<256xf32>
    %add3A_22 = arith.addf %add3A, %add3A_21 : vector<256xf32>
    %rsqrt3A = math.rsqrt %add3A_22 : vector<256xf32>
    %get3A_23 = arith.constant 0 : index
    %get3A_24 = arith.constant 0 : index
    %get3A_25 = vector.load %arg4[%get3A_23, %get3A_24] : memref<256x784xf32, #tpu.memory_space<vmem>>, vector<256x784xf32>
    %dot_general3A = arith.constant dense<0.000000e+00> : vector<256x784xf32>
    %dot_general3A_26 = tpu.matmul %mul3A_15, %get3A_25, %dot_general3A {dimension_numbers = #tpu.dot_dimension_numbers<[1], [0], [0], [1], [0, 0, 1, 1], [], []>, transpose_lhs_hint = false} : vector<256x256xf32>, vector<256x784xf32>, vector<256x784xf32> -> vector<256x784xf32>
    %get3A_27 = arith.constant 0 : index
    %get3A_28 = vector.load %arg5[%get3A_27] : memref<784xf32, #tpu.memory_space<vmem>>, vector<784xf32>
    %broadcast_in_dim3A_29 = vector.shape_cast %get3A_28 : vector<784xf32> to vector<1x784xf32>
    %add3A_30 = vector.broadcast %broadcast_in_dim3A_29 : vector<1x784xf32> to vector<256x784xf32>
    %add3A_31 = arith.addf %dot_general3A_26, %add3A_30 : vector<256x784xf32>
    %slice3A = vector.extract_strided_slice %add3A_31 {offsets = [0, 0], sizes = [256, 512], strides = [1, 1]} : vector<256x784xf32> to vector<256x512xf32>
    %broadcast_in_dim3A_32 = vector.shape_cast %rsqrt3A : vector<256xf32> to vector<256x1xf32>
    %mul3A_33 = vector.broadcast %broadcast_in_dim3A_32 : vector<256x1xf32> to vector<256x512xf32>
    %mul3A_34 = arith.mulf %slice3A, %mul3A_33 : vector<256x512xf32>
    %reshape3A = vector.shape_cast %mul3A_34 : vector<256x512xf32> to vector<256x4x128xf32>
    %transpose3A = tpu.transpose %reshape3A, [1, 0, 2] : vector<256x4x128xf32> -> vector<4x256x128xf32>
    %swap3A = arith.constant 0 : index
    %swap3A_35 = arith.constant 0 : index
    %swap3A_36 = arith.constant 0 : index
    %swap3A_37 = vector.load %arg8[%swap3A, %swap3A_35, %swap3A_36] : memref<4x256x128xf32, #tpu.memory_space<vmem>>, vector<4x256x128xf32>
    tpu.vector_store %arg8[%swap3A, %swap3A_35, %swap3A_36], %transpose3A {strides = array<i32>} : memref<4x256x128xf32, #tpu.memory_space<vmem>>, vector<4x256x128xf32>,
    %slice3A_38 = vector.extract_strided_slice %add3A_31 {offsets = [0, 512], sizes = [256, 1], strides = [1, 1]} : vector<256x784xf32> to vector<256x1xf32>
    %squeeze3A = vector.shape_cast %slice3A_38 : vector<256x1xf32> to vector<256xf32>
    %mul3A_39 = arith.mulf %squeeze3A, %rsqrt3A : vector<256xf32>
    %swap3A_40 = arith.constant 0 : index
    %swap3A_41 = vector.load %arg9[%swap3A_40] : memref<256xf32, #tpu.memory_space<vmem>>, vector<256xf32>
    tpu.vector_store %arg9[%swap3A_40], %mul3A_39 {strides = array<i32>} : memref<256xf32, #tpu.memory_space<vmem>>, vector<256xf32>,
    %slice3A_42 = vector.extract_strided_slice %add3A_31 {offsets = [0, 528], sizes = [256, 256], strides = [1, 1]} : vector<256x784xf32> to vector<256x256xf32>
    %swap3A_43 = arith.constant 0 : index
    %swap3A_44 = arith.constant 0 : index
    %swap3A_45 = vector.load %arg10[%swap3A_43, %swap3A_44] : memref<256x256xf32, #tpu.memory_space<vmem>>, vector<256x256xf32>
    tpu.vector_store %arg10[%swap3A_43, %swap3A_44], %slice3A_42 {strides = array<i32>} : memref<256x256xf32, #tpu.memory_space<vmem>>, vector<256x256xf32>,
    return
  }
  func.func @transform_0(%arg0: i32) -> (i32, i32) {
    %c0_i32 = arith.constant 0 : i32
    %c0_i32_0 = arith.constant 0 : i32
    return %arg0, %c0_i32 : i32, i32
  }
  func.func @transform_1(%arg0: i32) -> i32 {
    %c0_i32 = arith.constant 0 : i32
    return %arg0 : i32
  }
  func.func @transform_2(%arg0: i32) -> i32 {
    %c0_i32 = arith.constant 0 : i32
    return %arg0 : i32
  }
  func.func @transform_3(%arg0: i32) -> (i32, i32) {
    %c0_i32 = arith.constant 0 : i32
    %c0_i32_0 = arith.constant 0 : i32
    %c0_i32_1 = arith.constant 0 : i32
    return %c0_i32, %c0_i32_0 : i32, i32
  }
  func.func @transform_4(%arg0: i32) -> i32 {
    %c0_i32 = arith.constant 0 : i32
    %c0_i32_0 = arith.constant 0 : i32
    return %c0_i32 : i32
  }
  func.func @transform_5(%arg0: i32) -> i32 {
    %c0_i32 = arith.constant 0 : i32
    return %arg0 : i32
  }
  func.func @transform_6(%arg0: i32) -> i32 {
    %c0_i32 = arith.constant 0 : i32
    return %arg0 : i32
  }
  func.func @transform_7(%arg0: i32) -> (i32, i32, i32) {
    %c0_i32 = arith.constant 0 : i32
    %c0_i32_0 = arith.constant 0 : i32
    %c0_i32_1 = arith.constant 0 : i32
    return %c0_i32, %arg0, %c0_i32_0 : i32, i32, i32
  }
  func.func @transform_8(%arg0: i32) -> i32 {
    %c0_i32 = arith.constant 0 : i32
    return %arg0 : i32
  }
  func.func @transform_9(%arg0: i32) -> (i32, i32) {
    %c0_i32 = arith.constant 0 : i32
    %c0_i32_0 = arith.constant 0 : i32
    return %arg0, %c0_i32 : i32, i32
  }
}

module attributes {stable_mosaic.version = 14 : i64} {
  func.func @wrapped(%arg0: i32, %arg1: memref<4x256x128xf32, #tpu.memory_space<vmem>>, %arg2: memref<4x256x128xf32, #tpu.memory_space<vmem>>, %arg3: memref<256xf32, #tpu.memory_space<vmem>>, %arg4: memref<256xf32, #tpu.memory_space<vmem>>, %arg5: memref<256xf32, #tpu.memory_space<vmem>>, %arg6: memref<256xf32, #tpu.memory_space<vmem>>, %arg7: memref<256xf32, #tpu.memory_space<vmem>>, %arg8: memref<256xf32, #tpu.memory_space<vmem>>, %arg9: memref<256x256xf32, #tpu.memory_space<vmem>>, %arg10: memref<256x256xf32, #tpu.memory_space<vmem>>, %arg11: memref<256xf32, #tpu.memory_space<vmem>>) attributes {dimension_semantics = [#tpu.dimension_semantics<arbitrary>], iteration_bounds = array<i64: 40>, scalar_prefetch = 0 : i64, scratch_operands = 0 : i64, tpu.core_type = #tpu.core_type<tc>, window_params = [{transform_indices = @transform_0, window_bounds = array<i64: 4, 256, 128>}, {transform_indices = @transform_1, window_bounds = array<i64: 4, 256, 128>}, {transform_indices = @transform_2, window_bounds = array<i64: 256>}, {transform_indices = @transform_3, window_bounds = array<i64: 256>}, {transform_indices = @transform_4, window_bounds = array<i64: 256>}, {transform_indices = @transform_5, window_bounds = array<i64: 256>}, {transform_indices = @transform_6, window_bounds = array<i64: 256>}, {transform_indices = @transform_7, window_bounds = array<i64: 256>}, {transform_indices = @transform_8, window_bounds = array<i64: 256, 256>}, {transform_indices = @transform_9, window_bounds = array<i64: 256, 256>}, {transform_indices = @transform_10, window_bounds = array<i64: 256>}]} {
    %get3A = arith.constant 0 : index
    %get3A_0 = vector.load %arg6[%get3A] : memref<256xf32, #tpu.memory_space<vmem>>, vector<256xf32>
    %get3A_1 = arith.constant 0 : index
    %get3A_2 = vector.load %arg7[%get3A_1] : memref<256xf32, #tpu.memory_space<vmem>>, vector<256xf32>
    %add3A = arith.addf %get3A_0, %get3A_2 : vector<256xf32>
    %add3A_3 = arith.constant 1.000000e+00 : f32
    %add3A_4 = vector.broadcast %add3A_3 : f32 to vector<256xf32>
    %add3A_5 = arith.addf %add3A, %add3A_4 : vector<256xf32>
    %rsqrt3A = math.rsqrt %add3A_5 : vector<256xf32>
    %broadcast_in_dim3A = vector.shape_cast %rsqrt3A : vector<256xf32> to vector<1x256x1xf32>
    %get3A_6 = arith.constant 0 : index
    %get3A_7 = arith.constant 0 : index
    %get3A_8 = arith.constant 0 : index
    %get3A_9 = vector.load %arg1[%get3A_6, %get3A_7, %get3A_8] : memref<4x256x128xf32, #tpu.memory_space<vmem>>, vector<4x256x128xf32>
    %get3A_10 = arith.constant 0 : index
    %get3A_11 = arith.constant 0 : index
    %get3A_12 = arith.constant 0 : index
    %get3A_13 = vector.load %arg2[%get3A_10, %get3A_11, %get3A_12] : memref<4x256x128xf32, #tpu.memory_space<vmem>>, vector<4x256x128xf32>
    %add3A_14 = arith.addf %get3A_9, %get3A_13 : vector<4x256x128xf32>
    %mul3A = vector.broadcast %broadcast_in_dim3A : vector<1x256x1xf32> to vector<4x256x128xf32>
    %mul3A_15 = arith.mulf %mul3A, %add3A_14 : vector<4x256x128xf32>
    %slice3A = vector.extract_strided_slice %mul3A_15 {offsets = [0, 0, 0], sizes = [2, 256, 128], strides = [1, 1, 1]} : vector<4x256x128xf32> to vector<2x256x128xf32>
    %slice3A_16 = vector.extract_strided_slice %mul3A_15 {offsets = [2, 0, 0], sizes = [2, 256, 128], strides = [1, 1, 1]} : vector<4x256x128xf32> to vector<2x256x128xf32>
    %logistic3A = arith.negf %slice3A_16 : vector<2x256x128xf32>
    %logistic3A_17 = math.exp %logistic3A : vector<2x256x128xf32>
    %logistic3A_18 = arith.constant 1.000000e+00 : f32
    %logistic3A_19 = vector.broadcast %logistic3A_18 : f32 to vector<2x256x128xf32>
    %logistic3A_20 = arith.addf %logistic3A_19, %logistic3A_17 : vector<2x256x128xf32>
    %logistic3A_21 = arith.divf %logistic3A_19, %logistic3A_20 : vector<2x256x128xf32>
    %mul3A_22 = arith.mulf %logistic3A_21, %slice3A : vector<2x256x128xf32>
    %transpose3A = tpu.transpose %mul3A_22, [1, 0, 2] : vector<2x256x128xf32> -> vector<256x2x128xf32>
    %reshape3A = vector.shape_cast %transpose3A : vector<256x2x128xf32> to vector<256x256xf32>
    %get3A_23 = arith.constant 0 : index
    %get3A_24 = arith.constant 0 : index
    %get3A_25 = vector.load %arg9[%get3A_23, %get3A_24] : memref<256x256xf32, #tpu.memory_space<vmem>>, vector<256x256xf32>
    %add3A_26 = arith.addf %reshape3A, %get3A_25 : vector<256x256xf32>
    %swap3A = arith.constant 0 : index
    %swap3A_27 = arith.constant 0 : index
    %swap3A_28 = vector.load %arg10[%swap3A, %swap3A_27] : memref<256x256xf32, #tpu.memory_space<vmem>>, vector<256x256xf32>
    tpu.vector_store %arg10[%swap3A, %swap3A_27], %add3A_26 {strides = array<i32>} : memref<256x256xf32, #tpu.memory_space<vmem>>, vector<256x256xf32>,
    %get3A_29 = arith.constant 0 : index
    %get3A_30 = vector.load %arg3[%get3A_29] : memref<256xf32, #tpu.memory_space<vmem>>, vector<256xf32>
    %get3A_31 = arith.constant 0 : index
    %get3A_32 = vector.load %arg4[%get3A_31] : memref<256xf32, #tpu.memory_space<vmem>>, vector<256xf32>
    %add3A_33 = arith.addf %get3A_30, %get3A_32 : vector<256xf32>
    %get3A_34 = arith.constant 0 : index
    %get3A_35 = vector.load %arg5[%get3A_34] : memref<256xf32, #tpu.memory_space<vmem>>, vector<256xf32>
    %add3A_36 = arith.addf %add3A_33, %get3A_35 : vector<256xf32>
    %mul3A_37 = arith.mulf %add3A_36, %rsqrt3A : vector<256xf32>
    %get3A_38 = arith.constant 0 : index
    %get3A_39 = vector.load %arg8[%get3A_38] : memref<256xf32, #tpu.memory_space<vmem>>, vector<256xf32>
    %gt3A = arith.constant 0.000000e+00 : f32
    %gt3A_40 = vector.broadcast %gt3A : f32 to vector<256xf32>
    %gt3A_41 = arith.cmpf ogt, %get3A_39, %gt3A_40 : vector<256xf32>
    %jit3A = arith.constant 0xFF800000 : f32
    %broadcast_in_dim3A_42 = vector.broadcast %jit3A : f32 to vector<256xf32>
    %select_n3A = arith.select %gt3A_41, %mul3A_37, %broadcast_in_dim3A_42 : vector<256xi1>, vector<256xf32>
    %swap3A_43 = arith.constant 0 : index
    %swap3A_44 = vector.load %arg11[%swap3A_43] : memref<256xf32, #tpu.memory_space<vmem>>, vector<256xf32>
    tpu.vector_store %arg11[%swap3A_43], %select_n3A {strides = array<i32>} : memref<256xf32, #tpu.memory_space<vmem>>, vector<256xf32>,
    return
  }
  func.func @transform_0(%arg0: i32) -> (i32, i32, i32) {
    %c0_i32 = arith.constant 0 : i32
    %c0_i32_0 = arith.constant 0 : i32
    %c0_i32_1 = arith.constant 0 : i32
    return %c0_i32, %arg0, %c0_i32_0 : i32, i32, i32
  }
  func.func @transform_1(%arg0: i32) -> (i32, i32, i32) {
    %c0_i32 = arith.constant 0 : i32
    %c0_i32_0 = arith.constant 0 : i32
    %c0_i32_1 = arith.constant 0 : i32
    return %c0_i32, %arg0, %c0_i32_0 : i32, i32, i32
  }
  func.func @transform_2(%arg0: i32) -> i32 {
    %c0_i32 = arith.constant 0 : i32
    return %arg0 : i32
  }
  func.func @transform_3(%arg0: i32) -> i32 {
    %c0_i32 = arith.constant 0 : i32
    return %arg0 : i32
  }
  func.func @transform_4(%arg0: i32) -> i32 {
    %c0_i32 = arith.constant 0 : i32
    return %arg0 : i32
  }
  func.func @transform_5(%arg0: i32) -> i32 {
    %c0_i32 = arith.constant 0 : i32
    return %arg0 : i32
  }
  func.func @transform_6(%arg0: i32) -> i32 {
    %c0_i32 = arith.constant 0 : i32
    return %arg0 : i32
  }
  func.func @transform_7(%arg0: i32) -> i32 {
    %c0_i32 = arith.constant 0 : i32
    return %arg0 : i32
  }
  func.func @transform_8(%arg0: i32) -> (i32, i32) {
    %c0_i32 = arith.constant 0 : i32
    %c0_i32_0 = arith.constant 0 : i32
    return %arg0, %c0_i32 : i32, i32
  }
  func.func @transform_9(%arg0: i32) -> (i32, i32) {
    %c0_i32 = arith.constant 0 : i32
    %c0_i32_0 = arith.constant 0 : i32
    return %arg0, %c0_i32 : i32, i32
  }
  func.func @transform_10(%arg0: i32) -> i32 {
    %c0_i32 = arith.constant 0 : i32
    return %arg0 : i32
  }
}

module attributes {stable_mosaic.version = 14 : i64} {
  func.func @_topk_body(%arg0: memref<10240xf32, #tpu.memory_space<vmem>>, %arg1: memref<10240xf32, #tpu.memory_space<vmem>>) attributes {dimension_semantics = [], scalar_prefetch = 0 : i64, scratch_operands = 0 : i64, tpu.core_type = #tpu.core_type<tc>} {
    %get3A = arith.constant 0 : index
    %get3A_0 = vector.load %arg0[%get3A] : memref<10240xf32, #tpu.memory_space<vmem>>, vector<10240xf32>
    %bitcast_convert_type3A = tpu.bitcast %get3A_0 : vector<10240xf32> -> vector<10240xi32>
    %lt3A = arith.constant 0 : i32
    %lt3A_1 = vector.broadcast %lt3A : i32 to vector<10240xi32>
    %lt3A_2 = arith.cmpi slt, %bitcast_convert_type3A, %lt3A_1 : vector<10240xi32>
    %not3A = arith.constant dense<-1> : vector<10240xi32>
    %not3A_3 = arith.xori %bitcast_convert_type3A, %not3A : vector<10240xi32>
    %xor3A = arith.constant -2147483648 : i32
    %xor3A_4 = vector.broadcast %xor3A : i32 to vector<10240xi32>
    %xor3A_5 = arith.xori %bitcast_convert_type3A, %xor3A_4 : vector<10240xi32>
    %select_n3A = arith.select %lt3A_2, %not3A_3, %xor3A_5 : vector<10240xi1>, vector<10240xi32>
    %xor3A_6 = arith.constant -2147483648 : i32
    %xor3A_7 = vector.broadcast %xor3A_6 : i32 to vector<10240xi32>
    %xor3A_8 = arith.xori %select_n3A, %xor3A_7 : vector<10240xi32>
    %scan3A = arith.constant 0 : i32
    %scan3A_9 = arith.constant 0 : i32
    %scan3A_10 = arith.constant 32 : i32
    %scan3A_11 = arith.addi %scan3A_9, %scan3A_10 : i32
    %scan3A_12 = arith.constant 1 : i32
    %scan3A_13 = scf.for %scan3A_20 = %scan3A_9 to %scan3A_11 step %scan3A_12 iter_args(%scan3A_21 = %scan3A) -> (i32)  : i32 {
      %sub3A = arith.constant 31 : i32
      %sub3A_22 = arith.subi %sub3A, %scan3A_20 : i32
      %shift_left3A = arith.constant 1 : i32
      %shift_left3A_23 = arith.shli %shift_left3A, %sub3A_22 : i32
      %or3A = arith.ori %scan3A_21, %shift_left3A_23 : i32
      %xor3A_24 = arith.constant -2147483648 : i32
      %xor3A_25 = arith.xori %or3A, %xor3A_24 : i32
      %ge3A_26 = vector.broadcast %xor3A_25 : i32 to vector<10240xi32>
      %ge3A_27 = arith.cmpi sge, %xor3A_8, %ge3A_26 : vector<10240xi32>
      %convert_element_type3A_28 = arith.extui %ge3A_27 : vector<10240xi1> to vector<10240xi32>
      %reduce_sum3A = vector.shape_cast %convert_element_type3A_28 : vector<10240xi32> to vector<1x10240xi32>
      %reduce_sum3A_29 = arith.constant dense<0> : vector<1xi32>
      %reduce_sum3A_30 = vector.multi_reduction <add>, %reduce_sum3A, %reduce_sum3A_29 [1] : vector<1x10240xi32> to vector<1xi32>
      %reduce_sum3A_31 = vector.shape_cast %reduce_sum3A_30 : vector<1xi32> to vector<1x1xi32>
      %reduce_sum3A_32 = vector.extract %reduce_sum3A_31[0, 0] : i32 from vector<1x1xi32>
      %ge3A_33 = arith.constant 2500 : i32
      %ge3A_34 = arith.cmpi sge, %reduce_sum3A_32, %ge3A_33 : i32
      %select_n3A_35 = arith.select %ge3A_34, %or3A, %scan3A_21 : i32
      scf.yield %select_n3A_35 : i32
    }
    %scan3A_14 = arith.constant 32 : i32
    %xor3A_15 = arith.constant -2147483648 : i32
    %xor3A_16 = arith.xori %scan3A_13, %xor3A_15 : i32
    %ge3A = vector.broadcast %xor3A_16 : i32 to vector<10240xi32>
    %ge3A_17 = arith.cmpi sge, %xor3A_8, %ge3A : vector<10240xi32>
    %convert_element_type3A = arith.extui %ge3A_17 : vector<10240xi1> to vector<10240xi32>
    %convert_element_type3A_18 = arith.sitofp %convert_element_type3A : vector<10240xi32> to vector<10240xf32>
    %swap3A = arith.constant 0 : index
    %swap3A_19 = vector.load %arg1[%swap3A] : memref<10240xf32, #tpu.memory_space<vmem>>, vector<10240xf32>
    tpu.vector_store %arg1[%swap3A], %convert_element_type3A_18 {strides = array<i32>} : memref<10240xf32, #tpu.memory_space<vmem>>, vector<10240xf32>,
    return
  }
}

module attributes {stable_mosaic.version = 14 : i64} {
  func.func @_matmul3_body(%arg0: i32, %arg1: memref<256x256xf32, #tpu.memory_space<vmem>>, %arg2: memref<256xf32, #tpu.memory_space<vmem>>, %arg3: memref<256xf32, #tpu.memory_space<vmem>>, %arg4: memref<256x16xf32, #tpu.memory_space<vmem>>, %arg5: memref<16xf32, #tpu.memory_space<vmem>>, %arg6: memref<256xf32, #tpu.memory_space<vmem>>, %arg7: memref<256xf32, #tpu.memory_space<vmem>>, %arg8: memref<256xf32, #tpu.memory_space<vmem>>, %arg9: memref<256xf32, #tpu.memory_space<vmem>>, %arg10: memref<256xf32, #tpu.memory_space<vmem>>, %arg11: memref<256xf32, #tpu.memory_space<vmem>>) attributes {dimension_semantics = [#tpu.dimension_semantics<arbitrary>], iteration_bounds = array<i64: 40>, scalar_prefetch = 0 : i64, scratch_operands = 0 : i64, tpu.core_type = #tpu.core_type<tc>, window_params = [{transform_indices = @transform_0, window_bounds = array<i64: 256, 256>}, {transform_indices = @transform_1, window_bounds = array<i64: 256>}, {transform_indices = @transform_2, window_bounds = array<i64: 256>}, {pipeline_mode = #tpu.pipeline_mode<synchronous>, transform_indices = @transform_3, window_bounds = array<i64: 256, 16>}, {pipeline_mode = #tpu.pipeline_mode<synchronous>, transform_indices = @transform_4, window_bounds = array<i64: 16>}, {transform_indices = @transform_5, window_bounds = array<i64: 256>}, {transform_indices = @transform_6, window_bounds = array<i64: 256>}, {transform_indices = @transform_7, window_bounds = array<i64: 256>}, {transform_indices = @transform_8, window_bounds = array<i64: 256>}, {transform_indices = @transform_9, window_bounds = array<i64: 256>}, {transform_indices = @transform_10, window_bounds = array<i64: 256>}]} {
    %get3A = arith.constant 0 : index
    %get3A_0 = arith.constant 0 : index
    %get3A_1 = vector.load %arg1[%get3A, %get3A_0] : memref<256x256xf32, #tpu.memory_space<vmem>>, vector<256x256xf32>
    %get3A_2 = arith.constant 0 : index
    %get3A_3 = vector.load %arg2[%get3A_2] : memref<256xf32, #tpu.memory_space<vmem>>, vector<256xf32>
    %get3A_4 = arith.constant 0 : index
    %get3A_5 = vector.load %arg3[%get3A_4] : memref<256xf32, #tpu.memory_space<vmem>>, vector<256xf32>
    %tanh3A = math.tanh %get3A_3 : vector<256xf32>
    %broadcast_in_dim3A = vector.shape_cast %tanh3A : vector<256xf32> to vector<256x1xf32>
    %mul3A = vector.broadcast %broadcast_in_dim3A : vector<256x1xf32> to vector<256x256xf32>
    %mul3A_6 = arith.mulf %get3A_1, %mul3A : vector<256x256xf32>
    %gt3A = arith.constant 0.000000e+00 : f32
    %gt3A_7 = vector.broadcast %gt3A : f32 to vector<256x256xf32>
    %gt3A_8 = arith.cmpf ogt, %mul3A_6, %gt3A_7 : vector<256x256xf32>
    %min3A = arith.constant 0.000000e+00 : f32
    %min3A_9 = vector.broadcast %min3A : f32 to vector<256x256xf32>
    %min3A_10 = arith.minimumf %mul3A_6, %min3A_9 : vector<256x256xf32>
    %exp3A = math.exp %min3A_10 : vector<256x256xf32>
    %sub3A = arith.constant 1.000000e+00 : f32
    %sub3A_11 = vector.broadcast %sub3A : f32 to vector<256x256xf32>
    %sub3A_12 = arith.subf %exp3A, %sub3A_11 : vector<256x256xf32>
    %select_n3A = arith.select %gt3A_8, %mul3A_6, %sub3A_12 : vector<256x256xi1>, vector<256x256xf32>
    %broadcast_in_dim3A_13 = vector.shape_cast %get3A_5 : vector<256xf32> to vector<256x1xf32>
    %mul3A_14 = vector.broadcast %broadcast_in_dim3A_13 : vector<256x1xf32> to vector<256x256xf32>
    %mul3A_15 = arith.mulf %select_n3A, %mul3A_14 : vector<256x256xf32>
    %get3A_16 = arith.constant 0 : index
    %get3A_17 = vector.load %arg6[%get3A_16] : memref<256xf32, #tpu.memory_space<vmem>>, vector<256xf32>
    %get3A_18 = arith.constant 0 : index
    %get3A_19 = vector.load %arg7[%get3A_18] : memref<256xf32, #tpu.memory_space<vmem>>, vector<256xf32>
    %add3A = arith.addf %get3A_17, %get3A_19 : vector<256xf32>
    %add3A_20 = arith.constant 1.000000e+00 : f32
    %add3A_21 = vector.broadcast %add3A_20 : f32 to vector<256xf32>
    %add3A_22 = arith.addf %add3A, %add3A_21 : vector<256xf32>
    %rsqrt3A = math.rsqrt %add3A_22 : vector<256xf32>
    %get3A_23 = arith.constant 0 : index
    %get3A_24 = arith.constant 0 : index
    %get3A_25 = vector.load %arg4[%get3A_23, %get3A_24] : memref<256x16xf32, #tpu.memory_space<vmem>>, vector<256x16xf32>
    %dot_general3A = arith.constant dense<0.000000e+00> : vector<256x16xf32>
    %dot_general3A_26 = tpu.matmul %mul3A_15, %get3A_25, %dot_general3A {dimension_numbers = #tpu.dot_dimension_numbers<[1], [0], [0], [1], [0, 0, 1, 1], [], []>, transpose_lhs_hint = false} : vector<256x256xf32>, vector<256x16xf32>, vector<256x16xf32> -> vector<256x16xf32>
    %get3A_27 = arith.constant 0 : index
    %get3A_28 = vector.load %arg5[%get3A_27] : memref<16xf32, #tpu.memory_space<vmem>>, vector<16xf32>
    %broadcast_in_dim3A_29 = vector.shape_cast %get3A_28 : vector<16xf32> to vector<1x16xf32>
    %add3A_30 = vector.broadcast %broadcast_in_dim3A_29 : vector<1x16xf32> to vector<256x16xf32>
    %add3A_31 = arith.addf %dot_general3A_26, %add3A_30 : vector<256x16xf32>
    %broadcast_in_dim3A_32 = vector.shape_cast %rsqrt3A : vector<256xf32> to vector<256x1xf32>
    %mul3A_33 = vector.broadcast %broadcast_in_dim3A_32 : vector<256x1xf32> to vector<256x16xf32>
    %mul3A_34 = arith.mulf %add3A_31, %mul3A_33 : vector<256x16xf32>
    %slice3A = vector.extract_strided_slice %mul3A_34 {offsets = [0, 0], sizes = [256, 1], strides = [1, 1]} : vector<256x16xf32> to vector<256x1xf32>
    %squeeze3A = vector.shape_cast %slice3A : vector<256x1xf32> to vector<256xf32>
    %swap3A = arith.constant 0 : index
    %swap3A_35 = vector.load %arg8[%swap3A] : memref<256xf32, #tpu.memory_space<vmem>>, vector<256xf32>
    tpu.vector_store %arg8[%swap3A], %squeeze3A {strides = array<i32>} : memref<256xf32, #tpu.memory_space<vmem>>, vector<256xf32>,
    %slice3A_36 = vector.extract_strided_slice %mul3A_34 {offsets = [0, 1], sizes = [256, 1], strides = [1, 1]} : vector<256x16xf32> to vector<256x1xf32>
    %squeeze3A_37 = vector.shape_cast %slice3A_36 : vector<256x1xf32> to vector<256xf32>
    %swap3A_38 = arith.constant 0 : index
    %swap3A_39 = vector.load %arg9[%swap3A_38] : memref<256xf32, #tpu.memory_space<vmem>>, vector<256xf32>
    tpu.vector_store %arg9[%swap3A_38], %squeeze3A_37 {strides = array<i32>} : memref<256xf32, #tpu.memory_space<vmem>>, vector<256xf32>,
    %slice3A_40 = vector.extract_strided_slice %mul3A_34 {offsets = [0, 2], sizes = [256, 1], strides = [1, 1]} : vector<256x16xf32> to vector<256x1xf32>
    %squeeze3A_41 = vector.shape_cast %slice3A_40 : vector<256x1xf32> to vector<256xf32>
    %swap3A_42 = arith.constant 0 : index
    %swap3A_43 = vector.load %arg10[%swap3A_42] : memref<256xf32, #tpu.memory_space<vmem>>, vector<256xf32>
    tpu.vector_store %arg10[%swap3A_42], %squeeze3A_41 {strides = array<i32>} : memref<256xf32, #tpu.memory_space<vmem>>, vector<256xf32>,
    %slice3A_44 = vector.extract_strided_slice %mul3A_34 {offsets = [0, 3], sizes = [256, 1], strides = [1, 1]} : vector<256x16xf32> to vector<256x1xf32>
    %squeeze3A_45 = vector.shape_cast %slice3A_44 : vector<256x1xf32> to vector<256xf32>
    %swap3A_46 = arith.constant 0 : index
    %swap3A_47 = vector.load %arg11[%swap3A_46] : memref<256xf32, #tpu.memory_space<vmem>>, vector<256xf32>
    tpu.vector_store %arg11[%swap3A_46], %squeeze3A_45 {strides = array<i32>} : memref<256xf32, #tpu.memory_space<vmem>>, vector<256xf32>,
    return
  }
  func.func @transform_0(%arg0: i32) -> (i32, i32) {
    %c0_i32 = arith.constant 0 : i32
    %c0_i32_0 = arith.constant 0 : i32
    return %arg0, %c0_i32 : i32, i32
  }
  func.func @transform_1(%arg0: i32) -> i32 {
    %c0_i32 = arith.constant 0 : i32
    return %arg0 : i32
  }
  func.func @transform_2(%arg0: i32) -> i32 {
    %c0_i32 = arith.constant 0 : i32
    return %arg0 : i32
  }
  func.func @transform_3(%arg0: i32) -> (i32, i32) {
    %c0_i32 = arith.constant 0 : i32
    %c0_i32_0 = arith.constant 0 : i32
    %c0_i32_1 = arith.constant 0 : i32
    return %c0_i32, %c0_i32_0 : i32, i32
  }
  func.func @transform_4(%arg0: i32) -> i32 {
    %c0_i32 = arith.constant 0 : i32
    %c0_i32_0 = arith.constant 0 : i32
    return %c0_i32 : i32
  }
  func.func @transform_5(%arg0: i32) -> i32 {
    %c0_i32 = arith.constant 0 : i32
    return %arg0 : i32
  }
  func.func @transform_6(%arg0: i32) -> i32 {
    %c0_i32 = arith.constant 0 : i32
    return %arg0 : i32
  }
  func.func @transform_7(%arg0: i32) -> i32 {
    %c0_i32 = arith.constant 0 : i32
    return %arg0 : i32
  }
  func.func @transform_8(%arg0: i32) -> i32 {
    %c0_i32 = arith.constant 0 : i32
    return %arg0 : i32
  }
  func.func @transform_9(%arg0: i32) -> i32 {
    %c0_i32 = arith.constant 0 : i32
    return %arg0 : i32
  }
  func.func @transform_10(%arg0: i32) -> i32 {
    %c0_i32 = arith.constant 0 : i32
    return %arg0 : i32
  }
}

module attributes {stable_mosaic.version = 14 : i64} {
  func.func @_final_body(%arg0: memref<2x40960xf32, #tpu.memory_space<vmem>>, %arg1: memref<40960xf32, #tpu.memory_space<vmem>>, %arg2: memref<10240xf32, #tpu.memory_space<vmem>>, %arg3: memref<10240xf32, #tpu.memory_space<vmem>>, %arg4: memref<10240xf32, #tpu.memory_space<vmem>>, %arg5: memref<32x128xf32, #tpu.memory_space<vmem>>, %arg6: memref<1x128xf32, #tpu.memory_space<vmem>>, %arg7: memref<128x10xf32, #tpu.memory_space<vmem>>, %arg8: memref<1x10xf32, #tpu.memory_space<vmem>>, %arg9: memref<1x10xf32, #tpu.memory_space<vmem>>) attributes {dimension_semantics = [], scalar_prefetch = 0 : i64, scratch_operands = 0 : i64, tpu.core_type = #tpu.core_type<tc>} {
    %get3A = arith.constant 0 : index
    %get3A_0 = vector.load %arg2[%get3A] : memref<10240xf32, #tpu.memory_space<vmem>>, vector<10240xf32>
    %get3A_1 = arith.constant 0 : index
    %get3A_2 = vector.load %arg3[%get3A_1] : memref<10240xf32, #tpu.memory_space<vmem>>, vector<10240xf32>
    %add3A = arith.addf %get3A_0, %get3A_2 : vector<10240xf32>
    %add3A_3 = arith.constant 1.000000e+00 : f32
    %add3A_4 = vector.broadcast %add3A_3 : f32 to vector<10240xf32>
    %add3A_5 = arith.addf %add3A, %add3A_4 : vector<10240xf32>
    %rsqrt3A = math.rsqrt %add3A_5 : vector<10240xf32>
    %get3A_6 = arith.constant 0 : index
    %get3A_7 = arith.constant 20480 : index
    %get3A_8 = vector.load %arg0[%get3A_6, %get3A_7] : memref<2x40960xf32, #tpu.memory_space<vmem>>, vector<1x10240xf32>
    %get3A_9 = vector.shape_cast %get3A_8 : vector<1x10240xf32> to vector<10240xf32>
    %get3A_10 = arith.constant 1 : index
    %get3A_11 = arith.constant 20480 : index
    %get3A_12 = vector.load %arg0[%get3A_10, %get3A_11] : memref<2x40960xf32, #tpu.memory_space<vmem>>, vector<1x10240xf32>
    %get3A_13 = vector.shape_cast %get3A_12 : vector<1x10240xf32> to vector<10240xf32>
    %add3A_14 = arith.addf %get3A_9, %get3A_13 : vector<10240xf32>
    %get3A_15 = arith.constant 20480 : index
    %get3A_16 = vector.load %arg1[%get3A_15] : memref<40960xf32, #tpu.memory_space<vmem>>, vector<10240xf32>
    %add3A_17 = arith.addf %add3A_14, %get3A_16 : vector<10240xf32>
    %mul3A = arith.mulf %rsqrt3A, %add3A_17 : vector<10240xf32>
    %logistic3A = arith.negf %mul3A : vector<10240xf32>
    %logistic3A_18 = math.exp %logistic3A : vector<10240xf32>
    %logistic3A_19 = arith.constant 1.000000e+00 : f32
    %logistic3A_20 = vector.broadcast %logistic3A_19 : f32 to vector<10240xf32>
    %logistic3A_21 = arith.addf %logistic3A_20, %logistic3A_18 : vector<10240xf32>
    %logistic3A_22 = arith.divf %logistic3A_20, %logistic3A_21 : vector<10240xf32>
    %get3A_23 = arith.constant 0 : index
    %get3A_24 = arith.constant 0 : index
    %get3A_25 = vector.load %arg0[%get3A_23, %get3A_24] : memref<2x40960xf32, #tpu.memory_space<vmem>>, vector<1x10240xf32>
    %get3A_26 = vector.shape_cast %get3A_25 : vector<1x10240xf32> to vector<10240xf32>
    %get3A_27 = arith.constant 1 : index
    %get3A_28 = arith.constant 0 : index
    %get3A_29 = vector.load %arg0[%get3A_27, %get3A_28] : memref<2x40960xf32, #tpu.memory_space<vmem>>, vector<1x10240xf32>
    %get3A_30 = vector.shape_cast %get3A_29 : vector<1x10240xf32> to vector<10240xf32>
    %add3A_31 = arith.addf %get3A_26, %get3A_30 : vector<10240xf32>
    %get3A_32 = arith.constant 0 : index
    %get3A_33 = vector.load %arg1[%get3A_32] : memref<40960xf32, #tpu.memory_space<vmem>>, vector<10240xf32>
    %add3A_34 = arith.addf %add3A_31, %get3A_33 : vector<10240xf32>
    %mul3A_35 = arith.mulf %rsqrt3A, %add3A_34 : vector<10240xf32>
    %mul3A_36 = arith.mulf %logistic3A_22, %mul3A_35 : vector<10240xf32>
    %get3A_37 = arith.constant 0 : index
    %get3A_38 = arith.constant 30720 : index
    %get3A_39 = vector.load %arg0[%get3A_37, %get3A_38] : memref<2x40960xf32, #tpu.memory_space<vmem>>, vector<1x10240xf32>
    %get3A_40 = vector.shape_cast %get3A_39 : vector<1x10240xf32> to vector<10240xf32>
    %get3A_41 = arith.constant 1 : index
    %get3A_42 = arith.constant 30720 : index
    %get3A_43 = vector.load %arg0[%get3A_41, %get3A_42] : memref<2x40960xf32, #tpu.memory_space<vmem>>, vector<1x10240xf32>
    %get3A_44 = vector.shape_cast %get3A_43 : vector<1x10240xf32> to vector<10240xf32>
    %add3A_45 = arith.addf %get3A_40, %get3A_44 : vector<10240xf32>
    %get3A_46 = arith.constant 30720 : index
    %get3A_47 = vector.load %arg1[%get3A_46] : memref<40960xf32, #tpu.memory_space<vmem>>, vector<10240xf32>
    %add3A_48 = arith.addf %add3A_45, %get3A_47 : vector<10240xf32>
    %mul3A_49 = arith.mulf %rsqrt3A, %add3A_48 : vector<10240xf32>
    %logistic3A_50 = arith.negf %mul3A_49 : vector<10240xf32>
    %logistic3A_51 = math.exp %logistic3A_50 : vector<10240xf32>
    %logistic3A_52 = arith.constant 1.000000e+00 : f32
    %logistic3A_53 = vector.broadcast %logistic3A_52 : f32 to vector<10240xf32>
    %logistic3A_54 = arith.addf %logistic3A_53, %logistic3A_51 : vector<10240xf32>
    %logistic3A_55 = arith.divf %logistic3A_53, %logistic3A_54 : vector<10240xf32>
    %get3A_56 = arith.constant 0 : index
    %get3A_57 = arith.constant 10240 : index
    %get3A_58 = vector.load %arg0[%get3A_56, %get3A_57] : memref<2x40960xf32, #tpu.memory_space<vmem>>, vector<1x10240xf32>
    %get3A_59 = vector.shape_cast %get3A_58 : vector<1x10240xf32> to vector<10240xf32>
    %get3A_60 = arith.constant 1 : index
    %get3A_61 = arith.constant 10240 : index
    %get3A_62 = vector.load %arg0[%get3A_60, %get3A_61] : memref<2x40960xf32, #tpu.memory_space<vmem>>, vector<1x10240xf32>
    %get3A_63 = vector.shape_cast %get3A_62 : vector<1x10240xf32> to vector<10240xf32>
    %add3A_64 = arith.addf %get3A_59, %get3A_63 : vector<10240xf32>
    %get3A_65 = arith.constant 10240 : index
    %get3A_66 = vector.load %arg1[%get3A_65] : memref<40960xf32, #tpu.memory_space<vmem>>, vector<10240xf32>
    %add3A_67 = arith.addf %add3A_64, %get3A_66 : vector<10240xf32>
    %mul3A_68 = arith.mulf %rsqrt3A, %add3A_67 : vector<10240xf32>
    %mul3A_69 = arith.mulf %logistic3A_55, %mul3A_68 : vector<10240xf32>
    %add3A_70 = arith.addf %mul3A_36, %mul3A_69 : vector<10240xf32>
    %mul3A_71 = arith.constant 5.000000e-01 : f32
    %mul3A_72 = vector.broadcast %mul3A_71 : f32 to vector<10240xf32>
    %mul3A_73 = arith.mulf %mul3A_72, %add3A_70 : vector<10240xf32>
    %get3A_74 = arith.constant 0 : index
    %get3A_75 = vector.load %arg4[%get3A_74] : memref<10240xf32, #tpu.memory_space<vmem>>, vector<10240xf32>
    %gt3A = arith.constant 0.000000e+00 : f32
    %gt3A_76 = vector.broadcast %gt3A : f32 to vector<10240xf32>
    %gt3A_77 = arith.cmpf ogt, %get3A_75, %gt3A_76 : vector<10240xf32>
    %jit3A = arith.constant 0xFF800000 : f32
    %broadcast_in_dim3A = vector.broadcast %jit3A : f32 to vector<10240xf32>
    %select_n3A = arith.select %gt3A_77, %mul3A_73, %broadcast_in_dim3A : vector<10240xi1>, vector<10240xf32>
    %reshape3A = vector.shape_cast %select_n3A : vector<10240xf32> to vector<80x128xf32>
    %iota3A = tpu.iota {dimensions = array<i32: 0>} : vector<80x128xi32>
    %mul3A_78 = arith.constant 128 : i32
    %mul3A_79 = vector.broadcast %mul3A_78 : i32 to vector<80x128xi32>
    %mul3A_80 = arith.muli %iota3A, %mul3A_79 : vector<80x128xi32>
    %iota3A_81 = tpu.iota {dimensions = array<i32: 1>} : vector<80x128xi32>
    %add3A_82 = arith.addi %mul3A_80, %iota3A_81 : vector<80x128xi32>
    %iota3A_83 = tpu.iota {dimensions = array<i32: 1>} : vector<1x32xi32>
    %broadcast_in_dim3A_84 = arith.constant 0.000000e+00 : f32
    %broadcast_in_dim3A_85 = vector.broadcast %broadcast_in_dim3A_84 : f32 to vector<1x32xf32>
    %scan3A = arith.constant 0 : i32
    %scan3A_86 = arith.constant 30 : i32
    %scan3A_87 = arith.addi %scan3A, %scan3A_86 : i32
    %scan3A_88 = arith.constant 1 : i32
    %scan3A_89:2 = scf.for %scan3A_118 = %scan3A to %scan3A_87 step %scan3A_88 iter_args(%scan3A_119 = %reshape3A, %scan3A_120 = %broadcast_in_dim3A_85) -> (vector<80x128xf32>, vector<1x32xf32>)  : i32 {
      %reduce_max3A = vector.shape_cast %scan3A_119 : vector<80x128xf32> to vector<1x80x128xf32>
      %reduce_max3A_121 = arith.constant dense<0xFF800000> : vector<1xf32>
      %reduce_max3A_122 = vector.multi_reduction <maximumf>, %reduce_max3A, %reduce_max3A_121 [1, 2] : vector<1x80x128xf32> to vector<1xf32>
      %reduce_max3A_123 = vector.shape_cast %reduce_max3A_122 : vector<1xf32> to vector<1x1x1xf32>
      %reduce_max3A_124 = vector.extract %reduce_max3A_123[0, 0, 0] : f32 from vector<1x1x1xf32>
      %eq3A = vector.broadcast %reduce_max3A_124 : f32 to vector<80x128xf32>
      %eq3A_125 = arith.cmpf oeq, %scan3A_119, %eq3A : vector<80x128xf32>
      %jit3A_126 = arith.constant 1073741824 : i32
      %broadcast_in_dim3A_127 = vector.broadcast %jit3A_126 : i32 to vector<80x128xi32>
      %select_n3A_128 = arith.select %eq3A_125, %add3A_82, %broadcast_in_dim3A_127 : vector<80x128xi1>, vector<80x128xi32>
      %reduce_min3A = vector.shape_cast %select_n3A_128 : vector<80x128xi32> to vector<1x80x128xi32>
      %reduce_min3A_129 = arith.constant dense<2147483647> : vector<1xi32>
      %reduce_min3A_130 = vector.multi_reduction <minsi>, %reduce_min3A, %reduce_min3A_129 [1, 2] : vector<1x80x128xi32> to vector<1xi32>
      %reduce_min3A_131 = vector.shape_cast %reduce_min3A_130 : vector<1xi32> to vector<1x1x1xi32>
      %reduce_min3A_132 = vector.extract %reduce_min3A_131[0, 0, 0] : i32 from vector<1x1x1xi32>
      %eq3A_133 = vector.broadcast %scan3A_118 : i32 to vector<1x32xi32>
      %eq3A_134 = arith.cmpi eq, %iota3A_83, %eq3A_133 : vector<1x32xi32>
      %broadcast_in_dim3A_135 = vector.broadcast %reduce_max3A_124 : f32 to vector<1x32xf32>
      %select_n3A_136 = arith.select %eq3A_134, %broadcast_in_dim3A_135, %scan3A_120 : vector<1x32xi1>, vector<1x32xf32>
      %eq3A_137 = vector.broadcast %reduce_min3A_132 : i32 to vector<80x128xi32>
      %eq3A_138 = arith.cmpi eq, %add3A_82, %eq3A_137 : vector<80x128xi32>
      %jit3A_139 = arith.constant 0xFF800000 : f32
      %broadcast_in_dim3A_140 = vector.broadcast %jit3A_139 : f32 to vector<80x128xf32>
      %select_n3A_141 = arith.select %eq3A_138, %broadcast_in_dim3A_140, %scan3A_119 : vector<80x128xi1>, vector<80x128xf32>
      scf.yield %select_n3A_141, %select_n3A_136 : vector<80x128xf32>, vector<1x32xf32>
    }
    %scan3A_90 = arith.constant 30 : i32
    %get3A_91 = arith.constant 0 : index
    %get3A_92 = arith.constant 0 : index
    %get3A_93 = vector.load %arg5[%get3A_91, %get3A_92] : memref<32x128xf32, #tpu.memory_space<vmem>>, vector<32x128xf32>
    %dot_general3A = arith.constant dense<0.000000e+00> : vector<1x128xf32>
    %dot_general3A_94 = tpu.matmul %scan3A_89#1, %get3A_93, %dot_general3A {dimension_numbers = #tpu.dot_dimension_numbers<[1], [0], [0], [1], [0, 0, 1, 1], [], []>, transpose_lhs_hint = false} : vector<1x32xf32>, vector<32x128xf32>, vector<1x128xf32> -> vector<1x128xf32>
    %get3A_95 = arith.constant 0 : index
    %get3A_96 = arith.constant 0 : index
    %get3A_97 = vector.load %arg6[%get3A_95, %get3A_96] : memref<1x128xf32, #tpu.memory_space<vmem>>, vector<1x128xf32>
    %add3A_98 = arith.addf %dot_general3A_94, %get3A_97 : vector<1x128xf32>
    %gt3A_99 = arith.constant 0.000000e+00 : f32
    %gt3A_100 = vector.broadcast %gt3A_99 : f32 to vector<1x128xf32>
    %gt3A_101 = arith.cmpf ogt, %add3A_98, %gt3A_100 : vector<1x128xf32>
    %min3A = arith.constant 0.000000e+00 : f32
    %min3A_102 = vector.broadcast %min3A : f32 to vector<1x128xf32>
    %min3A_103 = arith.minimumf %add3A_98, %min3A_102 : vector<1x128xf32>
    %exp3A = math.exp %min3A_103 : vector<1x128xf32>
    %sub3A = arith.constant 1.000000e+00 : f32
    %sub3A_104 = vector.broadcast %sub3A : f32 to vector<1x128xf32>
    %sub3A_105 = arith.subf %exp3A, %sub3A_104 : vector<1x128xf32>
    %select_n3A_106 = arith.select %gt3A_101, %add3A_98, %sub3A_105 : vector<1x128xi1>, vector<1x128xf32>
    %get3A_107 = arith.constant 0 : index
    %get3A_108 = arith.constant 0 : index
    %get3A_109 = vector.load %arg7[%get3A_107, %get3A_108] : memref<128x10xf32, #tpu.memory_space<vmem>>, vector<128x10xf32>
    %dot_general3A_110 = arith.constant dense<0.000000e+00> : vector<1x10xf32>
    %dot_general3A_111 = tpu.matmul %select_n3A_106, %get3A_109, %dot_general3A_110 {dimension_numbers = #tpu.dot_dimension_numbers<[1], [0], [0], [1], [0, 0, 1, 1], [], []>, transpose_lhs_hint = false} : vector<1x128xf32>, vector<128x10xf32>, vector<1x10xf32> -> vector<1x10xf32>
    %get3A_112 = arith.constant 0 : index
    %get3A_113 = arith.constant 0 : index
    %get3A_114 = vector.load %arg8[%get3A_112, %get3A_113] : memref<1x10xf32, #tpu.memory_space<vmem>>, vector<1x10xf32>
    %add3A_115 = arith.addf %dot_general3A_111, %get3A_114 : vector<1x10xf32>
    %swap3A = arith.constant 0 : index
    %swap3A_116 = arith.constant 0 : index
    %swap3A_117 = vector.load %arg9[%swap3A, %swap3A_116] : memref<1x10xf32, #tpu.memory_space<vmem>>, vector<1x10xf32>
    tpu.vector_store %arg9[%swap3A, %swap3A_116], %add3A_115 {strides = array<i32>} : memref<1x10xf32, #tpu.memory_space<vmem>>, vector<1x10xf32>,
    return
  }
}

</mosaic_0001>

<sc_bundles>
// kernel: kernel.18.cloned.1.call-start
scs
__scs_entry_jumppad:
0x0: {  	(pc) =	sbr.rel $0x88, $3  }
0x1: {  	(tag) =	ssettag $0x0;
	lr =	simm.s32 $0x1  }
0x2: {  	[smem:$0x3F7E] =	sst lr;
	_ =	strace $0xD0000000  }
0x3: {  	_ = 	snop  }
0x4: {  	_ = 	snop  }
0x5: {  	_ = 	snop  }
0x6: {  	_ = 	snop  }
0x7: {  	_ = 	snop  }
__scs_overlays_trampoline_lowered:
0x8: {  	[smem:$0x3F8D] =	sst s0  }
0x9: {  	[smem:$0x3F8E] =	sst s1  }
0xa: {  	[smem:$0x3F8F] =	sst s2  }
0xb: {  	[smem:$0x3F90] =	sst s3  }
0xc: {  	[smem:$0x3F91] =	sst s4  }
0xd: {  	[smem:$0x3F92] =	sst s5  }
0xe: {  	[smem:$0x3F93] =	sst s6  }
0xf: {  	[smem:$0x3F94] =	sst s7  }
0x10: {  	[smem:$0x3F95] =	sst s8  }
0x11: {  	[smem:$0x3F96] =	sst s9;
	s0 =	simm.s32 @!p0 $0x0  }
0x12: {  	s1 =	sld [smem:$0x3F7C];
	s0 =	simm.s32 @p0 $0x1  }
0x13: {  	[smem:$0x3F97] =	sst s0;
	s0 =	simm.s32 @!p1 $0x0  }
0x14: {  	s2 =	sld [smem:$0x3F7B];
	s0 =	simm.s32 @p1 $0x1  }
0x15: {  	[smem:$0x3F98] =	sst s0;
	s0 =	simm.s32 @!p2 $0x0  }
0x16: {  	s3 =	sld [smem:$0x3FDB];
	s0 =	simm.s32 @p2 $0x1  }
0x17: {  	s4 =	simm.s32 $0x1BF5;
	[smem:$0x3F9A] =	sst s0  }
0x18: {  	s0 =	sld [smem:$0x3F7D];
	_ =	swait.ge [sflag:s4], $0x0  }
0x19: {  	s7 =	sld [smem:$0x3F7E]  }
0x1a: {  	s8 =	sadd.s32 $0xFFFFE003, lr  }
0x1b: {  	s9 =	sadd.s32 $0xFFFFFEF7, lr;
	s5 =	simm.s32 $0xFFFFFFFF;
	p2 =	slt.u32 s8, $0xFFFFF086  }
0x1c: {  	p1 =	slt.u32 s9, $0xF7A;
	s5 =	simm.s32 @!p2 $0x0  }
0x1d: {  	s5 =	simm.s32 @p1 $0x1;
	p0 =	seq.s32 s7, s2  }
0x1e: {  	s7 =	smul.u32 @!p0 $0xF7A, s2;
	p2 =	seq.s32 @!p0 s5, $0x0  }
0x1f: {  	s9 =	smul.u32 $0xF7A, s1;
	s8 =	simm.s32 @!p0 $0x1BF5;
	p2 =	por !p2, p0  }
0x20: {  	[sflag:s8] =	ssyncset.s32 @!p0 $0xFFFFF086;
	s6 =	sadd.s32 @!p0 s3, s7;
	s7 =	simm.s32 @!p0 $0x108  }
0x21: {  	s3 =	sadd.s32 s3, s9;
	s6 =	sadd.s32 @!p0 $0x88, s6;
	s7 =	simm.s32 @p2 $0x1082  }
0x22: {  	[simem:s7], [sflag:s8] =	dma.local @!p0 [hbm:s6], $0xF7A  }
0x23: {  	s9 =	sor.u32 $0xD0000000, s2;
	s6 =	simm.s32 $0x108;
	_ =	swait.ge @!p0 [sflag:s8], $0x0  }
0x24: {  	s3 =	sadd.s32 $0x88, s3;
	s6 =	simm.s32 @!p1 $0x1082;
	[sflag:s4] =	ssyncset.s32 $0xFFFFF086  }
0x25: {  	[simem:s6], [sflag:s4] =	dma.local [hbm:s3], $0xF7A  }
0x26: {  	[smem:$0x3F7E] =	sst s1;
	(tag) =	ssettag s2;
	_ =	strace s9  }
0x27: {  	s1 =	sld [smem:$0x3F8E]  }
0x28: {  	s2 =	sld [smem:$0x3F8F]  }
0x29: {  	s4 =	sld [smem:$0x3F91]  }
0x2a: {  	p0 =	seq.s32 s5, $0x0;
	s5 =	sld [smem:$0x3F92]  }
0x2b: {  	s6 =	sld [smem:$0x3F93]  }
0x2c: {  	s7 =	sld [smem:$0x3F94]  }
0x2d: {  	s3 =	simm.s32 $0x108;
	s8 =	sld [smem:$0x3F95]  }
0x2e: {  	s3 =	simm.s32 @!p0 $0x1082;
	s9 =	sld [smem:$0x3F96]  }
0x2f: {  	lr =	sadd.s32 s0, s3;
	s0 =	sld [smem:$0x3F8D]  }
0x30: {  	s3 =	sld [smem:$0x3F90]  }
0x31: {  	[smem:$0x3F99] =	sst s10  }
0x32: {  	s10 =	sld [smem:$0x3F97];
	_ =	sdelay $0x3  }
0x33: {  	p0 =	seq.s32 s10, $0x1;
	s10 =	sld [smem:$0x3F99];
	_ =	sdelay $0x3  }
0x34: {  	[smem:$0x3F99] =	sst s10  }
0x35: {  	s10 =	sld [smem:$0x3F98];
	_ =	sdelay $0x3  }
0x36: {  	p1 =	seq.s32 s10, $0x1;
	s10 =	sld [smem:$0x3F99];
	_ =	sdelay $0x3  }
0x37: {  	[smem:$0x3F99] =	sst s10  }
0x38: {  	s10 =	sld [smem:$0x3F9A]  }
0x39: {  	_ = 	snop;
	(pc) =	sbr.ind lr, $3  }
0x3a: {  	_ = 	snop  }
0x3b: {  	_ = 	snop  }
0x3c: {  	p2 =	seq.s32 s10, $0x1;
	s10 =	sld [smem:$0x3F99]  }
0x3d: {  	_ =	shalt  }
0x3e: {  	_ =	shalt  }
0x3f: {  	_ =	shalt  }
0x40: {  	_ =	shalt  }
0x41: {  	_ =	shalt  }
0x42: {  	_ =	shalt  }
0x43: {  	_ =	shalt  }
0x44: {  	_ =	shalt  }
0x45: {  	_ =	shalt  }
0x46: {  	_ =	shalt  }
0x47: {  	_ =	shalt  }
0x48: {  	_ =	shalt  }
0x49: {  	_ =	shalt  }
0x4a: {  	_ =	shalt  }
0x4b: {  	_ =	shalt  }
0x4c: {  	_ =	shalt  }
0x4d: {  	_ =	shalt  }
0x4e: {  	_ =	shalt  }
0x4f: {  	_ =	shalt  }
0x50: {  	_ =	shalt  }
0x51: {  	_ =	shalt  }
0x52: {  	_ =	shalt  }
0x53: {  	_ =	shalt  }
0x54: {  	_ =	shalt  }
0x55: {  	_ =	shalt  }
0x56: {  	_ =	shalt  }
0x57: {  	_ =	shalt  }
0x58: {  	_ =	shalt  }
0x59: {  	_ =	shalt  }
0x5a: {  	_ =	shalt  }
0x5b: {  	_ =	shalt  }
0x5c: {  	_ =	shalt  }
0x5d: {  	_ =	shalt  }
0x5e: {  	_ =	shalt  }
0x5f: {  	_ =	shalt  }
0x60: {  	_ =	shalt  }
0x61: {  	_ =	shalt  }
0x62: {  	_ =	shalt  }
0x63: {  	_ =	shalt  }
0x64: {  	_ =	shalt  }
0x65: {  	_ =	shalt  }
0x66: {  	_ =	shalt  }
0x67: {  	_ =	shalt  }
0x68: {  	_ =	shalt  }
0x69: {  	_ =	shalt  }
0x6a: {  	_ =	shalt  }
0x6b: {  	_ =	shalt  }
0x6c: {  	_ =	shalt  }
0x6d: {  	_ =	shalt  }
0x6e: {  	_ =	shalt  }
0x6f: {  	_ =	shalt  }
0x70: {  	_ =	shalt  }
0x71: {  	_ =	shalt  }
0x72: {  	_ =	shalt  }
0x73: {  	_ =	shalt  }
0x74: {  	_ =	shalt  }
0x75: {  	_ =	shalt  }
0x76: {  	_ =	shalt  }
0x77: {  	_ =	shalt  }
0x78: {  	_ =	shalt  }
0x79: {  	_ =	shalt  }
0x7a: {  	_ =	shalt  }
0x7b: {  	_ =	shalt  }
0x7c: {  	_ =	shalt  }
0x7d: {  	_ =	shalt  }
0x7e: {  	_ =	shalt  }
0x7f: {  	_ =	shalt  }
0x80: {  	_ =	shalt  }
0x81: {  	_ =	shalt  }
0x82: {  	_ =	shalt  }
0x83: {  	_ =	shalt  }
0x84: {  	_ =	shalt  }
0x85: {  	_ =	shalt  }
0x86: {  	_ =	shalt  }
0x87: {  	_ =	shalt  }
.Lfunc_end0:
.L_simem_size_0:
called_computation_lowered:
.L_overlay_start_0:
0x88: {  	s2 =	sld [smem:$0x3FD9]  }
0x89: {  	s3 =	sld [smem:$0x3FFE];
	_ =	sdelay $0x1  }
0x8a: {  	s1 =	srdreg.scid  }
0x8b: {  	s0 =	sand.u32 $0x1, s1  }
0x8c: {  	s16 =	sshll.u32 s0, $0xA;
	s2 =	sadd.s32 s3, s2  }
0x8d: {  	s2 =	sadd.s32 s2, s16  }
0x8e: {  	[smem:$0x3FA5] =	sst s2  }
0x8f: {  	_ = 	snop  }
0x90: {  	(tm) =	ssettm $0x1  }
0x91: {  	s17 =	sld [smem:$0x3FFB];
	_ =	sdelay $0x3  }
0x92: {  	_ =	strace s17  }
0x93: {  	s2 =	sld [smem:$0x3FFC];
	_ =	sdelay $0x3  }
0x94: {  	_ =	strace s2  }
0x95: {  	s2 =	sld [smem:$0x3FFD];
	_ =	sdelay $0x3  }
0x96: {  	_ =	strace s2  }
0x97: {  	_ =	strace $0x8FFFFFFF  }
0x98: {  	s18 =	sld [smem:$0x3FDB];
	_ =	sdelay $0x1  }
0x99: {  	s19 =	simm.s32 $_scs_section_size  }
0x9a: {  	s4 =	simm.s32 $_size__tile_overlayer_lowered;
	s5 =	simm.s32 $_tile_overlayer_lowered  }
0x9b: {  	s22 =	simm.s32 $0x1BFF;
	s21 =	sshll.u32 s5, $0x1;
	s2 =	sadd.s32 s19, s18  }
0x9c: {  	s6 =	simm.s32 $0x0;
	s20 =	sshll.u32 s4, $0x1;
	s4 =	sadd.s32 s21, s2  }
0x9d: {  	[timem:s6], [sflag:s22] =	dma.local [hbm:s4], s20  }
0x9e: {  	_ =	swait.ge [sflag:s22], s20  }
0x9f: {  	s3 =	ssub.s32 $0x0, s20;
	[sflag:s22] =	ssyncset.done $0x0  }
0xa0: {  	[sflag:s22] =	ssyncadd.s32 s3;
	_ =	sdelay $0x1  }
0xa1: {  	s23 =	simm.s32 $0x1B8B  }
0xa2: {  	_ =	swait.ge [sflag:s23], $0x1  }
0xa3: {  	[sflag:s23] =	ssyncset.done $0x0  }
0xa4: {  	s25 =	simm.s32 $0x1B8E;
	s24 =	sld [smem:$0x3FFE];
	[sflag:s23] =	ssyncadd.s32 $0xFFFFFFFF  }
0xa5: {  	s26 =	simm.s32 $execute0_lowered;
	[smem:$0x3FD2] =	sst s25  }
0xa6: {  	s4 =	sshll.u32 s26, $0x1;
	_ =	strace $0x80000046;
	[dreg:$0x1] =	wrdreg $0xFFFFFFFF  }
0xa7: {  	s28 =	simm.s32 $_size_execute0_lowered;
	s2 =	sadd.s32 s2, s4;
	[dreg:$0x0] =	wrdreg $0x0  }
0xa8: {  	s4 =	sshll.u32 s28, $0x1;
	[dreg:$0x2] =	wrdreg s2  }
0xa9: {  	[dreg:$0x3] =	wrdreg s4  }
0xaa: {  	[dreg:$0x4] =	wrdreg $0xC0  }
0xab: {  	_ =	task [dreg:s6], $0x5FFFF  }
0xac: {  	[dreg:$0x1] =	wrdreg $0xFFFFFFFF  }
0xad: {  	[dreg:$0x0] =	wrdreg $0x60  }
0xae: {  	[dreg:$0x2] =	wrdreg s24  }
0xaf: {  	[dreg:$0x3] =	wrdreg $0xC6000  }
0xb0: {  	[dreg:$0x4] =	wrdreg $0x9  }
0xb1: {  	_ =	task.clear_ibuf [dreg:s6], $0x5FFFF;
	_ =	strace $0x90000046  }
0xb2: {  	s29 =	simm.s32 $0x9;
	_ =	strace $0x80000048  }
0xb3: {  	_ =	swait.ge [sflag:s29], $0x1  }
0xb4: {  	[sflag:s29] =	ssyncadd.s32 $0xFFFFFFFF  }
0xb5: {  	_ =	strace $0x90000048  }
0xb6: {  	_ =	sfence  }
0xb7: {  	s30 =	sld [smem:$0x0];
	_ =	sdelay $0x2  }
0xb8: {  	s31 =	sshll.u32 s1, $0xD;
	s1 =	sshrl.u32 s1, $0x2  }
0xb9: {  	s3 =	sand.u32 $0x4000, s31;
	s1 =	sadd.s32 s1, s30  }
0xba: {  	s0 =	sor.u32 s3, s0;
	s1 =	sshll.u32 s1, $0x11  }
0xbb: {  	s0 =	sor.u32 s1, s0  }
0xbc: {  	s0 =	sadd.s32 $0x8F2B, s0  }
0xbd: {  	[sflag:s0] =	ssyncadd.remote.s32 $0x1  }
0xbe: {  	_ =	sfence.sel $0xFFFF  }
0xbf: {  	[dreg:$0x0] =	wrdreg $0xFFFFFFFF;
	(pc) =	sbr.abs _section_cstart, $3  }
0xc0: {  	[dreg:$0x1] =	wrdreg $0xFFFFFFFF  }
0xc1: {  	_ =	task.clear_ibuf [dreg:s6], $0x2FFFF;
	_ =	strace $0x9FFFFFFF  }
0xc2: {  	(tm) =	ssettm $0x7FFFFFFF  }
0xc3: {  	_ =	shalt  }
tec
execute0_lowered:
.L_overlay_start_1:
0x0: {  	(tag) =	ssettag $0x1  }
0x1: {  	s5 =	rddreg [dreg:$0x0]  }
0x2: {  	s2 =	rddreg [dreg:$0x1]  }
0x3: {  	s0 =	rddreg [dreg:$0x2];
	s3 =	simm.s32 $0x0;
	s1 =	stileid.u32  }
0x4: {  	s4 =	srdreg.scid;
	s15 =	simm.s32 $0x4F80;
	s16 =	simm.s32 $0x2710  }
0x5: {  	s17 =	simm.s32 $0x9E80;
	s18 =	simm.s32 $0x7700;
	s19 =	simm.s32 $0x20  }
0x6: {  	s20 =	simm.s32 $0x10;
	s21 =	simm.s32 $0x0;
	s6 =	smul.u32 $0x280, s1  }
0x7: {  	[smem:$0x7FF] =	sst s3;
	s7 =	sand.u32 $0x1, s4;
	s8 =	smul.u32 $0x500, s1  }
0x8: {  	s4 =	sadd.s32 $0xA200, s5;
	s10 =	sshll.u32 s1, $0x1;
	s14 =	sshll.u32 s1, $0x6  }
0x9: {  	_ =	strace $0x80000047;
	s9 =	sshll.u32 s7, $0x7;
	s28 =	sor.u32 s7, s10  }
0xa: {  	s7 =	ssub.s32 $0x2, s7;
	s11 =	sshrl.u32 s6, $0x3;
	s8 =	sor.u32 s9, s8  }
0xb: {  	s9 =	smul.u32 $0x4E2, s28;
	s31 =	sshrl.u32 s7, $0x1;
	s13 =	sadd.s32 s6, s2  }
0xc: {  	s8 =	sshrl.u32 s8, $0x3;
	s29 =	sadd.s32 s11, s5;
	s12 =	ssub.s32 s7, s31  }
0xd: {  	s11 =	simm.s32 $0x1;
	s13 =	sshrl.u32 s13, $0x3;
	s30 =	sadd.s32 s8, s5  }
0xe: {  	s9 =	sadd.s32 s9, s5;
	s5 =	sadd.s32 $0x1E400, s29;
	s10 =	smax.u32 s12, $0x1  }
0xf: {  	s12 =	sor.u32 $0x1C01, s14;
	s14 =	simm.s32 $0x2800;
	s6 =	sadd.s32 $0x14600, s9  }
0x10: {  	s7 =	sadd.s32 $0xA800, s9;
	s8 =	sadd.s32 $0x1F400, s9;
	s9 =	sadd.s32 $0x1EA00, s30  }
.LBB2_1:
0x11: {  	[tilespmem:s3], [sflag:$0x1] =	stream.linear.gather [hbm4b:s4+s3], $0x2800, $0x38;
	[tilespmem:$0xC880] =	vst v63  }
0x12: {  	_ =	swait.ge [sflag:s11], $0x2800  }
0x13: {  	[sflag:s11] =	ssyncset.done $0x0  }
0x14: {  	[sflag:s11] =	ssyncadd.s32 $0xFFFFD800  }
0x15: {  	[spmem:s13], [sflag:s12] =	dma.local [hbm:s5], $0x50  }
0x16: {  	_ =	swait.ge [sflag:s11], $0x50  }
0x17: {  	[sflag:s11] =	ssyncset.done $0x0  }
0x18: {  	[sflag:s11] =	ssyncadd.s32 $0xFFFFFFB0  }
0x19: {  	[tilespmem:s14], [sflag:$0x1] =	stream.linear.gather [hbm4b:s6+s3], $0x2710, $0x38;
	[tilespmem:$0xC880] =	vst v63  }
0x1a: {  	_ =	swait.ge [sflag:s11], $0x2710  }
0x1b: {  	[sflag:s11] =	ssyncset.done $0x0  }
0x1c: {  	[sflag:s11] =	ssyncadd.s32 $0xFFFFD8F0  }
0x1d: {  	[tilespmem:s15], [sflag:$0x1] =	stream.linear.gather [hbm4b:s7+s3], $0x2710, $0x38;
	[tilespmem:$0xC880] =	vst v63  }
0x1e: {  	_ =	swait.ge [sflag:s11], $0x2710  }
0x1f: {  	[sflag:s11] =	ssyncset.done $0x0  }
0x20: {  	s22 =	simm.s32 $0x0;
	[sflag:s11] =	ssyncadd.s32 $0xFFFFD8F0  }
0x21: {  	v0 =	vld [tilespmem:s22+$0x4F80]  }
0x22: {  	v1 =	vld [tilespmem:s22+$0x2800];
	_ =	sdelay $0x6  }
0x23: {  	v2 =	vld.idx.msk [tilespmem:v0+s3+$0x0], $0xffff  }
0x24: {  	v3 =	vld.idx.msk [tilespmem:v1+s3+$0x0], $0xffff  }
0x25: {  	s23 =	simm.s32 $0x10  }
0x26: {  	s24 =	simm.s32 $0x80;
	v1 =	vld [tilespmem:s23+$0x4F80]  }
.LBB2_2:
0x27: {  	p0 =	sne.s32 s24, $0x9C00;
	v4 =	vld [tilespmem:s23+$0x2800];
	_ =	sdelay $0x1  }
0x28: {  	v2 =	vmul.f32 v2, v3  }
0x29: {  	v3 =	vand.u32 $0x7F, v0  }
0x2a: {  	vm0 =	vgt.f32 v2, $0.0e+00;
	[tilespmem:s22+$0x7700] =	vst v2;
	v2 =	vadd.s32 $0x2710, v3  }
0x2b: {  	v2 =	vsel vm0, v0, v2;
	v0 =	vmov v1  }
0x2c: {  	[tilespmem:s22+$0x9E80] =	vst v2;
	s22 =	smov.u32 s23  }
.Ltmp0:
0x2d: {  	v2 =	vld.idx.msk [tilespmem:v1+s3+$0x0], $0xffff;
	(pc) =	sbr.rel @p0 .LBB2_2-.Ltmp0, $3  }
0x2e: {  	v3 =	vld.idx.msk [tilespmem:v4+s3+$0x0], $0xffff;
	_ =	sdelay $0x1  }
0x2f: {  	s23 =	sshra.s32 s24, $0x2  }
0x30: {  	s24 =	sadd.s32 $0x40, s24;
	v1 =	vld [tilespmem:s23+$0x4F80]  }
0x31: {  	_ = 	snop  }
0x32: {  	v4 =	vld [tilespmem:s23+$0x2800];
	_ =	sdelay $0x1  }
0x33: {  	v2 =	vmul.f32 v2, v3  }
0x34: {  	v60 =	vand.u32 $0x7F, v0  }
0x35: {  	v3 =	vadd.s32 $0x2710, v60;
	vm0 =	vgt.f32 v2, $0.0e+00  }
0x36: {  	[tilespmem:s22+$0x7700] =	vst v2;
	v61 =	vsel vm0, v0, v3  }
0x37: {  	[tilespmem:s22+$0x9E80] =	vst v61  }
0x38: {  	v0 =	vld.idx.msk [tilespmem:v1+s3+$0x0], $0xffff  }
0x39: {  	v2 =	vld.idx.msk [tilespmem:v4+s3+$0x0], $0xffff;
	_ =	sdelay $0x4  }
0x3a: {  	v0 =	vmul.f32 v0, v2  }
0x3b: {  	v62 =	vand.u32 $0x7F, v1  }
0x3c: {  	v2 =	vadd.s32 $0x2710, v62;
	vm15 =	vgt.f32 v0, $0.0e+00  }
0x3d: {  	[tilespmem:s23+$0x7700] =	vst v0;
	v63 =	vsel vm15, v1, v2  }
0x3e: {  	[tilespmem:s23+$0x9E80] =	vst v63  }
0x3f: {  	[bflag:$0x0] =	sbarrier.arrive $0xFFFF  }
0x40: {  	[spmem:s2] =	stream.indirect.scatter.add.f32 [tilespmem:s18], [sflag:$0x1], $0x1, s17, s16, $0xb8;
	[tilespmem:$0xC880] =	vst v63  }
0x41: {  	_ =	swait.ge [sflag:s11], $0x2710  }
0x42: {  	[sflag:s11] =	ssyncset.done $0x0  }
0x43: {  	[sflag:s11] =	ssyncadd.s32 $0xFFFFD8F0  }
0x44: {  	[hbm4b:s8+s3] =	stream.linear.scatter [tilespmem:s17], [sflag:$0x1], $0x2710, $0x38;
	[tilespmem:$0xC880] =	vst v63  }
0x45: {  	_ =	swait.ge [sflag:s11], $0x2710  }
0x46: {  	s21 =	sadd.s32 $0x1, s21;
	[sflag:s11] =	ssyncset.done $0x0  }
0x47: {  	p0 =	sne.s32 s21, s10;
	[sflag:s11] =	ssyncadd.s32 $0xFFFFD8F0  }
.Ltmp1:
0x48: {  	[bflag:$0x0] =	sbarrier.arrive $0xFFFF;
	(pc) =	sbr.rel @p0 .LBB2_1-.Ltmp1, $4  }
0x49: {  	[hbm:s9@s19], [sflag:s12] =	dma.strided [spmem:s13@s20], $0x50, s11, $0x10   }
0x4a: {  	_ =	swait.ge [sflag:s11], $0x50  }
0x4b: {  	[sflag:s11] =	ssyncset.done $0x0  }
0x4c: {  	[sflag:s11] =	ssyncadd.s32 $0xFFFFFFB0  }
0x4d: {  	_ =	sfence.sel $0x180000  }
0x4e: {  	[bflag:$0x0] =	sbarrier.arrive $0xFFFF  }
0x4f: {  	p0 =	sne.s32 s1, $0x0;
	_ =	strace $0x90000047  }
0x50: {  	s0 =	sadd.s32 @!p0 $0x100000, s0;
	[bflag:$0x2] =	sbarrier.arrive $0xFFFF  }
0x51: {  	[sflag:s0] =	ssyncadd.tile.s32 @!p0 $0x1;
	_ =	shalt  }
.Lfunc_end2:
_tile_overlayer_lowered:
.L_overlay_start_2:
0x52: {  	(tag) =	ssettag $0x2  }
0x53: {  	s0 =	rddreg [dreg:$0x0];
	s2 =	stileid.u32  }
0x54: {  	s1 =	rddreg [dreg:$0x1];
	p0 =	sne.s32 s2, $0x0  }
0x55: {  	s3 =	rddreg [dreg:$0x2];
	[bflag:$0x3] =	sbarrier.arrive $0xFFFF;
	s2 =	simm.s32 @!p0 $0x1C01  }
0x56: {  	[timem:s3], [sflag:s2] =	dma.local @!p0 [hbm:s0], s1  }
0x57: {  	s0 =	simm.s32 @!p0 $0x1  }
0x58: {  	_ =	swait.ge @!p0 [sflag:s0], s1  }
0x59: {  	s1 =	ssub.s32 @!p0 $0x0, s1;
	[sflag:s0] =	ssyncset.done @!p0 $0x0  }
0x5a: {  	[sflag:s0] =	ssyncadd.s32 @!p0 s1  }
0x5b: {  	[bflag:$0x3] =	sbarrier.arrive $0xFFFF  }
0x5c: {  	_ =	shalt  }

// kernel: kernel.21.cloned.1.call-start
scs
__scs_entry_jumppad:
0x0: {  	(pc) =	sbr.rel $0x88, $3  }
0x1: {  	(tag) =	ssettag $0x0;
	lr =	simm.s32 $0x1  }
0x2: {  	[smem:$0x3F7E] =	sst lr;
	_ =	strace $0xD0000000  }
0x3: {  	_ = 	snop  }
0x4: {  	_ = 	snop  }
0x5: {  	_ = 	snop  }
0x6: {  	_ = 	snop  }
0x7: {  	_ = 	snop  }
__scs_overlays_trampoline_lowered:
0x8: {  	[smem:$0x3F8D] =	sst s0  }
0x9: {  	[smem:$0x3F8E] =	sst s1  }
0xa: {  	[smem:$0x3F8F] =	sst s2  }
0xb: {  	[smem:$0x3F90] =	sst s3  }
0xc: {  	[smem:$0x3F91] =	sst s4  }
0xd: {  	[smem:$0x3F92] =	sst s5  }
0xe: {  	[smem:$0x3F93] =	sst s6  }
0xf: {  	[smem:$0x3F94] =	sst s7  }
0x10: {  	[smem:$0x3F95] =	sst s8  }
0x11: {  	[smem:$0x3F96] =	sst s9;
	s0 =	simm.s32 @!p0 $0x0  }
0x12: {  	s1 =	sld [smem:$0x3F7C];
	s0 =	simm.s32 @p0 $0x1  }
0x13: {  	[smem:$0x3F97] =	sst s0;
	s0 =	simm.s32 @!p1 $0x0  }
0x14: {  	s2 =	sld [smem:$0x3F7B];
	s0 =	simm.s32 @p1 $0x1  }
0x15: {  	[smem:$0x3F98] =	sst s0;
	s0 =	simm.s32 @!p2 $0x0  }
0x16: {  	s3 =	sld [smem:$0x3FDB];
	s0 =	simm.s32 @p2 $0x1  }
0x17: {  	s4 =	simm.s32 $0x1BF5;
	[smem:$0x3F9A] =	sst s0  }
0x18: {  	s0 =	sld [smem:$0x3F7D];
	_ =	swait.ge [sflag:s4], $0x0  }
0x19: {  	s7 =	sld [smem:$0x3F7E]  }
0x1a: {  	s8 =	sadd.s32 $0xFFFFE003, lr  }
0x1b: {  	s9 =	sadd.s32 $0xFFFFFEF7, lr;
	s5 =	simm.s32 $0xFFFFFFFF;
	p2 =	slt.u32 s8, $0xFFFFF086  }
0x1c: {  	p1 =	slt.u32 s9, $0xF7A;
	s5 =	simm.s32 @!p2 $0x0  }
0x1d: {  	s5 =	simm.s32 @p1 $0x1;
	p0 =	seq.s32 s7, s2  }
0x1e: {  	s7 =	smul.u32 @!p0 $0xF7A, s2;
	p2 =	seq.s32 @!p0 s5, $0x0  }
0x1f: {  	s9 =	smul.u32 $0xF7A, s1;
	s8 =	simm.s32 @!p0 $0x1BF5;
	p2 =	por !p2, p0  }
0x20: {  	[sflag:s8] =	ssyncset.s32 @!p0 $0xFFFFF086;
	s6 =	sadd.s32 @!p0 s3, s7;
	s7 =	simm.s32 @!p0 $0x108  }
0x21: {  	s3 =	sadd.s32 s3, s9;
	s6 =	sadd.s32 @!p0 $0x88, s6;
	s7 =	simm.s32 @p2 $0x1082  }
0x22: {  	[simem:s7], [sflag:s8] =	dma.local @!p0 [hbm:s6], $0xF7A  }
0x23: {  	s9 =	sor.u32 $0xD0000000, s2;
	s6 =	simm.s32 $0x108;
	_ =	swait.ge @!p0 [sflag:s8], $0x0  }
0x24: {  	s3 =	sadd.s32 $0x88, s3;
	s6 =	simm.s32 @!p1 $0x1082;
	[sflag:s4] =	ssyncset.s32 $0xFFFFF086  }
0x25: {  	[simem:s6], [sflag:s4] =	dma.local [hbm:s3], $0xF7A  }
0x26: {  	[smem:$0x3F7E] =	sst s1;
	(tag) =	ssettag s2;
	_ =	strace s9  }
0x27: {  	s1 =	sld [smem:$0x3F8E]  }
0x28: {  	s2 =	sld [smem:$0x3F8F]  }
0x29: {  	s4 =	sld [smem:$0x3F91]  }
0x2a: {  	p0 =	seq.s32 s5, $0x0;
	s5 =	sld [smem:$0x3F92]  }
0x2b: {  	s6 =	sld [smem:$0x3F93]  }
0x2c: {  	s7 =	sld [smem:$0x3F94]  }
0x2d: {  	s3 =	simm.s32 $0x108;
	s8 =	sld [smem:$0x3F95]  }
0x2e: {  	s3 =	simm.s32 @!p0 $0x1082;
	s9 =	sld [smem:$0x3F96]  }
0x2f: {  	lr =	sadd.s32 s0, s3;
	s0 =	sld [smem:$0x3F8D]  }
0x30: {  	s3 =	sld [smem:$0x3F90]  }
0x31: {  	[smem:$0x3F99] =	sst s10  }
0x32: {  	s10 =	sld [smem:$0x3F97];
	_ =	sdelay $0x3  }
0x33: {  	p0 =	seq.s32 s10, $0x1;
	s10 =	sld [smem:$0x3F99];
	_ =	sdelay $0x3  }
0x34: {  	[smem:$0x3F99] =	sst s10  }
0x35: {  	s10 =	sld [smem:$0x3F98];
	_ =	sdelay $0x3  }
0x36: {  	p1 =	seq.s32 s10, $0x1;
	s10 =	sld [smem:$0x3F99];
	_ =	sdelay $0x3  }
0x37: {  	[smem:$0x3F99] =	sst s10  }
0x38: {  	s10 =	sld [smem:$0x3F9A]  }
0x39: {  	_ = 	snop;
	(pc) =	sbr.ind lr, $3  }
0x3a: {  	_ = 	snop  }
0x3b: {  	_ = 	snop  }
0x3c: {  	p2 =	seq.s32 s10, $0x1;
	s10 =	sld [smem:$0x3F99]  }
0x3d: {  	_ =	shalt  }
0x3e: {  	_ =	shalt  }
0x3f: {  	_ =	shalt  }
0x40: {  	_ =	shalt  }
0x41: {  	_ =	shalt  }
0x42: {  	_ =	shalt  }
0x43: {  	_ =	shalt  }
0x44: {  	_ =	shalt  }
0x45: {  	_ =	shalt  }
0x46: {  	_ =	shalt  }
0x47: {  	_ =	shalt  }
0x48: {  	_ =	shalt  }
0x49: {  	_ =	shalt  }
0x4a: {  	_ =	shalt  }
0x4b: {  	_ =	shalt  }
0x4c: {  	_ =	shalt  }
0x4d: {  	_ =	shalt  }
0x4e: {  	_ =	shalt  }
0x4f: {  	_ =	shalt  }
0x50: {  	_ =	shalt  }
0x51: {  	_ =	shalt  }
0x52: {  	_ =	shalt  }
0x53: {  	_ =	shalt  }
0x54: {  	_ =	shalt  }
0x55: {  	_ =	shalt  }
0x56: {  	_ =	shalt  }
0x57: {  	_ =	shalt  }
0x58: {  	_ =	shalt  }
0x59: {  	_ =	shalt  }
0x5a: {  	_ =	shalt  }
0x5b: {  	_ =	shalt  }
0x5c: {  	_ =	shalt  }
0x5d: {  	_ =	shalt  }
0x5e: {  	_ =	shalt  }
0x5f: {  	_ =	shalt  }
0x60: {  	_ =	shalt  }
0x61: {  	_ =	shalt  }
0x62: {  	_ =	shalt  }
0x63: {  	_ =	shalt  }
0x64: {  	_ =	shalt  }
0x65: {  	_ =	shalt  }
0x66: {  	_ =	shalt  }
0x67: {  	_ =	shalt  }
0x68: {  	_ =	shalt  }
0x69: {  	_ =	shalt  }
0x6a: {  	_ =	shalt  }
0x6b: {  	_ =	shalt  }
0x6c: {  	_ =	shalt  }
0x6d: {  	_ =	shalt  }
0x6e: {  	_ =	shalt  }
0x6f: {  	_ =	shalt  }
0x70: {  	_ =	shalt  }
0x71: {  	_ =	shalt  }
0x72: {  	_ =	shalt  }
0x73: {  	_ =	shalt  }
0x74: {  	_ =	shalt  }
0x75: {  	_ =	shalt  }
0x76: {  	_ =	shalt  }
0x77: {  	_ =	shalt  }
0x78: {  	_ =	shalt  }
0x79: {  	_ =	shalt  }
0x7a: {  	_ =	shalt  }
0x7b: {  	_ =	shalt  }
0x7c: {  	_ =	shalt  }
0x7d: {  	_ =	shalt  }
0x7e: {  	_ =	shalt  }
0x7f: {  	_ =	shalt  }
0x80: {  	_ =	shalt  }
0x81: {  	_ =	shalt  }
0x82: {  	_ =	shalt  }
0x83: {  	_ =	shalt  }
0x84: {  	_ =	shalt  }
0x85: {  	_ =	shalt  }
0x86: {  	_ =	shalt  }
0x87: {  	_ =	shalt  }
.Lfunc_end0:
.L_simem_size_0:
called_computation.1_lowered:
.L_overlay_start_0:
0x88: {  	s2 =	sld [smem:$0x3FD9]  }
0x89: {  	s3 =	sld [smem:$0x3FFE];
	_ =	sdelay $0x1  }
0x8a: {  	s1 =	srdreg.scid  }
0x8b: {  	s0 =	sand.u32 $0x1, s1  }
0x8c: {  	s17 =	sshll.u32 s0, $0xA;
	s2 =	sadd.s32 s3, s2  }
0x8d: {  	s2 =	sadd.s32 s2, s17  }
0x8e: {  	[smem:$0x3FA5] =	sst s2  }
0x8f: {  	_ = 	snop  }
0x90: {  	(tm) =	ssettm $0x1  }
0x91: {  	s18 =	sld [smem:$0x3FFB];
	_ =	sdelay $0x3  }
0x92: {  	_ =	strace s18  }
0x93: {  	s2 =	sld [smem:$0x3FFC];
	_ =	sdelay $0x3  }
0x94: {  	_ =	strace s2  }
0x95: {  	s2 =	sld [smem:$0x3FFD];
	_ =	sdelay $0x3  }
0x96: {  	_ =	strace s2  }
0x97: {  	_ =	strace $0x8FFFFFFF  }
0x98: {  	s19 =	sld [smem:$0x3FDB];
	_ =	sdelay $0x1  }
0x99: {  	s20 =	simm.s32 $_scs_section_size  }
0x9a: {  	s4 =	simm.s32 $_size__tile_overlayer_lowered;
	s5 =	simm.s32 $_tile_overlayer_lowered  }
0x9b: {  	s6 =	simm.s32 $0x1BFF;
	s21 =	sshll.u32 s5, $0x1;
	s3 =	sadd.s32 s20, s19  }
0x9c: {  	s22 =	simm.s32 $0x0;
	s4 =	sshll.u32 s4, $0x1;
	s5 =	sadd.s32 s21, s3  }
0x9d: {  	[timem:s22], [sflag:s6] =	dma.local [hbm:s5], s4  }
0x9e: {  	_ =	swait.ge [sflag:s6], s4  }
0x9f: {  	s4 =	ssub.s32 $0x0, s4;
	[sflag:s6] =	ssyncset.done $0x0  }
0xa0: {  	[sflag:s6] =	ssyncadd.s32 s4;
	_ =	sdelay $0x1  }
0xa1: {  	s23 =	simm.s32 $0x1B8B  }
0xa2: {  	_ =	swait.ge [sflag:s23], $0x1  }
0xa3: {  	[sflag:s23] =	ssyncset.done $0x0  }
0xa4: {  	[sflag:s23] =	ssyncadd.s32 $0xFFFFFFFF  }
0xa5: {  	s4 =	sld [smem:$0x0]  }
0xa6: {  	s5 =	sand.u32 $0xFFFFFFFE, s1  }
0xa7: {  	p0 =	sne.s32 s1, s5  }
0xa8: {  	s5 =	sshll.u32 @p0 s5, $0xE  }
0xa9: {  	s5 =	sadd.s32 @p0 $0x11B8D, s5;
	s6 =	sshll.u32 @p0 s4, $0x11  }
0xaa: {  	s5 =	sor.u32 @p0 s6, s5  }
0xab: {  	[sflag:s5] =	ssyncadd.remote.s32 @p0 $0x1;
	_ =	sdelay $0x1  }
0xac: {  	s5 =	simm.s32 @p0 $0x1B8D  }
0xad: {  	_ =	swait.eq @p0 [sflag:s5], $0x1  }
0xae: {  	[sflag:s5] =	ssyncadd.s32 @p0 $0xFFFFFFFF  }
0xaf: {  	s6 =	sshll.u32 @!p0 s1, $0xE  }
0xb0: {  	s6 =	sor.u32 @!p0 $0x4000, s6;
	s5 =	simm.s32 @!p0 $0x1B8D  }
0xb1: {  	s4 =	sshll.u32 @!p0 s4, $0x11;
	s6 =	sadd.s32 @!p0 $0x11B8D, s6;
	_ =	swait.eq @!p0 [sflag:s5], $0x1  }
0xb2: {  	s4 =	sor.u32 @!p0 s4, s6;
	[sflag:s5] =	ssyncadd.s32 @!p0 $0xFFFFFFFF  }
0xb3: {  	s25 =	simm.s32 $0x1B8E;
	s24 =	sld [smem:$0x3FFE];
	[sflag:s4] =	ssyncadd.remote.s32 @!p0 $0x1  }
0xb4: {  	s26 =	simm.s32 $execute0_lowered;
	[smem:$0x3FD2] =	sst s25  }
0xb5: {  	s5 =	sshll.u32 s26, $0x1;
	_ =	strace $0x8000004C;
	[dreg:$0x1] =	wrdreg $0xFFFFFFFF  }
0xb6: {  	s28 =	simm.s32 $_size_execute0_lowered;
	s3 =	sadd.s32 s3, s5;
	[dreg:$0x0] =	wrdreg $0x0  }
0xb7: {  	s5 =	sshll.u32 s28, $0x1;
	[dreg:$0x2] =	wrdreg s3  }
0xb8: {  	[dreg:$0x3] =	wrdreg s5  }
0xb9: {  	[dreg:$0x4] =	wrdreg $0xC0  }
0xba: {  	_ =	task [dreg:s22], $0x5FFFF  }
0xbb: {  	[dreg:$0x1] =	wrdreg $0xFFFFFFFF  }
0xbc: {  	[dreg:$0x0] =	wrdreg $0x60  }
0xbd: {  	[dreg:$0x2] =	wrdreg s24  }
0xbe: {  	[dreg:$0x3] =	wrdreg $0xB1000  }
0xbf: {  	[dreg:$0x4] =	wrdreg $0x9  }
0xc0: {  	_ =	task.clear_ibuf [dreg:s22], $0x5FFFF;
	_ =	strace $0x9000004C  }
0xc1: {  	s29 =	simm.s32 $0x9;
	_ =	strace $0x8000004E  }
0xc2: {  	_ =	swait.ge [sflag:s29], $0x1  }
0xc3: {  	[sflag:s29] =	ssyncadd.s32 $0xFFFFFFFF  }
0xc4: {  	_ =	strace $0x9000004E  }
0xc5: {  	_ =	sfence  }
0xc6: {  	s30 =	sld [smem:$0x0];
	_ =	sdelay $0x2  }
0xc7: {  	s31 =	sshll.u32 s1, $0xD;
	s1 =	sshrl.u32 s1, $0x2  }
0xc8: {  	s4 =	sand.u32 $0x4000, s31;
	s1 =	sadd.s32 s1, s30  }
0xc9: {  	s0 =	sor.u32 s4, s0;
	s1 =	sshll.u32 s1, $0x11  }
0xca: {  	s0 =	sor.u32 s1, s0  }
0xcb: {  	s0 =	sadd.s32 $0x8F2B, s0  }
0xcc: {  	[sflag:s0] =	ssyncadd.remote.s32 $0x1  }
0xcd: {  	_ =	sfence.sel $0xFFFF  }
0xce: {  	[dreg:$0x0] =	wrdreg $0xFFFFFFFF;
	(pc) =	sbr.abs _section_cstart, $3  }
0xcf: {  	[dreg:$0x1] =	wrdreg $0xFFFFFFFF  }
0xd0: {  	_ =	task.clear_ibuf [dreg:s22], $0x2FFFF;
	_ =	strace $0x9FFFFFFF  }
0xd1: {  	(tm) =	ssettm $0x7FFFFFFF  }
tec
execute0_lowered:
.L_overlay_start_1:
0x0: {  	(tag) =	ssettag $0x1  }
0x1: {  	s0 =	rddreg [dreg:$0x0]  }
0x2: {  	s1 =	rddreg [dreg:$0x1];
	s18 =	stileid.u32  }
0x3: {  	s3 =	simm.s32 $0x0;
	s6 =	srdreg.scid;
	s2 =	smul.u32 $0x2800, s18  }
0x4: {  	[smem:$0x7FF] =	sst s3;
	s7 =	smul.u32 $0x50000, s18  }
0x5: {  	s4 =	sadd.s32 $0x29200, s0;
	s5 =	sadd.s32 $0xC9C00, s0;
	s11 =	smul.u32 $0x4E20, s18  }
0x6: {  	s9 =	sadd.s32 $0x1F400, s0;
	s10 =	sand.u32 $0x1, s6;
	s12 =	smul.u32 $0x280, s18  }
0x7: {  	s21 =	sshll.u32 s18, $0x6;
	s28 =	smul.u32 $0x9C4, s18;
	s18 =	simm.s32 $0x3  }
0x8: {  	_ =	strace $0x8000004D;
	s6 =	ssub.s32 $0x2, s10;
	s20 =	smul.u32 $0x4E200, s10  }
0x9: {  	s13 =	smul.u32 $0x2800, s10;
	s10 =	sor.u32 $0x2, s10;
	s2 =	sadd.s32 s2, s0  }
0xa: {  	s0 =	sadd.s32 $0x118E00, s0;
	s8 =	sshrl.u32 s6, $0x1;
	s19 =	sshrl.u32 s7, $0x2  }
0xb: {  	s7 =	sor.u32 $0x1C03, s21;
	s23 =	sshrl.u32 s11, $0x3;
	s14 =	smul.u32 $0x4E200, s10  }
0xc: {  	s16 =	smul.u32 $0x2800, s10;
	s21 =	simm.s32 $0x1;
	s15 =	ssub.s32 s6, s8  }
0xd: {  	s17 =	sadd.s32 s19, s1;
	s6 =	sadd.s32 $0xF0E00, s2;
	s8 =	sadd.s32 s11, s20  }
0xe: {  	s13 =	sadd.s32 s12, s13;
	s19 =	simm.s32 $0xA0;
	s20 =	simm.s32 $0x1100  }
0xf: {  	s22 =	sshrl.u32 s8, $0x3;
	s24 =	sshll.u32 s13, $0x4;
	s11 =	sadd.s32 s11, s14  }
0x10: {  	s26 =	sadd.s32 s12, s16;
	s31 =	smax.u32 s15, $0x1;
	s16 =	sadd.s32 s28, s9  }
0x11: {  	s17 =	sshrl.u32 s17, $0x3;
	s2 =	sadd.s32 s5, s22;
	s25 =	sshrl.u32 s11, $0x3  }
0x12: {  	s30 =	sshll.u32 s26, $0x4;
	[dreg:$0x7] =	wrdreg s31;
	s22 =	simm.s32 $0x6100  }
0x13: {  	[dreg:$0x3] =	wrdreg s2;
	s2 =	sadd.s32 s9, s23;
	s29 =	sadd.s32 s5, s25  }
0x14: {  	s10 =	sadd.s32 $0x9B0, s2;
	s2 =	sadd.s32 s0, s24;
	[dreg:$0x5] =	wrdreg s29  }
0x15: {  	s23 =	simm.s32 $0x1000;
	s0 =	sadd.s32 s0, s30;
	[dreg:$0x4] =	wrdreg s2  }
0x16: {  	s25 =	simm.s32 $0x0;
	s24 =	simm.s32 $0x2;
	[dreg:$0x6] =	wrdreg s0  }
.LBB2_1:
0x17: {  	[spmem:s17], [sflag:s7] =	dma.local [hbm:s6], $0x2800  }
0x18: {  	s0 =	smul.u32 $0x29, s21;
	_ =	swait.ge [sflag:s18], $0x2800  }
0x19: {  	[sflag:s18] =	ssyncset.done $0x0  }
0x1a: {  	s0 =	sshrl.u32 s0, $0xA;
	[sflag:s18] =	ssyncadd.s32 $0xFFFFD800  }
0x1b: {  	s0 =	sand.u32 $0x3F, s0;
	[bflag:$0x0] =	sbarrier.arrive $0xFFFF  }
0x1c: {  	s0 =	smul.u32 $0x19, s0;
	s2 =	rddreg [dreg:$0x3]  }
0x1d: {  	[tilespmem:s3], [sflag:$0x3] =	stream.linear.gather [hbm4b:s2+s3], $0xFA0, $0x38;
	[tilespmem:$0x1F100] =	vst v63  }
0x1e: {  	s0 =	ssub.s32 $0x1, s0  }
0x1f: {  	s0 =	sand.u32 $0xFF, s0  }
0x20: {  	p0 =	sne.s32 s0, $0x0  }
0x21: {  	s9 =	simm.s32 $0x2;
	s2 =	smul.u32 @!p0 $0x29, s21  }
0x22: {  	s26 =	sand.u32 $0xFF, s9  }
0x23: {  	s26 =	smul.u32 $0x29, s26;
	_ =	swait.ge [sflag:s18], $0xFA0;
	s2 =	sshrl.u32 @!p0 s2, $0xA  }
0x24: {  	[sflag:s18] =	ssyncset.done $0x0;
	s2 =	sand.u32 @!p0 $0x3F, s2  }
0x25: {  	s26 =	sshrl.u32 s26, $0xA;
	[sflag:s18] =	ssyncadd.s32 $0xFFFFF060;
	s2 =	smul.u32 @!p0 $0xFA0, s2  }
0x26: {  	[tilespmem:s20], [sflag:$0x1] =	stream.indirect.gather [hbm4b:s4+s19], $0x80, s3, s19, $0xb8;
	[tilespmem:$0x1F100] =	vst v63  }
0x27: {  	s26 =	smul.u32 $0x19, s26;
	_ =	swait.ge [sflag:s21], $0x5000;
	s2 =	sadd.s32 @!p0 s8, s2  }
0x28: {  	s28 =	simm.s32 @!p0 $0x0;
	[sflag:s21] =	ssyncset.done $0x0;
	s2 =	sshrl.u32 @!p0 s2, $0x3  }
0x29: {  	s29 =	simm.s32 @!p0 $0x3;
	[sflag:s21] =	ssyncadd.s32 $0xFFFFB000;
	s2 =	sadd.s32 @!p0 s5, s2  }
0x2a: {  	[tilespmem:s28], [sflag:$0x3] =	stream.linear.gather @!p0 [hbm4b:s2+s28], $0xFA0, $0x38;
	[tilespmem:$0x1F100] =	vst v63  }
0x2b: {  	s0 =	smul.u32 $0x280, s0;
	_ =	swait.ge @!p0 [sflag:s29], $0xFA0  }
0x2c: {  	[sflag:s29] =	ssyncset.done @!p0 $0x0  }
0x2d: {  	s0 =	sshrl.u32 s0, $0x2;
	s2 =	ssub.s32 $0x2, s26;
	[sflag:s29] =	ssyncadd.s32 @!p0 $0xFFFFF060  }
0x2e: {  	[tilespmem:s22], [sflag:$0x2] =	stream.indirect.gather [hbm4b:s4+s19], $0x80, s0, s19, $0xb8;
	[tilespmem:$0x1F100] =	vst v63  }
0x2f: {  	s12 =	sand.u32 $0xFF, s2  }
0x30: {  	[tilespmem:s23], [sflag:$0x3] =	stream.linear.gather [hbm4b:s16+s3], $0xA0, $0x38;
	[tilespmem:$0x1F100] =	vst v63  }
0x31: {  	p1 =	sne.s32 s12, $0x0;
	_ =	swait.ge [sflag:s18], $0xA0  }
0x32: {  	s9 =	sand.u32 @!p1 $0xFF, s9;
	[sflag:s18] =	ssyncset.done $0x0  }
0x33: {  	s2 =	simm.s32 $0x3;
	s9 =	smul.u32 @!p1 $0x29, s9;
	[sflag:s18] =	ssyncadd.s32 $0xFFFFFF60  }
0x34: {  	[spmem:s1] =	stream.indirect.scatter.add.f32 [tilespmem:s20], [sflag:$0x3], $0x80, s23, s19, $0xb8;
	[tilespmem:$0x1F100] =	vst v63  }
0x35: {  	s13 =	smul.u32 $0x29, s2;
	s9 =	sshrl.u32 @!p1 s9, $0xA;
	_ =	swait.ge [sflag:s18], $0x5000  }
0x36: {  	s9 =	smul.u32 @!p1 $0xFA0, s9;
	[sflag:s18] =	ssyncset.done $0x0  }
0x37: {  	s28 =	simm.s32 @!p1 $0x0;
	s29 =	simm.s32 @!p1 $0x3;
	[sflag:s18] =	ssyncadd.s32 $0xFFFFB000  }
0x38: {  	s26 =	sshrl.u32 s13, $0xA;
	s9 =	sadd.s32 @!p1 s8, s9;
	_ =	swait.ge [sflag:s24], $0x5000  }
0x39: {  	s26 =	sand.u32 $0x3F, s26;
	s9 =	sshrl.u32 @!p1 s9, $0x3;
	[sflag:s24] =	ssyncset.done $0x0  }
0x3a: {  	s26 =	smul.u32 $0x19, s26;
	s9 =	sadd.s32 @!p1 s5, s9;
	[sflag:s24] =	ssyncadd.s32 $0xFFFFB000  }
0x3b: {  	[tilespmem:s28], [sflag:$0x3] =	stream.linear.gather @!p1 [hbm4b:s9+s28], $0xFA0, $0x38;
	[tilespmem:$0x1F100] =	vst v63  }
0x3c: {  	s0 =	smul.u32 $0x280, s12;
	s14 =	ssub.s32 $0x3, s26;
	_ =	swait.ge @!p1 [sflag:s29], $0xFA0  }
0x3d: {  	s9 =	sand.u32 $0xFF, s14;
	[sflag:s29] =	ssyncset.done @!p1 $0x0  }
0x3e: {  	s0 =	sshrl.u32 s0, $0x2;
	p0 =	sne.s32 s9, $0x0;
	[sflag:s29] =	ssyncadd.s32 @!p1 $0xFFFFF060  }
0x3f: {  	[tilespmem:s20], [sflag:$0x1] =	stream.indirect.gather [hbm4b:s4+s19], $0x80, s0, s19, $0xb8;
	[tilespmem:$0x1F100] =	vst v63  }
0x40: {  	s26 =	sadd.s32 $0x14, s16;
	s0 =	smul.u32 @!p0 $0x29, s2  }
0x41: {  	[tilespmem:s23], [sflag:$0x3] =	stream.linear.gather [hbm4b:s26+s3], $0xA0, $0x38;
	[tilespmem:$0x1F100] =	vst v63  }
0x42: {  	s0 =	sshrl.u32 @!p0 s0, $0xA  }
0x43: {  	s30 =	simm.s32 $0x5;
	s2 =	sand.u32 @!p0 $0x3F, s0  }
0x44: {  	_ =	swait.ge [sflag:s18], $0xA0;
	s0 =	simm.s32 $0x4;
	s28 =	smul.u32 @!p0 $0xFA0, s2  }
0x45: {  	[sflag:s18] =	ssyncset.done $0x0;
	s2 =	smul.u32 $0x280, s9;
	s15 =	sand.u32 $0xFF, s0  }
0x46: {  	s29 =	sadd.s32 $0x28, s16;
	[sflag:s18] =	ssyncadd.s32 $0xFFFFFF60;
	s9 =	smul.u32 $0x29, s15  }
0x47: {  	[spmem:s1] =	stream.indirect.scatter.add.f32 [tilespmem:s22], [sflag:$0x3], $0x80, s23, s19, $0xb8;
	[tilespmem:$0x1F100] =	vst v63  }
0x48: {  	s31 =	sadd.s32 @!p0 s8, s28;
	s28 =	smov.u32 s29;
	_ =	swait.ge [sflag:s18], $0x5000  }
.LBB2_2:
0x49: {  	s12 =	sshrl.u32 @!p0 s31, $0x3  }
0x4a: {  	s13 =	simm.s32 @!p0 $0x0;
	[sflag:s18] =	ssyncset.done $0x0;
	s31 =	smov.u32 s30  }
0x4b: {  	s12 =	sadd.s32 @!p0 s5, s12;
	s9 =	sshrl.u32 s9, $0xA;
	[sflag:s18] =	ssyncadd.s32 $0xFFFFB000  }
0x4c: {  	s30 =	sadd.s32 $0x2, s30;
	s14 =	simm.s32 @!p0 $0x3;
	s9 =	smul.u32 $0x19, s9  }
0x4d: {  	s15 =	smul.u32 $0x29, s31;
	p1 =	sne.s32 s30, $0x7D;
	_ =	swait.ge [sflag:s21], $0x5000  }
0x4e: {  	s2 =	sshrl.u32 s2, $0x2;
	[sflag:s21] =	ssyncset.done $0x0;
	s9 =	ssub.s32 s0, s9  }
0x4f: {  	s15 =	sshrl.u32 s15, $0xA;
	[sflag:s21] =	ssyncadd.s32 $0xFFFFB000;
	s9 =	sand.u32 $0xFF, s9  }
0x50: {  	[tilespmem:s13], [sflag:$0x3] =	stream.linear.gather @!p0 [hbm4b:s12+s13], $0xFA0, $0x38;
	[tilespmem:$0x1F100] =	vst v63  }
0x51: {  	s12 =	sand.u32 $0x3F, s15;
	p2 =	sne.s32 s9, $0x0;
	_ =	swait.ge @!p0 [sflag:s14], $0xFA0  }
0x52: {  	s12 =	smul.u32 $0x19, s12;
	s0 =	sand.u32 @!p2 $0xFF, s0;
	[sflag:s14] =	ssyncset.done @!p0 $0x0  }
0x53: {  	s0 =	smul.u32 @!p2 $0x29, s0;
	[sflag:s14] =	ssyncadd.s32 @!p0 $0xFFFFF060  }
0x54: {  	[tilespmem:s22], [sflag:$0x2] =	stream.indirect.gather [hbm4b:s4+s19], $0x80, s2, s19, $0xb8;
	[tilespmem:$0x1F100] =	vst v63  }
0x55: {  	s2 =	ssub.s32 s31, s12;
	s0 =	sshrl.u32 @!p2 s0, $0xA  }
0x56: {  	[tilespmem:s23], [sflag:$0x3] =	stream.linear.gather [hbm4b:s29+s3], $0xA0, $0x38;
	[tilespmem:$0x1F100] =	vst v63  }
0x57: {  	s12 =	simm.s32 @!p2 $0x0;
	s0 =	smul.u32 @!p2 $0xFA0, s0;
	_ =	swait.ge [sflag:s18], $0xA0  }
0x58: {  	s9 =	smul.u32 $0x280, s9;
	s13 =	simm.s32 @!p2 $0x3;
	[sflag:s18] =	ssyncset.done $0x0  }
0x59: {  	s2 =	sand.u32 $0xFF, s2;
	s0 =	sadd.s32 @!p2 s8, s0;
	[sflag:s18] =	ssyncadd.s32 $0xFFFFFF60  }
0x5a: {  	[spmem:s1] =	stream.indirect.scatter.add.f32 [tilespmem:s20], [sflag:$0x3], $0x80, s23, s19, $0xb8;
	[tilespmem:$0x1F100] =	vst v63  }
0x5b: {  	s9 =	sshrl.u32 s9, $0x2;
	s0 =	sshrl.u32 @!p2 s0, $0x3;
	_ =	swait.ge [sflag:s18], $0x5000  }
0x5c: {  	s0 =	sadd.s32 @!p2 s5, s0;
	[sflag:s18] =	ssyncset.done $0x0  }
0x5d: {  	[sflag:s18] =	ssyncadd.s32 $0xFFFFB000  }
0x5e: {  	_ =	swait.ge [sflag:s24], $0x5000  }
0x5f: {  	[sflag:s24] =	ssyncset.done $0x0  }
0x60: {  	s29 =	sadd.s32 $0x28, s29;
	[sflag:s24] =	ssyncadd.s32 $0xFFFFB000  }
0x61: {  	[tilespmem:s12], [sflag:$0x3] =	stream.linear.gather @!p2 [hbm4b:s0+s12], $0xFA0, $0x38;
	[tilespmem:$0x1F100] =	vst v63  }
0x62: {  	s0 =	sadd.s32 $0x14, s28;
	s28 =	smov.u32 s29;
	_ =	swait.ge @!p2 [sflag:s13], $0xFA0  }
0x63: {  	p0 =	sne.s32 s2, $0x0;
	s2 =	smul.u32 $0x280, s2;
	[sflag:s13] =	ssyncset.done @!p2 $0x0  }
0x64: {  	s12 =	smul.u32 @!p0 $0x29, s31;
	[sflag:s13] =	ssyncadd.s32 @!p2 $0xFFFFF060  }
0x65: {  	[tilespmem:s20], [sflag:$0x1] =	stream.indirect.gather [hbm4b:s4+s19], $0x80, s9, s19, $0xb8;
	[tilespmem:$0x1F100] =	vst v63  }
0x66: {  	s12 =	sshrl.u32 @!p0 s12, $0xA;
	s9 =	sadd.s32 $0xFFFFFFFF, s31  }
0x67: {  	[tilespmem:s23], [sflag:$0x3] =	stream.linear.gather [hbm4b:s0+s3], $0xA0, $0x38;
	[tilespmem:$0x1F100] =	vst v63  }
.Ltmp0:
0x68: {  	s0 =	sadd.s32 $0x2, s9;
	_ =	swait.ge [sflag:s18], $0xA0;
	(pc) =	sbr.rel @p1 .LBB2_2-.Ltmp0, $4  }
0x69: {  	s9 =	sand.u32 @!p0 $0x3F, s12;
	s12 =	sand.u32 $0xFF, s0;
	[sflag:s18] =	ssyncset.done $0x0  }
0x6a: {  	s9 =	smul.u32 @!p0 $0xFA0, s9;
	[sflag:s18] =	ssyncadd.s32 $0xFFFFFF60  }
0x6b: {  	[spmem:s1] =	stream.indirect.scatter.add.f32 [tilespmem:s22], [sflag:$0x3], $0x80, s23, s19, $0xb8;
	[tilespmem:$0x1F100] =	vst v63  }
0x6c: {  	s31 =	sadd.s32 @!p0 s8, s9;
	s9 =	smul.u32 $0x29, s12;
	_ =	swait.ge [sflag:s18], $0x5000  }
0x6d: {  	[sflag:s18] =	ssyncset.done $0x0  }
0x6e: {  	[sflag:s18] =	ssyncadd.s32 $0xFFFFB000  }
0x6f: {  	_ =	swait.ge [sflag:s21], $0x5000  }
0x70: {  	s12 =	sshrl.u32 @!p0 s31, $0x3;
	[sflag:s21] =	ssyncset.done $0x0  }
0x71: {  	s13 =	simm.s32 @!p0 $0x0;
	s12 =	sadd.s32 @!p0 s5, s12;
	[sflag:s21] =	ssyncadd.s32 $0xFFFFB000  }
0x72: {  	[tilespmem:s13], [sflag:$0x3] =	stream.linear.gather @!p0 [hbm4b:s12+s13], $0xFA0, $0x38;
	[tilespmem:$0x1F100] =	vst v63  }
0x73: {  	s9 =	sshrl.u32 s9, $0xA;
	s12 =	simm.s32 @!p0 $0x3  }
0x74: {  	s9 =	smul.u32 $0x19, s9;
	_ =	swait.ge @!p0 [sflag:s12], $0xFA0  }
0x75: {  	[sflag:s12] =	ssyncset.done @!p0 $0x0  }
0x76: {  	s2 =	sshrl.u32 s2, $0x2;
	s9 =	ssub.s32 s0, s9;
	[sflag:s12] =	ssyncadd.s32 @!p0 $0xFFFFF060  }
0x77: {  	[tilespmem:s22], [sflag:$0x2] =	stream.indirect.gather [hbm4b:s4+s19], $0x80, s2, s19, $0xb8;
	[tilespmem:$0x1F100] =	vst v63  }
0x78: {  	s31 =	sand.u32 $0xFF, s9  }
0x79: {  	[tilespmem:s23], [sflag:$0x3] =	stream.linear.gather [hbm4b:s29+s3], $0xA0, $0x38;
	[tilespmem:$0x1F100] =	vst v63  }
0x7a: {  	p0 =	sne.s32 s31, $0x0;
	_ =	swait.ge [sflag:s18], $0xA0  }
0x7b: {  	s0 =	sand.u32 @!p0 $0xFF, s0;
	[sflag:s18] =	ssyncset.done $0x0  }
0x7c: {  	s0 =	smul.u32 @!p0 $0x29, s0;
	[sflag:s18] =	ssyncadd.s32 $0xFFFFFF60  }
0x7d: {  	[spmem:s1] =	stream.indirect.scatter.add.f32 [tilespmem:s20], [sflag:$0x3], $0x80, s23, s19, $0xb8;
	[tilespmem:$0x1F100] =	vst v63  }
0x7e: {  	s0 =	sshrl.u32 @!p0 s0, $0xA;
	_ =	swait.ge [sflag:s18], $0x5000  }
0x7f: {  	s0 =	smul.u32 @!p0 $0xFA0, s0;
	[sflag:s18] =	ssyncset.done $0x0  }
0x80: {  	[sflag:s18] =	ssyncadd.s32 $0xFFFFB000  }
0x81: {  	s0 =	sadd.s32 @!p0 s8, s0;
	_ =	swait.ge [sflag:s24], $0x5000  }
0x82: {  	s9 =	simm.s32 @!p0 $0x0;
	s0 =	sshrl.u32 @!p0 s0, $0x3;
	[sflag:s24] =	ssyncset.done $0x0  }
0x83: {  	s12 =	simm.s32 @!p0 $0x3;
	s0 =	sadd.s32 @!p0 s5, s0;
	[sflag:s24] =	ssyncadd.s32 $0xFFFFB000  }
0x84: {  	[tilespmem:s9], [sflag:$0x3] =	stream.linear.gather @!p0 [hbm4b:s0+s9], $0xFA0, $0x38;
	[tilespmem:$0x1F100] =	vst v63  }
0x85: {  	s9 =	smul.u32 $0x280, s31;
	_ =	swait.ge @!p0 [sflag:s12], $0xFA0  }
0x86: {  	[sflag:s12] =	ssyncset.done @!p0 $0x0  }
0x87: {  	s0 =	sshrl.u32 s9, $0x2;
	[sflag:s12] =	ssyncadd.s32 @!p0 $0xFFFFF060  }
0x88: {  	[tilespmem:s20], [sflag:$0x1] =	stream.indirect.gather [hbm4b:s4+s19], $0x80, s0, s19, $0xb8;
	[tilespmem:$0x1F100] =	vst v63  }
0x89: {  	s12 =	sadd.s32 $0x14, s28  }
0x8a: {  	[tilespmem:s23], [sflag:$0x3] =	stream.linear.gather [hbm4b:s12+s3], $0xA0, $0x38;
	[tilespmem:$0x1F100] =	vst v63  }
0x8b: {  	_ =	swait.ge [sflag:s18], $0xA0  }
0x8c: {  	[sflag:s18] =	ssyncset.done $0x0  }
0x8d: {  	[sflag:s18] =	ssyncadd.s32 $0xFFFFFF60  }
0x8e: {  	[spmem:s1] =	stream.indirect.scatter.add.f32 [tilespmem:s22], [sflag:$0x3], $0x80, s23, s19, $0xb8;
	[tilespmem:$0x1F100] =	vst v63  }
0x8f: {  	_ =	swait.ge [sflag:s18], $0x5000  }
0x90: {  	[sflag:s18] =	ssyncset.done $0x0  }
0x91: {  	s0 =	simm.s32 $0x1;
	[sflag:s18] =	ssyncadd.s32 $0xFFFFB000  }
0x92: {  	_ =	swait.ge [sflag:s0], $0x5000  }
0x93: {  	[sflag:s0] =	ssyncset.done $0x0  }
0x94: {  	[sflag:s0] =	ssyncadd.s32 $0xFFFFB000  }
0x95: {  	[tilespmem:s23], [sflag:$0x3] =	stream.linear.gather [hbm4b:s10+s3], $0xA0, $0x38;
	[tilespmem:$0x1F100] =	vst v63  }
0x96: {  	_ =	swait.ge [sflag:s18], $0xA0  }
0x97: {  	[sflag:s18] =	ssyncset.done $0x0  }
0x98: {  	[sflag:s18] =	ssyncadd.s32 $0xFFFFFF60  }
0x99: {  	[spmem:s1] =	stream.indirect.scatter.add.f32 [tilespmem:s20], [sflag:$0x3], $0x80, s23, s19, $0xb8;
	[tilespmem:$0x1F100] =	vst v63  }
0x9a: {  	_ =	swait.ge [sflag:s18], $0x5000  }
0x9b: {  	[sflag:s18] =	ssyncset.done $0x0  }
0x9c: {  	[sflag:s18] =	ssyncadd.s32 $0xFFFFB000  }
0x9d: {  	[bflag:$0x0] =	sbarrier.arrive $0xFFFF  }
0x9e: {  	s14 =	smul.u32 $0x29, s0;
	s13 =	rddreg [dreg:$0x4]  }
0x9f: {  	[hbm:s13], [sflag:s7] =	dma.local [spmem:s17], $0x2800  }
0xa0: {  	_ =	swait.ge [sflag:s18], $0x2800  }
0xa1: {  	s2 =	sshrl.u32 s14, $0xA;
	[sflag:s18] =	ssyncset.done $0x0  }
0xa2: {  	s2 =	sand.u32 $0x3F, s2;
	[sflag:s18] =	ssyncadd.s32 $0xFFFFD800  }
0xa3: {  	s2 =	smul.u32 $0x19, s2;
	[bflag:$0x0] =	sbarrier.arrive $0xFFFF  }
0xa4: {  	[spmem:s17], [sflag:s7] =	dma.local [hbm:s6], $0x2800  }
0xa5: {  	_ =	swait.ge [sflag:s18], $0x2800  }
0xa6: {  	s2 =	ssub.s32 $0x1, s2;
	[sflag:s18] =	ssyncset.done $0x0  }
0xa7: {  	s2 =	sand.u32 $0xFF, s2;
	[sflag:s18] =	ssyncadd.s32 $0xFFFFD800  }
0xa8: {  	s9 =	simm.s32 $0x2;
	p0 =	sne.s32 s2, $0x0;
	[bflag:$0x0] =	sbarrier.arrive $0xFFFF  }
0xa9: {  	s31 =	sand.u32 $0xFF, s9;
	s0 =	smul.u32 @!p0 $0x29, s0;
	s15 =	rddreg [dreg:$0x5]  }
0xaa: {  	[tilespmem:s3], [sflag:$0x3] =	stream.linear.gather [hbm4b:s15+s3], $0xFA0, $0x38;
	[tilespmem:$0x1F100] =	vst v63  }
0xab: {  	s12 =	smul.u32 $0x29, s31;
	s0 =	sshrl.u32 @!p0 s0, $0xA;
	_ =	swait.ge [sflag:s18], $0xFA0  }
0xac: {  	s0 =	sand.u32 @!p0 $0x3F, s0;
	[sflag:s18] =	ssyncset.done $0x0  }
0xad: {  	s12 =	sshrl.u32 s12, $0xA;
	s0 =	smul.u32 @!p0 $0xFA0, s0;
	[sflag:s18] =	ssyncadd.s32 $0xFFFFF060  }
0xae: {  	[tilespmem:s20], [sflag:$0x1] =	stream.indirect.gather [hbm4b:s4+s19], $0x80, s3, s19, $0xb8;
	[tilespmem:$0x1F100] =	vst v63  }
0xaf: {  	s2 =	smul.u32 $0x280, s2;
	s0 =	sadd.s32 @!p0 s11, s0;
	_ =	swait.ge [sflag:s21], $0x5000  }
0xb0: {  	s14 =	simm.s32 @!p0 $0x3;
	s0 =	sshrl.u32 @!p0 s0, $0x3;
	[sflag:s21] =	ssyncset.done $0x0  }
0xb1: {  	s0 =	sadd.s32 @!p0 s5, s0;
	s13 =	simm.s32 @!p0 $0x0;
	[sflag:s21] =	ssyncadd.s32 $0xFFFFB000  }
0xb2: {  	[tilespmem:s13], [sflag:$0x3] =	stream.linear.gather @!p0 [hbm4b:s0+s13], $0xFA0, $0x38;
	[tilespmem:$0x1F100] =	vst v63  }
0xb3: {  	s13 =	smul.u32 $0x19, s12;
	_ =	swait.ge @!p0 [sflag:s14], $0xFA0  }
0xb4: {  	[sflag:s14] =	ssyncset.done @!p0 $0x0  }
0xb5: {  	s2 =	sshrl.u32 s2, $0x2;
	s0 =	ssub.s32 $0x2, s13;
	[sflag:s14] =	ssyncadd.s32 @!p0 $0xFFFFF060  }
0xb6: {  	[tilespmem:s22], [sflag:$0x2] =	stream.indirect.gather [hbm4b:s4+s19], $0x80, s2, s19, $0xb8;
	[tilespmem:$0x1F100] =	vst v63  }
0xb7: {  	s0 =	sand.u32 $0xFF, s0  }
0xb8: {  	[tilespmem:s23], [sflag:$0x3] =	stream.linear.gather [hbm4b:s16+s3], $0xA0, $0x38;
	[tilespmem:$0x1F100] =	vst v63  }
0xb9: {  	p1 =	sne.s32 s0, $0x0;
	_ =	swait.ge [sflag:s18], $0xA0  }
0xba: {  	s9 =	sand.u32 @!p1 $0xFF, s9;
	[sflag:s18] =	ssyncset.done $0x0  }
0xbb: {  	s2 =	simm.s32 $0x3;
	s9 =	smul.u32 @!p1 $0x29, s9;
	[sflag:s18] =	ssyncadd.s32 $0xFFFFFF60  }
0xbc: {  	[spmem:s1] =	stream.indirect.scatter.add.f32 [tilespmem:s20], [sflag:$0x3], $0x80, s23, s19, $0xb8;
	[tilespmem:$0x1F100] =	vst v63  }
0xbd: {  	s14 =	smul.u32 $0x29, s2;
	s9 =	sshrl.u32 @!p1 s9, $0xA;
	_ =	swait.ge [sflag:s18], $0x5000  }
0xbe: {  	s9 =	smul.u32 @!p1 $0xFA0, s9;
	[sflag:s18] =	ssyncset.done $0x0  }
0xbf: {  	s13 =	simm.s32 @!p1 $0x0;
	s12 =	sshrl.u32 s14, $0xA;
	[sflag:s18] =	ssyncadd.s32 $0xFFFFB000  }
0xc0: {  	s14 =	simm.s32 @!p1 $0x3;
	s9 =	sadd.s32 @!p1 s11, s9;
	_ =	swait.ge [sflag:s24], $0x5000  }
0xc1: {  	s12 =	sand.u32 $0x3F, s12;
	s9 =	sshrl.u32 @!p1 s9, $0x3;
	[sflag:s24] =	ssyncset.done $0x0  }
0xc2: {  	s12 =	smul.u32 $0x19, s12;
	s9 =	sadd.s32 @!p1 s5, s9;
	[sflag:s24] =	ssyncadd.s32 $0xFFFFB000  }
0xc3: {  	[tilespmem:s13], [sflag:$0x3] =	stream.linear.gather @!p1 [hbm4b:s9+s13], $0xFA0, $0x38;
	[tilespmem:$0x1F100] =	vst v63  }
0xc4: {  	s0 =	smul.u32 $0x280, s0;
	s15 =	ssub.s32 $0x3, s12;
	_ =	swait.ge @!p1 [sflag:s14], $0xFA0  }
0xc5: {  	s9 =	sand.u32 $0xFF, s15;
	[sflag:s14] =	ssyncset.done @!p1 $0x0  }
0xc6: {  	s0 =	sshrl.u32 s0, $0x2;
	p0 =	sne.s32 s9, $0x0;
	[sflag:s14] =	ssyncadd.s32 @!p1 $0xFFFFF060  }
0xc7: {  	[tilespmem:s20], [sflag:$0x1] =	stream.indirect.gather [hbm4b:s4+s19], $0x80, s0, s19, $0xb8;
	[tilespmem:$0x1F100] =	vst v63  }
0xc8: {  	s0 =	smul.u32 @!p0 $0x29, s2  }
0xc9: {  	[tilespmem:s23], [sflag:$0x3] =	stream.linear.gather [hbm4b:s26+s3], $0xA0, $0x38;
	[tilespmem:$0x1F100] =	vst v63  }
0xca: {  	s29 =	simm.s32 $0x5;
	s28 =	sadd.s32 $0x28, s16;
	s0 =	sshrl.u32 @!p0 s0, $0xA  }
0xcb: {  	s26 =	smov.u32 s28;
	_ =	swait.ge [sflag:s18], $0xA0;
	s2 =	sand.u32 @!p0 $0x3F, s0  }
0xcc: {  	s0 =	simm.s32 $0x4;
	[sflag:s18] =	ssyncset.done $0x0;
	s12 =	smul.u32 @!p0 $0xFA0, s2  }
0xcd: {  	s2 =	smul.u32 $0x280, s9;
	s31 =	sand.u32 $0xFF, s0;
	[sflag:s18] =	ssyncadd.s32 $0xFFFFFF60  }
0xce: {  	[spmem:s1] =	stream.indirect.scatter.add.f32 [tilespmem:s22], [sflag:$0x3], $0x80, s23, s19, $0xb8;
	[tilespmem:$0x1F100] =	vst v63  }
0xcf: {  	s9 =	smul.u32 $0x29, s31;
	s30 =	sadd.s32 @!p0 s11, s12;
	_ =	swait.ge [sflag:s18], $0x5000  }
.LBB2_4:
0xd0: {  	s12 =	sshrl.u32 @!p0 s30, $0x3  }
0xd1: {  	s13 =	simm.s32 @!p0 $0x0;
	[sflag:s18] =	ssyncset.done $0x0;
	s30 =	smov.u32 s29  }
0xd2: {  	s12 =	sadd.s32 @!p0 s5, s12;
	s9 =	sshrl.u32 s9, $0xA;
	[sflag:s18] =	ssyncadd.s32 $0xFFFFB000  }
0xd3: {  	s29 =	sadd.s32 $0x2, s29;
	s14 =	simm.s32 @!p0 $0x3;
	s9 =	smul.u32 $0x19, s9  }
0xd4: {  	s15 =	smul.u32 $0x29, s30;
	p1 =	sne.s32 s29, $0x7D;
	_ =	swait.ge [sflag:s21], $0x5000  }
0xd5: {  	s2 =	sshrl.u32 s2, $0x2;
	[sflag:s21] =	ssyncset.done $0x0;
	s9 =	ssub.s32 s0, s9  }
0xd6: {  	s15 =	sshrl.u32 s15, $0xA;
	[sflag:s21] =	ssyncadd.s32 $0xFFFFB000;
	s9 =	sand.u32 $0xFF, s9  }
0xd7: {  	[tilespmem:s13], [sflag:$0x3] =	stream.linear.gather @!p0 [hbm4b:s12+s13], $0xFA0, $0x38;
	[tilespmem:$0x1F100] =	vst v63  }
0xd8: {  	s12 =	sand.u32 $0x3F, s15;
	p2 =	sne.s32 s9, $0x0;
	_ =	swait.ge @!p0 [sflag:s14], $0xFA0  }
0xd9: {  	s12 =	smul.u32 $0x19, s12;
	s0 =	sand.u32 @!p2 $0xFF, s0;
	[sflag:s14] =	ssyncset.done @!p0 $0x0  }
0xda: {  	s0 =	smul.u32 @!p2 $0x29, s0;
	[sflag:s14] =	ssyncadd.s32 @!p0 $0xFFFFF060  }
0xdb: {  	[tilespmem:s22], [sflag:$0x2] =	stream.indirect.gather [hbm4b:s4+s19], $0x80, s2, s19, $0xb8;
	[tilespmem:$0x1F100] =	vst v63  }
0xdc: {  	s2 =	ssub.s32 s30, s12;
	s0 =	sshrl.u32 @!p2 s0, $0xA  }
0xdd: {  	[tilespmem:s23], [sflag:$0x3] =	stream.linear.gather [hbm4b:s28+s3], $0xA0, $0x38;
	[tilespmem:$0x1F100] =	vst v63  }
0xde: {  	s12 =	simm.s32 @!p2 $0x0;
	s0 =	smul.u32 @!p2 $0xFA0, s0;
	_ =	swait.ge [sflag:s18], $0xA0  }
0xdf: {  	s9 =	smul.u32 $0x280, s9;
	s13 =	simm.s32 @!p2 $0x3;
	[sflag:s18] =	ssyncset.done $0x0  }
0xe0: {  	s2 =	sand.u32 $0xFF, s2;
	s0 =	sadd.s32 @!p2 s11, s0;
	[sflag:s18] =	ssyncadd.s32 $0xFFFFFF60  }
0xe1: {  	[spmem:s1] =	stream.indirect.scatter.add.f32 [tilespmem:s20], [sflag:$0x3], $0x80, s23, s19, $0xb8;
	[tilespmem:$0x1F100] =	vst v63  }
0xe2: {  	s9 =	sshrl.u32 s9, $0x2;
	s0 =	sshrl.u32 @!p2 s0, $0x3;
	_ =	swait.ge [sflag:s18], $0x5000  }
0xe3: {  	s0 =	sadd.s32 @!p2 s5, s0;
	[sflag:s18] =	ssyncset.done $0x0  }
0xe4: {  	[sflag:s18] =	ssyncadd.s32 $0xFFFFB000  }
0xe5: {  	_ =	swait.ge [sflag:s24], $0x5000  }
0xe6: {  	[sflag:s24] =	ssyncset.done $0x0  }
0xe7: {  	s28 =	sadd.s32 $0x28, s28;
	[sflag:s24] =	ssyncadd.s32 $0xFFFFB000  }
0xe8: {  	[tilespmem:s12], [sflag:$0x3] =	stream.linear.gather @!p2 [hbm4b:s0+s12], $0xFA0, $0x38;
	[tilespmem:$0x1F100] =	vst v63  }
0xe9: {  	s0 =	sadd.s32 $0x14, s26;
	s26 =	smov.u32 s28;
	_ =	swait.ge @!p2 [sflag:s13], $0xFA0  }
0xea: {  	p0 =	sne.s32 s2, $0x0;
	s2 =	smul.u32 $0x280, s2;
	[sflag:s13] =	ssyncset.done @!p2 $0x0  }
0xeb: {  	s12 =	smul.u32 @!p0 $0x29, s30;
	[sflag:s13] =	ssyncadd.s32 @!p2 $0xFFFFF060  }
0xec: {  	[tilespmem:s20], [sflag:$0x1] =	stream.indirect.gather [hbm4b:s4+s19], $0x80, s9, s19, $0xb8;
	[tilespmem:$0x1F100] =	vst v63  }
0xed: {  	s12 =	sshrl.u32 @!p0 s12, $0xA;
	s9 =	sadd.s32 $0xFFFFFFFF, s30  }
0xee: {  	[tilespmem:s23], [sflag:$0x3] =	stream.linear.gather [hbm4b:s0+s3], $0xA0, $0x38;
	[tilespmem:$0x1F100] =	vst v63  }
.Ltmp1:
0xef: {  	s0 =	sadd.s32 $0x2, s9;
	_ =	swait.ge [sflag:s18], $0xA0;
	(pc) =	sbr.rel @p1 .LBB2_4-.Ltmp1, $4  }
0xf0: {  	s9 =	sand.u32 @!p0 $0x3F, s12;
	s12 =	sand.u32 $0xFF, s0;
	[sflag:s18] =	ssyncset.done $0x0  }
0xf1: {  	s9 =	smul.u32 @!p0 $0xFA0, s9;
	[sflag:s18] =	ssyncadd.s32 $0xFFFFFF60  }
0xf2: {  	[spmem:s1] =	stream.indirect.scatter.add.f32 [tilespmem:s22], [sflag:$0x3], $0x80, s23, s19, $0xb8;
	[tilespmem:$0x1F100] =	vst v63  }
0xf3: {  	s30 =	sadd.s32 @!p0 s11, s9;
	s9 =	smul.u32 $0x29, s12;
	_ =	swait.ge [sflag:s18], $0x5000  }
0xf4: {  	[sflag:s18] =	ssyncset.done $0x0  }
0xf5: {  	[sflag:s18] =	ssyncadd.s32 $0xFFFFB000  }
0xf6: {  	s12 =	sshrl.u32 @!p0 s30, $0x3;
	_ =	swait.ge [sflag:s21], $0x5000  }
0xf7: {  	s13 =	simm.s32 @!p0 $0x0;
	s14 =	simm.s32 @!p0 $0x3;
	[sflag:s21] =	ssyncset.done $0x0  }
0xf8: {  	s12 =	sadd.s32 @!p0 s5, s12;
	s9 =	sshrl.u32 s9, $0xA;
	[sflag:s21] =	ssyncadd.s32 $0xFFFFB000  }
0xf9: {  	[tilespmem:s13], [sflag:$0x3] =	stream.linear.gather @!p0 [hbm4b:s12+s13], $0xFA0, $0x38;
	[tilespmem:$0x1F100] =	vst v63  }
0xfa: {  	s9 =	smul.u32 $0x19, s9;
	_ =	swait.ge @!p0 [sflag:s14], $0xFA0  }
0xfb: {  	[sflag:s14] =	ssyncset.done @!p0 $0x0  }
0xfc: {  	s2 =	sshrl.u32 s2, $0x2;
	s9 =	ssub.s32 s0, s9;
	[sflag:s14] =	ssyncadd.s32 @!p0 $0xFFFFF060  }
0xfd: {  	[tilespmem:s22], [sflag:$0x2] =	stream.indirect.gather [hbm4b:s4+s19], $0x80, s2, s19, $0xb8;
	[tilespmem:$0x1F100] =	vst v63  }
0xfe: {  	s15 =	sand.u32 $0xFF, s9  }
0xff: {  	[tilespmem:s23], [sflag:$0x3] =	stream.linear.gather [hbm4b:s28+s3], $0xA0, $0x38;
	[tilespmem:$0x1F100] =	vst v63  }
0x100: {  	p0 =	sne.s32 s15, $0x0;
	_ =	swait.ge [sflag:s18], $0xA0  }
0x101: {  	s0 =	sand.u32 @!p0 $0xFF, s0;
	[sflag:s18] =	ssyncset.done $0x0  }
0x102: {  	s0 =	smul.u32 @!p0 $0x29, s0;
	[sflag:s18] =	ssyncadd.s32 $0xFFFFFF60  }
0x103: {  	[spmem:s1] =	stream.indirect.scatter.add.f32 [tilespmem:s20], [sflag:$0x3], $0x80, s23, s19, $0xb8;
	[tilespmem:$0x1F100] =	vst v63  }
0x104: {  	s0 =	sshrl.u32 @!p0 s0, $0xA;
	_ =	swait.ge [sflag:s18], $0x5000  }
0x105: {  	s0 =	smul.u32 @!p0 $0xFA0, s0;
	[sflag:s18] =	ssyncset.done $0x0  }
0x106: {  	[sflag:s18] =	ssyncadd.s32 $0xFFFFB000  }
0x107: {  	s0 =	sadd.s32 @!p0 s11, s0;
	_ =	swait.ge [sflag:s24], $0x5000  }
0x108: {  	s9 =	simm.s32 @!p0 $0x0;
	s0 =	sshrl.u32 @!p0 s0, $0x3;
	[sflag:s24] =	ssyncset.done $0x0  }
0x109: {  	s12 =	simm.s32 @!p0 $0x3;
	s0 =	sadd.s32 @!p0 s5, s0;
	[sflag:s24] =	ssyncadd.s32 $0xFFFFB000  }
0x10a: {  	[tilespmem:s9], [sflag:$0x3] =	stream.linear.gather @!p0 [hbm4b:s0+s9], $0xFA0, $0x38;
	[tilespmem:$0x1F100] =	vst v63  }
0x10b: {  	s28 =	smul.u32 $0x280, s15;
	_ =	swait.ge @!p0 [sflag:s12], $0xFA0  }
0x10c: {  	[sflag:s12] =	ssyncset.done @!p0 $0x0  }
0x10d: {  	s0 =	sshrl.u32 s28, $0x2;
	[sflag:s12] =	ssyncadd.s32 @!p0 $0xFFFFF060  }
0x10e: {  	[tilespmem:s20], [sflag:$0x1] =	stream.indirect.gather [hbm4b:s4+s19], $0x80, s0, s19, $0xb8;
	[tilespmem:$0x1F100] =	vst v63  }
0x10f: {  	s29 =	sadd.s32 $0x14, s26  }
0x110: {  	[tilespmem:s23], [sflag:$0x3] =	stream.linear.gather [hbm4b:s29+s3], $0xA0, $0x38;
	[tilespmem:$0x1F100] =	vst v63  }
0x111: {  	_ =	swait.ge [sflag:s18], $0xA0  }
0x112: {  	[sflag:s18] =	ssyncset.done $0x0  }
0x113: {  	[sflag:s18] =	ssyncadd.s32 $0xFFFFFF60  }
0x114: {  	[spmem:s1] =	stream.indirect.scatter.add.f32 [tilespmem:s22], [sflag:$0x3], $0x80, s23, s19, $0xb8;
	[tilespmem:$0x1F100] =	vst v63  }
0x115: {  	_ =	swait.ge [sflag:s18], $0x5000  }
0x116: {  	[sflag:s18] =	ssyncset.done $0x0  }
0x117: {  	[sflag:s18] =	ssyncadd.s32 $0xFFFFB000  }
0x118: {  	_ =	swait.ge [sflag:s21], $0x5000  }
0x119: {  	[sflag:s21] =	ssyncset.done $0x0  }
0x11a: {  	[sflag:s21] =	ssyncadd.s32 $0xFFFFB000  }
0x11b: {  	[tilespmem:s23], [sflag:$0x3] =	stream.linear.gather [hbm4b:s10+s3], $0xA0, $0x38;
	[tilespmem:$0x1F100] =	vst v63  }
0x11c: {  	_ =	swait.ge [sflag:s18], $0xA0  }
0x11d: {  	[sflag:s18] =	ssyncset.done $0x0  }
0x11e: {  	[sflag:s18] =	ssyncadd.s32 $0xFFFFFF60  }
0x11f: {  	[spmem:s1] =	stream.indirect.scatter.add.f32 [tilespmem:s20], [sflag:$0x3], $0x80, s23, s19, $0xb8;
	[tilespmem:$0x1F100] =	vst v63  }
0x120: {  	_ =	swait.ge [sflag:s18], $0x5000  }
0x121: {  	[sflag:s18] =	ssyncset.done $0x0  }
0x122: {  	[sflag:s18] =	ssyncadd.s32 $0xFFFFB000  }
0x123: {  	[bflag:$0x0] =	sbarrier.arrive $0xFFFF  }
0x124: {  	s30 =	rddreg [dreg:$0x6]  }
0x125: {  	[hbm:s30], [sflag:s7] =	dma.local [spmem:s17], $0x2800  }
0x126: {  	_ =	swait.ge [sflag:s18], $0x2800  }
0x127: {  	s25 =	sadd.s32 $0x1, s25;
	s31 =	rddreg [dreg:$0x7]  }
0x128: {  	p0 =	sne.s32 s25, s31  }
.Ltmp2:
0x129: {  	_ = 	snop;
	(pc) =	sbr.rel @p0 .LBB2_1-.Ltmp2, $3  }
0x12a: {  	[sflag:s18] =	ssyncset.done $0x0  }
0x12b: {  	[sflag:s18] =	ssyncadd.s32 $0xFFFFD800  }
0x12c: {  	[bflag:$0x0] =	sbarrier.arrive $0xFFFF;
	_ =	sdelay $0x1  }
0x12d: {  	_ =	sfence.sel $0x180000  }
0x12e: {  	[bflag:$0x0] =	sbarrier.arrive $0xFFFF  }
0x12f: {  	_ =	strace $0x9000004D  }
0x130: {  	s0 =	stileid.u32;
	[bflag:$0x2] =	sbarrier.arrive $0xFFFF  }
0x131: {  	p0 =	sne.s32 s0, $0x0;
	s0 =	rddreg [dreg:$0x2]  }
0x132: {  	s0 =	sadd.s32 @!p0 $0x100000, s0  }
0x133: {  	[sflag:s0] =	ssyncadd.tile.s32 @!p0 $0x1;
	_ =	shalt  }
.Lfunc_end2:
_tile_overlayer_lowered:
.L_overlay_start_2:
0x134: {  	(tag) =	ssettag $0x2  }
0x135: {  	s0 =	rddreg [dreg:$0x0];
	s2 =	stileid.u32  }
0x136: {  	s1 =	rddreg [dreg:$0x1];
	p0 =	sne.s32 s2, $0x0  }
0x137: {  	s3 =	rddreg [dreg:$0x2];
	[bflag:$0x3] =	sbarrier.arrive $0xFFFF;
	s2 =	simm.s32 @!p0 $0x1C03  }
0x138: {  	[timem:s3], [sflag:s2] =	dma.local @!p0 [hbm:s0], s1  }
0x139: {  	s0 =	simm.s32 @!p0 $0x3  }
0x13a: {  	_ =	swait.ge @!p0 [sflag:s0], s1  }
0x13b: {  	s1 =	ssub.s32 @!p0 $0x0, s1;
	[sflag:s0] =	ssyncset.done @!p0 $0x0  }
0x13c: {  	[sflag:s0] =	ssyncadd.s32 @!p0 s1  }
0x13d: {  	[bflag:$0x3] =	sbarrier.arrive $0xFFFF  }
0x13e: {  	_ =	shalt  }

// kernel: kernel.24.cloned.1.call-start
scs
__scs_entry_jumppad:
0x0: {  	(pc) =	sbr.rel $0x88, $3  }
0x1: {  	(tag) =	ssettag $0x0;
	lr =	simm.s32 $0x1  }
0x2: {  	[smem:$0x3F7E] =	sst lr;
	_ =	strace $0xD0000000  }
0x3: {  	_ = 	snop  }
0x4: {  	_ = 	snop  }
0x5: {  	_ = 	snop  }
0x6: {  	_ = 	snop  }
0x7: {  	_ = 	snop  }
__scs_overlays_trampoline_lowered:
0x8: {  	[smem:$0x3F8D] =	sst s0  }
0x9: {  	[smem:$0x3F8E] =	sst s1  }
0xa: {  	[smem:$0x3F8F] =	sst s2  }
0xb: {  	[smem:$0x3F90] =	sst s3  }
0xc: {  	[smem:$0x3F91] =	sst s4  }
0xd: {  	[smem:$0x3F92] =	sst s5  }
0xe: {  	[smem:$0x3F93] =	sst s6  }
0xf: {  	[smem:$0x3F94] =	sst s7  }
0x10: {  	[smem:$0x3F95] =	sst s8  }
0x11: {  	[smem:$0x3F96] =	sst s9;
	s0 =	simm.s32 @!p0 $0x0  }
0x12: {  	s1 =	sld [smem:$0x3F7C];
	s0 =	simm.s32 @p0 $0x1  }
0x13: {  	[smem:$0x3F97] =	sst s0;
	s0 =	simm.s32 @!p1 $0x0  }
0x14: {  	s2 =	sld [smem:$0x3F7B];
	s0 =	simm.s32 @p1 $0x1  }
0x15: {  	[smem:$0x3F98] =	sst s0;
	s0 =	simm.s32 @!p2 $0x0  }
0x16: {  	s3 =	sld [smem:$0x3FDB];
	s0 =	simm.s32 @p2 $0x1  }
0x17: {  	s4 =	simm.s32 $0x1BF5;
	[smem:$0x3F9A] =	sst s0  }
0x18: {  	s0 =	sld [smem:$0x3F7D];
	_ =	swait.ge [sflag:s4], $0x0  }
0x19: {  	s7 =	sld [smem:$0x3F7E]  }
0x1a: {  	s8 =	sadd.s32 $0xFFFFE003, lr  }
0x1b: {  	s9 =	sadd.s32 $0xFFFFFEF7, lr;
	s5 =	simm.s32 $0xFFFFFFFF;
	p2 =	slt.u32 s8, $0xFFFFF086  }
0x1c: {  	p1 =	slt.u32 s9, $0xF7A;
	s5 =	simm.s32 @!p2 $0x0  }
0x1d: {  	s5 =	simm.s32 @p1 $0x1;
	p0 =	seq.s32 s7, s2  }
0x1e: {  	s7 =	smul.u32 @!p0 $0xF7A, s2;
	p2 =	seq.s32 @!p0 s5, $0x0  }
0x1f: {  	s9 =	smul.u32 $0xF7A, s1;
	s8 =	simm.s32 @!p0 $0x1BF5;
	p2 =	por !p2, p0  }
0x20: {  	[sflag:s8] =	ssyncset.s32 @!p0 $0xFFFFF086;
	s6 =	sadd.s32 @!p0 s3, s7;
	s7 =	simm.s32 @!p0 $0x108  }
0x21: {  	s3 =	sadd.s32 s3, s9;
	s6 =	sadd.s32 @!p0 $0x88, s6;
	s7 =	simm.s32 @p2 $0x1082  }
0x22: {  	[simem:s7], [sflag:s8] =	dma.local @!p0 [hbm:s6], $0xF7A  }
0x23: {  	s9 =	sor.u32 $0xD0000000, s2;
	s6 =	simm.s32 $0x108;
	_ =	swait.ge @!p0 [sflag:s8], $0x0  }
0x24: {  	s3 =	sadd.s32 $0x88, s3;
	s6 =	simm.s32 @!p1 $0x1082;
	[sflag:s4] =	ssyncset.s32 $0xFFFFF086  }
0x25: {  	[simem:s6], [sflag:s4] =	dma.local [hbm:s3], $0xF7A  }
0x26: {  	[smem:$0x3F7E] =	sst s1;
	(tag) =	ssettag s2;
	_ =	strace s9  }
0x27: {  	s1 =	sld [smem:$0x3F8E]  }
0x28: {  	s2 =	sld [smem:$0x3F8F]  }
0x29: {  	s4 =	sld [smem:$0x3F91]  }
0x2a: {  	p0 =	seq.s32 s5, $0x0;
	s5 =	sld [smem:$0x3F92]  }
0x2b: {  	s6 =	sld [smem:$0x3F93]  }
0x2c: {  	s7 =	sld [smem:$0x3F94]  }
0x2d: {  	s3 =	simm.s32 $0x108;
	s8 =	sld [smem:$0x3F95]  }
0x2e: {  	s3 =	simm.s32 @!p0 $0x1082;
	s9 =	sld [smem:$0x3F96]  }
0x2f: {  	lr =	sadd.s32 s0, s3;
	s0 =	sld [smem:$0x3F8D]  }
0x30: {  	s3 =	sld [smem:$0x3F90]  }
0x31: {  	[smem:$0x3F99] =	sst s10  }
0x32: {  	s10 =	sld [smem:$0x3F97];
	_ =	sdelay $0x3  }
0x33: {  	p0 =	seq.s32 s10, $0x1;
	s10 =	sld [smem:$0x3F99];
	_ =	sdelay $0x3  }
0x34: {  	[smem:$0x3F99] =	sst s10  }
0x35: {  	s10 =	sld [smem:$0x3F98];
	_ =	sdelay $0x3  }
0x36: {  	p1 =	seq.s32 s10, $0x1;
	s10 =	sld [smem:$0x3F99];
	_ =	sdelay $0x3  }
0x37: {  	[smem:$0x3F99] =	sst s10  }
0x38: {  	s10 =	sld [smem:$0x3F9A]  }
0x39: {  	_ = 	snop;
	(pc) =	sbr.ind lr, $3  }
0x3a: {  	_ = 	snop  }
0x3b: {  	_ = 	snop  }
0x3c: {  	p2 =	seq.s32 s10, $0x1;
	s10 =	sld [smem:$0x3F99]  }
0x3d: {  	_ =	shalt  }
0x3e: {  	_ =	shalt  }
0x3f: {  	_ =	shalt  }
0x40: {  	_ =	shalt  }
0x41: {  	_ =	shalt  }
0x42: {  	_ =	shalt  }
0x43: {  	_ =	shalt  }
0x44: {  	_ =	shalt  }
0x45: {  	_ =	shalt  }
0x46: {  	_ =	shalt  }
0x47: {  	_ =	shalt  }
0x48: {  	_ =	shalt  }
0x49: {  	_ =	shalt  }
0x4a: {  	_ =	shalt  }
0x4b: {  	_ =	shalt  }
0x4c: {  	_ =	shalt  }
0x4d: {  	_ =	shalt  }
0x4e: {  	_ =	shalt  }
0x4f: {  	_ =	shalt  }
0x50: {  	_ =	shalt  }
0x51: {  	_ =	shalt  }
0x52: {  	_ =	shalt  }
0x53: {  	_ =	shalt  }
0x54: {  	_ =	shalt  }
0x55: {  	_ =	shalt  }
0x56: {  	_ =	shalt  }
0x57: {  	_ =	shalt  }
0x58: {  	_ =	shalt  }
0x59: {  	_ =	shalt  }
0x5a: {  	_ =	shalt  }
0x5b: {  	_ =	shalt  }
0x5c: {  	_ =	shalt  }
0x5d: {  	_ =	shalt  }
0x5e: {  	_ =	shalt  }
0x5f: {  	_ =	shalt  }
0x60: {  	_ =	shalt  }
0x61: {  	_ =	shalt  }
0x62: {  	_ =	shalt  }
0x63: {  	_ =	shalt  }
0x64: {  	_ =	shalt  }
0x65: {  	_ =	shalt  }
0x66: {  	_ =	shalt  }
0x67: {  	_ =	shalt  }
0x68: {  	_ =	shalt  }
0x69: {  	_ =	shalt  }
0x6a: {  	_ =	shalt  }
0x6b: {  	_ =	shalt  }
0x6c: {  	_ =	shalt  }
0x6d: {  	_ =	shalt  }
0x6e: {  	_ =	shalt  }
0x6f: {  	_ =	shalt  }
0x70: {  	_ =	shalt  }
0x71: {  	_ =	shalt  }
0x72: {  	_ =	shalt  }
0x73: {  	_ =	shalt  }
0x74: {  	_ =	shalt  }
0x75: {  	_ =	shalt  }
0x76: {  	_ =	shalt  }
0x77: {  	_ =	shalt  }
0x78: {  	_ =	shalt  }
0x79: {  	_ =	shalt  }
0x7a: {  	_ =	shalt  }
0x7b: {  	_ =	shalt  }
0x7c: {  	_ =	shalt  }
0x7d: {  	_ =	shalt  }
0x7e: {  	_ =	shalt  }
0x7f: {  	_ =	shalt  }
0x80: {  	_ =	shalt  }
0x81: {  	_ =	shalt  }
0x82: {  	_ =	shalt  }
0x83: {  	_ =	shalt  }
0x84: {  	_ =	shalt  }
0x85: {  	_ =	shalt  }
0x86: {  	_ =	shalt  }
0x87: {  	_ =	shalt  }
.Lfunc_end0:
.L_simem_size_0:
called_computation.2_lowered:
.L_overlay_start_0:
0x88: {  	s2 =	sld [smem:$0x3FD9]  }
0x89: {  	s3 =	sld [smem:$0x3FFE];
	_ =	sdelay $0x1  }
0x8a: {  	s1 =	srdreg.scid  }
0x8b: {  	s0 =	sand.u32 $0x1, s1  }
0x8c: {  	s16 =	sshll.u32 s0, $0xA;
	s2 =	sadd.s32 s3, s2  }
0x8d: {  	s2 =	sadd.s32 s2, s16  }
0x8e: {  	[smem:$0x3FA5] =	sst s2  }
0x8f: {  	_ = 	snop  }
0x90: {  	(tm) =	ssettm $0x1  }
0x91: {  	s17 =	sld [smem:$0x3FFB];
	_ =	sdelay $0x3  }
0x92: {  	_ =	strace s17  }
0x93: {  	s2 =	sld [smem:$0x3FFC];
	_ =	sdelay $0x3  }
0x94: {  	_ =	strace s2  }
0x95: {  	s2 =	sld [smem:$0x3FFD];
	_ =	sdelay $0x3  }
0x96: {  	_ =	strace s2  }
0x97: {  	_ =	strace $0x8FFFFFFF  }
0x98: {  	s18 =	sld [smem:$0x3FDB];
	_ =	sdelay $0x1  }
0x99: {  	s19 =	simm.s32 $_scs_section_size  }
0x9a: {  	s4 =	simm.s32 $_size__tile_overlayer_lowered;
	s5 =	simm.s32 $_tile_overlayer_lowered  }
0x9b: {  	s22 =	simm.s32 $0x1BFF;
	s21 =	sshll.u32 s5, $0x1;
	s2 =	sadd.s32 s19, s18  }
0x9c: {  	s6 =	simm.s32 $0x0;
	s20 =	sshll.u32 s4, $0x1;
	s4 =	sadd.s32 s21, s2  }
0x9d: {  	[timem:s6], [sflag:s22] =	dma.local [hbm:s4], s20  }
0x9e: {  	_ =	swait.ge [sflag:s22], s20  }
0x9f: {  	s3 =	ssub.s32 $0x0, s20;
	[sflag:s22] =	ssyncset.done $0x0  }
0xa0: {  	[sflag:s22] =	ssyncadd.s32 s3;
	_ =	sdelay $0x1  }
0xa1: {  	s23 =	simm.s32 $0x1B8B  }
0xa2: {  	_ =	swait.ge [sflag:s23], $0x1  }
0xa3: {  	[sflag:s23] =	ssyncset.done $0x0  }
0xa4: {  	s25 =	simm.s32 $0x1B8E;
	s24 =	sld [smem:$0x3FFE];
	[sflag:s23] =	ssyncadd.s32 $0xFFFFFFFF  }
0xa5: {  	s26 =	simm.s32 $execute0_lowered;
	[smem:$0x3FD2] =	sst s25  }
0xa6: {  	s4 =	sshll.u32 s26, $0x1;
	_ =	strace $0x80000049;
	[dreg:$0x1] =	wrdreg $0xFFFFFFFF  }
0xa7: {  	s28 =	simm.s32 $_size_execute0_lowered;
	s2 =	sadd.s32 s2, s4;
	[dreg:$0x0] =	wrdreg $0x0  }
0xa8: {  	s4 =	sshll.u32 s28, $0x1;
	[dreg:$0x2] =	wrdreg s2  }
0xa9: {  	[dreg:$0x3] =	wrdreg s4  }
0xaa: {  	[dreg:$0x4] =	wrdreg $0xC0  }
0xab: {  	_ =	task [dreg:s6], $0x5FFFF  }
0xac: {  	[dreg:$0x1] =	wrdreg $0xFFFFFFFF  }
0xad: {  	[dreg:$0x0] =	wrdreg $0x60  }
0xae: {  	[dreg:$0x2] =	wrdreg s24  }
0xaf: {  	[dreg:$0x3] =	wrdreg $0x9E800  }
0xb0: {  	[dreg:$0x4] =	wrdreg $0xA  }
0xb1: {  	_ =	task.clear_ibuf [dreg:s6], $0x5FFFF;
	_ =	strace $0x90000049  }
0xb2: {  	s29 =	simm.s32 $0xA;
	_ =	strace $0x8000004B  }
0xb3: {  	_ =	swait.ge [sflag:s29], $0x1  }
0xb4: {  	[sflag:s29] =	ssyncadd.s32 $0xFFFFFFFF  }
0xb5: {  	_ =	strace $0x9000004B  }
0xb6: {  	_ =	sfence  }
0xb7: {  	s30 =	sld [smem:$0x0];
	_ =	sdelay $0x2  }
0xb8: {  	s31 =	sshll.u32 s1, $0xD;
	s1 =	sshrl.u32 s1, $0x2  }
0xb9: {  	s3 =	sand.u32 $0x4000, s31;
	s1 =	sadd.s32 s1, s30  }
0xba: {  	s0 =	sor.u32 s3, s0;
	s1 =	sshll.u32 s1, $0x11  }
0xbb: {  	s0 =	sor.u32 s1, s0  }
0xbc: {  	s0 =	sadd.s32 $0x8F2B, s0  }
0xbd: {  	[sflag:s0] =	ssyncadd.remote.s32 $0x1  }
0xbe: {  	_ =	sfence.sel $0xFFFF  }
0xbf: {  	[dreg:$0x0] =	wrdreg $0xFFFFFFFF;
	(pc) =	sbr.abs _section_cstart, $3  }
0xc0: {  	[dreg:$0x1] =	wrdreg $0xFFFFFFFF  }
0xc1: {  	_ =	task.clear_ibuf [dreg:s6], $0x2FFFF;
	_ =	strace $0x9FFFFFFF  }
0xc2: {  	(tm) =	ssettm $0x7FFFFFFF  }
0xc3: {  	_ =	shalt  }
tec
execute0_lowered:
.L_overlay_start_1:
0x0: {  	(tag) =	ssettag $0x1  }
0x1: {  	s1 =	srdreg.scid  }
0x2: {  	s0 =	stileid.u32;
	s5 =	rddreg [dreg:$0x0]  }
0x3: {  	s2 =	rddreg [dreg:$0x1];
	s3 =	simm.s32 $0x0;
	s14 =	simm.s32 $0x2780  }
0x4: {  	s15 =	simm.s32 $0x2710;
	s16 =	simm.s32 $0x7700;
	s17 =	simm.s32 $0x20  }
0x5: {  	s18 =	simm.s32 $0x10;
	s19 =	simm.s32 $0x0;
	s6 =	sand.u32 $0x1, s1  }
0x6: {  	s29 =	sshll.u32 s0, $0x1;
	s1 =	rddreg [dreg:$0x2];
	s8 =	smul.u32 $0x500, s0  }
0x7: {  	[smem:$0x7FF] =	sst s3;
	s9 =	smul.u32 $0x280, s0;
	s12 =	sshll.u32 s0, $0x6  }
0x8: {  	s4 =	sor.u32 s6, s29;
	_ =	strace $0x8000004A;
	s10 =	sshll.u32 s6, $0x7  }
0x9: {  	s6 =	ssub.s32 $0x2, s6;
	s12 =	sor.u32 $0x1C01, s12;
	s7 =	smul.u32 $0x4E2, s4  }
0xa: {  	s4 =	sadd.s32 $0x1EA00, s5;
	s8 =	sor.u32 s10, s8;
	s30 =	sshrl.u32 s9, $0x3  }
0xb: {  	s31 =	sshrl.u32 s6, $0x1;
	s13 =	sadd.s32 s9, s2;
	s8 =	sshrl.u32 s8, $0x3  }
0xc: {  	s10 =	sadd.s32 s30, s5;
	s11 =	ssub.s32 s6, s31;
	s13 =	sshrl.u32 s13, $0x3  }
0xd: {  	s7 =	sadd.s32 s7, s5;
	s8 =	sadd.s32 s8, s5;
	s5 =	sadd.s32 $0x1E400, s10  }
0xe: {  	s9 =	smax.u32 s11, $0x1;
	s10 =	simm.s32 $0x4F00;
	s11 =	simm.s32 $0x1  }
0xf: {  	s6 =	sadd.s32 $0x14600, s7;
	s7 =	sadd.s32 $0x1F400, s7;
	s8 =	sadd.s32 $0xC9200, s8  }
.LBB2_1:
0x10: {  	[tilespmem:s10], [sflag:$0x1] =	stream.linear.gather [hbm4b:s4+s3], $0x2800, $0x38;
	[tilespmem:$0xA100] =	vst v63  }
0x11: {  	_ =	swait.ge [sflag:s11], $0x2800  }
0x12: {  	[sflag:s11] =	ssyncset.done $0x0  }
0x13: {  	[sflag:s11] =	ssyncadd.s32 $0xFFFFD800  }
0x14: {  	[spmem:s13], [sflag:s12] =	dma.local [hbm:s5], $0x50  }
0x15: {  	_ =	swait.ge [sflag:s11], $0x50  }
0x16: {  	[sflag:s11] =	ssyncset.done $0x0  }
0x17: {  	[sflag:s11] =	ssyncadd.s32 $0xFFFFFFB0  }
0x18: {  	[tilespmem:s3], [sflag:$0x1] =	stream.linear.gather [hbm4b:s6+s3], $0x2710, $0x38;
	[tilespmem:$0xA100] =	vst v63  }
0x19: {  	_ =	swait.ge [sflag:s11], $0x2710  }
0x1a: {  	[sflag:s11] =	ssyncset.done $0x0  }
0x1b: {  	[sflag:s11] =	ssyncadd.s32 $0xFFFFD8F0  }
0x1c: {  	[tilespmem:s14], [sflag:$0x1] =	stream.linear.gather [hbm4b:s7+s3], $0x2710, $0x38;
	[tilespmem:$0xA100] =	vst v63  }
0x1d: {  	_ =	swait.ge [sflag:s11], $0x2710  }
0x1e: {  	[sflag:s11] =	ssyncset.done $0x0  }
0x1f: {  	s20 =	simm.s32 $0x0;
	[sflag:s11] =	ssyncadd.s32 $0xFFFFD8F0  }
0x20: {  	v0 =	vld [tilespmem:s20+$0x0];
	_ =	sdelay $0x7  }
0x21: {  	s21 =	simm.s32 $0x10;
	s22 =	simm.s32 $0x80;
	v0 =	vld.idx.msk [tilespmem:v0+s10+$0x0], $0xffff  }
.LBB2_2:
0x22: {  	p0 =	sne.s32 s22, $0x9C00;
	v1 =	vld [tilespmem:s21+$0x0];
	_ =	sdelay $0x3  }
.Ltmp0:
0x23: {  	(pc) =	sbr.rel @p0 .LBB2_2-.Ltmp0, $2  }
0x24: {  	[tilespmem:s20+$0x7700] =	vst v0;
	s20 =	smov.u32 s21;
	_ =	sdelay $0x2  }
0x25: {  	s21 =	sshra.s32 s22, $0x2;
	s22 =	sadd.s32 $0x40, s22;
	v0 =	vld.idx.msk [tilespmem:v1+s10+$0x0], $0xffff  }
0x26: {  	v1 =	vld [tilespmem:s21+$0x0];
	_ =	sdelay $0x6  }
0x27: {  	[tilespmem:s20+$0x7700] =	vst v0  }
0x28: {  	v0 =	vld.idx.msk [tilespmem:v1+s10+$0x0], $0xffff;
	_ =	sdelay $0x4  }
0x29: {  	[tilespmem:s21+$0x7700] =	vst v0  }
0x2a: {  	[bflag:$0x0] =	sbarrier.arrive $0xFFFF  }
0x2b: {  	[spmem:s2] =	stream.indirect.scatter.add.f32 [tilespmem:s16], [sflag:$0x1], $0x1, s14, s15, $0xb8;
	[tilespmem:$0xA100] =	vst v63  }
0x2c: {  	_ =	swait.ge [sflag:s11], $0x2710  }
0x2d: {  	s19 =	sadd.s32 $0x1, s19;
	[sflag:s11] =	ssyncset.done $0x0  }
0x2e: {  	p0 =	sne.s32 s19, s9;
	[sflag:s11] =	ssyncadd.s32 $0xFFFFD8F0  }
.Ltmp1:
0x2f: {  	[bflag:$0x0] =	sbarrier.arrive $0xFFFF;
	(pc) =	sbr.rel @p0 .LBB2_1-.Ltmp1, $4  }
0x30: {  	[hbm:s8@s17], [sflag:s12] =	dma.strided [spmem:s13@s18], $0x50, s11, $0x10   }
0x31: {  	_ =	swait.ge [sflag:s11], $0x50  }
0x32: {  	[sflag:s11] =	ssyncset.done $0x0  }
0x33: {  	[sflag:s11] =	ssyncadd.s32 $0xFFFFFFB0  }
0x34: {  	_ =	sfence.sel $0x180000  }
0x35: {  	[bflag:$0x0] =	sbarrier.arrive $0xFFFF  }
0x36: {  	p0 =	sne.s32 s0, $0x0;
	_ =	strace $0x9000004A  }
0x37: {  	s0 =	sadd.s32 @!p0 $0x100000, s1;
	[bflag:$0x2] =	sbarrier.arrive $0xFFFF  }
0x38: {  	[sflag:s0] =	ssyncadd.tile.s32 @!p0 $0x1;
	_ =	shalt  }
.Lfunc_end2:
_tile_overlayer_lowered:
.L_overlay_start_2:
0x39: {  	(tag) =	ssettag $0x2  }
0x3a: {  	s0 =	rddreg [dreg:$0x0];
	s2 =	stileid.u32  }
0x3b: {  	s1 =	rddreg [dreg:$0x1];
	p0 =	sne.s32 s2, $0x0  }
0x3c: {  	s3 =	rddreg [dreg:$0x2];
	[bflag:$0x3] =	sbarrier.arrive $0xFFFF;
	s2 =	simm.s32 @!p0 $0x1C01  }
0x3d: {  	[timem:s3], [sflag:s2] =	dma.local @!p0 [hbm:s0], s1  }
0x3e: {  	s0 =	simm.s32 @!p0 $0x1  }
0x3f: {  	_ =	swait.ge @!p0 [sflag:s0], s1  }
0x40: {  	s1 =	ssub.s32 @!p0 $0x0, s1;
	[sflag:s0] =	ssyncset.done @!p0 $0x0  }
0x41: {  	[sflag:s0] =	ssyncadd.s32 @!p0 s1  }
0x42: {  	[bflag:$0x3] =	sbarrier.arrive $0xFFFF  }
0x43: {  	_ =	shalt  }

// kernel: kernel.27.cloned.1.call-start
scs
__scs_entry_jumppad:
0x0: {  	(pc) =	sbr.rel $0x88, $3  }
0x1: {  	(tag) =	ssettag $0x0;
	lr =	simm.s32 $0x1  }
0x2: {  	[smem:$0x3F7E] =	sst lr;
	_ =	strace $0xD0000000  }
0x3: {  	_ = 	snop  }
0x4: {  	_ = 	snop  }
0x5: {  	_ = 	snop  }
0x6: {  	_ = 	snop  }
0x7: {  	_ = 	snop  }
__scs_overlays_trampoline_lowered:
0x8: {  	[smem:$0x3F8D] =	sst s0  }
0x9: {  	[smem:$0x3F8E] =	sst s1  }
0xa: {  	[smem:$0x3F8F] =	sst s2  }
0xb: {  	[smem:$0x3F90] =	sst s3  }
0xc: {  	[smem:$0x3F91] =	sst s4  }
0xd: {  	[smem:$0x3F92] =	sst s5  }
0xe: {  	[smem:$0x3F93] =	sst s6  }
0xf: {  	[smem:$0x3F94] =	sst s7  }
0x10: {  	[smem:$0x3F95] =	sst s8  }
0x11: {  	[smem:$0x3F96] =	sst s9;
	s0 =	simm.s32 @!p0 $0x0  }
0x12: {  	s1 =	sld [smem:$0x3F7C];
	s0 =	simm.s32 @p0 $0x1  }
0x13: {  	[smem:$0x3F97] =	sst s0;
	s0 =	simm.s32 @!p1 $0x0  }
0x14: {  	s2 =	sld [smem:$0x3F7B];
	s0 =	simm.s32 @p1 $0x1  }
0x15: {  	[smem:$0x3F98] =	sst s0;
	s0 =	simm.s32 @!p2 $0x0  }
0x16: {  	s3 =	sld [smem:$0x3FDB];
	s0 =	simm.s32 @p2 $0x1  }
0x17: {  	s4 =	simm.s32 $0x1BF5;
	[smem:$0x3F9A] =	sst s0  }
0x18: {  	s0 =	sld [smem:$0x3F7D];
	_ =	swait.ge [sflag:s4], $0x0  }
0x19: {  	s7 =	sld [smem:$0x3F7E]  }
0x1a: {  	s8 =	sadd.s32 $0xFFFFE003, lr  }
0x1b: {  	s9 =	sadd.s32 $0xFFFFFEF7, lr;
	s5 =	simm.s32 $0xFFFFFFFF;
	p2 =	slt.u32 s8, $0xFFFFF086  }
0x1c: {  	p1 =	slt.u32 s9, $0xF7A;
	s5 =	simm.s32 @!p2 $0x0  }
0x1d: {  	s5 =	simm.s32 @p1 $0x1;
	p0 =	seq.s32 s7, s2  }
0x1e: {  	s7 =	smul.u32 @!p0 $0xF7A, s2;
	p2 =	seq.s32 @!p0 s5, $0x0  }
0x1f: {  	s9 =	smul.u32 $0xF7A, s1;
	s8 =	simm.s32 @!p0 $0x1BF5;
	p2 =	por !p2, p0  }
0x20: {  	[sflag:s8] =	ssyncset.s32 @!p0 $0xFFFFF086;
	s6 =	sadd.s32 @!p0 s3, s7;
	s7 =	simm.s32 @!p0 $0x108  }
0x21: {  	s3 =	sadd.s32 s3, s9;
	s6 =	sadd.s32 @!p0 $0x88, s6;
	s7 =	simm.s32 @p2 $0x1082  }
0x22: {  	[simem:s7], [sflag:s8] =	dma.local @!p0 [hbm:s6], $0xF7A  }
0x23: {  	s9 =	sor.u32 $0xD0000000, s2;
	s6 =	simm.s32 $0x108;
	_ =	swait.ge @!p0 [sflag:s8], $0x0  }
0x24: {  	s3 =	sadd.s32 $0x88, s3;
	s6 =	simm.s32 @!p1 $0x1082;
	[sflag:s4] =	ssyncset.s32 $0xFFFFF086  }
0x25: {  	[simem:s6], [sflag:s4] =	dma.local [hbm:s3], $0xF7A  }
0x26: {  	[smem:$0x3F7E] =	sst s1;
	(tag) =	ssettag s2;
	_ =	strace s9  }
0x27: {  	s1 =	sld [smem:$0x3F8E]  }
0x28: {  	s2 =	sld [smem:$0x3F8F]  }
0x29: {  	s4 =	sld [smem:$0x3F91]  }
0x2a: {  	p0 =	seq.s32 s5, $0x0;
	s5 =	sld [smem:$0x3F92]  }
0x2b: {  	s6 =	sld [smem:$0x3F93]  }
0x2c: {  	s7 =	sld [smem:$0x3F94]  }
0x2d: {  	s3 =	simm.s32 $0x108;
	s8 =	sld [smem:$0x3F95]  }
0x2e: {  	s3 =	simm.s32 @!p0 $0x1082;
	s9 =	sld [smem:$0x3F96]  }
0x2f: {  	lr =	sadd.s32 s0, s3;
	s0 =	sld [smem:$0x3F8D]  }
0x30: {  	s3 =	sld [smem:$0x3F90]  }
0x31: {  	[smem:$0x3F99] =	sst s10  }
0x32: {  	s10 =	sld [smem:$0x3F97];
	_ =	sdelay $0x3  }
0x33: {  	p0 =	seq.s32 s10, $0x1;
	s10 =	sld [smem:$0x3F99];
	_ =	sdelay $0x3  }
0x34: {  	[smem:$0x3F99] =	sst s10  }
0x35: {  	s10 =	sld [smem:$0x3F98];
	_ =	sdelay $0x3  }
0x36: {  	p1 =	seq.s32 s10, $0x1;
	s10 =	sld [smem:$0x3F99];
	_ =	sdelay $0x3  }
0x37: {  	[smem:$0x3F99] =	sst s10  }
0x38: {  	s10 =	sld [smem:$0x3F9A]  }
0x39: {  	_ = 	snop;
	(pc) =	sbr.ind lr, $3  }
0x3a: {  	_ = 	snop  }
0x3b: {  	_ = 	snop  }
0x3c: {  	p2 =	seq.s32 s10, $0x1;
	s10 =	sld [smem:$0x3F99]  }
0x3d: {  	_ =	shalt  }
0x3e: {  	_ =	shalt  }
0x3f: {  	_ =	shalt  }
0x40: {  	_ =	shalt  }
0x41: {  	_ =	shalt  }
0x42: {  	_ =	shalt  }
0x43: {  	_ =	shalt  }
0x44: {  	_ =	shalt  }
0x45: {  	_ =	shalt  }
0x46: {  	_ =	shalt  }
0x47: {  	_ =	shalt  }
0x48: {  	_ =	shalt  }
0x49: {  	_ =	shalt  }
0x4a: {  	_ =	shalt  }
0x4b: {  	_ =	shalt  }
0x4c: {  	_ =	shalt  }
0x4d: {  	_ =	shalt  }
0x4e: {  	_ =	shalt  }
0x4f: {  	_ =	shalt  }
0x50: {  	_ =	shalt  }
0x51: {  	_ =	shalt  }
0x52: {  	_ =	shalt  }
0x53: {  	_ =	shalt  }
0x54: {  	_ =	shalt  }
0x55: {  	_ =	shalt  }
0x56: {  	_ =	shalt  }
0x57: {  	_ =	shalt  }
0x58: {  	_ =	shalt  }
0x59: {  	_ =	shalt  }
0x5a: {  	_ =	shalt  }
0x5b: {  	_ =	shalt  }
0x5c: {  	_ =	shalt  }
0x5d: {  	_ =	shalt  }
0x5e: {  	_ =	shalt  }
0x5f: {  	_ =	shalt  }
0x60: {  	_ =	shalt  }
0x61: {  	_ =	shalt  }
0x62: {  	_ =	shalt  }
0x63: {  	_ =	shalt  }
0x64: {  	_ =	shalt  }
0x65: {  	_ =	shalt  }
0x66: {  	_ =	shalt  }
0x67: {  	_ =	shalt  }
0x68: {  	_ =	shalt  }
0x69: {  	_ =	shalt  }
0x6a: {  	_ =	shalt  }
0x6b: {  	_ =	shalt  }
0x6c: {  	_ =	shalt  }
0x6d: {  	_ =	shalt  }
0x6e: {  	_ =	shalt  }
0x6f: {  	_ =	shalt  }
0x70: {  	_ =	shalt  }
0x71: {  	_ =	shalt  }
0x72: {  	_ =	shalt  }
0x73: {  	_ =	shalt  }
0x74: {  	_ =	shalt  }
0x75: {  	_ =	shalt  }
0x76: {  	_ =	shalt  }
0x77: {  	_ =	shalt  }
0x78: {  	_ =	shalt  }
0x79: {  	_ =	shalt  }
0x7a: {  	_ =	shalt  }
0x7b: {  	_ =	shalt  }
0x7c: {  	_ =	shalt  }
0x7d: {  	_ =	shalt  }
0x7e: {  	_ =	shalt  }
0x7f: {  	_ =	shalt  }
0x80: {  	_ =	shalt  }
0x81: {  	_ =	shalt  }
0x82: {  	_ =	shalt  }
0x83: {  	_ =	shalt  }
0x84: {  	_ =	shalt  }
0x85: {  	_ =	shalt  }
0x86: {  	_ =	shalt  }
0x87: {  	_ =	shalt  }
.Lfunc_end0:
.L_simem_size_0:
called_computation.3_lowered:
.L_overlay_start_0:
0x88: {  	s2 =	sld [smem:$0x3FD9]  }
0x89: {  	s3 =	sld [smem:$0x3FFE];
	_ =	sdelay $0x1  }
0x8a: {  	s1 =	srdreg.scid  }
0x8b: {  	s0 =	sand.u32 $0x1, s1  }
0x8c: {  	s16 =	sshll.u32 s0, $0xA;
	s2 =	sadd.s32 s3, s2  }
0x8d: {  	s2 =	sadd.s32 s2, s16  }
0x8e: {  	[smem:$0x3FA5] =	sst s2  }
0x8f: {  	_ = 	snop  }
0x90: {  	(tm) =	ssettm $0x1  }
0x91: {  	s17 =	sld [smem:$0x3FFB];
	_ =	sdelay $0x3  }
0x92: {  	_ =	strace s17  }
0x93: {  	s2 =	sld [smem:$0x3FFC];
	_ =	sdelay $0x3  }
0x94: {  	_ =	strace s2  }
0x95: {  	s2 =	sld [smem:$0x3FFD];
	_ =	sdelay $0x3  }
0x96: {  	_ =	strace s2  }
0x97: {  	_ =	strace $0x8FFFFFFF  }
0x98: {  	s18 =	sld [smem:$0x3FDB];
	_ =	sdelay $0x1  }
0x99: {  	s19 =	simm.s32 $_scs_section_size  }
0x9a: {  	s4 =	simm.s32 $_size__tile_overlayer_lowered;
	s5 =	simm.s32 $_tile_overlayer_lowered  }
0x9b: {  	s22 =	simm.s32 $0x1BFF;
	s21 =	sshll.u32 s5, $0x1;
	s2 =	sadd.s32 s19, s18  }
0x9c: {  	s6 =	simm.s32 $0x0;
	s20 =	sshll.u32 s4, $0x1;
	s4 =	sadd.s32 s21, s2  }
0x9d: {  	[timem:s6], [sflag:s22] =	dma.local [hbm:s4], s20  }
0x9e: {  	_ =	swait.ge [sflag:s22], s20  }
0x9f: {  	s3 =	ssub.s32 $0x0, s20;
	[sflag:s22] =	ssyncset.done $0x0  }
0xa0: {  	[sflag:s22] =	ssyncadd.s32 s3;
	_ =	sdelay $0x1  }
0xa1: {  	s23 =	simm.s32 $0x1B8B  }
0xa2: {  	_ =	swait.ge [sflag:s23], $0x1  }
0xa3: {  	[sflag:s23] =	ssyncset.done $0x0  }
0xa4: {  	s25 =	simm.s32 $0x1B8E;
	s24 =	sld [smem:$0x3FFE];
	[sflag:s23] =	ssyncadd.s32 $0xFFFFFFFF  }
0xa5: {  	s26 =	simm.s32 $execute0_lowered;
	[smem:$0x3FD2] =	sst s25  }
0xa6: {  	s4 =	sshll.u32 s26, $0x1;
	_ =	strace $0x8000004F;
	[dreg:$0x1] =	wrdreg $0xFFFFFFFF  }
0xa7: {  	s28 =	simm.s32 $_size_execute0_lowered;
	s2 =	sadd.s32 s2, s4;
	[dreg:$0x0] =	wrdreg $0x0  }
0xa8: {  	s4 =	sshll.u32 s28, $0x1;
	[dreg:$0x2] =	wrdreg s2  }
0xa9: {  	[dreg:$0x3] =	wrdreg s4  }
0xaa: {  	[dreg:$0x4] =	wrdreg $0xC0  }
0xab: {  	_ =	task [dreg:s6], $0x5FFFF  }
0xac: {  	[dreg:$0x1] =	wrdreg $0xFFFFFFFF  }
0xad: {  	[dreg:$0x0] =	wrdreg $0x60  }
0xae: {  	[dreg:$0x2] =	wrdreg s24  }
0xaf: {  	[dreg:$0x3] =	wrdreg $0xC6000  }
0xb0: {  	[dreg:$0x4] =	wrdreg $0x9  }
0xb1: {  	_ =	task.clear_ibuf [dreg:s6], $0x5FFFF;
	_ =	strace $0x9000004F  }
0xb2: {  	s29 =	simm.s32 $0x9;
	_ =	strace $0x80000051  }
0xb3: {  	_ =	swait.ge [sflag:s29], $0x1  }
0xb4: {  	[sflag:s29] =	ssyncadd.s32 $0xFFFFFFFF  }
0xb5: {  	_ =	strace $0x90000051  }
0xb6: {  	_ =	sfence  }
0xb7: {  	s30 =	sld [smem:$0x0];
	_ =	sdelay $0x2  }
0xb8: {  	s31 =	sshll.u32 s1, $0xD;
	s1 =	sshrl.u32 s1, $0x2  }
0xb9: {  	s3 =	sand.u32 $0x4000, s31;
	s1 =	sadd.s32 s1, s30  }
0xba: {  	s0 =	sor.u32 s3, s0;
	s1 =	sshll.u32 s1, $0x11  }
0xbb: {  	s0 =	sor.u32 s1, s0  }
0xbc: {  	s0 =	sadd.s32 $0x8F2B, s0  }
0xbd: {  	[sflag:s0] =	ssyncadd.remote.s32 $0x1  }
0xbe: {  	_ =	sfence.sel $0xFFFF  }
0xbf: {  	[dreg:$0x0] =	wrdreg $0xFFFFFFFF;
	(pc) =	sbr.abs _section_cstart, $3  }
0xc0: {  	[dreg:$0x1] =	wrdreg $0xFFFFFFFF  }
0xc1: {  	_ =	task.clear_ibuf [dreg:s6], $0x2FFFF;
	_ =	strace $0x9FFFFFFF  }
0xc2: {  	(tm) =	ssettm $0x7FFFFFFF  }
0xc3: {  	_ =	shalt  }
tec
execute0_lowered:
.L_overlay_start_1:
0x0: {  	(tag) =	ssettag $0x1  }
0x1: {  	s5 =	rddreg [dreg:$0x0]  }
0x2: {  	s2 =	rddreg [dreg:$0x1]  }
0x3: {  	s0 =	rddreg [dreg:$0x2];
	s3 =	simm.s32 $0x0;
	s1 =	stileid.u32  }
0x4: {  	s4 =	srdreg.scid;
	s15 =	simm.s32 $0x4F80;
	s16 =	simm.s32 $0x2710  }
0x5: {  	s17 =	simm.s32 $0x9E80;
	s18 =	simm.s32 $0x7700;
	s19 =	simm.s32 $0x20  }
0x6: {  	s20 =	simm.s32 $0x10;
	s21 =	simm.s32 $0x0;
	s6 =	smul.u32 $0x280, s1  }
0x7: {  	[smem:$0x7FF] =	sst s3;
	s7 =	sand.u32 $0x1, s4;
	s8 =	smul.u32 $0x500, s1  }
0x8: {  	s4 =	sadd.s32 $0xA200, s5;
	s10 =	sshll.u32 s1, $0x1;
	s14 =	sshll.u32 s1, $0x6  }
0x9: {  	_ =	strace $0x80000050;
	s9 =	sshll.u32 s7, $0x7;
	s28 =	sor.u32 s7, s10  }
0xa: {  	s7 =	ssub.s32 $0x2, s7;
	s11 =	sshrl.u32 s6, $0x3;
	s8 =	sor.u32 s9, s8  }
0xb: {  	s9 =	smul.u32 $0x4E2, s28;
	s31 =	sshrl.u32 s7, $0x1;
	s13 =	sadd.s32 s6, s2  }
0xc: {  	s8 =	sshrl.u32 s8, $0x3;
	s29 =	sadd.s32 s11, s5;
	s12 =	ssub.s32 s7, s31  }
0xd: {  	s11 =	simm.s32 $0x1;
	s13 =	sshrl.u32 s13, $0x3;
	s30 =	sadd.s32 s8, s5  }
0xe: {  	s9 =	sadd.s32 s9, s5;
	s5 =	sadd.s32 $0x1E400, s29;
	s10 =	smax.u32 s12, $0x1  }
0xf: {  	s12 =	sor.u32 $0x1C01, s14;
	s14 =	simm.s32 $0x2800;
	s6 =	sadd.s32 $0x14600, s9  }
0x10: {  	s7 =	sadd.s32 $0xA800, s9;
	s8 =	sadd.s32 $0x1F400, s9;
	s9 =	sadd.s32 $0x1EA00, s30  }
.LBB2_1:
0x11: {  	[tilespmem:s3], [sflag:$0x1] =	stream.linear.gather [hbm4b:s4+s3], $0x2800, $0x38;
	[tilespmem:$0xC880] =	vst v63  }
0x12: {  	_ =	swait.ge [sflag:s11], $0x2800  }
0x13: {  	[sflag:s11] =	ssyncset.done $0x0  }
0x14: {  	[sflag:s11] =	ssyncadd.s32 $0xFFFFD800  }
0x15: {  	[spmem:s13], [sflag:s12] =	dma.local [hbm:s5], $0x50  }
0x16: {  	_ =	swait.ge [sflag:s11], $0x50  }
0x17: {  	[sflag:s11] =	ssyncset.done $0x0  }
0x18: {  	[sflag:s11] =	ssyncadd.s32 $0xFFFFFFB0  }
0x19: {  	[tilespmem:s14], [sflag:$0x1] =	stream.linear.gather [hbm4b:s6+s3], $0x2710, $0x38;
	[tilespmem:$0xC880] =	vst v63  }
0x1a: {  	_ =	swait.ge [sflag:s11], $0x2710  }
0x1b: {  	[sflag:s11] =	ssyncset.done $0x0  }
0x1c: {  	[sflag:s11] =	ssyncadd.s32 $0xFFFFD8F0  }
0x1d: {  	[tilespmem:s15], [sflag:$0x1] =	stream.linear.gather [hbm4b:s7+s3], $0x2710, $0x38;
	[tilespmem:$0xC880] =	vst v63  }
0x1e: {  	_ =	swait.ge [sflag:s11], $0x2710  }
0x1f: {  	[sflag:s11] =	ssyncset.done $0x0  }
0x20: {  	s22 =	simm.s32 $0x0;
	[sflag:s11] =	ssyncadd.s32 $0xFFFFD8F0  }
0x21: {  	v0 =	vld [tilespmem:s22+$0x4F80]  }
0x22: {  	v1 =	vld [tilespmem:s22+$0x2800];
	_ =	sdelay $0x6  }
0x23: {  	v2 =	vld.idx.msk [tilespmem:v0+s3+$0x0], $0xffff  }
0x24: {  	v3 =	vld.idx.msk [tilespmem:v1+s3+$0x0], $0xffff  }
0x25: {  	s23 =	simm.s32 $0x10  }
0x26: {  	s24 =	simm.s32 $0x80;
	v1 =	vld [tilespmem:s23+$0x4F80]  }
.LBB2_2:
0x27: {  	p0 =	sne.s32 s24, $0x9C00;
	v4 =	vld [tilespmem:s23+$0x2800];
	_ =	sdelay $0x1  }
0x28: {  	v2 =	vmul.f32 v2, v3  }
0x29: {  	v3 =	vand.u32 $0x7F, v0  }
0x2a: {  	vm0 =	vgt.f32 v2, $0.0e+00;
	[tilespmem:s22+$0x7700] =	vst v2;
	v2 =	vadd.s32 $0x2710, v3  }
0x2b: {  	v2 =	vsel vm0, v0, v2;
	v0 =	vmov v1  }
0x2c: {  	[tilespmem:s22+$0x9E80] =	vst v2;
	s22 =	smov.u32 s23  }
.Ltmp0:
0x2d: {  	v2 =	vld.idx.msk [tilespmem:v1+s3+$0x0], $0xffff;
	(pc) =	sbr.rel @p0 .LBB2_2-.Ltmp0, $3  }
0x2e: {  	v3 =	vld.idx.msk [tilespmem:v4+s3+$0x0], $0xffff;
	_ =	sdelay $0x1  }
0x2f: {  	s23 =	sshra.s32 s24, $0x2  }
0x30: {  	s24 =	sadd.s32 $0x40, s24;
	v1 =	vld [tilespmem:s23+$0x4F80]  }
0x31: {  	_ = 	snop  }
0x32: {  	v4 =	vld [tilespmem:s23+$0x2800];
	_ =	sdelay $0x1  }
0x33: {  	v2 =	vmul.f32 v2, v3  }
0x34: {  	v60 =	vand.u32 $0x7F, v0  }
0x35: {  	v3 =	vadd.s32 $0x2710, v60;
	vm0 =	vgt.f32 v2, $0.0e+00  }
0x36: {  	[tilespmem:s22+$0x7700] =	vst v2;
	v61 =	vsel vm0, v0, v3  }
0x37: {  	[tilespmem:s22+$0x9E80] =	vst v61  }
0x38: {  	v0 =	vld.idx.msk [tilespmem:v1+s3+$0x0], $0xffff  }
0x39: {  	v2 =	vld.idx.msk [tilespmem:v4+s3+$0x0], $0xffff;
	_ =	sdelay $0x4  }
0x3a: {  	v0 =	vmul.f32 v0, v2  }
0x3b: {  	v62 =	vand.u32 $0x7F, v1  }
0x3c: {  	v2 =	vadd.s32 $0x2710, v62;
	vm15 =	vgt.f32 v0, $0.0e+00  }
0x3d: {  	[tilespmem:s23+$0x7700] =	vst v0;
	v63 =	vsel vm15, v1, v2  }
0x3e: {  	[tilespmem:s23+$0x9E80] =	vst v63  }
0x3f: {  	[bflag:$0x0] =	sbarrier.arrive $0xFFFF  }
0x40: {  	[spmem:s2] =	stream.indirect.scatter.add.f32 [tilespmem:s18], [sflag:$0x1], $0x1, s17, s16, $0xb8;
	[tilespmem:$0xC880] =	vst v63  }
0x41: {  	_ =	swait.ge [sflag:s11], $0x2710  }
0x42: {  	[sflag:s11] =	ssyncset.done $0x0  }
0x43: {  	[sflag:s11] =	ssyncadd.s32 $0xFFFFD8F0  }
0x44: {  	[hbm4b:s8+s3] =	stream.linear.scatter [tilespmem:s17], [sflag:$0x1], $0x2710, $0x38;
	[tilespmem:$0xC880] =	vst v63  }
0x45: {  	_ =	swait.ge [sflag:s11], $0x2710  }
0x46: {  	s21 =	sadd.s32 $0x1, s21;
	[sflag:s11] =	ssyncset.done $0x0  }
0x47: {  	p0 =	sne.s32 s21, s10;
	[sflag:s11] =	ssyncadd.s32 $0xFFFFD8F0  }
.Ltmp1:
0x48: {  	[bflag:$0x0] =	sbarrier.arrive $0xFFFF;
	(pc) =	sbr.rel @p0 .LBB2_1-.Ltmp1, $4  }
0x49: {  	[hbm:s9@s19], [sflag:s12] =	dma.strided [spmem:s13@s20], $0x50, s11, $0x10   }
0x4a: {  	_ =	swait.ge [sflag:s11], $0x50  }
0x4b: {  	[sflag:s11] =	ssyncset.done $0x0  }
0x4c: {  	[sflag:s11] =	ssyncadd.s32 $0xFFFFFFB0  }
0x4d: {  	_ =	sfence.sel $0x180000  }
0x4e: {  	[bflag:$0x0] =	sbarrier.arrive $0xFFFF  }
0x4f: {  	p0 =	sne.s32 s1, $0x0;
	_ =	strace $0x90000050  }
0x50: {  	s0 =	sadd.s32 @!p0 $0x100000, s0;
	[bflag:$0x2] =	sbarrier.arrive $0xFFFF  }
0x51: {  	[sflag:s0] =	ssyncadd.tile.s32 @!p0 $0x1;
	_ =	shalt  }
.Lfunc_end2:
_tile_overlayer_lowered:
.L_overlay_start_2:
0x52: {  	(tag) =	ssettag $0x2  }
0x53: {  	s0 =	rddreg [dreg:$0x0];
	s2 =	stileid.u32  }
0x54: {  	s1 =	rddreg [dreg:$0x1];
	p0 =	sne.s32 s2, $0x0  }
0x55: {  	s3 =	rddreg [dreg:$0x2];
	[bflag:$0x3] =	sbarrier.arrive $0xFFFF;
	s2 =	simm.s32 @!p0 $0x1C01  }
0x56: {  	[timem:s3], [sflag:s2] =	dma.local @!p0 [hbm:s0], s1  }
0x57: {  	s0 =	simm.s32 @!p0 $0x1  }
0x58: {  	_ =	swait.ge @!p0 [sflag:s0], s1  }
0x59: {  	s1 =	ssub.s32 @!p0 $0x0, s1;
	[sflag:s0] =	ssyncset.done @!p0 $0x0  }
0x5a: {  	[sflag:s0] =	ssyncadd.s32 @!p0 s1  }
0x5b: {  	[bflag:$0x3] =	sbarrier.arrive $0xFFFF  }
0x5c: {  	_ =	shalt  }

// kernel: kernel.30.cloned.1.call-start
scs
__scs_entry_jumppad:
0x0: {  	(pc) =	sbr.rel $0x88, $3  }
0x1: {  	(tag) =	ssettag $0x0;
	lr =	simm.s32 $0x1  }
0x2: {  	[smem:$0x3F7E] =	sst lr;
	_ =	strace $0xD0000000  }
0x3: {  	_ = 	snop  }
0x4: {  	_ = 	snop  }
0x5: {  	_ = 	snop  }
0x6: {  	_ = 	snop  }
0x7: {  	_ = 	snop  }
__scs_overlays_trampoline_lowered:
0x8: {  	[smem:$0x3F8D] =	sst s0  }
0x9: {  	[smem:$0x3F8E] =	sst s1  }
0xa: {  	[smem:$0x3F8F] =	sst s2  }
0xb: {  	[smem:$0x3F90] =	sst s3  }
0xc: {  	[smem:$0x3F91] =	sst s4  }
0xd: {  	[smem:$0x3F92] =	sst s5  }
0xe: {  	[smem:$0x3F93] =	sst s6  }
0xf: {  	[smem:$0x3F94] =	sst s7  }
0x10: {  	[smem:$0x3F95] =	sst s8  }
0x11: {  	[smem:$0x3F96] =	sst s9;
	s0 =	simm.s32 @!p0 $0x0  }
0x12: {  	s1 =	sld [smem:$0x3F7C];
	s0 =	simm.s32 @p0 $0x1  }
0x13: {  	[smem:$0x3F97] =	sst s0;
	s0 =	simm.s32 @!p1 $0x0  }
0x14: {  	s2 =	sld [smem:$0x3F7B];
	s0 =	simm.s32 @p1 $0x1  }
0x15: {  	[smem:$0x3F98] =	sst s0;
	s0 =	simm.s32 @!p2 $0x0  }
0x16: {  	s3 =	sld [smem:$0x3FDB];
	s0 =	simm.s32 @p2 $0x1  }
0x17: {  	s4 =	simm.s32 $0x1BF5;
	[smem:$0x3F9A] =	sst s0  }
0x18: {  	s0 =	sld [smem:$0x3F7D];
	_ =	swait.ge [sflag:s4], $0x0  }
0x19: {  	s7 =	sld [smem:$0x3F7E]  }
0x1a: {  	s8 =	sadd.s32 $0xFFFFE003, lr  }
0x1b: {  	s9 =	sadd.s32 $0xFFFFFEF7, lr;
	s5 =	simm.s32 $0xFFFFFFFF;
	p2 =	slt.u32 s8, $0xFFFFF086  }
0x1c: {  	p1 =	slt.u32 s9, $0xF7A;
	s5 =	simm.s32 @!p2 $0x0  }
0x1d: {  	s5 =	simm.s32 @p1 $0x1;
	p0 =	seq.s32 s7, s2  }
0x1e: {  	s7 =	smul.u32 @!p0 $0xF7A, s2;
	p2 =	seq.s32 @!p0 s5, $0x0  }
0x1f: {  	s9 =	smul.u32 $0xF7A, s1;
	s8 =	simm.s32 @!p0 $0x1BF5;
	p2 =	por !p2, p0  }
0x20: {  	[sflag:s8] =	ssyncset.s32 @!p0 $0xFFFFF086;
	s6 =	sadd.s32 @!p0 s3, s7;
	s7 =	simm.s32 @!p0 $0x108  }
0x21: {  	s3 =	sadd.s32 s3, s9;
	s6 =	sadd.s32 @!p0 $0x88, s6;
	s7 =	simm.s32 @p2 $0x1082  }
0x22: {  	[simem:s7], [sflag:s8] =	dma.local @!p0 [hbm:s6], $0xF7A  }
0x23: {  	s9 =	sor.u32 $0xD0000000, s2;
	s6 =	simm.s32 $0x108;
	_ =	swait.ge @!p0 [sflag:s8], $0x0  }
0x24: {  	s3 =	sadd.s32 $0x88, s3;
	s6 =	simm.s32 @!p1 $0x1082;
	[sflag:s4] =	ssyncset.s32 $0xFFFFF086  }
0x25: {  	[simem:s6], [sflag:s4] =	dma.local [hbm:s3], $0xF7A  }
0x26: {  	[smem:$0x3F7E] =	sst s1;
	(tag) =	ssettag s2;
	_ =	strace s9  }
0x27: {  	s1 =	sld [smem:$0x3F8E]  }
0x28: {  	s2 =	sld [smem:$0x3F8F]  }
0x29: {  	s4 =	sld [smem:$0x3F91]  }
0x2a: {  	p0 =	seq.s32 s5, $0x0;
	s5 =	sld [smem:$0x3F92]  }
0x2b: {  	s6 =	sld [smem:$0x3F93]  }
0x2c: {  	s7 =	sld [smem:$0x3F94]  }
0x2d: {  	s3 =	simm.s32 $0x108;
	s8 =	sld [smem:$0x3F95]  }
0x2e: {  	s3 =	simm.s32 @!p0 $0x1082;
	s9 =	sld [smem:$0x3F96]  }
0x2f: {  	lr =	sadd.s32 s0, s3;
	s0 =	sld [smem:$0x3F8D]  }
0x30: {  	s3 =	sld [smem:$0x3F90]  }
0x31: {  	[smem:$0x3F99] =	sst s10  }
0x32: {  	s10 =	sld [smem:$0x3F97];
	_ =	sdelay $0x3  }
0x33: {  	p0 =	seq.s32 s10, $0x1;
	s10 =	sld [smem:$0x3F99];
	_ =	sdelay $0x3  }
0x34: {  	[smem:$0x3F99] =	sst s10  }
0x35: {  	s10 =	sld [smem:$0x3F98];
	_ =	sdelay $0x3  }
0x36: {  	p1 =	seq.s32 s10, $0x1;
	s10 =	sld [smem:$0x3F99];
	_ =	sdelay $0x3  }
0x37: {  	[smem:$0x3F99] =	sst s10  }
0x38: {  	s10 =	sld [smem:$0x3F9A]  }
0x39: {  	_ = 	snop;
	(pc) =	sbr.ind lr, $3  }
0x3a: {  	_ = 	snop  }
0x3b: {  	_ = 	snop  }
0x3c: {  	p2 =	seq.s32 s10, $0x1;
	s10 =	sld [smem:$0x3F99]  }
0x3d: {  	_ =	shalt  }
0x3e: {  	_ =	shalt  }
0x3f: {  	_ =	shalt  }
0x40: {  	_ =	shalt  }
0x41: {  	_ =	shalt  }
0x42: {  	_ =	shalt  }
0x43: {  	_ =	shalt  }
0x44: {  	_ =	shalt  }
0x45: {  	_ =	shalt  }
0x46: {  	_ =	shalt  }
0x47: {  	_ =	shalt  }
0x48: {  	_ =	shalt  }
0x49: {  	_ =	shalt  }
0x4a: {  	_ =	shalt  }
0x4b: {  	_ =	shalt  }
0x4c: {  	_ =	shalt  }
0x4d: {  	_ =	shalt  }
0x4e: {  	_ =	shalt  }
0x4f: {  	_ =	shalt  }
0x50: {  	_ =	shalt  }
0x51: {  	_ =	shalt  }
0x52: {  	_ =	shalt  }
0x53: {  	_ =	shalt  }
0x54: {  	_ =	shalt  }
0x55: {  	_ =	shalt  }
0x56: {  	_ =	shalt  }
0x57: {  	_ =	shalt  }
0x58: {  	_ =	shalt  }
0x59: {  	_ =	shalt  }
0x5a: {  	_ =	shalt  }
0x5b: {  	_ =	shalt  }
0x5c: {  	_ =	shalt  }
0x5d: {  	_ =	shalt  }
0x5e: {  	_ =	shalt  }
0x5f: {  	_ =	shalt  }
0x60: {  	_ =	shalt  }
0x61: {  	_ =	shalt  }
0x62: {  	_ =	shalt  }
0x63: {  	_ =	shalt  }
0x64: {  	_ =	shalt  }
0x65: {  	_ =	shalt  }
0x66: {  	_ =	shalt  }
0x67: {  	_ =	shalt  }
0x68: {  	_ =	shalt  }
0x69: {  	_ =	shalt  }
0x6a: {  	_ =	shalt  }
0x6b: {  	_ =	shalt  }
0x6c: {  	_ =	shalt  }
0x6d: {  	_ =	shalt  }
0x6e: {  	_ =	shalt  }
0x6f: {  	_ =	shalt  }
0x70: {  	_ =	shalt  }
0x71: {  	_ =	shalt  }
0x72: {  	_ =	shalt  }
0x73: {  	_ =	shalt  }
0x74: {  	_ =	shalt  }
0x75: {  	_ =	shalt  }
0x76: {  	_ =	shalt  }
0x77: {  	_ =	shalt  }
0x78: {  	_ =	shalt  }
0x79: {  	_ =	shalt  }
0x7a: {  	_ =	shalt  }
0x7b: {  	_ =	shalt  }
0x7c: {  	_ =	shalt  }
0x7d: {  	_ =	shalt  }
0x7e: {  	_ =	shalt  }
0x7f: {  	_ =	shalt  }
0x80: {  	_ =	shalt  }
0x81: {  	_ =	shalt  }
0x82: {  	_ =	shalt  }
0x83: {  	_ =	shalt  }
0x84: {  	_ =	shalt  }
0x85: {  	_ =	shalt  }
0x86: {  	_ =	shalt  }
0x87: {  	_ =	shalt  }
.Lfunc_end0:
.L_simem_size_0:
called_computation.4_lowered:
.L_overlay_start_0:
0x88: {  	s2 =	sld [smem:$0x3FD9]  }
0x89: {  	s3 =	sld [smem:$0x3FFE];
	_ =	sdelay $0x1  }
0x8a: {  	s1 =	srdreg.scid  }
0x8b: {  	s0 =	sand.u32 $0x1, s1  }
0x8c: {  	s17 =	sshll.u32 s0, $0xA;
	s2 =	sadd.s32 s3, s2  }
0x8d: {  	s2 =	sadd.s32 s2, s17  }
0x8e: {  	[smem:$0x3FA5] =	sst s2  }
0x8f: {  	_ = 	snop  }
0x90: {  	(tm) =	ssettm $0x1  }
0x91: {  	s18 =	sld [smem:$0x3FFB];
	_ =	sdelay $0x3  }
0x92: {  	_ =	strace s18  }
0x93: {  	s2 =	sld [smem:$0x3FFC];
	_ =	sdelay $0x3  }
0x94: {  	_ =	strace s2  }
0x95: {  	s2 =	sld [smem:$0x3FFD];
	_ =	sdelay $0x3  }
0x96: {  	_ =	strace s2  }
0x97: {  	_ =	strace $0x8FFFFFFF  }
0x98: {  	s19 =	sld [smem:$0x3FDB];
	_ =	sdelay $0x1  }
0x99: {  	s20 =	simm.s32 $_scs_section_size  }
0x9a: {  	s4 =	simm.s32 $_size__tile_overlayer_lowered;
	s5 =	simm.s32 $_tile_overlayer_lowered  }
0x9b: {  	s6 =	simm.s32 $0x1BFF;
	s21 =	sshll.u32 s5, $0x1;
	s3 =	sadd.s32 s20, s19  }
0x9c: {  	s22 =	simm.s32 $0x0;
	s4 =	sshll.u32 s4, $0x1;
	s5 =	sadd.s32 s21, s3  }
0x9d: {  	[timem:s22], [sflag:s6] =	dma.local [hbm:s5], s4  }
0x9e: {  	_ =	swait.ge [sflag:s6], s4  }
0x9f: {  	s4 =	ssub.s32 $0x0, s4;
	[sflag:s6] =	ssyncset.done $0x0  }
0xa0: {  	[sflag:s6] =	ssyncadd.s32 s4;
	_ =	sdelay $0x1  }
0xa1: {  	s23 =	simm.s32 $0x1B8B  }
0xa2: {  	_ =	swait.ge [sflag:s23], $0x1  }
0xa3: {  	[sflag:s23] =	ssyncset.done $0x0  }
0xa4: {  	[sflag:s23] =	ssyncadd.s32 $0xFFFFFFFF  }
0xa5: {  	s4 =	sld [smem:$0x0]  }
0xa6: {  	s5 =	sand.u32 $0xFFFFFFFE, s1  }
0xa7: {  	p0 =	sne.s32 s1, s5  }
0xa8: {  	s5 =	sshll.u32 @p0 s5, $0xE  }
0xa9: {  	s5 =	sadd.s32 @p0 $0x11B8D, s5;
	s6 =	sshll.u32 @p0 s4, $0x11  }
0xaa: {  	s5 =	sor.u32 @p0 s6, s5  }
0xab: {  	[sflag:s5] =	ssyncadd.remote.s32 @p0 $0x1;
	_ =	sdelay $0x1  }
0xac: {  	s5 =	simm.s32 @p0 $0x1B8D  }
0xad: {  	_ =	swait.eq @p0 [sflag:s5], $0x1  }
0xae: {  	[sflag:s5] =	ssyncadd.s32 @p0 $0xFFFFFFFF  }
0xaf: {  	s6 =	sshll.u32 @!p0 s1, $0xE  }
0xb0: {  	s6 =	sor.u32 @!p0 $0x4000, s6;
	s5 =	simm.s32 @!p0 $0x1B8D  }
0xb1: {  	s4 =	sshll.u32 @!p0 s4, $0x11;
	s6 =	sadd.s32 @!p0 $0x11B8D, s6;
	_ =	swait.eq @!p0 [sflag:s5], $0x1  }
0xb2: {  	s4 =	sor.u32 @!p0 s4, s6;
	[sflag:s5] =	ssyncadd.s32 @!p0 $0xFFFFFFFF  }
0xb3: {  	s25 =	simm.s32 $0x1B8E;
	s24 =	sld [smem:$0x3FFE];
	[sflag:s4] =	ssyncadd.remote.s32 @!p0 $0x1  }
0xb4: {  	s26 =	simm.s32 $execute0_lowered;
	[smem:$0x3FD2] =	sst s25  }
0xb5: {  	s5 =	sshll.u32 s26, $0x1;
	_ =	strace $0x80000055;
	[dreg:$0x1] =	wrdreg $0xFFFFFFFF  }
0xb6: {  	s28 =	simm.s32 $_size_execute0_lowered;
	s3 =	sadd.s32 s3, s5;
	[dreg:$0x0] =	wrdreg $0x0  }
0xb7: {  	s5 =	sshll.u32 s28, $0x1;
	[dreg:$0x2] =	wrdreg s3  }
0xb8: {  	[dreg:$0x3] =	wrdreg s5  }
0xb9: {  	[dreg:$0x4] =	wrdreg $0xC0  }
0xba: {  	_ =	task [dreg:s22], $0x5FFFF  }
0xbb: {  	[dreg:$0x1] =	wrdreg $0xFFFFFFFF  }
0xbc: {  	[dreg:$0x0] =	wrdreg $0x60  }
0xbd: {  	[dreg:$0x2] =	wrdreg s24  }
0xbe: {  	[dreg:$0x3] =	wrdreg $0xB1000  }
0xbf: {  	[dreg:$0x4] =	wrdreg $0x9  }
0xc0: {  	_ =	task.clear_ibuf [dreg:s22], $0x5FFFF;
	_ =	strace $0x90000055  }
0xc1: {  	s29 =	simm.s32 $0x9;
	_ =	strace $0x80000057  }
0xc2: {  	_ =	swait.ge [sflag:s29], $0x1  }
0xc3: {  	[sflag:s29] =	ssyncadd.s32 $0xFFFFFFFF  }
0xc4: {  	_ =	strace $0x90000057  }
0xc5: {  	_ =	sfence  }
0xc6: {  	s30 =	sld [smem:$0x0];
	_ =	sdelay $0x2  }
0xc7: {  	s31 =	sshll.u32 s1, $0xD;
	s1 =	sshrl.u32 s1, $0x2  }
0xc8: {  	s4 =	sand.u32 $0x4000, s31;
	s1 =	sadd.s32 s1, s30  }
0xc9: {  	s0 =	sor.u32 s4, s0;
	s1 =	sshll.u32 s1, $0x11  }
0xca: {  	s0 =	sor.u32 s1, s0  }
0xcb: {  	s0 =	sadd.s32 $0x8F2B, s0  }
0xcc: {  	[sflag:s0] =	ssyncadd.remote.s32 $0x1  }
0xcd: {  	_ =	sfence.sel $0xFFFF  }
0xce: {  	[dreg:$0x0] =	wrdreg $0xFFFFFFFF;
	(pc) =	sbr.abs _section_cstart, $3  }
0xcf: {  	[dreg:$0x1] =	wrdreg $0xFFFFFFFF  }
0xd0: {  	_ =	task.clear_ibuf [dreg:s22], $0x2FFFF;
	_ =	strace $0x9FFFFFFF  }
0xd1: {  	(tm) =	ssettm $0x7FFFFFFF  }
tec
execute0_lowered:
.L_overlay_start_1:
0x0: {  	(tag) =	ssettag $0x1  }
0x1: {  	s0 =	rddreg [dreg:$0x0]  }
0x2: {  	s1 =	rddreg [dreg:$0x1];
	s18 =	stileid.u32  }
0x3: {  	s3 =	simm.s32 $0x0;
	s6 =	srdreg.scid;
	s2 =	smul.u32 $0x2800, s18  }
0x4: {  	[smem:$0x7FF] =	sst s3;
	s7 =	smul.u32 $0x50000, s18  }
0x5: {  	s4 =	sadd.s32 $0x29200, s0;
	s5 =	sadd.s32 $0xC9C00, s0;
	s11 =	smul.u32 $0x4E20, s18  }
0x6: {  	s9 =	sadd.s32 $0x1F400, s0;
	s10 =	sand.u32 $0x1, s6;
	s12 =	smul.u32 $0x280, s18  }
0x7: {  	s21 =	sshll.u32 s18, $0x6;
	s28 =	smul.u32 $0x9C4, s18;
	s18 =	simm.s32 $0x3  }
0x8: {  	_ =	strace $0x80000056;
	s6 =	ssub.s32 $0x2, s10;
	s20 =	smul.u32 $0x4E200, s10  }
0x9: {  	s13 =	smul.u32 $0x2800, s10;
	s10 =	sor.u32 $0x2, s10;
	s2 =	sadd.s32 s2, s0  }
0xa: {  	s0 =	sadd.s32 $0x168E00, s0;
	s8 =	sshrl.u32 s6, $0x1;
	s19 =	sshrl.u32 s7, $0x2  }
0xb: {  	s7 =	sor.u32 $0x1C03, s21;
	s23 =	sshrl.u32 s11, $0x3;
	s14 =	smul.u32 $0x4E200, s10  }
0xc: {  	s16 =	smul.u32 $0x2800, s10;
	s21 =	simm.s32 $0x1;
	s15 =	ssub.s32 s6, s8  }
0xd: {  	s17 =	sadd.s32 s19, s1;
	s6 =	sadd.s32 $0xF0E00, s2;
	s8 =	sadd.s32 s11, s20  }
0xe: {  	s13 =	sadd.s32 s12, s13;
	s19 =	simm.s32 $0xA0;
	s20 =	simm.s32 $0x1100  }
0xf: {  	s22 =	sshrl.u32 s8, $0x3;
	s24 =	sshll.u32 s13, $0x4;
	s11 =	sadd.s32 s11, s14  }
0x10: {  	s26 =	sadd.s32 s12, s16;
	s31 =	smax.u32 s15, $0x1;
	s16 =	sadd.s32 s28, s9  }
0x11: {  	s17 =	sshrl.u32 s17, $0x3;
	s2 =	sadd.s32 s5, s22;
	s25 =	sshrl.u32 s11, $0x3  }
0x12: {  	s30 =	sshll.u32 s26, $0x4;
	[dreg:$0x7] =	wrdreg s31;
	s22 =	simm.s32 $0x6100  }
0x13: {  	[dreg:$0x3] =	wrdreg s2;
	s2 =	sadd.s32 s9, s23;
	s29 =	sadd.s32 s5, s25  }
0x14: {  	s10 =	sadd.s32 $0x9B0, s2;
	s2 =	sadd.s32 s0, s24;
	[dreg:$0x5] =	wrdreg s29  }
0x15: {  	s23 =	simm.s32 $0x1000;
	s0 =	sadd.s32 s0, s30;
	[dreg:$0x4] =	wrdreg s2  }
0x16: {  	s25 =	simm.s32 $0x0;
	s24 =	simm.s32 $0x2;
	[dreg:$0x6] =	wrdreg s0  }
.LBB2_1:
0x17: {  	[spmem:s17], [sflag:s7] =	dma.local [hbm:s6], $0x2800  }
0x18: {  	s0 =	smul.u32 $0x29, s21;
	_ =	swait.ge [sflag:s18], $0x2800  }
0x19: {  	[sflag:s18] =	ssyncset.done $0x0  }
0x1a: {  	s0 =	sshrl.u32 s0, $0xA;
	[sflag:s18] =	ssyncadd.s32 $0xFFFFD800  }
0x1b: {  	s0 =	sand.u32 $0x3F, s0;
	[bflag:$0x0] =	sbarrier.arrive $0xFFFF  }
0x1c: {  	s0 =	smul.u32 $0x19, s0;
	s2 =	rddreg [dreg:$0x3]  }
0x1d: {  	[tilespmem:s3], [sflag:$0x3] =	stream.linear.gather [hbm4b:s2+s3], $0xFA0, $0x38;
	[tilespmem:$0x1F100] =	vst v63  }
0x1e: {  	s0 =	ssub.s32 $0x1, s0  }
0x1f: {  	s0 =	sand.u32 $0xFF, s0  }
0x20: {  	p0 =	sne.s32 s0, $0x0  }
0x21: {  	s9 =	simm.s32 $0x2;
	s2 =	smul.u32 @!p0 $0x29, s21  }
0x22: {  	s26 =	sand.u32 $0xFF, s9  }
0x23: {  	s26 =	smul.u32 $0x29, s26;
	_ =	swait.ge [sflag:s18], $0xFA0;
	s2 =	sshrl.u32 @!p0 s2, $0xA  }
0x24: {  	[sflag:s18] =	ssyncset.done $0x0;
	s2 =	sand.u32 @!p0 $0x3F, s2  }
0x25: {  	s26 =	sshrl.u32 s26, $0xA;
	[sflag:s18] =	ssyncadd.s32 $0xFFFFF060;
	s2 =	smul.u32 @!p0 $0xFA0, s2  }
0x26: {  	[tilespmem:s20], [sflag:$0x1] =	stream.indirect.gather [hbm4b:s4+s19], $0x80, s3, s19, $0xb8;
	[tilespmem:$0x1F100] =	vst v63  }
0x27: {  	s26 =	smul.u32 $0x19, s26;
	_ =	swait.ge [sflag:s21], $0x5000;
	s2 =	sadd.s32 @!p0 s8, s2  }
0x28: {  	s28 =	simm.s32 @!p0 $0x0;
	[sflag:s21] =	ssyncset.done $0x0;
	s2 =	sshrl.u32 @!p0 s2, $0x3  }
0x29: {  	s29 =	simm.s32 @!p0 $0x3;
	[sflag:s21] =	ssyncadd.s32 $0xFFFFB000;
	s2 =	sadd.s32 @!p0 s5, s2  }
0x2a: {  	[tilespmem:s28], [sflag:$0x3] =	stream.linear.gather @!p0 [hbm4b:s2+s28], $0xFA0, $0x38;
	[tilespmem:$0x1F100] =	vst v63  }
0x2b: {  	s0 =	smul.u32 $0x280, s0;
	_ =	swait.ge @!p0 [sflag:s29], $0xFA0  }
0x2c: {  	[sflag:s29] =	ssyncset.done @!p0 $0x0  }
0x2d: {  	s0 =	sshrl.u32 s0, $0x2;
	s2 =	ssub.s32 $0x2, s26;
	[sflag:s29] =	ssyncadd.s32 @!p0 $0xFFFFF060  }
0x2e: {  	[tilespmem:s22], [sflag:$0x2] =	stream.indirect.gather [hbm4b:s4+s19], $0x80, s0, s19, $0xb8;
	[tilespmem:$0x1F100] =	vst v63  }
0x2f: {  	s12 =	sand.u32 $0xFF, s2  }
0x30: {  	[tilespmem:s23], [sflag:$0x3] =	stream.linear.gather [hbm4b:s16+s3], $0xA0, $0x38;
	[tilespmem:$0x1F100] =	vst v63  }
0x31: {  	p1 =	sne.s32 s12, $0x0;
	_ =	swait.ge [sflag:s18], $0xA0  }
0x32: {  	s9 =	sand.u32 @!p1 $0xFF, s9;
	[sflag:s18] =	ssyncset.done $0x0  }
0x33: {  	s2 =	simm.s32 $0x3;
	s9 =	smul.u32 @!p1 $0x29, s9;
	[sflag:s18] =	ssyncadd.s32 $0xFFFFFF60  }
0x34: {  	[spmem:s1] =	stream.indirect.scatter.add.f32 [tilespmem:s20], [sflag:$0x3], $0x80, s23, s19, $0xb8;
	[tilespmem:$0x1F100] =	vst v63  }
0x35: {  	s13 =	smul.u32 $0x29, s2;
	s9 =	sshrl.u32 @!p1 s9, $0xA;
	_ =	swait.ge [sflag:s18], $0x5000  }
0x36: {  	s9 =	smul.u32 @!p1 $0xFA0, s9;
	[sflag:s18] =	ssyncset.done $0x0  }
0x37: {  	s28 =	simm.s32 @!p1 $0x0;
	s29 =	simm.s32 @!p1 $0x3;
	[sflag:s18] =	ssyncadd.s32 $0xFFFFB000  }
0x38: {  	s26 =	sshrl.u32 s13, $0xA;
	s9 =	sadd.s32 @!p1 s8, s9;
	_ =	swait.ge [sflag:s24], $0x5000  }
0x39: {  	s26 =	sand.u32 $0x3F, s26;
	s9 =	sshrl.u32 @!p1 s9, $0x3;
	[sflag:s24] =	ssyncset.done $0x0  }
0x3a: {  	s26 =	smul.u32 $0x19, s26;
	s9 =	sadd.s32 @!p1 s5, s9;
	[sflag:s24] =	ssyncadd.s32 $0xFFFFB000  }
0x3b: {  	[tilespmem:s28], [sflag:$0x3] =	stream.linear.gather @!p1 [hbm4b:s9+s28], $0xFA0, $0x38;
	[tilespmem:$0x1F100] =	vst v63  }
0x3c: {  	s0 =	smul.u32 $0x280, s12;
	s14 =	ssub.s32 $0x3, s26;
	_ =	swait.ge @!p1 [sflag:s29], $0xFA0  }
0x3d: {  	s9 =	sand.u32 $0xFF, s14;
	[sflag:s29] =	ssyncset.done @!p1 $0x0  }
0x3e: {  	s0 =	sshrl.u32 s0, $0x2;
	p0 =	sne.s32 s9, $0x0;
	[sflag:s29] =	ssyncadd.s32 @!p1 $0xFFFFF060  }
0x3f: {  	[tilespmem:s20], [sflag:$0x1] =	stream.indirect.gather [hbm4b:s4+s19], $0x80, s0, s19, $0xb8;
	[tilespmem:$0x1F100] =	vst v63  }
0x40: {  	s26 =	sadd.s32 $0x14, s16;
	s0 =	smul.u32 @!p0 $0x29, s2  }
0x41: {  	[tilespmem:s23], [sflag:$0x3] =	stream.linear.gather [hbm4b:s26+s3], $0xA0, $0x38;
	[tilespmem:$0x1F100] =	vst v63  }
0x42: {  	s0 =	sshrl.u32 @!p0 s0, $0xA  }
0x43: {  	s30 =	simm.s32 $0x5;
	s2 =	sand.u32 @!p0 $0x3F, s0  }
0x44: {  	_ =	swait.ge [sflag:s18], $0xA0;
	s0 =	simm.s32 $0x4;
	s28 =	smul.u32 @!p0 $0xFA0, s2  }
0x45: {  	[sflag:s18] =	ssyncset.done $0x0;
	s2 =	smul.u32 $0x280, s9;
	s15 =	sand.u32 $0xFF, s0  }
0x46: {  	s29 =	sadd.s32 $0x28, s16;
	[sflag:s18] =	ssyncadd.s32 $0xFFFFFF60;
	s9 =	smul.u32 $0x29, s15  }
0x47: {  	[spmem:s1] =	stream.indirect.scatter.add.f32 [tilespmem:s22], [sflag:$0x3], $0x80, s23, s19, $0xb8;
	[tilespmem:$0x1F100] =	vst v63  }
0x48: {  	s31 =	sadd.s32 @!p0 s8, s28;
	s28 =	smov.u32 s29;
	_ =	swait.ge [sflag:s18], $0x5000  }
.LBB2_2:
0x49: {  	s12 =	sshrl.u32 @!p0 s31, $0x3  }
0x4a: {  	s13 =	simm.s32 @!p0 $0x0;
	[sflag:s18] =	ssyncset.done $0x0;
	s31 =	smov.u32 s30  }
0x4b: {  	s12 =	sadd.s32 @!p0 s5, s12;
	s9 =	sshrl.u32 s9, $0xA;
	[sflag:s18] =	ssyncadd.s32 $0xFFFFB000  }
0x4c: {  	s30 =	sadd.s32 $0x2, s30;
	s14 =	simm.s32 @!p0 $0x3;
	s9 =	smul.u32 $0x19, s9  }
0x4d: {  	s15 =	smul.u32 $0x29, s31;
	p1 =	sne.s32 s30, $0x7D;
	_ =	swait.ge [sflag:s21], $0x5000  }
0x4e: {  	s2 =	sshrl.u32 s2, $0x2;
	[sflag:s21] =	ssyncset.done $0x0;
	s9 =	ssub.s32 s0, s9  }
0x4f: {  	s15 =	sshrl.u32 s15, $0xA;
	[sflag:s21] =	ssyncadd.s32 $0xFFFFB000;
	s9 =	sand.u32 $0xFF, s9  }
0x50: {  	[tilespmem:s13], [sflag:$0x3] =	stream.linear.gather @!p0 [hbm4b:s12+s13], $0xFA0, $0x38;
	[tilespmem:$0x1F100] =	vst v63  }
0x51: {  	s12 =	sand.u32 $0x3F, s15;
	p2 =	sne.s32 s9, $0x0;
	_ =	swait.ge @!p0 [sflag:s14], $0xFA0  }
0x52: {  	s12 =	smul.u32 $0x19, s12;
	s0 =	sand.u32 @!p2 $0xFF, s0;
	[sflag:s14] =	ssyncset.done @!p0 $0x0  }
0x53: {  	s0 =	smul.u32 @!p2 $0x29, s0;
	[sflag:s14] =	ssyncadd.s32 @!p0 $0xFFFFF060  }
0x54: {  	[tilespmem:s22], [sflag:$0x2] =	stream.indirect.gather [hbm4b:s4+s19], $0x80, s2, s19, $0xb8;
	[tilespmem:$0x1F100] =	vst v63  }
0x55: {  	s2 =	ssub.s32 s31, s12;
	s0 =	sshrl.u32 @!p2 s0, $0xA  }
0x56: {  	[tilespmem:s23], [sflag:$0x3] =	stream.linear.gather [hbm4b:s29+s3], $0xA0, $0x38;
	[tilespmem:$0x1F100] =	vst v63  }
0x57: {  	s12 =	simm.s32 @!p2 $0x0;
	s0 =	smul.u32 @!p2 $0xFA0, s0;
	_ =	swait.ge [sflag:s18], $0xA0  }
0x58: {  	s9 =	smul.u32 $0x280, s9;
	s13 =	simm.s32 @!p2 $0x3;
	[sflag:s18] =	ssyncset.done $0x0  }
0x59: {  	s2 =	sand.u32 $0xFF, s2;
	s0 =	sadd.s32 @!p2 s8, s0;
	[sflag:s18] =	ssyncadd.s32 $0xFFFFFF60  }
0x5a: {  	[spmem:s1] =	stream.indirect.scatter.add.f32 [tilespmem:s20], [sflag:$0x3], $0x80, s23, s19, $0xb8;
	[tilespmem:$0x1F100] =	vst v63  }
0x5b: {  	s9 =	sshrl.u32 s9, $0x2;
	s0 =	sshrl.u32 @!p2 s0, $0x3;
	_ =	swait.ge [sflag:s18], $0x5000  }
0x5c: {  	s0 =	sadd.s32 @!p2 s5, s0;
	[sflag:s18] =	ssyncset.done $0x0  }
0x5d: {  	[sflag:s18] =	ssyncadd.s32 $0xFFFFB000  }
0x5e: {  	_ =	swait.ge [sflag:s24], $0x5000  }
0x5f: {  	[sflag:s24] =	ssyncset.done $0x0  }
0x60: {  	s29 =	sadd.s32 $0x28, s29;
	[sflag:s24] =	ssyncadd.s32 $0xFFFFB000  }
0x61: {  	[tilespmem:s12], [sflag:$0x3] =	stream.linear.gather @!p2 [hbm4b:s0+s12], $0xFA0, $0x38;
	[tilespmem:$0x1F100] =	vst v63  }
0x62: {  	s0 =	sadd.s32 $0x14, s28;
	s28 =	smov.u32 s29;
	_ =	swait.ge @!p2 [sflag:s13], $0xFA0  }
0x63: {  	p0 =	sne.s32 s2, $0x0;
	s2 =	smul.u32 $0x280, s2;
	[sflag:s13] =	ssyncset.done @!p2 $0x0  }
0x64: {  	s12 =	smul.u32 @!p0 $0x29, s31;
	[sflag:s13] =	ssyncadd.s32 @!p2 $0xFFFFF060  }
0x65: {  	[tilespmem:s20], [sflag:$0x1] =	stream.indirect.gather [hbm4b:s4+s19], $0x80, s9, s19, $0xb8;
	[tilespmem:$0x1F100] =	vst v63  }
0x66: {  	s12 =	sshrl.u32 @!p0 s12, $0xA;
	s9 =	sadd.s32 $0xFFFFFFFF, s31  }
0x67: {  	[tilespmem:s23], [sflag:$0x3] =	stream.linear.gather [hbm4b:s0+s3], $0xA0, $0x38;
	[tilespmem:$0x1F100] =	vst v63  }
.Ltmp0:
0x68: {  	s0 =	sadd.s32 $0x2, s9;
	_ =	swait.ge [sflag:s18], $0xA0;
	(pc) =	sbr.rel @p1 .LBB2_2-.Ltmp0, $4  }
0x69: {  	s9 =	sand.u32 @!p0 $0x3F, s12;
	s12 =	sand.u32 $0xFF, s0;
	[sflag:s18] =	ssyncset.done $0x0  }
0x6a: {  	s9 =	smul.u32 @!p0 $0xFA0, s9;
	[sflag:s18] =	ssyncadd.s32 $0xFFFFFF60  }
0x6b: {  	[spmem:s1] =	stream.indirect.scatter.add.f32 [tilespmem:s22], [sflag:$0x3], $0x80, s23, s19, $0xb8;
	[tilespmem:$0x1F100] =	vst v63  }
0x6c: {  	s31 =	sadd.s32 @!p0 s8, s9;
	s9 =	smul.u32 $0x29, s12;
	_ =	swait.ge [sflag:s18], $0x5000  }
0x6d: {  	[sflag:s18] =	ssyncset.done $0x0  }
0x6e: {  	[sflag:s18] =	ssyncadd.s32 $0xFFFFB000  }
0x6f: {  	_ =	swait.ge [sflag:s21], $0x5000  }
0x70: {  	s12 =	sshrl.u32 @!p0 s31, $0x3;
	[sflag:s21] =	ssyncset.done $0x0  }
0x71: {  	s13 =	simm.s32 @!p0 $0x0;
	s12 =	sadd.s32 @!p0 s5, s12;
	[sflag:s21] =	ssyncadd.s32 $0xFFFFB000  }
0x72: {  	[tilespmem:s13], [sflag:$0x3] =	stream.linear.gather @!p0 [hbm4b:s12+s13], $0xFA0, $0x38;
	[tilespmem:$0x1F100] =	vst v63  }
0x73: {  	s9 =	sshrl.u32 s9, $0xA;
	s12 =	simm.s32 @!p0 $0x3  }
0x74: {  	s9 =	smul.u32 $0x19, s9;
	_ =	swait.ge @!p0 [sflag:s12], $0xFA0  }
0x75: {  	[sflag:s12] =	ssyncset.done @!p0 $0x0  }
0x76: {  	s2 =	sshrl.u32 s2, $0x2;
	s9 =	ssub.s32 s0, s9;
	[sflag:s12] =	ssyncadd.s32 @!p0 $0xFFFFF060  }
0x77: {  	[tilespmem:s22], [sflag:$0x2] =	stream.indirect.gather [hbm4b:s4+s19], $0x80, s2, s19, $0xb8;
	[tilespmem:$0x1F100] =	vst v63  }
0x78: {  	s31 =	sand.u32 $0xFF, s9  }
0x79: {  	[tilespmem:s23], [sflag:$0x3] =	stream.linear.gather [hbm4b:s29+s3], $0xA0, $0x38;
	[tilespmem:$0x1F100] =	vst v63  }
0x7a: {  	p0 =	sne.s32 s31, $0x0;
	_ =	swait.ge [sflag:s18], $0xA0  }
0x7b: {  	s0 =	sand.u32 @!p0 $0xFF, s0;
	[sflag:s18] =	ssyncset.done $0x0  }
0x7c: {  	s0 =	smul.u32 @!p0 $0x29, s0;
	[sflag:s18] =	ssyncadd.s32 $0xFFFFFF60  }
0x7d: {  	[spmem:s1] =	stream.indirect.scatter.add.f32 [tilespmem:s20], [sflag:$0x3], $0x80, s23, s19, $0xb8;
	[tilespmem:$0x1F100] =	vst v63  }
0x7e: {  	s0 =	sshrl.u32 @!p0 s0, $0xA;
	_ =	swait.ge [sflag:s18], $0x5000  }
0x7f: {  	s0 =	smul.u32 @!p0 $0xFA0, s0;
	[sflag:s18] =	ssyncset.done $0x0  }
0x80: {  	[sflag:s18] =	ssyncadd.s32 $0xFFFFB000  }
0x81: {  	s0 =	sadd.s32 @!p0 s8, s0;
	_ =	swait.ge [sflag:s24], $0x5000  }
0x82: {  	s9 =	simm.s32 @!p0 $0x0;
	s0 =	sshrl.u32 @!p0 s0, $0x3;
	[sflag:s24] =	ssyncset.done $0x0  }
0x83: {  	s12 =	simm.s32 @!p0 $0x3;
	s0 =	sadd.s32 @!p0 s5, s0;
	[sflag:s24] =	ssyncadd.s32 $0xFFFFB000  }
0x84: {  	[tilespmem:s9], [sflag:$0x3] =	stream.linear.gather @!p0 [hbm4b:s0+s9], $0xFA0, $0x38;
	[tilespmem:$0x1F100] =	vst v63  }
0x85: {  	s9 =	smul.u32 $0x280, s31;
	_ =	swait.ge @!p0 [sflag:s12], $0xFA0  }
0x86: {  	[sflag:s12] =	ssyncset.done @!p0 $0x0  }
0x87: {  	s0 =	sshrl.u32 s9, $0x2;
	[sflag:s12] =	ssyncadd.s32 @!p0 $0xFFFFF060  }
0x88: {  	[tilespmem:s20], [sflag:$0x1] =	stream.indirect.gather [hbm4b:s4+s19], $0x80, s0, s19, $0xb8;
	[tilespmem:$0x1F100] =	vst v63  }
0x89: {  	s12 =	sadd.s32 $0x14, s28  }
0x8a: {  	[tilespmem:s23], [sflag:$0x3] =	stream.linear.gather [hbm4b:s12+s3], $0xA0, $0x38;
	[tilespmem:$0x1F100] =	vst v63  }
0x8b: {  	_ =	swait.ge [sflag:s18], $0xA0  }
0x8c: {  	[sflag:s18] =	ssyncset.done $0x0  }
0x8d: {  	[sflag:s18] =	ssyncadd.s32 $0xFFFFFF60  }
0x8e: {  	[spmem:s1] =	stream.indirect.scatter.add.f32 [tilespmem:s22], [sflag:$0x3], $0x80, s23, s19, $0xb8;
	[tilespmem:$0x1F100] =	vst v63  }
0x8f: {  	_ =	swait.ge [sflag:s18], $0x5000  }
0x90: {  	[sflag:s18] =	ssyncset.done $0x0  }
0x91: {  	s0 =	simm.s32 $0x1;
	[sflag:s18] =	ssyncadd.s32 $0xFFFFB000  }
0x92: {  	_ =	swait.ge [sflag:s0], $0x5000  }
0x93: {  	[sflag:s0] =	ssyncset.done $0x0  }
0x94: {  	[sflag:s0] =	ssyncadd.s32 $0xFFFFB000  }
0x95: {  	[tilespmem:s23], [sflag:$0x3] =	stream.linear.gather [hbm4b:s10+s3], $0xA0, $0x38;
	[tilespmem:$0x1F100] =	vst v63  }
0x96: {  	_ =	swait.ge [sflag:s18], $0xA0  }
0x97: {  	[sflag:s18] =	ssyncset.done $0x0  }
0x98: {  	[sflag:s18] =	ssyncadd.s32 $0xFFFFFF60  }
0x99: {  	[spmem:s1] =	stream.indirect.scatter.add.f32 [tilespmem:s20], [sflag:$0x3], $0x80, s23, s19, $0xb8;
	[tilespmem:$0x1F100] =	vst v63  }
0x9a: {  	_ =	swait.ge [sflag:s18], $0x5000  }
0x9b: {  	[sflag:s18] =	ssyncset.done $0x0  }
0x9c: {  	[sflag:s18] =	ssyncadd.s32 $0xFFFFB000  }
0x9d: {  	[bflag:$0x0] =	sbarrier.arrive $0xFFFF  }
0x9e: {  	s14 =	smul.u32 $0x29, s0;
	s13 =	rddreg [dreg:$0x4]  }
0x9f: {  	[hbm:s13], [sflag:s7] =	dma.local [spmem:s17], $0x2800  }
0xa0: {  	_ =	swait.ge [sflag:s18], $0x2800  }
0xa1: {  	s2 =	sshrl.u32 s14, $0xA;
	[sflag:s18] =	ssyncset.done $0x0  }
0xa2: {  	s2 =	sand.u32 $0x3F, s2;
	[sflag:s18] =	ssyncadd.s32 $0xFFFFD800  }
0xa3: {  	s2 =	smul.u32 $0x19, s2;
	[bflag:$0x0] =	sbarrier.arrive $0xFFFF  }
0xa4: {  	[spmem:s17], [sflag:s7] =	dma.local [hbm:s6], $0x2800  }
0xa5: {  	_ =	swait.ge [sflag:s18], $0x2800  }
0xa6: {  	s2 =	ssub.s32 $0x1, s2;
	[sflag:s18] =	ssyncset.done $0x0  }
0xa7: {  	s2 =	sand.u32 $0xFF, s2;
	[sflag:s18] =	ssyncadd.s32 $0xFFFFD800  }
0xa8: {  	s9 =	simm.s32 $0x2;
	p0 =	sne.s32 s2, $0x0;
	[bflag:$0x0] =	sbarrier.arrive $0xFFFF  }
0xa9: {  	s31 =	sand.u32 $0xFF, s9;
	s0 =	smul.u32 @!p0 $0x29, s0;
	s15 =	rddreg [dreg:$0x5]  }
0xaa: {  	[tilespmem:s3], [sflag:$0x3] =	stream.linear.gather [hbm4b:s15+s3], $0xFA0, $0x38;
	[tilespmem:$0x1F100] =	vst v63  }
0xab: {  	s12 =	smul.u32 $0x29, s31;
	s0 =	sshrl.u32 @!p0 s0, $0xA;
	_ =	swait.ge [sflag:s18], $0xFA0  }
0xac: {  	s0 =	sand.u32 @!p0 $0x3F, s0;
	[sflag:s18] =	ssyncset.done $0x0  }
0xad: {  	s12 =	sshrl.u32 s12, $0xA;
	s0 =	smul.u32 @!p0 $0xFA0, s0;
	[sflag:s18] =	ssyncadd.s32 $0xFFFFF060  }
0xae: {  	[tilespmem:s20], [sflag:$0x1] =	stream.indirect.gather [hbm4b:s4+s19], $0x80, s3, s19, $0xb8;
	[tilespmem:$0x1F100] =	vst v63  }
0xaf: {  	s2 =	smul.u32 $0x280, s2;
	s0 =	sadd.s32 @!p0 s11, s0;
	_ =	swait.ge [sflag:s21], $0x5000  }
0xb0: {  	s14 =	simm.s32 @!p0 $0x3;
	s0 =	sshrl.u32 @!p0 s0, $0x3;
	[sflag:s21] =	ssyncset.done $0x0  }
0xb1: {  	s0 =	sadd.s32 @!p0 s5, s0;
	s13 =	simm.s32 @!p0 $0x0;
	[sflag:s21] =	ssyncadd.s32 $0xFFFFB000  }
0xb2: {  	[tilespmem:s13], [sflag:$0x3] =	stream.linear.gather @!p0 [hbm4b:s0+s13], $0xFA0, $0x38;
	[tilespmem:$0x1F100] =	vst v63  }
0xb3: {  	s13 =	smul.u32 $0x19, s12;
	_ =	swait.ge @!p0 [sflag:s14], $0xFA0  }
0xb4: {  	[sflag:s14] =	ssyncset.done @!p0 $0x0  }
0xb5: {  	s2 =	sshrl.u32 s2, $0x2;
	s0 =	ssub.s32 $0x2, s13;
	[sflag:s14] =	ssyncadd.s32 @!p0 $0xFFFFF060  }
0xb6: {  	[tilespmem:s22], [sflag:$0x2] =	stream.indirect.gather [hbm4b:s4+s19], $0x80, s2, s19, $0xb8;
	[tilespmem:$0x1F100] =	vst v63  }
0xb7: {  	s0 =	sand.u32 $0xFF, s0  }
0xb8: {  	[tilespmem:s23], [sflag:$0x3] =	stream.linear.gather [hbm4b:s16+s3], $0xA0, $0x38;
	[tilespmem:$0x1F100] =	vst v63  }
0xb9: {  	p1 =	sne.s32 s0, $0x0;
	_ =	swait.ge [sflag:s18], $0xA0  }
0xba: {  	s9 =	sand.u32 @!p1 $0xFF, s9;
	[sflag:s18] =	ssyncset.done $0x0  }
0xbb: {  	s2 =	simm.s32 $0x3;
	s9 =	smul.u32 @!p1 $0x29, s9;
	[sflag:s18] =	ssyncadd.s32 $0xFFFFFF60  }
0xbc: {  	[spmem:s1] =	stream.indirect.scatter.add.f32 [tilespmem:s20], [sflag:$0x3], $0x80, s23, s19, $0xb8;
	[tilespmem:$0x1F100] =	vst v63  }
0xbd: {  	s14 =	smul.u32 $0x29, s2;
	s9 =	sshrl.u32 @!p1 s9, $0xA;
	_ =	swait.ge [sflag:s18], $0x5000  }
0xbe: {  	s9 =	smul.u32 @!p1 $0xFA0, s9;
	[sflag:s18] =	ssyncset.done $0x0  }
0xbf: {  	s13 =	simm.s32 @!p1 $0x0;
	s12 =	sshrl.u32 s14, $0xA;
	[sflag:s18] =	ssyncadd.s32 $0xFFFFB000  }
0xc0: {  	s14 =	simm.s32 @!p1 $0x3;
	s9 =	sadd.s32 @!p1 s11, s9;
	_ =	swait.ge [sflag:s24], $0x5000  }
0xc1: {  	s12 =	sand.u32 $0x3F, s12;
	s9 =	sshrl.u32 @!p1 s9, $0x3;
	[sflag:s24] =	ssyncset.done $0x0  }
0xc2: {  	s12 =	smul.u32 $0x19, s12;
	s9 =	sadd.s32 @!p1 s5, s9;
	[sflag:s24] =	ssyncadd.s32 $0xFFFFB000  }
0xc3: {  	[tilespmem:s13], [sflag:$0x3] =	stream.linear.gather @!p1 [hbm4b:s9+s13], $0xFA0, $0x38;
	[tilespmem:$0x1F100] =	vst v63  }
0xc4: {  	s0 =	smul.u32 $0x280, s0;
	s15 =	ssub.s32 $0x3, s12;
	_ =	swait.ge @!p1 [sflag:s14], $0xFA0  }
0xc5: {  	s9 =	sand.u32 $0xFF, s15;
	[sflag:s14] =	ssyncset.done @!p1 $0x0  }
0xc6: {  	s0 =	sshrl.u32 s0, $0x2;
	p0 =	sne.s32 s9, $0x0;
	[sflag:s14] =	ssyncadd.s32 @!p1 $0xFFFFF060  }
0xc7: {  	[tilespmem:s20], [sflag:$0x1] =	stream.indirect.gather [hbm4b:s4+s19], $0x80, s0, s19, $0xb8;
	[tilespmem:$0x1F100] =	vst v63  }
0xc8: {  	s0 =	smul.u32 @!p0 $0x29, s2  }
0xc9: {  	[tilespmem:s23], [sflag:$0x3] =	stream.linear.gather [hbm4b:s26+s3], $0xA0, $0x38;
	[tilespmem:$0x1F100] =	vst v63  }
0xca: {  	s29 =	simm.s32 $0x5;
	s28 =	sadd.s32 $0x28, s16;
	s0 =	sshrl.u32 @!p0 s0, $0xA  }
0xcb: {  	s26 =	smov.u32 s28;
	_ =	swait.ge [sflag:s18], $0xA0;
	s2 =	sand.u32 @!p0 $0x3F, s0  }
0xcc: {  	s0 =	simm.s32 $0x4;
	[sflag:s18] =	ssyncset.done $0x0;
	s12 =	smul.u32 @!p0 $0xFA0, s2  }
0xcd: {  	s2 =	smul.u32 $0x280, s9;
	s31 =	sand.u32 $0xFF, s0;
	[sflag:s18] =	ssyncadd.s32 $0xFFFFFF60  }
0xce: {  	[spmem:s1] =	stream.indirect.scatter.add.f32 [tilespmem:s22], [sflag:$0x3], $0x80, s23, s19, $0xb8;
	[tilespmem:$0x1F100] =	vst v63  }
0xcf: {  	s9 =	smul.u32 $0x29, s31;
	s30 =	sadd.s32 @!p0 s11, s12;
	_ =	swait.ge [sflag:s18], $0x5000  }
.LBB2_4:
0xd0: {  	s12 =	sshrl.u32 @!p0 s30, $0x3  }
0xd1: {  	s13 =	simm.s32 @!p0 $0x0;
	[sflag:s18] =	ssyncset.done $0x0;
	s30 =	smov.u32 s29  }
0xd2: {  	s12 =	sadd.s32 @!p0 s5, s12;
	s9 =	sshrl.u32 s9, $0xA;
	[sflag:s18] =	ssyncadd.s32 $0xFFFFB000  }
0xd3: {  	s29 =	sadd.s32 $0x2, s29;
	s14 =	simm.s32 @!p0 $0x3;
	s9 =	smul.u32 $0x19, s9  }
0xd4: {  	s15 =	smul.u32 $0x29, s30;
	p1 =	sne.s32 s29, $0x7D;
	_ =	swait.ge [sflag:s21], $0x5000  }
0xd5: {  	s2 =	sshrl.u32 s2, $0x2;
	[sflag:s21] =	ssyncset.done $0x0;
	s9 =	ssub.s32 s0, s9  }
0xd6: {  	s15 =	sshrl.u32 s15, $0xA;
	[sflag:s21] =	ssyncadd.s32 $0xFFFFB000;
	s9 =	sand.u32 $0xFF, s9  }
0xd7: {  	[tilespmem:s13], [sflag:$0x3] =	stream.linear.gather @!p0 [hbm4b:s12+s13], $0xFA0, $0x38;
	[tilespmem:$0x1F100] =	vst v63  }
0xd8: {  	s12 =	sand.u32 $0x3F, s15;
	p2 =	sne.s32 s9, $0x0;
	_ =	swait.ge @!p0 [sflag:s14], $0xFA0  }
0xd9: {  	s12 =	smul.u32 $0x19, s12;
	s0 =	sand.u32 @!p2 $0xFF, s0;
	[sflag:s14] =	ssyncset.done @!p0 $0x0  }
0xda: {  	s0 =	smul.u32 @!p2 $0x29, s0;
	[sflag:s14] =	ssyncadd.s32 @!p0 $0xFFFFF060  }
0xdb: {  	[tilespmem:s22], [sflag:$0x2] =	stream.indirect.gather [hbm4b:s4+s19], $0x80, s2, s19, $0xb8;
	[tilespmem:$0x1F100] =	vst v63  }
0xdc: {  	s2 =	ssub.s32 s30, s12;
	s0 =	sshrl.u32 @!p2 s0, $0xA  }
0xdd: {  	[tilespmem:s23], [sflag:$0x3] =	stream.linear.gather [hbm4b:s28+s3], $0xA0, $0x38;
	[tilespmem:$0x1F100] =	vst v63  }
0xde: {  	s12 =	simm.s32 @!p2 $0x0;
	s0 =	smul.u32 @!p2 $0xFA0, s0;
	_ =	swait.ge [sflag:s18], $0xA0  }
0xdf: {  	s9 =	smul.u32 $0x280, s9;
	s13 =	simm.s32 @!p2 $0x3;
	[sflag:s18] =	ssyncset.done $0x0  }
0xe0: {  	s2 =	sand.u32 $0xFF, s2;
	s0 =	sadd.s32 @!p2 s11, s0;
	[sflag:s18] =	ssyncadd.s32 $0xFFFFFF60  }
0xe1: {  	[spmem:s1] =	stream.indirect.scatter.add.f32 [tilespmem:s20], [sflag:$0x3], $0x80, s23, s19, $0xb8;
	[tilespmem:$0x1F100] =	vst v63  }
0xe2: {  	s9 =	sshrl.u32 s9, $0x2;
	s0 =	sshrl.u32 @!p2 s0, $0x3;
	_ =	swait.ge [sflag:s18], $0x5000  }
0xe3: {  	s0 =	sadd.s32 @!p2 s5, s0;
	[sflag:s18] =	ssyncset.done $0x0  }
0xe4: {  	[sflag:s18] =	ssyncadd.s32 $0xFFFFB000  }
0xe5: {  	_ =	swait.ge [sflag:s24], $0x5000  }
0xe6: {  	[sflag:s24] =	ssyncset.done $0x0  }
0xe7: {  	s28 =	sadd.s32 $0x28, s28;
	[sflag:s24] =	ssyncadd.s32 $0xFFFFB000  }
0xe8: {  	[tilespmem:s12], [sflag:$0x3] =	stream.linear.gather @!p2 [hbm4b:s0+s12], $0xFA0, $0x38;
	[tilespmem:$0x1F100] =	vst v63  }
0xe9: {  	s0 =	sadd.s32 $0x14, s26;
	s26 =	smov.u32 s28;
	_ =	swait.ge @!p2 [sflag:s13], $0xFA0  }
0xea: {  	p0 =	sne.s32 s2, $0x0;
	s2 =	smul.u32 $0x280, s2;
	[sflag:s13] =	ssyncset.done @!p2 $0x0  }
0xeb: {  	s12 =	smul.u32 @!p0 $0x29, s30;
	[sflag:s13] =	ssyncadd.s32 @!p2 $0xFFFFF060  }
0xec: {  	[tilespmem:s20], [sflag:$0x1] =	stream.indirect.gather [hbm4b:s4+s19], $0x80, s9, s19, $0xb8;
	[tilespmem:$0x1F100] =	vst v63  }
0xed: {  	s12 =	sshrl.u32 @!p0 s12, $0xA;
	s9 =	sadd.s32 $0xFFFFFFFF, s30  }
0xee: {  	[tilespmem:s23], [sflag:$0x3] =	stream.linear.gather [hbm4b:s0+s3], $0xA0, $0x38;
	[tilespmem:$0x1F100] =	vst v63  }
.Ltmp1:
0xef: {  	s0 =	sadd.s32 $0x2, s9;
	_ =	swait.ge [sflag:s18], $0xA0;
	(pc) =	sbr.rel @p1 .LBB2_4-.Ltmp1, $4  }
0xf0: {  	s9 =	sand.u32 @!p0 $0x3F, s12;
	s12 =	sand.u32 $0xFF, s0;
	[sflag:s18] =	ssyncset.done $0x0  }
0xf1: {  	s9 =	smul.u32 @!p0 $0xFA0, s9;
	[sflag:s18] =	ssyncadd.s32 $0xFFFFFF60  }
0xf2: {  	[spmem:s1] =	stream.indirect.scatter.add.f32 [tilespmem:s22], [sflag:$0x3], $0x80, s23, s19, $0xb8;
	[tilespmem:$0x1F100] =	vst v63  }
0xf3: {  	s30 =	sadd.s32 @!p0 s11, s9;
	s9 =	smul.u32 $0x29, s12;
	_ =	swait.ge [sflag:s18], $0x5000  }
0xf4: {  	[sflag:s18] =	ssyncset.done $0x0  }
0xf5: {  	[sflag:s18] =	ssyncadd.s32 $0xFFFFB000  }
0xf6: {  	s12 =	sshrl.u32 @!p0 s30, $0x3;
	_ =	swait.ge [sflag:s21], $0x5000  }
0xf7: {  	s13 =	simm.s32 @!p0 $0x0;
	s14 =	simm.s32 @!p0 $0x3;
	[sflag:s21] =	ssyncset.done $0x0  }
0xf8: {  	s12 =	sadd.s32 @!p0 s5, s12;
	s9 =	sshrl.u32 s9, $0xA;
	[sflag:s21] =	ssyncadd.s32 $0xFFFFB000  }
0xf9: {  	[tilespmem:s13], [sflag:$0x3] =	stream.linear.gather @!p0 [hbm4b:s12+s13], $0xFA0, $0x38;
	[tilespmem:$0x1F100] =	vst v63  }
0xfa: {  	s9 =	smul.u32 $0x19, s9;
	_ =	swait.ge @!p0 [sflag:s14], $0xFA0  }
0xfb: {  	[sflag:s14] =	ssyncset.done @!p0 $0x0  }
0xfc: {  	s2 =	sshrl.u32 s2, $0x2;
	s9 =	ssub.s32 s0, s9;
	[sflag:s14] =	ssyncadd.s32 @!p0 $0xFFFFF060  }
0xfd: {  	[tilespmem:s22], [sflag:$0x2] =	stream.indirect.gather [hbm4b:s4+s19], $0x80, s2, s19, $0xb8;
	[tilespmem:$0x1F100] =	vst v63  }
0xfe: {  	s15 =	sand.u32 $0xFF, s9  }
0xff: {  	[tilespmem:s23], [sflag:$0x3] =	stream.linear.gather [hbm4b:s28+s3], $0xA0, $0x38;
	[tilespmem:$0x1F100] =	vst v63  }
0x100: {  	p0 =	sne.s32 s15, $0x0;
	_ =	swait.ge [sflag:s18], $0xA0  }
0x101: {  	s0 =	sand.u32 @!p0 $0xFF, s0;
	[sflag:s18] =	ssyncset.done $0x0  }
0x102: {  	s0 =	smul.u32 @!p0 $0x29, s0;
	[sflag:s18] =	ssyncadd.s32 $0xFFFFFF60  }
0x103: {  	[spmem:s1] =	stream.indirect.scatter.add.f32 [tilespmem:s20], [sflag:$0x3], $0x80, s23, s19, $0xb8;
	[tilespmem:$0x1F100] =	vst v63  }
0x104: {  	s0 =	sshrl.u32 @!p0 s0, $0xA;
	_ =	swait.ge [sflag:s18], $0x5000  }
0x105: {  	s0 =	smul.u32 @!p0 $0xFA0, s0;
	[sflag:s18] =	ssyncset.done $0x0  }
0x106: {  	[sflag:s18] =	ssyncadd.s32 $0xFFFFB000  }
0x107: {  	s0 =	sadd.s32 @!p0 s11, s0;
	_ =	swait.ge [sflag:s24], $0x5000  }
0x108: {  	s9 =	simm.s32 @!p0 $0x0;
	s0 =	sshrl.u32 @!p0 s0, $0x3;
	[sflag:s24] =	ssyncset.done $0x0  }
0x109: {  	s12 =	simm.s32 @!p0 $0x3;
	s0 =	sadd.s32 @!p0 s5, s0;
	[sflag:s24] =	ssyncadd.s32 $0xFFFFB000  }
0x10a: {  	[tilespmem:s9], [sflag:$0x3] =	stream.linear.gather @!p0 [hbm4b:s0+s9], $0xFA0, $0x38;
	[tilespmem:$0x1F100] =	vst v63  }
0x10b: {  	s28 =	smul.u32 $0x280, s15;
	_ =	swait.ge @!p0 [sflag:s12], $0xFA0  }
0x10c: {  	[sflag:s12] =	ssyncset.done @!p0 $0x0  }
0x10d: {  	s0 =	sshrl.u32 s28, $0x2;
	[sflag:s12] =	ssyncadd.s32 @!p0 $0xFFFFF060  }
0x10e: {  	[tilespmem:s20], [sflag:$0x1] =	stream.indirect.gather [hbm4b:s4+s19], $0x80, s0, s19, $0xb8;
	[tilespmem:$0x1F100] =	vst v63  }
0x10f: {  	s29 =	sadd.s32 $0x14, s26  }
0x110: {  	[tilespmem:s23], [sflag:$0x3] =	stream.linear.gather [hbm4b:s29+s3], $0xA0, $0x38;
	[tilespmem:$0x1F100] =	vst v63  }
0x111: {  	_ =	swait.ge [sflag:s18], $0xA0  }
0x112: {  	[sflag:s18] =	ssyncset.done $0x0  }
0x113: {  	[sflag:s18] =	ssyncadd.s32 $0xFFFFFF60  }
0x114: {  	[spmem:s1] =	stream.indirect.scatter.add.f32 [tilespmem:s22], [sflag:$0x3], $0x80, s23, s19, $0xb8;
	[tilespmem:$0x1F100] =	vst v63  }
0x115: {  	_ =	swait.ge [sflag:s18], $0x5000  }
0x116: {  	[sflag:s18] =	ssyncset.done $0x0  }
0x117: {  	[sflag:s18] =	ssyncadd.s32 $0xFFFFB000  }
0x118: {  	_ =	swait.ge [sflag:s21], $0x5000  }
0x119: {  	[sflag:s21] =	ssyncset.done $0x0  }
0x11a: {  	[sflag:s21] =	ssyncadd.s32 $0xFFFFB000  }
0x11b: {  	[tilespmem:s23], [sflag:$0x3] =	stream.linear.gather [hbm4b:s10+s3], $0xA0, $0x38;
	[tilespmem:$0x1F100] =	vst v63  }
0x11c: {  	_ =	swait.ge [sflag:s18], $0xA0  }
0x11d: {  	[sflag:s18] =	ssyncset.done $0x0  }
0x11e: {  	[sflag:s18] =	ssyncadd.s32 $0xFFFFFF60  }
0x11f: {  	[spmem:s1] =	stream.indirect.scatter.add.f32 [tilespmem:s20], [sflag:$0x3], $0x80, s23, s19, $0xb8;
	[tilespmem:$0x1F100] =	vst v63  }
0x120: {  	_ =	swait.ge [sflag:s18], $0x5000  }
0x121: {  	[sflag:s18] =	ssyncset.done $0x0  }
0x122: {  	[sflag:s18] =	ssyncadd.s32 $0xFFFFB000  }
0x123: {  	[bflag:$0x0] =	sbarrier.arrive $0xFFFF  }
0x124: {  	s30 =	rddreg [dreg:$0x6]  }
0x125: {  	[hbm:s30], [sflag:s7] =	dma.local [spmem:s17], $0x2800  }
0x126: {  	_ =	swait.ge [sflag:s18], $0x2800  }
0x127: {  	s25 =	sadd.s32 $0x1, s25;
	s31 =	rddreg [dreg:$0x7]  }
0x128: {  	p0 =	sne.s32 s25, s31  }
.Ltmp2:
0x129: {  	_ = 	snop;
	(pc) =	sbr.rel @p0 .LBB2_1-.Ltmp2, $3  }
0x12a: {  	[sflag:s18] =	ssyncset.done $0x0  }
0x12b: {  	[sflag:s18] =	ssyncadd.s32 $0xFFFFD800  }
0x12c: {  	[bflag:$0x0] =	sbarrier.arrive $0xFFFF;
	_ =	sdelay $0x1  }
0x12d: {  	_ =	sfence.sel $0x180000  }
0x12e: {  	[bflag:$0x0] =	sbarrier.arrive $0xFFFF  }
0x12f: {  	_ =	strace $0x90000056  }
0x130: {  	s0 =	stileid.u32;
	[bflag:$0x2] =	sbarrier.arrive $0xFFFF  }
0x131: {  	p0 =	sne.s32 s0, $0x0;
	s0 =	rddreg [dreg:$0x2]  }
0x132: {  	s0 =	sadd.s32 @!p0 $0x100000, s0  }
0x133: {  	[sflag:s0] =	ssyncadd.tile.s32 @!p0 $0x1;
	_ =	shalt  }
.Lfunc_end2:
_tile_overlayer_lowered:
.L_overlay_start_2:
0x134: {  	(tag) =	ssettag $0x2  }
0x135: {  	s0 =	rddreg [dreg:$0x0];
	s2 =	stileid.u32  }
0x136: {  	s1 =	rddreg [dreg:$0x1];
	p0 =	sne.s32 s2, $0x0  }
0x137: {  	s3 =	rddreg [dreg:$0x2];
	[bflag:$0x3] =	sbarrier.arrive $0xFFFF;
	s2 =	simm.s32 @!p0 $0x1C03  }
0x138: {  	[timem:s3], [sflag:s2] =	dma.local @!p0 [hbm:s0], s1  }
0x139: {  	s0 =	simm.s32 @!p0 $0x3  }
0x13a: {  	_ =	swait.ge @!p0 [sflag:s0], s1  }
0x13b: {  	s1 =	ssub.s32 @!p0 $0x0, s1;
	[sflag:s0] =	ssyncset.done @!p0 $0x0  }
0x13c: {  	[sflag:s0] =	ssyncadd.s32 @!p0 s1  }
0x13d: {  	[bflag:$0x3] =	sbarrier.arrive $0xFFFF  }
0x13e: {  	_ =	shalt  }

// kernel: kernel.33.cloned.1.call-start
scs
__scs_entry_jumppad:
0x0: {  	(pc) =	sbr.rel $0x88, $3  }
0x1: {  	(tag) =	ssettag $0x0;
	lr =	simm.s32 $0x1  }
0x2: {  	[smem:$0x3F7E] =	sst lr;
	_ =	strace $0xD0000000  }
0x3: {  	_ = 	snop  }
0x4: {  	_ = 	snop  }
0x5: {  	_ = 	snop  }
0x6: {  	_ = 	snop  }
0x7: {  	_ = 	snop  }
__scs_overlays_trampoline_lowered:
0x8: {  	[smem:$0x3F8D] =	sst s0  }
0x9: {  	[smem:$0x3F8E] =	sst s1  }
0xa: {  	[smem:$0x3F8F] =	sst s2  }
0xb: {  	[smem:$0x3F90] =	sst s3  }
0xc: {  	[smem:$0x3F91] =	sst s4  }
0xd: {  	[smem:$0x3F92] =	sst s5  }
0xe: {  	[smem:$0x3F93] =	sst s6  }
0xf: {  	[smem:$0x3F94] =	sst s7  }
0x10: {  	[smem:$0x3F95] =	sst s8  }
0x11: {  	[smem:$0x3F96] =	sst s9;
	s0 =	simm.s32 @!p0 $0x0  }
0x12: {  	s1 =	sld [smem:$0x3F7C];
	s0 =	simm.s32 @p0 $0x1  }
0x13: {  	[smem:$0x3F97] =	sst s0;
	s0 =	simm.s32 @!p1 $0x0  }
0x14: {  	s2 =	sld [smem:$0x3F7B];
	s0 =	simm.s32 @p1 $0x1  }
0x15: {  	[smem:$0x3F98] =	sst s0;
	s0 =	simm.s32 @!p2 $0x0  }
0x16: {  	s3 =	sld [smem:$0x3FDB];
	s0 =	simm.s32 @p2 $0x1  }
0x17: {  	s4 =	simm.s32 $0x1BF5;
	[smem:$0x3F9A] =	sst s0  }
0x18: {  	s0 =	sld [smem:$0x3F7D];
	_ =	swait.ge [sflag:s4], $0x0  }
0x19: {  	s7 =	sld [smem:$0x3F7E]  }
0x1a: {  	s8 =	sadd.s32 $0xFFFFE003, lr  }
0x1b: {  	s9 =	sadd.s32 $0xFFFFFEF7, lr;
	s5 =	simm.s32 $0xFFFFFFFF;
	p2 =	slt.u32 s8, $0xFFFFF086  }
0x1c: {  	p1 =	slt.u32 s9, $0xF7A;
	s5 =	simm.s32 @!p2 $0x0  }
0x1d: {  	s5 =	simm.s32 @p1 $0x1;
	p0 =	seq.s32 s7, s2  }
0x1e: {  	s7 =	smul.u32 @!p0 $0xF7A, s2;
	p2 =	seq.s32 @!p0 s5, $0x0  }
0x1f: {  	s9 =	smul.u32 $0xF7A, s1;
	s8 =	simm.s32 @!p0 $0x1BF5;
	p2 =	por !p2, p0  }
0x20: {  	[sflag:s8] =	ssyncset.s32 @!p0 $0xFFFFF086;
	s6 =	sadd.s32 @!p0 s3, s7;
	s7 =	simm.s32 @!p0 $0x108  }
0x21: {  	s3 =	sadd.s32 s3, s9;
	s6 =	sadd.s32 @!p0 $0x88, s6;
	s7 =	simm.s32 @p2 $0x1082  }
0x22: {  	[simem:s7], [sflag:s8] =	dma.local @!p0 [hbm:s6], $0xF7A  }
0x23: {  	s9 =	sor.u32 $0xD0000000, s2;
	s6 =	simm.s32 $0x108;
	_ =	swait.ge @!p0 [sflag:s8], $0x0  }
0x24: {  	s3 =	sadd.s32 $0x88, s3;
	s6 =	simm.s32 @!p1 $0x1082;
	[sflag:s4] =	ssyncset.s32 $0xFFFFF086  }
0x25: {  	[simem:s6], [sflag:s4] =	dma.local [hbm:s3], $0xF7A  }
0x26: {  	[smem:$0x3F7E] =	sst s1;
	(tag) =	ssettag s2;
	_ =	strace s9  }
0x27: {  	s1 =	sld [smem:$0x3F8E]  }
0x28: {  	s2 =	sld [smem:$0x3F8F]  }
0x29: {  	s4 =	sld [smem:$0x3F91]  }
0x2a: {  	p0 =	seq.s32 s5, $0x0;
	s5 =	sld [smem:$0x3F92]  }
0x2b: {  	s6 =	sld [smem:$0x3F93]  }
0x2c: {  	s7 =	sld [smem:$0x3F94]  }
0x2d: {  	s3 =	simm.s32 $0x108;
	s8 =	sld [smem:$0x3F95]  }
0x2e: {  	s3 =	simm.s32 @!p0 $0x1082;
	s9 =	sld [smem:$0x3F96]  }
0x2f: {  	lr =	sadd.s32 s0, s3;
	s0 =	sld [smem:$0x3F8D]  }
0x30: {  	s3 =	sld [smem:$0x3F90]  }
0x31: {  	[smem:$0x3F99] =	sst s10  }
0x32: {  	s10 =	sld [smem:$0x3F97];
	_ =	sdelay $0x3  }
0x33: {  	p0 =	seq.s32 s10, $0x1;
	s10 =	sld [smem:$0x3F99];
	_ =	sdelay $0x3  }
0x34: {  	[smem:$0x3F99] =	sst s10  }
0x35: {  	s10 =	sld [smem:$0x3F98];
	_ =	sdelay $0x3  }
0x36: {  	p1 =	seq.s32 s10, $0x1;
	s10 =	sld [smem:$0x3F99];
	_ =	sdelay $0x3  }
0x37: {  	[smem:$0x3F99] =	sst s10  }
0x38: {  	s10 =	sld [smem:$0x3F9A]  }
0x39: {  	_ = 	snop;
	(pc) =	sbr.ind lr, $3  }
0x3a: {  	_ = 	snop  }
0x3b: {  	_ = 	snop  }
0x3c: {  	p2 =	seq.s32 s10, $0x1;
	s10 =	sld [smem:$0x3F99]  }
0x3d: {  	_ =	shalt  }
0x3e: {  	_ =	shalt  }
0x3f: {  	_ =	shalt  }
0x40: {  	_ =	shalt  }
0x41: {  	_ =	shalt  }
0x42: {  	_ =	shalt  }
0x43: {  	_ =	shalt  }
0x44: {  	_ =	shalt  }
0x45: {  	_ =	shalt  }
0x46: {  	_ =	shalt  }
0x47: {  	_ =	shalt  }
0x48: {  	_ =	shalt  }
0x49: {  	_ =	shalt  }
0x4a: {  	_ =	shalt  }
0x4b: {  	_ =	shalt  }
0x4c: {  	_ =	shalt  }
0x4d: {  	_ =	shalt  }
0x4e: {  	_ =	shalt  }
0x4f: {  	_ =	shalt  }
0x50: {  	_ =	shalt  }
0x51: {  	_ =	shalt  }
0x52: {  	_ =	shalt  }
0x53: {  	_ =	shalt  }
0x54: {  	_ =	shalt  }
0x55: {  	_ =	shalt  }
0x56: {  	_ =	shalt  }
0x57: {  	_ =	shalt  }
0x58: {  	_ =	shalt  }
0x59: {  	_ =	shalt  }
0x5a: {  	_ =	shalt  }
0x5b: {  	_ =	shalt  }
0x5c: {  	_ =	shalt  }
0x5d: {  	_ =	shalt  }
0x5e: {  	_ =	shalt  }
0x5f: {  	_ =	shalt  }
0x60: {  	_ =	shalt  }
0x61: {  	_ =	shalt  }
0x62: {  	_ =	shalt  }
0x63: {  	_ =	shalt  }
0x64: {  	_ =	shalt  }
0x65: {  	_ =	shalt  }
0x66: {  	_ =	shalt  }
0x67: {  	_ =	shalt  }
0x68: {  	_ =	shalt  }
0x69: {  	_ =	shalt  }
0x6a: {  	_ =	shalt  }
0x6b: {  	_ =	shalt  }
0x6c: {  	_ =	shalt  }
0x6d: {  	_ =	shalt  }
0x6e: {  	_ =	shalt  }
0x6f: {  	_ =	shalt  }
0x70: {  	_ =	shalt  }
0x71: {  	_ =	shalt  }
0x72: {  	_ =	shalt  }
0x73: {  	_ =	shalt  }
0x74: {  	_ =	shalt  }
0x75: {  	_ =	shalt  }
0x76: {  	_ =	shalt  }
0x77: {  	_ =	shalt  }
0x78: {  	_ =	shalt  }
0x79: {  	_ =	shalt  }
0x7a: {  	_ =	shalt  }
0x7b: {  	_ =	shalt  }
0x7c: {  	_ =	shalt  }
0x7d: {  	_ =	shalt  }
0x7e: {  	_ =	shalt  }
0x7f: {  	_ =	shalt  }
0x80: {  	_ =	shalt  }
0x81: {  	_ =	shalt  }
0x82: {  	_ =	shalt  }
0x83: {  	_ =	shalt  }
0x84: {  	_ =	shalt  }
0x85: {  	_ =	shalt  }
0x86: {  	_ =	shalt  }
0x87: {  	_ =	shalt  }
.Lfunc_end0:
.L_simem_size_0:
called_computation.5_lowered:
.L_overlay_start_0:
0x88: {  	s2 =	sld [smem:$0x3FD9]  }
0x89: {  	s3 =	sld [smem:$0x3FFE];
	_ =	sdelay $0x1  }
0x8a: {  	s1 =	srdreg.scid  }
0x8b: {  	s0 =	sand.u32 $0x1, s1  }
0x8c: {  	s16 =	sshll.u32 s0, $0xA;
	s2 =	sadd.s32 s3, s2  }
0x8d: {  	s2 =	sadd.s32 s2, s16  }
0x8e: {  	[smem:$0x3FA5] =	sst s2  }
0x8f: {  	_ = 	snop  }
0x90: {  	(tm) =	ssettm $0x1  }
0x91: {  	s17 =	sld [smem:$0x3FFB];
	_ =	sdelay $0x3  }
0x92: {  	_ =	strace s17  }
0x93: {  	s2 =	sld [smem:$0x3FFC];
	_ =	sdelay $0x3  }
0x94: {  	_ =	strace s2  }
0x95: {  	s2 =	sld [smem:$0x3FFD];
	_ =	sdelay $0x3  }
0x96: {  	_ =	strace s2  }
0x97: {  	_ =	strace $0x8FFFFFFF  }
0x98: {  	s18 =	sld [smem:$0x3FDB];
	_ =	sdelay $0x1  }
0x99: {  	s19 =	simm.s32 $_scs_section_size  }
0x9a: {  	s4 =	simm.s32 $_size__tile_overlayer_lowered;
	s5 =	simm.s32 $_tile_overlayer_lowered  }
0x9b: {  	s22 =	simm.s32 $0x1BFF;
	s21 =	sshll.u32 s5, $0x1;
	s2 =	sadd.s32 s19, s18  }
0x9c: {  	s6 =	simm.s32 $0x0;
	s20 =	sshll.u32 s4, $0x1;
	s4 =	sadd.s32 s21, s2  }
0x9d: {  	[timem:s6], [sflag:s22] =	dma.local [hbm:s4], s20  }
0x9e: {  	_ =	swait.ge [sflag:s22], s20  }
0x9f: {  	s3 =	ssub.s32 $0x0, s20;
	[sflag:s22] =	ssyncset.done $0x0  }
0xa0: {  	[sflag:s22] =	ssyncadd.s32 s3;
	_ =	sdelay $0x1  }
0xa1: {  	s23 =	simm.s32 $0x1B8B  }
0xa2: {  	_ =	swait.ge [sflag:s23], $0x1  }
0xa3: {  	[sflag:s23] =	ssyncset.done $0x0  }
0xa4: {  	s25 =	simm.s32 $0x1B8E;
	s24 =	sld [smem:$0x3FFE];
	[sflag:s23] =	ssyncadd.s32 $0xFFFFFFFF  }
0xa5: {  	s26 =	simm.s32 $execute0_lowered;
	[smem:$0x3FD2] =	sst s25  }
0xa6: {  	s4 =	sshll.u32 s26, $0x1;
	_ =	strace $0x80000052;
	[dreg:$0x1] =	wrdreg $0xFFFFFFFF  }
0xa7: {  	s28 =	simm.s32 $_size_execute0_lowered;
	s2 =	sadd.s32 s2, s4;
	[dreg:$0x0] =	wrdreg $0x0  }
0xa8: {  	s4 =	sshll.u32 s28, $0x1;
	[dreg:$0x2] =	wrdreg s2  }
0xa9: {  	[dreg:$0x3] =	wrdreg s4  }
0xaa: {  	[dreg:$0x4] =	wrdreg $0xC0  }
0xab: {  	_ =	task [dreg:s6], $0x5FFFF  }
0xac: {  	[dreg:$0x1] =	wrdreg $0xFFFFFFFF  }
0xad: {  	[dreg:$0x0] =	wrdreg $0x60  }
0xae: {  	[dreg:$0x2] =	wrdreg s24  }
0xaf: {  	[dreg:$0x3] =	wrdreg $0x9E800  }
0xb0: {  	[dreg:$0x4] =	wrdreg $0xA  }
0xb1: {  	_ =	task.clear_ibuf [dreg:s6], $0x5FFFF;
	_ =	strace $0x90000052  }
0xb2: {  	s29 =	simm.s32 $0xA;
	_ =	strace $0x80000054  }
0xb3: {  	_ =	swait.ge [sflag:s29], $0x1  }
0xb4: {  	[sflag:s29] =	ssyncadd.s32 $0xFFFFFFFF  }
0xb5: {  	_ =	strace $0x90000054  }
0xb6: {  	_ =	sfence  }
0xb7: {  	s30 =	sld [smem:$0x0];
	_ =	sdelay $0x2  }
0xb8: {  	s31 =	sshll.u32 s1, $0xD;
	s1 =	sshrl.u32 s1, $0x2  }
0xb9: {  	s3 =	sand.u32 $0x4000, s31;
	s1 =	sadd.s32 s1, s30  }
0xba: {  	s0 =	sor.u32 s3, s0;
	s1 =	sshll.u32 s1, $0x11  }
0xbb: {  	s0 =	sor.u32 s1, s0  }
0xbc: {  	s0 =	sadd.s32 $0x8F2B, s0  }
0xbd: {  	[sflag:s0] =	ssyncadd.remote.s32 $0x1  }
0xbe: {  	_ =	sfence.sel $0xFFFF  }
0xbf: {  	[dreg:$0x0] =	wrdreg $0xFFFFFFFF;
	(pc) =	sbr.abs _section_cstart, $3  }
0xc0: {  	[dreg:$0x1] =	wrdreg $0xFFFFFFFF  }
0xc1: {  	_ =	task.clear_ibuf [dreg:s6], $0x2FFFF;
	_ =	strace $0x9FFFFFFF  }
0xc2: {  	(tm) =	ssettm $0x7FFFFFFF  }
0xc3: {  	_ =	shalt  }
tec
execute0_lowered:
.L_overlay_start_1:
0x0: {  	(tag) =	ssettag $0x1  }
0x1: {  	s1 =	srdreg.scid  }
0x2: {  	s0 =	stileid.u32;
	s5 =	rddreg [dreg:$0x0]  }
0x3: {  	s2 =	rddreg [dreg:$0x1];
	s3 =	simm.s32 $0x0;
	s14 =	simm.s32 $0x2780  }
0x4: {  	s15 =	simm.s32 $0x2710;
	s16 =	simm.s32 $0x7700;
	s17 =	simm.s32 $0x20  }
0x5: {  	s18 =	simm.s32 $0x10;
	s19 =	simm.s32 $0x0;
	s6 =	sand.u32 $0x1, s1  }
0x6: {  	s29 =	sshll.u32 s0, $0x1;
	s1 =	rddreg [dreg:$0x2];
	s8 =	smul.u32 $0x500, s0  }
0x7: {  	[smem:$0x7FF] =	sst s3;
	s9 =	smul.u32 $0x280, s0;
	s12 =	sshll.u32 s0, $0x6  }
0x8: {  	s4 =	sor.u32 s6, s29;
	_ =	strace $0x80000053;
	s10 =	sshll.u32 s6, $0x7  }
0x9: {  	s6 =	ssub.s32 $0x2, s6;
	s12 =	sor.u32 $0x1C01, s12;
	s7 =	smul.u32 $0x4E2, s4  }
0xa: {  	s4 =	sadd.s32 $0xA200, s5;
	s8 =	sor.u32 s10, s8;
	s30 =	sshrl.u32 s9, $0x3  }
0xb: {  	s31 =	sshrl.u32 s6, $0x1;
	s13 =	sadd.s32 s9, s2;
	s8 =	sshrl.u32 s8, $0x3  }
0xc: {  	s10 =	sadd.s32 s30, s5;
	s11 =	ssub.s32 s6, s31;
	s13 =	sshrl.u32 s13, $0x3  }
0xd: {  	s7 =	sadd.s32 s7, s5;
	s8 =	sadd.s32 s8, s5;
	s5 =	sadd.s32 $0x1E400, s10  }
0xe: {  	s9 =	smax.u32 s11, $0x1;
	s10 =	simm.s32 $0x4F00;
	s11 =	simm.s32 $0x1  }
0xf: {  	s6 =	sadd.s32 $0x14600, s7;
	s7 =	sadd.s32 $0x1F400, s7;
	s8 =	sadd.s32 $0x1EA00, s8  }
.LBB2_1:
0x10: {  	[tilespmem:s10], [sflag:$0x1] =	stream.linear.gather [hbm4b:s4+s3], $0x2800, $0x38;
	[tilespmem:$0xA100] =	vst v63  }
0x11: {  	_ =	swait.ge [sflag:s11], $0x2800  }
0x12: {  	[sflag:s11] =	ssyncset.done $0x0  }
0x13: {  	[sflag:s11] =	ssyncadd.s32 $0xFFFFD800  }
0x14: {  	[spmem:s13], [sflag:s12] =	dma.local [hbm:s5], $0x50  }
0x15: {  	_ =	swait.ge [sflag:s11], $0x50  }
0x16: {  	[sflag:s11] =	ssyncset.done $0x0  }
0x17: {  	[sflag:s11] =	ssyncadd.s32 $0xFFFFFFB0  }
0x18: {  	[tilespmem:s3], [sflag:$0x1] =	stream.linear.gather [hbm4b:s6+s3], $0x2710, $0x38;
	[tilespmem:$0xA100] =	vst v63  }
0x19: {  	_ =	swait.ge [sflag:s11], $0x2710  }
0x1a: {  	[sflag:s11] =	ssyncset.done $0x0  }
0x1b: {  	[sflag:s11] =	ssyncadd.s32 $0xFFFFD8F0  }
0x1c: {  	[tilespmem:s14], [sflag:$0x1] =	stream.linear.gather [hbm4b:s7+s3], $0x2710, $0x38;
	[tilespmem:$0xA100] =	vst v63  }
0x1d: {  	_ =	swait.ge [sflag:s11], $0x2710  }
0x1e: {  	[sflag:s11] =	ssyncset.done $0x0  }
0x1f: {  	s20 =	simm.s32 $0x0;
	[sflag:s11] =	ssyncadd.s32 $0xFFFFD8F0  }
0x20: {  	v0 =	vld [tilespmem:s20+$0x0];
	_ =	sdelay $0x7  }
0x21: {  	s21 =	simm.s32 $0x10;
	s22 =	simm.s32 $0x80;
	v0 =	vld.idx.msk [tilespmem:v0+s10+$0x0], $0xffff  }
.LBB2_2:
0x22: {  	p0 =	sne.s32 s22, $0x9C00;
	v1 =	vld [tilespmem:s21+$0x0];
	_ =	sdelay $0x3  }
.Ltmp0:
0x23: {  	(pc) =	sbr.rel @p0 .LBB2_2-.Ltmp0, $2  }
0x24: {  	[tilespmem:s20+$0x7700] =	vst v0;
	s20 =	smov.u32 s21;
	_ =	sdelay $0x2  }
0x25: {  	s21 =	sshra.s32 s22, $0x2;
	s22 =	sadd.s32 $0x40, s22;
	v0 =	vld.idx.msk [tilespmem:v1+s10+$0x0], $0xffff  }
0x26: {  	v1 =	vld [tilespmem:s21+$0x0];
	_ =	sdelay $0x6  }
0x27: {  	[tilespmem:s20+$0x7700] =	vst v0  }
0x28: {  	v0 =	vld.idx.msk [tilespmem:v1+s10+$0x0], $0xffff;
	_ =	sdelay $0x4  }
0x29: {  	[tilespmem:s21+$0x7700] =	vst v0  }
0x2a: {  	[bflag:$0x0] =	sbarrier.arrive $0xFFFF  }
0x2b: {  	[spmem:s2] =	stream.indirect.scatter.add.f32 [tilespmem:s16], [sflag:$0x1], $0x1, s14, s15, $0xb8;
	[tilespmem:$0xA100] =	vst v63  }
0x2c: {  	_ =	swait.ge [sflag:s11], $0x2710  }
0x2d: {  	s19 =	sadd.s32 $0x1, s19;
	[sflag:s11] =	ssyncset.done $0x0  }
0x2e: {  	p0 =	sne.s32 s19, s9;
	[sflag:s11] =	ssyncadd.s32 $0xFFFFD8F0  }
.Ltmp1:
0x2f: {  	[bflag:$0x0] =	sbarrier.arrive $0xFFFF;
	(pc) =	sbr.rel @p0 .LBB2_1-.Ltmp1, $4  }
0x30: {  	[hbm:s8@s17], [sflag:s12] =	dma.strided [spmem:s13@s18], $0x50, s11, $0x10   }
0x31: {  	_ =	swait.ge [sflag:s11], $0x50  }
0x32: {  	[sflag:s11] =	ssyncset.done $0x0  }
0x33: {  	[sflag:s11] =	ssyncadd.s32 $0xFFFFFFB0  }
0x34: {  	_ =	sfence.sel $0x180000  }
0x35: {  	[bflag:$0x0] =	sbarrier.arrive $0xFFFF  }
0x36: {  	p0 =	sne.s32 s0, $0x0;
	_ =	strace $0x90000053  }
0x37: {  	s0 =	sadd.s32 @!p0 $0x100000, s1;
	[bflag:$0x2] =	sbarrier.arrive $0xFFFF  }
0x38: {  	[sflag:s0] =	ssyncadd.tile.s32 @!p0 $0x1;
	_ =	shalt  }
.Lfunc_end2:
_tile_overlayer_lowered:
.L_overlay_start_2:
0x39: {  	(tag) =	ssettag $0x2  }
0x3a: {  	s0 =	rddreg [dreg:$0x0];
	s2 =	stileid.u32  }
0x3b: {  	s1 =	rddreg [dreg:$0x1];
	p0 =	sne.s32 s2, $0x0  }
0x3c: {  	s3 =	rddreg [dreg:$0x2];
	[bflag:$0x3] =	sbarrier.arrive $0xFFFF;
	s2 =	simm.s32 @!p0 $0x1C01  }
0x3d: {  	[timem:s3], [sflag:s2] =	dma.local @!p0 [hbm:s0], s1  }
0x3e: {  	s0 =	simm.s32 @!p0 $0x1  }
0x3f: {  	_ =	swait.ge @!p0 [sflag:s0], s1  }
0x40: {  	s1 =	ssub.s32 @!p0 $0x0, s1;
	[sflag:s0] =	ssyncset.done @!p0 $0x0  }
0x41: {  	[sflag:s0] =	ssyncadd.s32 @!p0 s1  }
0x42: {  	[bflag:$0x3] =	sbarrier.arrive $0xFFFF  }
0x43: {  	_ =	shalt  }

// kernel: kernel.36.cloned.1.call-start
scs
__scs_entry_jumppad:
0x0: {  	(pc) =	sbr.rel $0x88, $3  }
0x1: {  	(tag) =	ssettag $0x0;
	lr =	simm.s32 $0x1  }
0x2: {  	[smem:$0x3F7E] =	sst lr;
	_ =	strace $0xD0000000  }
0x3: {  	_ = 	snop  }
0x4: {  	_ = 	snop  }
0x5: {  	_ = 	snop  }
0x6: {  	_ = 	snop  }
0x7: {  	_ = 	snop  }
__scs_overlays_trampoline_lowered:
0x8: {  	[smem:$0x3F8D] =	sst s0  }
0x9: {  	[smem:$0x3F8E] =	sst s1  }
0xa: {  	[smem:$0x3F8F] =	sst s2  }
0xb: {  	[smem:$0x3F90] =	sst s3  }
0xc: {  	[smem:$0x3F91] =	sst s4  }
0xd: {  	[smem:$0x3F92] =	sst s5  }
0xe: {  	[smem:$0x3F93] =	sst s6  }
0xf: {  	[smem:$0x3F94] =	sst s7  }
0x10: {  	[smem:$0x3F95] =	sst s8  }
0x11: {  	[smem:$0x3F96] =	sst s9;
	s0 =	simm.s32 @!p0 $0x0  }
0x12: {  	s1 =	sld [smem:$0x3F7C];
	s0 =	simm.s32 @p0 $0x1  }
0x13: {  	[smem:$0x3F97] =	sst s0;
	s0 =	simm.s32 @!p1 $0x0  }
0x14: {  	s2 =	sld [smem:$0x3F7B];
	s0 =	simm.s32 @p1 $0x1  }
0x15: {  	[smem:$0x3F98] =	sst s0;
	s0 =	simm.s32 @!p2 $0x0  }
0x16: {  	s3 =	sld [smem:$0x3FDB];
	s0 =	simm.s32 @p2 $0x1  }
0x17: {  	s4 =	simm.s32 $0x1BF5;
	[smem:$0x3F9A] =	sst s0  }
0x18: {  	s0 =	sld [smem:$0x3F7D];
	_ =	swait.ge [sflag:s4], $0x0  }
0x19: {  	s7 =	sld [smem:$0x3F7E]  }
0x1a: {  	s8 =	sadd.s32 $0xFFFFE003, lr  }
0x1b: {  	s9 =	sadd.s32 $0xFFFFFEF7, lr;
	s5 =	simm.s32 $0xFFFFFFFF;
	p2 =	slt.u32 s8, $0xFFFFF086  }
0x1c: {  	p1 =	slt.u32 s9, $0xF7A;
	s5 =	simm.s32 @!p2 $0x0  }
0x1d: {  	s5 =	simm.s32 @p1 $0x1;
	p0 =	seq.s32 s7, s2  }
0x1e: {  	s7 =	smul.u32 @!p0 $0xF7A, s2;
	p2 =	seq.s32 @!p0 s5, $0x0  }
0x1f: {  	s9 =	smul.u32 $0xF7A, s1;
	s8 =	simm.s32 @!p0 $0x1BF5;
	p2 =	por !p2, p0  }
0x20: {  	[sflag:s8] =	ssyncset.s32 @!p0 $0xFFFFF086;
	s6 =	sadd.s32 @!p0 s3, s7;
	s7 =	simm.s32 @!p0 $0x108  }
0x21: {  	s3 =	sadd.s32 s3, s9;
	s6 =	sadd.s32 @!p0 $0x88, s6;
	s7 =	simm.s32 @p2 $0x1082  }
0x22: {  	[simem:s7], [sflag:s8] =	dma.local @!p0 [hbm:s6], $0xF7A  }
0x23: {  	s9 =	sor.u32 $0xD0000000, s2;
	s6 =	simm.s32 $0x108;
	_ =	swait.ge @!p0 [sflag:s8], $0x0  }
0x24: {  	s3 =	sadd.s32 $0x88, s3;
	s6 =	simm.s32 @!p1 $0x1082;
	[sflag:s4] =	ssyncset.s32 $0xFFFFF086  }
0x25: {  	[simem:s6], [sflag:s4] =	dma.local [hbm:s3], $0xF7A  }
0x26: {  	[smem:$0x3F7E] =	sst s1;
	(tag) =	ssettag s2;
	_ =	strace s9  }
0x27: {  	s1 =	sld [smem:$0x3F8E]  }
0x28: {  	s2 =	sld [smem:$0x3F8F]  }
0x29: {  	s4 =	sld [smem:$0x3F91]  }
0x2a: {  	p0 =	seq.s32 s5, $0x0;
	s5 =	sld [smem:$0x3F92]  }
0x2b: {  	s6 =	sld [smem:$0x3F93]  }
0x2c: {  	s7 =	sld [smem:$0x3F94]  }
0x2d: {  	s3 =	simm.s32 $0x108;
	s8 =	sld [smem:$0x3F95]  }
0x2e: {  	s3 =	simm.s32 @!p0 $0x1082;
	s9 =	sld [smem:$0x3F96]  }
0x2f: {  	lr =	sadd.s32 s0, s3;
	s0 =	sld [smem:$0x3F8D]  }
0x30: {  	s3 =	sld [smem:$0x3F90]  }
0x31: {  	[smem:$0x3F99] =	sst s10  }
0x32: {  	s10 =	sld [smem:$0x3F97];
	_ =	sdelay $0x3  }
0x33: {  	p0 =	seq.s32 s10, $0x1;
	s10 =	sld [smem:$0x3F99];
	_ =	sdelay $0x3  }
0x34: {  	[smem:$0x3F99] =	sst s10  }
0x35: {  	s10 =	sld [smem:$0x3F98];
	_ =	sdelay $0x3  }
0x36: {  	p1 =	seq.s32 s10, $0x1;
	s10 =	sld [smem:$0x3F99];
	_ =	sdelay $0x3  }
0x37: {  	[smem:$0x3F99] =	sst s10  }
0x38: {  	s10 =	sld [smem:$0x3F9A]  }
0x39: {  	_ = 	snop;
	(pc) =	sbr.ind lr, $3  }
0x3a: {  	_ = 	snop  }
0x3b: {  	_ = 	snop  }
0x3c: {  	p2 =	seq.s32 s10, $0x1;
	s10 =	sld [smem:$0x3F99]  }
0x3d: {  	_ =	shalt  }
0x3e: {  	_ =	shalt  }
0x3f: {  	_ =	shalt  }
0x40: {  	_ =	shalt  }
0x41: {  	_ =	shalt  }
0x42: {  	_ =	shalt  }
0x43: {  	_ =	shalt  }
0x44: {  	_ =	shalt  }
0x45: {  	_ =	shalt  }
0x46: {  	_ =	shalt  }
0x47: {  	_ =	shalt  }
0x48: {  	_ =	shalt  }
0x49: {  	_ =	shalt  }
0x4a: {  	_ =	shalt  }
0x4b: {  	_ =	shalt  }
0x4c: {  	_ =	shalt  }
0x4d: {  	_ =	shalt  }
0x4e: {  	_ =	shalt  }
0x4f: {  	_ =	shalt  }
0x50: {  	_ =	shalt  }
0x51: {  	_ =	shalt  }
0x52: {  	_ =	shalt  }
0x53: {  	_ =	shalt  }
0x54: {  	_ =	shalt  }
0x55: {  	_ =	shalt  }
0x56: {  	_ =	shalt  }
0x57: {  	_ =	shalt  }
0x58: {  	_ =	shalt  }
0x59: {  	_ =	shalt  }
0x5a: {  	_ =	shalt  }
0x5b: {  	_ =	shalt  }
0x5c: {  	_ =	shalt  }
0x5d: {  	_ =	shalt  }
0x5e: {  	_ =	shalt  }
0x5f: {  	_ =	shalt  }
0x60: {  	_ =	shalt  }
0x61: {  	_ =	shalt  }
0x62: {  	_ =	shalt  }
0x63: {  	_ =	shalt  }
0x64: {  	_ =	shalt  }
0x65: {  	_ =	shalt  }
0x66: {  	_ =	shalt  }
0x67: {  	_ =	shalt  }
0x68: {  	_ =	shalt  }
0x69: {  	_ =	shalt  }
0x6a: {  	_ =	shalt  }
0x6b: {  	_ =	shalt  }
0x6c: {  	_ =	shalt  }
0x6d: {  	_ =	shalt  }
0x6e: {  	_ =	shalt  }
0x6f: {  	_ =	shalt  }
0x70: {  	_ =	shalt  }
0x71: {  	_ =	shalt  }
0x72: {  	_ =	shalt  }
0x73: {  	_ =	shalt  }
0x74: {  	_ =	shalt  }
0x75: {  	_ =	shalt  }
0x76: {  	_ =	shalt  }
0x77: {  	_ =	shalt  }
0x78: {  	_ =	shalt  }
0x79: {  	_ =	shalt  }
0x7a: {  	_ =	shalt  }
0x7b: {  	_ =	shalt  }
0x7c: {  	_ =	shalt  }
0x7d: {  	_ =	shalt  }
0x7e: {  	_ =	shalt  }
0x7f: {  	_ =	shalt  }
0x80: {  	_ =	shalt  }
0x81: {  	_ =	shalt  }
0x82: {  	_ =	shalt  }
0x83: {  	_ =	shalt  }
0x84: {  	_ =	shalt  }
0x85: {  	_ =	shalt  }
0x86: {  	_ =	shalt  }
0x87: {  	_ =	shalt  }
.Lfunc_end0:
.L_simem_size_0:
called_computation.6_lowered:
.L_overlay_start_0:
0x88: {  	s2 =	sld [smem:$0x3FD9]  }
0x89: {  	s3 =	sld [smem:$0x3FFE];
	_ =	sdelay $0x1  }
0x8a: {  	s1 =	srdreg.scid  }
0x8b: {  	s0 =	sand.u32 $0x1, s1  }
0x8c: {  	s16 =	sshll.u32 s0, $0xA;
	s2 =	sadd.s32 s3, s2  }
0x8d: {  	s2 =	sadd.s32 s2, s16  }
0x8e: {  	[smem:$0x3FA5] =	sst s2  }
0x8f: {  	_ = 	snop  }
0x90: {  	(tm) =	ssettm $0x1  }
0x91: {  	s17 =	sld [smem:$0x3FFB];
	_ =	sdelay $0x3  }
0x92: {  	_ =	strace s17  }
0x93: {  	s2 =	sld [smem:$0x3FFC];
	_ =	sdelay $0x3  }
0x94: {  	_ =	strace s2  }
0x95: {  	s2 =	sld [smem:$0x3FFD];
	_ =	sdelay $0x3  }
0x96: {  	_ =	strace s2  }
0x97: {  	_ =	strace $0x8FFFFFFF  }
0x98: {  	s18 =	sld [smem:$0x3FDB];
	_ =	sdelay $0x1  }
0x99: {  	s19 =	simm.s32 $_scs_section_size  }
0x9a: {  	s4 =	simm.s32 $_size__tile_overlayer_lowered;
	s5 =	simm.s32 $_tile_overlayer_lowered  }
0x9b: {  	s22 =	simm.s32 $0x1BFF;
	s21 =	sshll.u32 s5, $0x1;
	s2 =	sadd.s32 s19, s18  }
0x9c: {  	s6 =	simm.s32 $0x0;
	s20 =	sshll.u32 s4, $0x1;
	s4 =	sadd.s32 s21, s2  }
0x9d: {  	[timem:s6], [sflag:s22] =	dma.local [hbm:s4], s20  }
0x9e: {  	_ =	swait.ge [sflag:s22], s20  }
0x9f: {  	s3 =	ssub.s32 $0x0, s20;
	[sflag:s22] =	ssyncset.done $0x0  }
0xa0: {  	[sflag:s22] =	ssyncadd.s32 s3;
	_ =	sdelay $0x1  }
0xa1: {  	s23 =	simm.s32 $0x1B8B  }
0xa2: {  	_ =	swait.ge [sflag:s23], $0x1  }
0xa3: {  	[sflag:s23] =	ssyncset.done $0x0  }
0xa4: {  	s25 =	simm.s32 $0x1B8E;
	s24 =	sld [smem:$0x3FFE];
	[sflag:s23] =	ssyncadd.s32 $0xFFFFFFFF  }
0xa5: {  	s26 =	simm.s32 $execute0_lowered;
	[smem:$0x3FD2] =	sst s25  }
0xa6: {  	s4 =	sshll.u32 s26, $0x1;
	_ =	strace $0x80000058;
	[dreg:$0x1] =	wrdreg $0xFFFFFFFF  }
0xa7: {  	s28 =	simm.s32 $_size_execute0_lowered;
	s2 =	sadd.s32 s2, s4;
	[dreg:$0x0] =	wrdreg $0x0  }
0xa8: {  	s4 =	sshll.u32 s28, $0x1;
	[dreg:$0x2] =	wrdreg s2  }
0xa9: {  	[dreg:$0x3] =	wrdreg s4  }
0xaa: {  	[dreg:$0x4] =	wrdreg $0xC0  }
0xab: {  	_ =	task [dreg:s6], $0x5FFFF  }
0xac: {  	[dreg:$0x1] =	wrdreg $0xFFFFFFFF  }
0xad: {  	[dreg:$0x0] =	wrdreg $0x60  }
0xae: {  	[dreg:$0x2] =	wrdreg s24  }
0xaf: {  	[dreg:$0x3] =	wrdreg $0xC6000  }
0xb0: {  	[dreg:$0x4] =	wrdreg $0x9  }
0xb1: {  	_ =	task.clear_ibuf [dreg:s6], $0x5FFFF;
	_ =	strace $0x90000058  }
0xb2: {  	s29 =	simm.s32 $0x9;
	_ =	strace $0x8000005A  }
0xb3: {  	_ =	swait.ge [sflag:s29], $0x1  }
0xb4: {  	[sflag:s29] =	ssyncadd.s32 $0xFFFFFFFF  }
0xb5: {  	_ =	strace $0x9000005A  }
0xb6: {  	_ =	sfence  }
0xb7: {  	s30 =	sld [smem:$0x0];
	_ =	sdelay $0x2  }
0xb8: {  	s31 =	sshll.u32 s1, $0xD;
	s1 =	sshrl.u32 s1, $0x2  }
0xb9: {  	s3 =	sand.u32 $0x4000, s31;
	s1 =	sadd.s32 s1, s30  }
0xba: {  	s0 =	sor.u32 s3, s0;
	s1 =	sshll.u32 s1, $0x11  }
0xbb: {  	s0 =	sor.u32 s1, s0  }
0xbc: {  	s0 =	sadd.s32 $0x8F2B, s0  }
0xbd: {  	[sflag:s0] =	ssyncadd.remote.s32 $0x1  }
0xbe: {  	_ =	sfence.sel $0xFFFF  }
0xbf: {  	[dreg:$0x0] =	wrdreg $0xFFFFFFFF;
	(pc) =	sbr.abs _section_cstart, $3  }
0xc0: {  	[dreg:$0x1] =	wrdreg $0xFFFFFFFF  }
0xc1: {  	_ =	task.clear_ibuf [dreg:s6], $0x2FFFF;
	_ =	strace $0x9FFFFFFF  }
0xc2: {  	(tm) =	ssettm $0x7FFFFFFF  }
0xc3: {  	_ =	shalt  }
tec
execute0_lowered:
.L_overlay_start_1:
0x0: {  	(tag) =	ssettag $0x1  }
0x1: {  	s5 =	rddreg [dreg:$0x0]  }
0x2: {  	s2 =	rddreg [dreg:$0x1]  }
0x3: {  	s0 =	rddreg [dreg:$0x2];
	s3 =	simm.s32 $0x0;
	s1 =	stileid.u32  }
0x4: {  	s4 =	srdreg.scid;
	s15 =	simm.s32 $0x4F80;
	s16 =	simm.s32 $0x2710  }
0x5: {  	s17 =	simm.s32 $0x9E80;
	s18 =	simm.s32 $0x7700;
	s19 =	simm.s32 $0x20  }
0x6: {  	s20 =	simm.s32 $0x10;
	s21 =	simm.s32 $0x0;
	s6 =	smul.u32 $0x280, s1  }
0x7: {  	[smem:$0x7FF] =	sst s3;
	s7 =	sand.u32 $0x1, s4;
	s8 =	smul.u32 $0x500, s1  }
0x8: {  	s4 =	sadd.s32 $0xA200, s5;
	s10 =	sshll.u32 s1, $0x1;
	s14 =	sshll.u32 s1, $0x6  }
0x9: {  	_ =	strace $0x80000059;
	s9 =	sshll.u32 s7, $0x7;
	s28 =	sor.u32 s7, s10  }
0xa: {  	s7 =	ssub.s32 $0x2, s7;
	s11 =	sshrl.u32 s6, $0x3;
	s8 =	sor.u32 s9, s8  }
0xb: {  	s9 =	smul.u32 $0x4E2, s28;
	s31 =	sshrl.u32 s7, $0x1;
	s13 =	sadd.s32 s6, s2  }
0xc: {  	s8 =	sshrl.u32 s8, $0x3;
	s29 =	sadd.s32 s11, s5;
	s12 =	ssub.s32 s7, s31  }
0xd: {  	s11 =	simm.s32 $0x1;
	s13 =	sshrl.u32 s13, $0x3;
	s30 =	sadd.s32 s8, s5  }
0xe: {  	s9 =	sadd.s32 s9, s5;
	s5 =	sadd.s32 $0x1E400, s29;
	s10 =	smax.u32 s12, $0x1  }
0xf: {  	s12 =	sor.u32 $0x1C01, s14;
	s14 =	simm.s32 $0x2800;
	s6 =	sadd.s32 $0x14600, s9  }
0x10: {  	s7 =	sadd.s32 $0xA800, s9;
	s8 =	sadd.s32 $0x1F400, s9;
	s9 =	sadd.s32 $0x1EA00, s30  }
.LBB2_1:
0x11: {  	[tilespmem:s3], [sflag:$0x1] =	stream.linear.gather [hbm4b:s4+s3], $0x2800, $0x38;
	[tilespmem:$0xC880] =	vst v63  }
0x12: {  	_ =	swait.ge [sflag:s11], $0x2800  }
0x13: {  	[sflag:s11] =	ssyncset.done $0x0  }
0x14: {  	[sflag:s11] =	ssyncadd.s32 $0xFFFFD800  }
0x15: {  	[spmem:s13], [sflag:s12] =	dma.local [hbm:s5], $0x50  }
0x16: {  	_ =	swait.ge [sflag:s11], $0x50  }
0x17: {  	[sflag:s11] =	ssyncset.done $0x0  }
0x18: {  	[sflag:s11] =	ssyncadd.s32 $0xFFFFFFB0  }
0x19: {  	[tilespmem:s14], [sflag:$0x1] =	stream.linear.gather [hbm4b:s6+s3], $0x2710, $0x38;
	[tilespmem:$0xC880] =	vst v63  }
0x1a: {  	_ =	swait.ge [sflag:s11], $0x2710  }
0x1b: {  	[sflag:s11] =	ssyncset.done $0x0  }
0x1c: {  	[sflag:s11] =	ssyncadd.s32 $0xFFFFD8F0  }
0x1d: {  	[tilespmem:s15], [sflag:$0x1] =	stream.linear.gather [hbm4b:s7+s3], $0x2710, $0x38;
	[tilespmem:$0xC880] =	vst v63  }
0x1e: {  	_ =	swait.ge [sflag:s11], $0x2710  }
0x1f: {  	[sflag:s11] =	ssyncset.done $0x0  }
0x20: {  	s22 =	simm.s32 $0x0;
	[sflag:s11] =	ssyncadd.s32 $0xFFFFD8F0  }
0x21: {  	v0 =	vld [tilespmem:s22+$0x4F80]  }
0x22: {  	v1 =	vld [tilespmem:s22+$0x2800];
	_ =	sdelay $0x6  }
0x23: {  	v2 =	vld.idx.msk [tilespmem:v0+s3+$0x0], $0xffff  }
0x24: {  	v3 =	vld.idx.msk [tilespmem:v1+s3+$0x0], $0xffff  }
0x25: {  	s23 =	simm.s32 $0x10  }
0x26: {  	s24 =	simm.s32 $0x80;
	v1 =	vld [tilespmem:s23+$0x4F80]  }
.LBB2_2:
0x27: {  	p0 =	sne.s32 s24, $0x9C00;
	v4 =	vld [tilespmem:s23+$0x2800];
	_ =	sdelay $0x1  }
0x28: {  	v2 =	vmul.f32 v2, v3  }
0x29: {  	v3 =	vand.u32 $0x7F, v0  }
0x2a: {  	vm0 =	vgt.f32 v2, $0.0e+00;
	[tilespmem:s22+$0x7700] =	vst v2;
	v2 =	vadd.s32 $0x2710, v3  }
0x2b: {  	v2 =	vsel vm0, v0, v2;
	v0 =	vmov v1  }
0x2c: {  	[tilespmem:s22+$0x9E80] =	vst v2;
	s22 =	smov.u32 s23  }
.Ltmp0:
0x2d: {  	v2 =	vld.idx.msk [tilespmem:v1+s3+$0x0], $0xffff;
	(pc) =	sbr.rel @p0 .LBB2_2-.Ltmp0, $3  }
0x2e: {  	v3 =	vld.idx.msk [tilespmem:v4+s3+$0x0], $0xffff;
	_ =	sdelay $0x1  }
0x2f: {  	s23 =	sshra.s32 s24, $0x2  }
0x30: {  	s24 =	sadd.s32 $0x40, s24;
	v1 =	vld [tilespmem:s23+$0x4F80]  }
0x31: {  	_ = 	snop  }
0x32: {  	v4 =	vld [tilespmem:s23+$0x2800];
	_ =	sdelay $0x1  }
0x33: {  	v2 =	vmul.f32 v2, v3  }
0x34: {  	v60 =	vand.u32 $0x7F, v0  }
0x35: {  	v3 =	vadd.s32 $0x2710, v60;
	vm0 =	vgt.f32 v2, $0.0e+00  }
0x36: {  	[tilespmem:s22+$0x7700] =	vst v2;
	v61 =	vsel vm0, v0, v3  }
0x37: {  	[tilespmem:s22+$0x9E80] =	vst v61  }
0x38: {  	v0 =	vld.idx.msk [tilespmem:v1+s3+$0x0], $0xffff  }
0x39: {  	v2 =	vld.idx.msk [tilespmem:v4+s3+$0x0], $0xffff;
	_ =	sdelay $0x4  }
0x3a: {  	v0 =	vmul.f32 v0, v2  }
0x3b: {  	v62 =	vand.u32 $0x7F, v1  }
0x3c: {  	v2 =	vadd.s32 $0x2710, v62;
	vm15 =	vgt.f32 v0, $0.0e+00  }
0x3d: {  	[tilespmem:s23+$0x7700] =	vst v0;
	v63 =	vsel vm15, v1, v2  }
0x3e: {  	[tilespmem:s23+$0x9E80] =	vst v63  }
0x3f: {  	[bflag:$0x0] =	sbarrier.arrive $0xFFFF  }
0x40: {  	[spmem:s2] =	stream.indirect.scatter.add.f32 [tilespmem:s18], [sflag:$0x1], $0x1, s17, s16, $0xb8;
	[tilespmem:$0xC880] =	vst v63  }
0x41: {  	_ =	swait.ge [sflag:s11], $0x2710  }
0x42: {  	[sflag:s11] =	ssyncset.done $0x0  }
0x43: {  	[sflag:s11] =	ssyncadd.s32 $0xFFFFD8F0  }
0x44: {  	[hbm4b:s8+s3] =	stream.linear.scatter [tilespmem:s17], [sflag:$0x1], $0x2710, $0x38;
	[tilespmem:$0xC880] =	vst v63  }
0x45: {  	_ =	swait.ge [sflag:s11], $0x2710  }
0x46: {  	s21 =	sadd.s32 $0x1, s21;
	[sflag:s11] =	ssyncset.done $0x0  }
0x47: {  	p0 =	sne.s32 s21, s10;
	[sflag:s11] =	ssyncadd.s32 $0xFFFFD8F0  }
.Ltmp1:
0x48: {  	[bflag:$0x0] =	sbarrier.arrive $0xFFFF;
	(pc) =	sbr.rel @p0 .LBB2_1-.Ltmp1, $4  }
0x49: {  	[hbm:s9@s19], [sflag:s12] =	dma.strided [spmem:s13@s20], $0x50, s11, $0x10   }
0x4a: {  	_ =	swait.ge [sflag:s11], $0x50  }
0x4b: {  	[sflag:s11] =	ssyncset.done $0x0  }
0x4c: {  	[sflag:s11] =	ssyncadd.s32 $0xFFFFFFB0  }
0x4d: {  	_ =	sfence.sel $0x180000  }
0x4e: {  	[bflag:$0x0] =	sbarrier.arrive $0xFFFF  }
0x4f: {  	p0 =	sne.s32 s1, $0x0;
	_ =	strace $0x90000059  }
0x50: {  	s0 =	sadd.s32 @!p0 $0x100000, s0;
	[bflag:$0x2] =	sbarrier.arrive $0xFFFF  }
0x51: {  	[sflag:s0] =	ssyncadd.tile.s32 @!p0 $0x1;
	_ =	shalt  }
.Lfunc_end2:
_tile_overlayer_lowered:
.L_overlay_start_2:
0x52: {  	(tag) =	ssettag $0x2  }
0x53: {  	s0 =	rddreg [dreg:$0x0];
	s2 =	stileid.u32  }
0x54: {  	s1 =	rddreg [dreg:$0x1];
	p0 =	sne.s32 s2, $0x0  }
0x55: {  	s3 =	rddreg [dreg:$0x2];
	[bflag:$0x3] =	sbarrier.arrive $0xFFFF;
	s2 =	simm.s32 @!p0 $0x1C01  }
0x56: {  	[timem:s3], [sflag:s2] =	dma.local @!p0 [hbm:s0], s1  }
0x57: {  	s0 =	simm.s32 @!p0 $0x1  }
0x58: {  	_ =	swait.ge @!p0 [sflag:s0], s1  }
0x59: {  	s1 =	ssub.s32 @!p0 $0x0, s1;
	[sflag:s0] =	ssyncset.done @!p0 $0x0  }
0x5a: {  	[sflag:s0] =	ssyncadd.s32 @!p0 s1  }
0x5b: {  	[bflag:$0x3] =	sbarrier.arrive $0xFFFF  }
0x5c: {  	_ =	shalt  }

// kernel: kernel.39.cloned.1.call-start
scs
__scs_entry_jumppad:
0x0: {  	(pc) =	sbr.rel $0x88, $3  }
0x1: {  	(tag) =	ssettag $0x0;
	lr =	simm.s32 $0x1  }
0x2: {  	[smem:$0x3F7E] =	sst lr;
	_ =	strace $0xD0000000  }
0x3: {  	_ = 	snop  }
0x4: {  	_ = 	snop  }
0x5: {  	_ = 	snop  }
0x6: {  	_ = 	snop  }
0x7: {  	_ = 	snop  }
__scs_overlays_trampoline_lowered:
0x8: {  	[smem:$0x3F8D] =	sst s0  }
0x9: {  	[smem:$0x3F8E] =	sst s1  }
0xa: {  	[smem:$0x3F8F] =	sst s2  }
0xb: {  	[smem:$0x3F90] =	sst s3  }
0xc: {  	[smem:$0x3F91] =	sst s4  }
0xd: {  	[smem:$0x3F92] =	sst s5  }
0xe: {  	[smem:$0x3F93] =	sst s6  }
0xf: {  	[smem:$0x3F94] =	sst s7  }
0x10: {  	[smem:$0x3F95] =	sst s8  }
0x11: {  	[smem:$0x3F96] =	sst s9;
	s0 =	simm.s32 @!p0 $0x0  }
0x12: {  	s1 =	sld [smem:$0x3F7C];
	s0 =	simm.s32 @p0 $0x1  }
0x13: {  	[smem:$0x3F97] =	sst s0;
	s0 =	simm.s32 @!p1 $0x0  }
0x14: {  	s2 =	sld [smem:$0x3F7B];
	s0 =	simm.s32 @p1 $0x1  }
0x15: {  	[smem:$0x3F98] =	sst s0;
	s0 =	simm.s32 @!p2 $0x0  }
0x16: {  	s3 =	sld [smem:$0x3FDB];
	s0 =	simm.s32 @p2 $0x1  }
0x17: {  	s4 =	simm.s32 $0x1BF5;
	[smem:$0x3F9A] =	sst s0  }
0x18: {  	s0 =	sld [smem:$0x3F7D];
	_ =	swait.ge [sflag:s4], $0x0  }
0x19: {  	s7 =	sld [smem:$0x3F7E]  }
0x1a: {  	s8 =	sadd.s32 $0xFFFFE003, lr  }
0x1b: {  	s9 =	sadd.s32 $0xFFFFFEF7, lr;
	s5 =	simm.s32 $0xFFFFFFFF;
	p2 =	slt.u32 s8, $0xFFFFF086  }
0x1c: {  	p1 =	slt.u32 s9, $0xF7A;
	s5 =	simm.s32 @!p2 $0x0  }
0x1d: {  	s5 =	simm.s32 @p1 $0x1;
	p0 =	seq.s32 s7, s2  }
0x1e: {  	s7 =	smul.u32 @!p0 $0xF7A, s2;
	p2 =	seq.s32 @!p0 s5, $0x0  }
0x1f: {  	s9 =	smul.u32 $0xF7A, s1;
	s8 =	simm.s32 @!p0 $0x1BF5;
	p2 =	por !p2, p0  }
0x20: {  	[sflag:s8] =	ssyncset.s32 @!p0 $0xFFFFF086;
	s6 =	sadd.s32 @!p0 s3, s7;
	s7 =	simm.s32 @!p0 $0x108  }
0x21: {  	s3 =	sadd.s32 s3, s9;
	s6 =	sadd.s32 @!p0 $0x88, s6;
	s7 =	simm.s32 @p2 $0x1082  }
0x22: {  	[simem:s7], [sflag:s8] =	dma.local @!p0 [hbm:s6], $0xF7A  }
0x23: {  	s9 =	sor.u32 $0xD0000000, s2;
	s6 =	simm.s32 $0x108;
	_ =	swait.ge @!p0 [sflag:s8], $0x0  }
0x24: {  	s3 =	sadd.s32 $0x88, s3;
	s6 =	simm.s32 @!p1 $0x1082;
	[sflag:s4] =	ssyncset.s32 $0xFFFFF086  }
0x25: {  	[simem:s6], [sflag:s4] =	dma.local [hbm:s3], $0xF7A  }
0x26: {  	[smem:$0x3F7E] =	sst s1;
	(tag) =	ssettag s2;
	_ =	strace s9  }
0x27: {  	s1 =	sld [smem:$0x3F8E]  }
0x28: {  	s2 =	sld [smem:$0x3F8F]  }
0x29: {  	s4 =	sld [smem:$0x3F91]  }
0x2a: {  	p0 =	seq.s32 s5, $0x0;
	s5 =	sld [smem:$0x3F92]  }
0x2b: {  	s6 =	sld [smem:$0x3F93]  }
0x2c: {  	s7 =	sld [smem:$0x3F94]  }
0x2d: {  	s3 =	simm.s32 $0x108;
	s8 =	sld [smem:$0x3F95]  }
0x2e: {  	s3 =	simm.s32 @!p0 $0x1082;
	s9 =	sld [smem:$0x3F96]  }
0x2f: {  	lr =	sadd.s32 s0, s3;
	s0 =	sld [smem:$0x3F8D]  }
0x30: {  	s3 =	sld [smem:$0x3F90]  }
0x31: {  	[smem:$0x3F99] =	sst s10  }
0x32: {  	s10 =	sld [smem:$0x3F97];
	_ =	sdelay $0x3  }
0x33: {  	p0 =	seq.s32 s10, $0x1;
	s10 =	sld [smem:$0x3F99];
	_ =	sdelay $0x3  }
0x34: {  	[smem:$0x3F99] =	sst s10  }
0x35: {  	s10 =	sld [smem:$0x3F98];
	_ =	sdelay $0x3  }
0x36: {  	p1 =	seq.s32 s10, $0x1;
	s10 =	sld [smem:$0x3F99];
	_ =	sdelay $0x3  }
0x37: {  	[smem:$0x3F99] =	sst s10  }
0x38: {  	s10 =	sld [smem:$0x3F9A]  }
0x39: {  	_ = 	snop;
	(pc) =	sbr.ind lr, $3  }
0x3a: {  	_ = 	snop  }
0x3b: {  	_ = 	snop  }
0x3c: {  	p2 =	seq.s32 s10, $0x1;
	s10 =	sld [smem:$0x3F99]  }
0x3d: {  	_ =	shalt  }
0x3e: {  	_ =	shalt  }
0x3f: {  	_ =	shalt  }
0x40: {  	_ =	shalt  }
0x41: {  	_ =	shalt  }
0x42: {  	_ =	shalt  }
0x43: {  	_ =	shalt  }
0x44: {  	_ =	shalt  }
0x45: {  	_ =	shalt  }
0x46: {  	_ =	shalt  }
0x47: {  	_ =	shalt  }
0x48: {  	_ =	shalt  }
0x49: {  	_ =	shalt  }
0x4a: {  	_ =	shalt  }
0x4b: {  	_ =	shalt  }
0x4c: {  	_ =	shalt  }
0x4d: {  	_ =	shalt  }
0x4e: {  	_ =	shalt  }
0x4f: {  	_ =	shalt  }
0x50: {  	_ =	shalt  }
0x51: {  	_ =	shalt  }
0x52: {  	_ =	shalt  }
0x53: {  	_ =	shalt  }
0x54: {  	_ =	shalt  }
0x55: {  	_ =	shalt  }
0x56: {  	_ =	shalt  }
0x57: {  	_ =	shalt  }
0x58: {  	_ =	shalt  }
0x59: {  	_ =	shalt  }
0x5a: {  	_ =	shalt  }
0x5b: {  	_ =	shalt  }
0x5c: {  	_ =	shalt  }
0x5d: {  	_ =	shalt  }
0x5e: {  	_ =	shalt  }
0x5f: {  	_ =	shalt  }
0x60: {  	_ =	shalt  }
0x61: {  	_ =	shalt  }
0x62: {  	_ =	shalt  }
0x63: {  	_ =	shalt  }
0x64: {  	_ =	shalt  }
0x65: {  	_ =	shalt  }
0x66: {  	_ =	shalt  }
0x67: {  	_ =	shalt  }
0x68: {  	_ =	shalt  }
0x69: {  	_ =	shalt  }
0x6a: {  	_ =	shalt  }
0x6b: {  	_ =	shalt  }
0x6c: {  	_ =	shalt  }
0x6d: {  	_ =	shalt  }
0x6e: {  	_ =	shalt  }
0x6f: {  	_ =	shalt  }
0x70: {  	_ =	shalt  }
0x71: {  	_ =	shalt  }
0x72: {  	_ =	shalt  }
0x73: {  	_ =	shalt  }
0x74: {  	_ =	shalt  }
0x75: {  	_ =	shalt  }
0x76: {  	_ =	shalt  }
0x77: {  	_ =	shalt  }
0x78: {  	_ =	shalt  }
0x79: {  	_ =	shalt  }
0x7a: {  	_ =	shalt  }
0x7b: {  	_ =	shalt  }
0x7c: {  	_ =	shalt  }
0x7d: {  	_ =	shalt  }
0x7e: {  	_ =	shalt  }
0x7f: {  	_ =	shalt  }
0x80: {  	_ =	shalt  }
0x81: {  	_ =	shalt  }
0x82: {  	_ =	shalt  }
0x83: {  	_ =	shalt  }
0x84: {  	_ =	shalt  }
0x85: {  	_ =	shalt  }
0x86: {  	_ =	shalt  }
0x87: {  	_ =	shalt  }
.Lfunc_end0:
.L_simem_size_0:
called_computation.7_lowered:
.L_overlay_start_0:
0x88: {  	s2 =	sld [smem:$0x3FD9]  }
0x89: {  	s3 =	sld [smem:$0x3FFE];
	_ =	sdelay $0x1  }
0x8a: {  	s1 =	srdreg.scid  }
0x8b: {  	s0 =	sand.u32 $0x1, s1  }
0x8c: {  	s16 =	sshll.u32 s0, $0xA;
	s2 =	sadd.s32 s3, s2  }
0x8d: {  	s2 =	sadd.s32 s2, s16  }
0x8e: {  	[smem:$0x3FA5] =	sst s2  }
0x8f: {  	_ = 	snop  }
0x90: {  	(tm) =	ssettm $0x1  }
0x91: {  	s17 =	sld [smem:$0x3FFB];
	_ =	sdelay $0x3  }
0x92: {  	_ =	strace s17  }
0x93: {  	s2 =	sld [smem:$0x3FFC];
	_ =	sdelay $0x3  }
0x94: {  	_ =	strace s2  }
0x95: {  	s2 =	sld [smem:$0x3FFD];
	_ =	sdelay $0x3  }
0x96: {  	_ =	strace s2  }
0x97: {  	_ =	strace $0x8FFFFFFF  }
0x98: {  	s18 =	sld [smem:$0x3FDB];
	_ =	sdelay $0x1  }
0x99: {  	s19 =	simm.s32 $_scs_section_size  }
0x9a: {  	s4 =	simm.s32 $_size__tile_overlayer_lowered;
	s5 =	simm.s32 $_tile_overlayer_lowered  }
0x9b: {  	s22 =	simm.s32 $0x1BFF;
	s21 =	sshll.u32 s5, $0x1;
	s2 =	sadd.s32 s19, s18  }
0x9c: {  	s6 =	simm.s32 $0x0;
	s20 =	sshll.u32 s4, $0x1;
	s4 =	sadd.s32 s21, s2  }
0x9d: {  	[timem:s6], [sflag:s22] =	dma.local [hbm:s4], s20  }
0x9e: {  	_ =	swait.ge [sflag:s22], s20  }
0x9f: {  	s3 =	ssub.s32 $0x0, s20;
	[sflag:s22] =	ssyncset.done $0x0  }
0xa0: {  	[sflag:s22] =	ssyncadd.s32 s3;
	_ =	sdelay $0x1  }
0xa1: {  	s23 =	simm.s32 $0x1B8B  }
0xa2: {  	_ =	swait.ge [sflag:s23], $0x1  }
0xa3: {  	[sflag:s23] =	ssyncset.done $0x0  }
0xa4: {  	s25 =	simm.s32 $0x1B8E;
	s24 =	sld [smem:$0x3FFE];
	[sflag:s23] =	ssyncadd.s32 $0xFFFFFFFF  }
0xa5: {  	s26 =	simm.s32 $execute0_lowered;
	[smem:$0x3FD2] =	sst s25  }
0xa6: {  	s4 =	sshll.u32 s26, $0x1;
	_ =	strace $0x8000005B;
	[dreg:$0x1] =	wrdreg $0xFFFFFFFF  }
0xa7: {  	s28 =	simm.s32 $_size_execute0_lowered;
	s2 =	sadd.s32 s2, s4;
	[dreg:$0x0] =	wrdreg $0x0  }
0xa8: {  	s4 =	sshll.u32 s28, $0x1;
	[dreg:$0x2] =	wrdreg s2  }
0xa9: {  	[dreg:$0x3] =	wrdreg s4  }
0xaa: {  	[dreg:$0x4] =	wrdreg $0xC0  }
0xab: {  	_ =	task [dreg:s6], $0x5FFFF  }
0xac: {  	[dreg:$0x1] =	wrdreg $0xFFFFFFFF  }
0xad: {  	[dreg:$0x0] =	wrdreg $0x60  }
0xae: {  	[dreg:$0x2] =	wrdreg s24  }
0xaf: {  	[dreg:$0x3] =	wrdreg $0x18D000  }
0xb0: {  	[dreg:$0x4] =	wrdreg $0x18F800  }
0xb1: {  	[dreg:$0x5] =	wrdreg $0x192000  }
0xb2: {  	[dreg:$0x6] =	wrdreg $0x194800  }
0xb3: {  	[dreg:$0x7] =	wrdreg $0x9  }
0xb4: {  	_ =	task.clear_ibuf [dreg:s6], $0x8FFFF;
	_ =	strace $0x9000005B  }
0xb5: {  	s29 =	simm.s32 $0x9;
	_ =	strace $0x8000005D  }
0xb6: {  	_ =	swait.ge [sflag:s29], $0x1  }
0xb7: {  	[sflag:s29] =	ssyncadd.s32 $0xFFFFFFFF  }
0xb8: {  	_ =	strace $0x9000005D  }
0xb9: {  	_ =	sfence  }
0xba: {  	s30 =	sld [smem:$0x0];
	_ =	sdelay $0x2  }
0xbb: {  	s31 =	sshll.u32 s1, $0xD;
	s1 =	sshrl.u32 s1, $0x2  }
0xbc: {  	s3 =	sand.u32 $0x4000, s31;
	s1 =	sadd.s32 s1, s30  }
0xbd: {  	s0 =	sor.u32 s3, s0;
	s1 =	sshll.u32 s1, $0x11  }
0xbe: {  	s0 =	sor.u32 s1, s0  }
0xbf: {  	s0 =	sadd.s32 $0x8F2B, s0  }
0xc0: {  	[sflag:s0] =	ssyncadd.remote.s32 $0x1  }
0xc1: {  	_ =	sfence.sel $0xFFFF  }
0xc2: {  	[dreg:$0x0] =	wrdreg $0xFFFFFFFF;
	(pc) =	sbr.abs _section_cstart, $3  }
0xc3: {  	[dreg:$0x1] =	wrdreg $0xFFFFFFFF  }
0xc4: {  	_ =	task.clear_ibuf [dreg:s6], $0x2FFFF;
	_ =	strace $0x9FFFFFFF  }
0xc5: {  	(tm) =	ssettm $0x7FFFFFFF  }
tec
execute0_lowered:
.L_overlay_start_1:
0x0: {  	(tag) =	ssettag $0x1  }
0x1: {  	s0 =	rddreg [dreg:$0x0]  }
0x2: {  	s9 =	rddreg [dreg:$0x1]  }
0x3: {  	s11 =	rddreg [dreg:$0x2]  }
0x4: {  	s1 =	srdreg.scid;
	s13 =	rddreg [dreg:$0x3]  }
0x5: {  	s10 =	stileid.u32;
	s15 =	rddreg [dreg:$0x4];
	s6 =	simm.s32 $0x0  }
0x6: {  	s28 =	simm.s32 $0xC700;
	s29 =	simm.s32 $0x2780;
	s30 =	simm.s32 $0x2710  }
0x7: {  	s1 =	sand.u32 $0x1, s1;
	s2 =	sshll.u32 s10, $0x1;
	[smem:$0x7FF] =	sst s6  }
0x8: {  	s3 =	smul.u32 $0x280, s10;
	s4 =	sadd.s32 $0xA200, s0;
	s8 =	sadd.s32 $0xB600, s0  }
0x9: {  	s22 =	smul.u32 $0x500, s10;
	s23 =	sadd.s32 $0xA700, s0;
	s12 =	sadd.s32 $0xAC00, s0  }
0xa: {  	s14 =	sadd.s32 $0xB100, s0;
	_ =	strace $0x8000005C;
	[dreg:$0x6] =	wrdreg s4  }
0xb: {  	s2 =	sor.u32 s1, s2;
	s20 =	ssub.s32 $0x2, s1;
	[dreg:$0x8] =	wrdreg s23  }
0xc: {  	s1 =	sshll.u32 s1, $0x7;
	s23 =	simm.s32 $0x4F00;
	s2 =	smul.u32 $0x4E2, s2  }
0xd: {  	s5 =	sshrl.u32 s3, $0x3;
	s7 =	sshrl.u32 s20, $0x1;
	s21 =	sadd.s32 s3, s9  }
0xe: {  	s24 =	sadd.s32 s3, s11;
	s13 =	sadd.s32 s3, s13;
	s1 =	sor.u32 s1, s22  }
0xf: {  	s15 =	sadd.s32 s3, s15;
	s5 =	sadd.s32 s5, s0;
	[dreg:$0x7] =	wrdreg s21  }
0x10: {  	s4 =	ssub.s32 s20, s7;
	[dreg:$0x9] =	wrdreg s24;
	s25 =	sshrl.u32 s1, $0x3  }
0x11: {  	s26 =	sadd.s32 $0x5000, s1;
	s31 =	sadd.s32 $0xA000, s1;
	s1 =	sadd.s32 $0xF000, s1  }
0x12: {  	s24 =	simm.s32 $0x1;
	s2 =	sadd.s32 s2, s0;
	s9 =	sadd.s32 $0x1E400, s5  }
0x13: {  	s18 =	sadd.s32 s8, s25;
	s0 =	sshrl.u32 s26, $0x3;
	s1 =	sshrl.u32 s1, $0x3  }
0x14: {  	s22 =	smax.u32 s4, $0x1;
	s25 =	simm.s32 $0x7700;
	s26 =	simm.s32 $0x9F00  }
0x15: {  	s4 =	simm.s32 $0x20;
	s5 =	simm.s32 $0x10;
	s16 =	sadd.s32 $0x14600, s2  }
0x16: {  	s17 =	sadd.s32 $0x1F400, s2;
	s2 =	sshrl.u32 s31, $0x3;
	s19 =	sadd.s32 s8, s0  }
0x17: {  	s21 =	sadd.s32 s8, s1;
	s0 =	simm.s32 $0x0;
	s20 =	sadd.s32 s8, s2  }
.LBB2_1:
0x18: {  	s1 =	rddreg [dreg:$0x6]  }
0x19: {  	[tilespmem:s23], [sflag:$0x1] =	stream.linear.gather [hbm4b:s1+s6], $0x2800, $0x38;
	[tilespmem:$0x19700] =	vst v63  }
0x1a: {  	s7 =	stileid.u32;
	_ =	swait.ge [sflag:s24], $0x2800  }
0x1b: {  	s1 =	sshll.u32 s7, $0x6;
	[sflag:s24] =	ssyncset.done $0x0;
	s8 =	rddreg [dreg:$0x7]  }
0x1c: {  	s31 =	sor.u32 $0x1C01, s1;
	[sflag:s24] =	ssyncadd.s32 $0xFFFFD800;
	s3 =	sshrl.u32 s8, $0x3  }
0x1d: {  	[spmem:s3], [sflag:s31] =	dma.local [hbm:s9], $0x50  }
0x1e: {  	_ =	swait.ge [sflag:s24], $0x50  }
0x1f: {  	[sflag:s24] =	ssyncset.done $0x0  }
0x20: {  	s10 =	rddreg [dreg:$0x8];
	[sflag:s24] =	ssyncadd.s32 $0xFFFFFFB0  }
0x21: {  	[tilespmem:s25], [sflag:$0x1] =	stream.linear.gather [hbm4b:s10+s6], $0x2800, $0x38;
	[tilespmem:$0x19700] =	vst v63  }
0x22: {  	_ =	swait.ge [sflag:s24], $0x2800  }
0x23: {  	[sflag:s24] =	ssyncset.done $0x0;
	s11 =	rddreg [dreg:$0x9]  }
0x24: {  	[sflag:s24] =	ssyncadd.s32 $0xFFFFD800;
	s1 =	sshrl.u32 s11, $0x3  }
0x25: {  	[spmem:s1], [sflag:s31] =	dma.local [hbm:s9], $0x50  }
0x26: {  	_ =	swait.ge [sflag:s24], $0x50  }
0x27: {  	[sflag:s24] =	ssyncset.done $0x0  }
0x28: {  	[sflag:s24] =	ssyncadd.s32 $0xFFFFFFB0  }
0x29: {  	[tilespmem:s26], [sflag:$0x1] =	stream.linear.gather [hbm4b:s12+s6], $0x2800, $0x38;
	[tilespmem:$0x19700] =	vst v63  }
0x2a: {  	_ =	swait.ge [sflag:s24], $0x2800  }
0x2b: {  	[sflag:s24] =	ssyncset.done $0x0  }
0x2c: {  	s2 =	sshrl.u32 s13, $0x3;
	[sflag:s24] =	ssyncadd.s32 $0xFFFFD800  }
0x2d: {  	[spmem:s2], [sflag:s31] =	dma.local [hbm:s9], $0x50  }
0x2e: {  	_ =	swait.ge [sflag:s24], $0x50  }
0x2f: {  	[sflag:s24] =	ssyncset.done $0x0  }
0x30: {  	[sflag:s24] =	ssyncadd.s32 $0xFFFFFFB0  }
0x31: {  	[tilespmem:s28], [sflag:$0x1] =	stream.linear.gather [hbm4b:s14+s6], $0x2800, $0x38;
	[tilespmem:$0x19700] =	vst v63  }
0x32: {  	_ =	swait.ge [sflag:s24], $0x2800  }
0x33: {  	[sflag:s24] =	ssyncset.done $0x0  }
0x34: {  	s7 =	sshrl.u32 s15, $0x3;
	[sflag:s24] =	ssyncadd.s32 $0xFFFFD800  }
0x35: {  	[spmem:s7], [sflag:s31] =	dma.local [hbm:s9], $0x50  }
0x36: {  	_ =	swait.ge [sflag:s24], $0x50  }
0x37: {  	[sflag:s24] =	ssyncset.done $0x0  }
0x38: {  	[sflag:s24] =	ssyncadd.s32 $0xFFFFFFB0  }
0x39: {  	[tilespmem:s6], [sflag:$0x1] =	stream.linear.gather [hbm4b:s16+s6], $0x2710, $0x38;
	[tilespmem:$0x19700] =	vst v63  }
0x3a: {  	_ =	swait.ge [sflag:s24], $0x2710  }
0x3b: {  	[sflag:s24] =	ssyncset.done $0x0  }
0x3c: {  	[sflag:s24] =	ssyncadd.s32 $0xFFFFD8F0  }
0x3d: {  	[tilespmem:s29], [sflag:$0x1] =	stream.linear.gather [hbm4b:s17+s6], $0x2710, $0x38;
	[tilespmem:$0x19700] =	vst v63  }
0x3e: {  	_ =	swait.ge [sflag:s24], $0x2710  }
0x3f: {  	[sflag:s24] =	ssyncset.done $0x0  }
0x40: {  	s8 =	simm.s32 $0x0;
	[sflag:s24] =	ssyncadd.s32 $0xFFFFD8F0  }
0x41: {  	v0 =	vld [tilespmem:s8+$0x0];
	_ =	sdelay $0x7  }
0x42: {  	v1 =	vld.idx.msk [tilespmem:v0+s23+$0x0], $0xffff;
	_ =	sdelay $0x4  }
0x43: {  	[tilespmem:s8+$0xEF00] =	vst v1  }
0x44: {  	v1 =	vld.idx.msk [tilespmem:v0+s25+$0x0], $0xffff;
	_ =	sdelay $0x4  }
0x45: {  	[tilespmem:s8+$0x11680] =	vst v1  }
0x46: {  	v1 =	vld.idx.msk [tilespmem:v0+s26+$0x0], $0xffff;
	_ =	sdelay $0x3  }
0x47: {  	s10 =	simm.s32 $0x80;
	s11 =	simm.s32 $0x10  }
.LBB2_2:
0x48: {  	p0 =	sne.s32 s10, $0x9C00;
	v2 =	vld [tilespmem:s11+$0x0];
	[tilespmem:s8+$0x13E00] =	vst v1  }
0x49: {  	v1 =	vld.idx.msk [tilespmem:v0+s28+$0x0], $0xffff;
	_ =	sdelay $0x3  }
0x4a: {  	v0 =	vmov v2;
	_ =	sdelay $0x1  }
0x4b: {  	[tilespmem:s8+$0x16580] =	vst v1;
	s8 =	smov.u32 s11  }
0x4c: {  	v1 =	vld.idx.msk [tilespmem:v2+s23+$0x0], $0xffff;
	_ =	sdelay $0x5  }
0x4d: {  	[tilespmem:s8+$0xEF00] =	vst v1  }
0x4e: {  	v1 =	vld.idx.msk [tilespmem:v2+s25+$0x0], $0xffff;
	_ =	sdelay $0x5  }
0x4f: {  	[tilespmem:s8+$0x11680] =	vst v1  }
0x50: {  	v1 =	vld.idx.msk [tilespmem:v2+s26+$0x0], $0xffff  }
.Ltmp0:
0x51: {  	(pc) =	sbr.rel @p0 .LBB2_2-.Ltmp0, $2  }
0x52: {  	_ =	sdelay $0x2  }
0x53: {  	s11 =	sshra.s32 s10, $0x2;
	s10 =	sadd.s32 $0x40, s10  }
0x54: {  	_ =	sdelay $0x1  }
0x55: {  	v2 =	vld [tilespmem:s11+$0x0]  }
0x56: {  	[tilespmem:s8+$0x13E00] =	vst v1  }
0x57: {  	v0 =	vld.idx.msk [tilespmem:v0+s28+$0x0], $0xffff;
	_ =	sdelay $0x4  }
0x58: {  	[tilespmem:s8+$0x16580] =	vst v0  }
0x59: {  	v0 =	vld.idx.msk [tilespmem:v2+s23+$0x0], $0xffff;
	_ =	sdelay $0x4  }
0x5a: {  	[tilespmem:s11+$0xEF00] =	vst v0  }
0x5b: {  	v0 =	vld.idx.msk [tilespmem:v2+s25+$0x0], $0xffff;
	_ =	sdelay $0x4  }
0x5c: {  	[tilespmem:s11+$0x11680] =	vst v0  }
0x5d: {  	v0 =	vld.idx.msk [tilespmem:v2+s26+$0x0], $0xffff;
	_ =	sdelay $0x4  }
0x5e: {  	[tilespmem:s11+$0x13E00] =	vst v0  }
0x5f: {  	v0 =	vld.idx.msk [tilespmem:v2+s28+$0x0], $0xffff;
	_ =	sdelay $0x4  }
0x60: {  	[tilespmem:s11+$0x16580] =	vst v0  }
0x61: {  	[bflag:$0x0] =	sbarrier.arrive $0xFFFF  }
0x62: {  	s10 =	simm.s32 $0xEF00;
	s11 =	rddreg [dreg:$0x1]  }
0x63: {  	[spmem:s11] =	stream.indirect.scatter.add.f32 [tilespmem:s10], [sflag:$0x1], $0x1, s29, s30, $0xb8;
	[tilespmem:$0x19700] =	vst v63  }
0x64: {  	_ =	swait.ge [sflag:s24], $0x2710  }
0x65: {  	[sflag:s24] =	ssyncset.done $0x0  }
0x66: {  	[sflag:s24] =	ssyncadd.s32 $0xFFFFD8F0  }
0x67: {  	s11 =	simm.s32 $0x11680;
	s10 =	rddreg [dreg:$0x2]  }
0x68: {  	[spmem:s10] =	stream.indirect.scatter.add.f32 [tilespmem:s11], [sflag:$0x1], $0x1, s29, s30, $0xb8;
	[tilespmem:$0x19700] =	vst v63  }
0x69: {  	_ =	swait.ge [sflag:s24], $0x2710  }
0x6a: {  	[sflag:s24] =	ssyncset.done $0x0  }
0x6b: {  	[sflag:s24] =	ssyncadd.s32 $0xFFFFD8F0  }
0x6c: {  	s11 =	simm.s32 $0x13E00;
	s10 =	rddreg [dreg:$0x3]  }
0x6d: {  	[spmem:s10] =	stream.indirect.scatter.add.f32 [tilespmem:s11], [sflag:$0x1], $0x1, s29, s30, $0xb8;
	[tilespmem:$0x19700] =	vst v63  }
0x6e: {  	_ =	swait.ge [sflag:s24], $0x2710  }
0x6f: {  	[sflag:s24] =	ssyncset.done $0x0  }
0x70: {  	[sflag:s24] =	ssyncadd.s32 $0xFFFFD8F0  }
0x71: {  	s11 =	simm.s32 $0x16580;
	s10 =	rddreg [dreg:$0x4]  }
0x72: {  	[spmem:s10] =	stream.indirect.scatter.add.f32 [tilespmem:s11], [sflag:$0x1], $0x1, s29, s30, $0xb8;
	[tilespmem:$0x19700] =	vst v63  }
0x73: {  	_ =	swait.ge [sflag:s24], $0x2710  }
0x74: {  	[sflag:s24] =	ssyncset.done $0x0  }
0x75: {  	[sflag:s24] =	ssyncadd.s32 $0xFFFFD8F0  }
0x76: {  	[bflag:$0x0] =	sbarrier.arrive $0xFFFF  }
0x77: {  	[hbm:s18@s4], [sflag:s31] =	dma.strided [spmem:s3@s5], $0x50, s24, $0x10   }
0x78: {  	_ =	swait.ge [sflag:s24], $0x50  }
0x79: {  	[sflag:s24] =	ssyncset.done $0x0  }
0x7a: {  	[sflag:s24] =	ssyncadd.s32 $0xFFFFFFB0  }
0x7b: {  	[hbm:s19@s4], [sflag:s31] =	dma.strided [spmem:s1@s5], $0x50, s24, $0x10   }
0x7c: {  	_ =	swait.ge [sflag:s24], $0x50  }
0x7d: {  	[sflag:s24] =	ssyncset.done $0x0  }
0x7e: {  	[sflag:s24] =	ssyncadd.s32 $0xFFFFFFB0  }
0x7f: {  	[hbm:s20@s4], [sflag:s31] =	dma.strided [spmem:s2@s5], $0x50, s24, $0x10   }
0x80: {  	s0 =	sadd.s32 $0x1, s0;
	_ =	swait.ge [sflag:s24], $0x50  }
0x81: {  	p0 =	sne.s32 s0, s22;
	[sflag:s24] =	ssyncset.done $0x0  }
.Ltmp1:
0x82: {  	[sflag:s24] =	ssyncadd.s32 $0xFFFFFFB0;
	(pc) =	sbr.rel @p0 .LBB2_1-.Ltmp1, $4  }
0x83: {  	[hbm:s21@s4], [sflag:s31] =	dma.strided [spmem:s7@s5], $0x50, s24, $0x10   }
0x84: {  	_ =	swait.ge [sflag:s24], $0x50  }
0x85: {  	[sflag:s24] =	ssyncset.done $0x0  }
0x86: {  	[sflag:s24] =	ssyncadd.s32 $0xFFFFFFB0  }
0x87: {  	_ =	sfence.sel $0x180000  }
0x88: {  	[bflag:$0x0] =	sbarrier.arrive $0xFFFF  }
0x89: {  	_ =	strace $0x9000005C  }
0x8a: {  	s0 =	stileid.u32;
	[bflag:$0x2] =	sbarrier.arrive $0xFFFF  }
0x8b: {  	p0 =	sne.s32 s0, $0x0;
	s0 =	rddreg [dreg:$0x5]  }
0x8c: {  	s0 =	sadd.s32 @!p0 $0x100000, s0  }
0x8d: {  	[sflag:s0] =	ssyncadd.tile.s32 @!p0 $0x1;
	_ =	shalt  }
.Lfunc_end2:
_tile_overlayer_lowered:
.L_overlay_start_2:
0x8e: {  	(tag) =	ssettag $0x2  }
0x8f: {  	s0 =	rddreg [dreg:$0x0];
	s2 =	stileid.u32  }
0x90: {  	s1 =	rddreg [dreg:$0x1];
	p0 =	sne.s32 s2, $0x0  }
0x91: {  	s3 =	rddreg [dreg:$0x2];
	[bflag:$0x3] =	sbarrier.arrive $0xFFFF;
	s2 =	simm.s32 @!p0 $0x1C01  }
0x92: {  	[timem:s3], [sflag:s2] =	dma.local @!p0 [hbm:s0], s1  }
0x93: {  	s0 =	simm.s32 @!p0 $0x1  }
0x94: {  	_ =	swait.ge @!p0 [sflag:s0], s1  }
0x95: {  	s1 =	ssub.s32 @!p0 $0x0, s1;
	[sflag:s0] =	ssyncset.done @!p0 $0x0  }
0x96: {  	[sflag:s0] =	ssyncadd.s32 @!p0 s1  }
0x97: {  	[bflag:$0x3] =	sbarrier.arrive $0xFFFF  }
0x98: {  	_ =	shalt  }

</sc_bundles>
